<compile_context>
chip_gen: v7x
topology: tpu7x:2x2x1
jax: 0.10.2.dev20260603
libtpu: 0.0.44.dev20260713+nightly
codegen_flags: <defaults>
</compile_context>

<pallas_src>
import jax
import jax.numpy as jnp
from jax import lax
from jax.experimental import pallas as pl
from jax.experimental.pallas import tpu as pltpu
from jax.experimental.pallas import tpu_sc as plsc

_ANCHORS = ((1.19, 1.98), (2.79, 4.59), (4.53, 8.92), (8.06, 5.29),
            (10.32, 10.65))
_A = 5
_STRIDE = 85
_NC = 80
_HW = 1024
_Q = 5120
_K = 300
_S = 384
_NMS_THRESH = 0.45
_DS = 32.0
_NV = _Q // 16


def _split3(a):
    b1 = a.astype(jnp.bfloat16)
    r1 = a - b1.astype(jnp.float32)
    b2 = r1.astype(jnp.bfloat16)
    b3 = (r1 - b2.astype(jnp.float32)).astype(jnp.bfloat16)
    return jnp.concatenate([b1, b2, b3], axis=0)


def _dott(h, p):
    n = p.shape[0]
    o = lax.dot_general(h.astype(jnp.bfloat16), _split3(p),
                        (((1,), (1,)), ((), ())),
                        preferred_element_type=jnp.float32)
    return o[:, :n] + o[:, n:2 * n] + o[:, 2 * n:3 * n]


def _decode_kernel(x_ref, sf_ref, sz_ref, pay_ref):
    h_img = sz_ref[0, 0, 0]
    w_img = sz_ref[0, 0, 1]
    lane1 = lax.broadcasted_iota(jnp.int32, (_HW,), 0)
    fx = jnp.bitwise_and(lane1, 31).astype(jnp.float32)
    fy = lax.shift_right_logical(lane1, 5).astype(jnp.float32)

    x1s, y1s, x2s, y2s, lbls = [], [], [], [], []
    for a in range(_A):
        base = a * _STRIDE
        logits = x_ref[0, base:base + _NC, :]
        m = jnp.max(logits, axis=0)
        r80 = lax.broadcasted_iota(jnp.int32, (_NC, _HW), 0).astype(jnp.float32)
        lbl = jnp.min(jnp.where(logits == m[None, :], r80, 1e9), axis=0)
        lbls.append(lbl[None, :])
        zx = x_ref[0, base + _NC, :]
        zy = x_ref[0, base + _NC + 1, :]
        zw = x_ref[0, base + _NC + 2, :]
        zh = x_ref[0, base + _NC + 3, :]
        sigx = 1.0 / (1.0 + jnp.exp(-zx))
        sigy = 1.0 / (1.0 + jnp.exp(-zy))
        cx = (fx + sigx) * _DS
        cy = (fy + sigy) * _DS
        aw, ah = _ANCHORS[a]
        bw = aw * jnp.exp(zw) * _DS
        bh = ah * jnp.exp(zh) * _DS
        x1s.append(jnp.clip(cx - bw / 2.0, 0.0, w_img)[None, :])
        x2s.append(jnp.clip(cx + bw / 2.0, 0.0, w_img)[None, :])
        y1s.append(jnp.clip(cy - bh / 2.0, 0.0, h_img)[None, :])
        y2s.append(jnp.clip(cy + bh / 2.0, 0.0, h_img)[None, :])

    rows = [jnp.concatenate(x1s, axis=1), jnp.concatenate(y1s, axis=1),
            jnp.concatenate(x2s, axis=1), jnp.concatenate(y2s, axis=1),
            sf_ref[0].reshape(1, _Q), jnp.concatenate(lbls, axis=1)]
    pay_ref[0] = jnp.concatenate(rows, axis=0)


def _sc_select_body(sf_hbm, pay_hbm, out_hbm, sbuf, pbuf, obuf, scomp, ccomp,
                    tbuf):
    wid = lax.axis_index("s") * 2 + lax.axis_index("c")
    pltpu.sync_copy(sf_hbm.at[wid], sbuf)
    pltpu.sync_copy(pay_hbm.at[wid], pbuf)

    iota16 = lax.broadcasted_iota(jnp.int32, (16,), 0)
    zero16 = jnp.zeros((16,), jnp.float32)

    def splat_total(x):
        for d in (1, 2, 4, 8):
            tbuf[pl.ds(0, 16)] = x
            x = x + plsc.load_gather(tbuf, [jnp.bitwise_xor(iota16, d)])
        return x

    def mask_count(m):
        return splat_total(jnp.where(m, 1, 0))

    def zb(i, _):
        obuf[pl.ds(i * 16, 16)] = zero16
        return 0

    lax.fori_loop(0, 8 * _S // 16, zb, 0)

    zero16i = jnp.zeros((16,), jnp.int32)

    def count_ge(t):
        def body(i, acc):
            x = sbuf[pl.ds(i * 16, 16)]
            return acc + jnp.where(x >= t, 1, 0)

        return splat_total(lax.fori_loop(0, _NV, body, zero16i, unroll=8))

    def bs1(_, carry):
        lo, hi = carry
        mid = (lo + hi) * 0.5
        ok = count_ge(mid) >= 300
        return jnp.where(ok, mid, lo), jnp.where(ok, hi, mid)

    v, _ = lax.fori_loop(0, 27, bs1,
                         (jnp.zeros((16,), jnp.float32),
                          jnp.ones((16,), jnp.float32)))

    def count_gt(t):
        def body(i, acc):
            x = sbuf[pl.ds(i * 16, 16)]
            return acc + jnp.where(x > t, 1, 0)

        return splat_total(lax.fori_loop(0, _NV, body, zero16i, unroll=8))

    need = 300 - count_gt(v)

    def count_tie_le(c):
        def body(i, acc):
            q = iota16 + i * 16
            cand = (jnp.bitwise_and(q, 1023) * 5
                    + lax.shift_right_logical(q, 10))
            x = sbuf[pl.ds(i * 16, 16)]
            return acc + jnp.where((x == v) & (cand <= c), 1, 0)

        return splat_total(lax.fori_loop(0, _NV, body, zero16i, unroll=8))

    def bs2(_, carry):
        lo, hi = carry
        mid = lax.shift_right_arithmetic(lo + hi, 1)
        ok = count_tie_le(mid) >= need
        return jnp.where(ok, lo, mid), jnp.where(ok, mid, hi)

    n_tie = count_tie_le(jnp.full((16,), 5119, jnp.int32))

    def bisect_cut(_):
        _, c = lax.fori_loop(0, 14, bs2,
                             (jnp.full((16,), -1, jnp.int32),
                              jnp.full((16,), 5119, jnp.int32)))
        return c

    cut = lax.cond(n_tie[0] <= need[0],
                   lambda _: jnp.full((16,), 5119, jnp.int32),
                   bisect_cut, 0)

    def comp_body(i, off):
        q = iota16 + i * 16
        cand = (jnp.bitwise_and(q, 1023) * 5
                + lax.shift_right_logical(q, 10))
        x = sbuf[pl.ds(i * 16, 16)]
        m = (x > v) | ((x == v) & (cand <= cut))
        plsc.store_compressed(scomp.at[pl.ds(off, 16)], x, mask=m)
        plsc.store_compressed(ccomp.at[pl.ds(off, 16)],
                              cand.astype(jnp.float32), mask=m)
        return off + mask_count(m)[0]

    def pad_body(i, _):
        scomp[pl.ds(i * 16, 16)] = zero16
        ccomp[pl.ds(i * 16, 16)] = jnp.full((16,), 8191.0, jnp.float32)
        return 0

    lax.fori_loop(0, _S // 16, pad_body, 0)
    lax.fori_loop(0, _NV, comp_body, 0)

    def rank_body(i, _):
        s_i = scomp[pl.ds(i * 16, 16)]
        c_i = ccomp[pl.ds(i * 16, 16)]

        def inner(j, acc):
            s_jv = scomp[pl.ds(j * 16, 16)]
            c_jv = ccomp[pl.ds(j * 16, 16)]
            for l in range(16):
                sj = s_jv[l]
                cj = c_jv[l]
                above = (sj > s_i) | ((sj == s_i) & (cj < c_i))
                acc = acc + jnp.where(above, 1.0, 0.0)
            return acc

        rank = lax.fori_loop(0, 19, inner, zero16, unroll=4)
        ranki = rank.astype(jnp.int32)
        candi = c_i.astype(jnp.int32)
        qv = (jnp.bitwise_and(candi, jnp.int32(0x7FFF)) % 5) * 1024 + candi // 5
        valid = ranki < _S
        ridx = jnp.where(valid, ranki, _S - 1)
        for r in range(6):
            vals = plsc.load_gather(pbuf, [qv + r * _Q])
            plsc.store_scatter(obuf, [ridx + r * _S], vals, mask=valid)
        return 0

    lax.fori_loop(0, 19, rank_body, 0)
    pltpu.sync_copy(obuf, out_hbm.at[wid])


def _sc_select(sf2, pay):
    mesh = plsc.VectorSubcoreMesh(core_axis_name="c", subcore_axis_name="s")
    return pl.kernel(
        _sc_select_body,
        mesh=mesh,
        compiler_params=pltpu.CompilerParams(needs_layout_passes=False),
        out_type=jax.ShapeDtypeStruct((32, 8 * _S), jnp.float32),
        scratch_types=[
            pltpu.VMEM((_Q,), jnp.float32),
            pltpu.VMEM((6 * _Q,), jnp.float32),
            pltpu.VMEM((8 * _S,), jnp.float32),
            pltpu.VMEM((_S,), jnp.float32),
            pltpu.VMEM((_S,), jnp.float32),
            pltpu.VMEM((128,), jnp.int32),
        ],
    )(sf2, pay)


def _nms_kernel(comp_ref, out_ref):
    acc = comp_ref[0]
    riota = lax.broadcasted_iota(jnp.int32, (_S, _S), 0).astype(jnp.float32)
    ciota = lax.broadcasted_iota(jnp.int32, (_S, _S), 1).astype(jnp.float32)
    ident = jnp.where(riota == ciota, 1.0, 0.0)
    score_r = acc[4][None, :]
    lb = acc[5][None, :]
    off = lb * 4096.0
    bx1 = acc[0][None, :] + off
    by1 = acc[1][None, :] + off
    bx2 = acc[2][None, :] + off
    by2 = acc[3][None, :] + off
    colsB = _dott(ident, jnp.concatenate([bx1, by1, bx2, by2], axis=0))
    bx1c = colsB[:, 0:1]
    by1c = colsB[:, 1:2]
    bx2c = colsB[:, 2:3]
    by2c = colsB[:, 3:4]
    area_r = jnp.maximum(bx2 - bx1, 0.0) * jnp.maximum(by2 - by1, 0.0)
    area_c = jnp.maximum(bx2c - bx1c, 0.0) * jnp.maximum(by2c - by1c, 0.0)
    ix1 = jnp.maximum(bx1c, bx1)
    iy1 = jnp.maximum(by1c, by1)
    ix2 = jnp.minimum(bx2c, bx2)
    iy2 = jnp.minimum(by2c, by2)
    inter = jnp.maximum(ix2 - ix1, 0.0) * jnp.maximum(iy2 - iy1, 0.0)
    iou = inter / (area_c + area_r - inter + 1e-9)
    supp = jnp.max(jnp.where(riota < ciota, iou, 0.0), axis=0, keepdims=True)
    keep = (supp <= _NMS_THRESH) & (score_r > 0.0)
    keepf = keep.astype(jnp.float32)
    out_ref[0] = jnp.concatenate([
        acc[0][None, :] * keepf, acc[1][None, :] * keepf,
        acc[2][None, :] * keepf, acc[3][None, :] * keepf,
        acc[4][None, :] * keepf,
        jnp.where(keep, lb, -1.0),
        jnp.zeros((2, _S), jnp.float32),
    ], axis=0)


@jax.jit
def kernel(boxes_offset, image_sizes):
    n, c, hh, ww = boxes_offset.shape
    x = boxes_offset.reshape(n, c, hh * ww)
    obj = x[:, _NC + 4::_STRIDE, :]
    sc = jax.nn.sigmoid(obj)
    sf = jnp.where(sc > 0.5, sc, 0.0)
    sz = image_sizes.astype(jnp.float32).reshape(n, 1, 2)

    pay = pl.pallas_call(
        _decode_kernel,
        grid=(n,),
        in_specs=[
            pl.BlockSpec((1, c, hh * ww), lambda i: (i, 0, 0)),
            pl.BlockSpec((1, _A, hh * ww), lambda i: (i, 0, 0)),
            pl.BlockSpec((1, 1, 2), lambda i: (i, 0, 0),
                         memory_space=pltpu.SMEM),
        ],
        out_specs=pl.BlockSpec((1, 6, _Q), lambda i: (i, 0, 0)),
        out_shape=jax.ShapeDtypeStruct((n, 6, _Q), jnp.float32),
        compiler_params=pltpu.CompilerParams(
            dimension_semantics=("arbitrary",)),
    )(x, sf, sz)

    comp = _sc_select(sf.reshape(n, _Q), pay.reshape(n, 6 * _Q))
    comp = comp.reshape(n, 8, _S)

    out = pl.pallas_call(
        _nms_kernel,
        grid=(n,),
        in_specs=[pl.BlockSpec((1, 8, _S), lambda i: (i, 0, 0))],
        out_specs=pl.BlockSpec((1, 8, _S), lambda i: (i, 0, 0)),
        out_shape=jax.ShapeDtypeStruct((n, 8, _S), jnp.float32),
        compiler_params=pltpu.CompilerParams(
            dimension_semantics=("arbitrary",)),
    )(comp)

    boxes = jnp.transpose(out[:, 0:4, :_K], (0, 2, 1))
    scores = out[:, 4, :_K]
    labels = out[:, 5, :_K].astype(jnp.int32)
    return boxes, scores, labels

# --- scband reference (transcript-rebuilt; emitter-appended) ---
"""Pipeline reference for scband-yolov2-postprocess-49306224558218 (READ-ONLY COPY).

The authoritative reference and input builder live on the scoring server;
editing this copy changes nothing except your own understanding.
"""

import jax, jax.numpy as jnp
import numpy as np

DOWNSAMPLE = 32.0
NUM_CLASSES = 80
ANCHORS = np.array([[1.19, 1.98], [2.79, 4.59], [4.53, 8.92], [8.06, 5.29], [10.32, 10.65]], dtype=np.float32)
BOX_IOU_THRESH = 0.5
NMS_THRESH = 0.45
PRE_NMS_TOPK = 300


def setup_inputs(seed: int = 0):
    key = jax.random.key(seed)
    k1, k2 = jax.random.split(key)
    boxes_offset = jax.random.normal(k1, (32, 425, 32, 32), dtype=jnp.float32)
    image_sizes = jax.random.randint(k2, (32, 2), 1, 1024, dtype=jnp.int32)
    return {"boxes_offset": boxes_offset, "image_sizes": image_sizes}


def _decode(boxes_offset, image_sizes):
    N, C, H, W = boxes_offset.shape
    A = ANCHORS.shape[0]
    stride = NUM_CLASSES + 5
    bo = jnp.transpose(boxes_offset, (0, 2, 3, 1)).reshape(N, H, W, A, stride)
    cls_logits = bo[..., :NUM_CLASSES]
    score = jax.nn.sigmoid(bo[..., -1])
    xy = jax.nn.sigmoid(bo[..., NUM_CLASSES:NUM_CLASSES + 2])
    wh = bo[..., NUM_CLASSES + 2:NUM_CLASSES + 4]
    x_grid = jnp.tile(jnp.arange(W, dtype=jnp.float32), (H, 1))
    y_grid = jnp.tile(jnp.arange(H, dtype=jnp.float32)[:, None], (1, W))
    anchors_xy = jnp.stack((x_grid, y_grid), axis=-1)[None, :, :, None, :]
    boxes_xy = (anchors_xy + xy) * DOWNSAMPLE
    boxes_wh = jnp.asarray(ANCHORS)[None, None, None, :, :] * jnp.exp(wh) * DOWNSAMPLE
    cx, cy = boxes_xy[..., 0], boxes_xy[..., 1]
    w, h = boxes_wh[..., 0], boxes_wh[..., 1]
    x1 = cx - w / 2.0
    y1 = cy - h / 2.0
    x2 = cx + w / 2.0
    y2 = cy + h / 2.0
    h_img = image_sizes[:, 0].astype(jnp.float32)[:, None, None, None]
    w_img = image_sizes[:, 1].astype(jnp.float32)[:, None, None, None]
    x1 = jnp.clip(x1, 0.0, w_img)
    x2 = jnp.clip(x2, 0.0, w_img)
    y1 = jnp.clip(y1, 0.0, h_img)
    y2 = jnp.clip(y2, 0.0, h_img)
    boxes = jnp.stack((x1, y1, x2, y2), axis=-1).reshape(N, -1, 4)
    return boxes, score.reshape(N, -1), cls_logits.reshape(N, -1, NUM_CLASSES)


def _pairwise_iou(b):
    x1, y1, x2, y2 = b[:, 0], b[:, 1], b[:, 2], b[:, 3]
    area = jnp.maximum(x2 - x1, 0.0) * jnp.maximum(y2 - y1, 0.0)
    ix1 = jnp.maximum(x1[:, None], x1[None, :])
    iy1 = jnp.maximum(y1[:, None], y1[None, :])
    ix2 = jnp.minimum(x2[:, None], x2[None, :])
    iy2 = jnp.minimum(y2[:, None], y2[None, :])
    inter = jnp.maximum(ix2 - ix1, 0.0) * jnp.maximum(iy2 - iy1, 0.0)
    return inter / (area[:, None] + area[None, :] - inter + 1e-9)


def reference(boxes_offset, image_sizes):
    boxes, scores, cls_logits = _decode(boxes_offset, image_sizes)
    labels = jnp.argmax(cls_logits, axis=-1)
    scores_f = jnp.where(scores > BOX_IOU_THRESH, scores, 0.0)
    topv, topi = jax.lax.top_k(scores_f, PRE_NMS_TOPK)
    b = jnp.take_along_axis(boxes, topi[..., None], axis=1)
    l = jnp.take_along_axis(labels, topi, axis=1)
    # class-aware NMS via per-class coordinate offset (same trick as batched_nms)
    offs = l.astype(jnp.float32)[..., None] * 4096.0
    iou = jax.vmap(_pairwise_iou)(b + offs)
    # fast-NMS: candidates are sorted by score desc; a box is suppressed if any
    # higher-scored box overlaps it above the threshold
    suppressed = jnp.max(jnp.triu(iou, k=1), axis=-2)
    keep = (suppressed <= NMS_THRESH) & (topv > 0.0)
    boxes_out = b * keep[..., None].astype(b.dtype)
    scores_out = topv * keep.astype(topv.dtype)
    labels_out = jnp.where(keep, l, -1)
    return boxes_out, scores_out, labels_out

if __name__ == "__main__":
    import jax
    _d = setup_inputs()
    print(jax.jit(kernel)(*tuple(_d.values())))

</pallas_src>

<mosaic_0001>
#map = affine_map<(d0, d1) -> (0, 0)>
module attributes {stable_mosaic.version = 14 : i64} {
  func.func @_sc_select_body(%arg0: i32, %arg1: i32, %arg2: memref<32x5120xf32, #tpu.memory_space<hbm>>, %arg3: memref<32x30720xf32, #tpu.memory_space<hbm>>, %arg4: memref<32x3072xf32, #tpu.memory_space<hbm>>, %arg5: memref<5120xf32, #tpu.memory_space<vmem>>, %arg6: memref<30720xf32, #tpu.memory_space<vmem>>, %arg7: memref<3072xf32, #tpu.memory_space<vmem>>, %arg8: memref<384xf32, #tpu.memory_space<vmem>>, %arg9: memref<384xf32, #tpu.memory_space<vmem>>, %arg10: memref<128xi32, #tpu.memory_space<vmem>>) attributes {dimension_semantics = [#tpu.dimension_semantics<core_parallel>, #tpu.dimension_semantics<subcore_parallel>], iteration_bounds = array<i64: 2, 16>, scalar_prefetch = 0 : i64, scratch_operands = 6 : i64, tpu.core_type = #tpu.core_type<sc_vector_subcore>, window_params = [{transform_indices = #map}, {transform_indices = #map}, {transform_indices = #map}]} {
    %mul3A = arith.constant 2 : i32
    %mul3A_0 = arith.muli %arg1, %mul3A : i32
    %add3A = arith.addi %mul3A_0, %arg0 : i32
    "tpu.region"() ({
      %run_scoped3A = tpu.sem_alloc : memref<!tpu.dma_semaphore, #tpu.memory_space<semaphore_mem>>
      %dma_start3A = arith.constant 0 : i32
      %dma_start3A_115 = tpu.memref_slice %arg2[%add3A, %dma_start3A] : memref<32x5120xf32, #tpu.memory_space<hbm>> -> memref<1x5120xf32, #tpu.memory_space<hbm>>
      %dma_start3A_116 = tpu.memref_squeeze %dma_start3A_115 : memref<1x5120xf32, #tpu.memory_space<hbm>> -> memref<5120xf32, #tpu.memory_space<hbm>>
      %dma_start3A_117 = arith.constant 0 : i32
      %dma_start3A_118 = tpu.memref_slice %arg2[%add3A, %dma_start3A_117] : memref<32x5120xf32, #tpu.memory_space<hbm>> -> memref<1x5120xf32, #tpu.memory_space<hbm>>
      %dma_start3A_119 = tpu.memref_squeeze %dma_start3A_118 : memref<1x5120xf32, #tpu.memory_space<hbm>> -> memref<5120xf32, #tpu.memory_space<hbm>>
      tpu.enqueue_dma source(%dma_start3A_119 : memref<5120xf32, #tpu.memory_space<hbm>>) target(%arg5 : memref<5120xf32, #tpu.memory_space<vmem>>) target_semaphore(%run_scoped3A : memref<!tpu.dma_semaphore, #tpu.memory_space<semaphore_mem>>)
      %dma_wait3A = arith.constant 0 : i32
      %dma_wait3A_120 = tpu.memref_slice %arg2[%add3A, %dma_wait3A] : memref<32x5120xf32, #tpu.memory_space<hbm>> -> memref<1x5120xf32, #tpu.memory_space<hbm>>
      %dma_wait3A_121 = tpu.memref_squeeze %dma_wait3A_120 : memref<1x5120xf32, #tpu.memory_space<hbm>> -> memref<5120xf32, #tpu.memory_space<hbm>>
      %dma_wait3A_122 = arith.constant 0 : i32
      %dma_wait3A_123 = tpu.memref_slice %arg2[%add3A, %dma_wait3A_122] : memref<32x5120xf32, #tpu.memory_space<hbm>> -> memref<1x5120xf32, #tpu.memory_space<hbm>>
      %dma_wait3A_124 = tpu.memref_squeeze %dma_wait3A_123 : memref<1x5120xf32, #tpu.memory_space<hbm>> -> memref<5120xf32, #tpu.memory_space<hbm>>
      tpu.wait_dma2 semaphore(%run_scoped3A : memref<!tpu.dma_semaphore, #tpu.memory_space<semaphore_mem>>) src(%dma_wait3A_124 : memref<5120xf32, #tpu.memory_space<hbm>>) dst(%arg5 : memref<5120xf32, #tpu.memory_space<vmem>>)
      tpu.yield
    }) : () -> ()
    "tpu.region"() ({
      %run_scoped3A = tpu.sem_alloc : memref<!tpu.dma_semaphore, #tpu.memory_space<semaphore_mem>>
      %dma_start3A = arith.constant 0 : i32
      %dma_start3A_115 = tpu.memref_slice %arg3[%add3A, %dma_start3A] : memref<32x30720xf32, #tpu.memory_space<hbm>> -> memref<1x30720xf32, #tpu.memory_space<hbm>>
      %dma_start3A_116 = tpu.memref_squeeze %dma_start3A_115 : memref<1x30720xf32, #tpu.memory_space<hbm>> -> memref<30720xf32, #tpu.memory_space<hbm>>
      %dma_start3A_117 = arith.constant 0 : i32
      %dma_start3A_118 = tpu.memref_slice %arg3[%add3A, %dma_start3A_117] : memref<32x30720xf32, #tpu.memory_space<hbm>> -> memref<1x30720xf32, #tpu.memory_space<hbm>>
      %dma_start3A_119 = tpu.memref_squeeze %dma_start3A_118 : memref<1x30720xf32, #tpu.memory_space<hbm>> -> memref<30720xf32, #tpu.memory_space<hbm>>
      tpu.enqueue_dma source(%dma_start3A_119 : memref<30720xf32, #tpu.memory_space<hbm>>) target(%arg6 : memref<30720xf32, #tpu.memory_space<vmem>>) target_semaphore(%run_scoped3A : memref<!tpu.dma_semaphore, #tpu.memory_space<semaphore_mem>>)
      %dma_wait3A = arith.constant 0 : i32
      %dma_wait3A_120 = tpu.memref_slice %arg3[%add3A, %dma_wait3A] : memref<32x30720xf32, #tpu.memory_space<hbm>> -> memref<1x30720xf32, #tpu.memory_space<hbm>>
      %dma_wait3A_121 = tpu.memref_squeeze %dma_wait3A_120 : memref<1x30720xf32, #tpu.memory_space<hbm>> -> memref<30720xf32, #tpu.memory_space<hbm>>
      %dma_wait3A_122 = arith.constant 0 : i32
      %dma_wait3A_123 = tpu.memref_slice %arg3[%add3A, %dma_wait3A_122] : memref<32x30720xf32, #tpu.memory_space<hbm>> -> memref<1x30720xf32, #tpu.memory_space<hbm>>
      %dma_wait3A_124 = tpu.memref_squeeze %dma_wait3A_123 : memref<1x30720xf32, #tpu.memory_space<hbm>> -> memref<30720xf32, #tpu.memory_space<hbm>>
      tpu.wait_dma2 semaphore(%run_scoped3A : memref<!tpu.dma_semaphore, #tpu.memory_space<semaphore_mem>>) src(%dma_wait3A_124 : memref<30720xf32, #tpu.memory_space<hbm>>) dst(%arg6 : memref<30720xf32, #tpu.memory_space<vmem>>)
      tpu.yield
    }) : () -> ()
    %iota3A = tpu.iota {dimensions = array<i32: 0>} : vector<16xi32>
    %broadcast_in_dim3A = arith.constant 0.000000e+00 : f32
    %broadcast_in_dim3A_1 = vector.broadcast %broadcast_in_dim3A : f32 to vector<16xf32>
    %scan3A = arith.constant 0 : i32
    %scan3A_2 = arith.constant 0 : i32
    %scan3A_3 = arith.constant 192 : i32
    %scan3A_4 = arith.addi %scan3A_2, %scan3A_3 : i32
    %scan3A_5 = arith.constant 1 : i32
    %scan3A_6 = scf.for %scan3A_115 = %scan3A_2 to %scan3A_4 step %scan3A_5 iter_args(%scan3A_116 = %scan3A) -> (i32)  : i32 {
      %mul3A_117 = arith.constant 16 : i32
      %mul3A_118 = arith.muli %scan3A_115, %mul3A_117 : i32
      %swap3A_119 = arith.index_cast %mul3A_118 : i32 to index
      %swap3A_120 = tpu.vector_load %arg7[%swap3A_119] {strides = array<i32>} : memref<3072xf32, #tpu.memory_space<vmem>>, vector<16xf32>,
      tpu.vector_store %arg7[%swap3A_119], %broadcast_in_dim3A_1 {strides = array<i32>} : memref<3072xf32, #tpu.memory_space<vmem>>, vector<16xf32>,
      %scan3A_121 = arith.constant 0 : i32
      scf.yield %scan3A_121 : i32
    }
    %scan3A_7 = arith.constant 192 : i32
    %broadcast_in_dim3A_8 = arith.constant 0 : i32
    %broadcast_in_dim3A_9 = vector.broadcast %broadcast_in_dim3A_8 : i32 to vector<16xi32>
    %broadcast_in_dim3A_10 = arith.constant 0.000000e+00 : f32
    %broadcast_in_dim3A_11 = vector.broadcast %broadcast_in_dim3A_10 : f32 to vector<16xf32>
    %broadcast_in_dim3A_12 = arith.constant 1.000000e+00 : f32
    %broadcast_in_dim3A_13 = vector.broadcast %broadcast_in_dim3A_12 : f32 to vector<16xf32>
    %scan3A_14 = arith.constant 0 : i32
    %scan3A_15 = arith.constant 27 : i32
    %scan3A_16 = arith.addi %scan3A_14, %scan3A_15 : i32
    %scan3A_17 = arith.constant 1 : i32
    %scan3A_18:2 = scf.for %scan3A_115 = %scan3A_14 to %scan3A_16 step %scan3A_17 iter_args(%scan3A_116 = %broadcast_in_dim3A_11, %scan3A_117 = %broadcast_in_dim3A_13) -> (vector<16xf32>, vector<16xf32>)  : i32 {
      %add3A_118 = arith.addf %scan3A_116, %scan3A_117 : vector<16xf32>
      %mul3A_119 = arith.constant 5.000000e-01 : f32
      %mul3A_120 = vector.broadcast %mul3A_119 : f32 to vector<16xf32>
      %mul3A_121 = arith.mulf %add3A_118, %mul3A_120 : vector<16xf32>
      %scan3A_122 = arith.constant 0 : i32
      %scan3A_123 = arith.constant 320 : i32
      %scan3A_124 = arith.addi %scan3A_122, %scan3A_123 : i32
      %scan3A_125 = arith.constant 8 : i32
      %scan3A_126 = scf.for %scan3A_159 = %scan3A_122 to %scan3A_124 step %scan3A_125 iter_args(%scan3A_160 = %broadcast_in_dim3A_9) -> (vector<16xi32>)  : i32 {
        %mul3A_161 = arith.constant 16 : i32
        %mul3A_162 = arith.muli %scan3A_159, %mul3A_161 : i32
        %get3A = arith.index_cast %mul3A_162 : i32 to index
        %get3A_163 = tpu.vector_load %arg5[%get3A] {strides = array<i32>} : memref<5120xf32, #tpu.memory_space<vmem>>, vector<16xf32>,
        %ge3A_164 = arith.cmpf oge, %get3A_163, %mul3A_121 : vector<16xf32>
        %jit3A = arith.constant 1 : i32
        %jit3A_165 = arith.constant 0 : i32
        %broadcast_in_dim3A_166 = vector.broadcast %jit3A : i32 to vector<16xi32>
        %broadcast_in_dim3A_167 = vector.broadcast %jit3A_165 : i32 to vector<16xi32>
        %select_n3A_168 = arith.select %ge3A_164, %broadcast_in_dim3A_166, %broadcast_in_dim3A_167 : vector<16xi1>, vector<16xi32>
        %add3A_169 = arith.addi %scan3A_160, %select_n3A_168 : vector<16xi32>
        %scan3A_170 = arith.constant 1 : i32
        %scan3A_171 = arith.addi %scan3A_159, %scan3A_170 : i32
        %mul3A_172 = arith.constant 16 : i32
        %mul3A_173 = arith.muli %scan3A_171, %mul3A_172 : i32
        %get3A_174 = arith.index_cast %mul3A_173 : i32 to index
        %get3A_175 = tpu.vector_load %arg5[%get3A_174] {strides = array<i32>} : memref<5120xf32, #tpu.memory_space<vmem>>, vector<16xf32>,
        %ge3A_176 = arith.cmpf oge, %get3A_175, %mul3A_121 : vector<16xf32>
        %jit3A_177 = arith.constant 1 : i32
        %jit3A_178 = arith.constant 0 : i32
        %broadcast_in_dim3A_179 = vector.broadcast %jit3A_177 : i32 to vector<16xi32>
        %broadcast_in_dim3A_180 = vector.broadcast %jit3A_178 : i32 to vector<16xi32>
        %select_n3A_181 = arith.select %ge3A_176, %broadcast_in_dim3A_179, %broadcast_in_dim3A_180 : vector<16xi1>, vector<16xi32>
        %add3A_182 = arith.addi %add3A_169, %select_n3A_181 : vector<16xi32>
        %scan3A_183 = arith.constant 2 : i32
        %scan3A_184 = arith.addi %scan3A_159, %scan3A_183 : i32
        %mul3A_185 = arith.constant 16 : i32
        %mul3A_186 = arith.muli %scan3A_184, %mul3A_185 : i32
        %get3A_187 = arith.index_cast %mul3A_186 : i32 to index
        %get3A_188 = tpu.vector_load %arg5[%get3A_187] {strides = array<i32>} : memref<5120xf32, #tpu.memory_space<vmem>>, vector<16xf32>,
        %ge3A_189 = arith.cmpf oge, %get3A_188, %mul3A_121 : vector<16xf32>
        %jit3A_190 = arith.constant 1 : i32
        %jit3A_191 = arith.constant 0 : i32
        %broadcast_in_dim3A_192 = vector.broadcast %jit3A_190 : i32 to vector<16xi32>
        %broadcast_in_dim3A_193 = vector.broadcast %jit3A_191 : i32 to vector<16xi32>
        %select_n3A_194 = arith.select %ge3A_189, %broadcast_in_dim3A_192, %broadcast_in_dim3A_193 : vector<16xi1>, vector<16xi32>
        %add3A_195 = arith.addi %add3A_182, %select_n3A_194 : vector<16xi32>
        %scan3A_196 = arith.constant 3 : i32
        %scan3A_197 = arith.addi %scan3A_159, %scan3A_196 : i32
        %mul3A_198 = arith.constant 16 : i32
        %mul3A_199 = arith.muli %scan3A_197, %mul3A_198 : i32
        %get3A_200 = arith.index_cast %mul3A_199 : i32 to index
        %get3A_201 = tpu.vector_load %arg5[%get3A_200] {strides = array<i32>} : memref<5120xf32, #tpu.memory_space<vmem>>, vector<16xf32>,
        %ge3A_202 = arith.cmpf oge, %get3A_201, %mul3A_121 : vector<16xf32>
        %jit3A_203 = arith.constant 1 : i32
        %jit3A_204 = arith.constant 0 : i32
        %broadcast_in_dim3A_205 = vector.broadcast %jit3A_203 : i32 to vector<16xi32>
        %broadcast_in_dim3A_206 = vector.broadcast %jit3A_204 : i32 to vector<16xi32>
        %select_n3A_207 = arith.select %ge3A_202, %broadcast_in_dim3A_205, %broadcast_in_dim3A_206 : vector<16xi1>, vector<16xi32>
        %add3A_208 = arith.addi %add3A_195, %select_n3A_207 : vector<16xi32>
        %scan3A_209 = arith.constant 4 : i32
        %scan3A_210 = arith.addi %scan3A_159, %scan3A_209 : i32
        %mul3A_211 = arith.constant 16 : i32
        %mul3A_212 = arith.muli %scan3A_210, %mul3A_211 : i32
        %get3A_213 = arith.index_cast %mul3A_212 : i32 to index
        %get3A_214 = tpu.vector_load %arg5[%get3A_213] {strides = array<i32>} : memref<5120xf32, #tpu.memory_space<vmem>>, vector<16xf32>,
        %ge3A_215 = arith.cmpf oge, %get3A_214, %mul3A_121 : vector<16xf32>
        %jit3A_216 = arith.constant 1 : i32
        %jit3A_217 = arith.constant 0 : i32
        %broadcast_in_dim3A_218 = vector.broadcast %jit3A_216 : i32 to vector<16xi32>
        %broadcast_in_dim3A_219 = vector.broadcast %jit3A_217 : i32 to vector<16xi32>
        %select_n3A_220 = arith.select %ge3A_215, %broadcast_in_dim3A_218, %broadcast_in_dim3A_219 : vector<16xi1>, vector<16xi32>
        %add3A_221 = arith.addi %add3A_208, %select_n3A_220 : vector<16xi32>
        %scan3A_222 = arith.constant 5 : i32
        %scan3A_223 = arith.addi %scan3A_159, %scan3A_222 : i32
        %mul3A_224 = arith.constant 16 : i32
        %mul3A_225 = arith.muli %scan3A_223, %mul3A_224 : i32
        %get3A_226 = arith.index_cast %mul3A_225 : i32 to index
        %get3A_227 = tpu.vector_load %arg5[%get3A_226] {strides = array<i32>} : memref<5120xf32, #tpu.memory_space<vmem>>, vector<16xf32>,
        %ge3A_228 = arith.cmpf oge, %get3A_227, %mul3A_121 : vector<16xf32>
        %jit3A_229 = arith.constant 1 : i32
        %jit3A_230 = arith.constant 0 : i32
        %broadcast_in_dim3A_231 = vector.broadcast %jit3A_229 : i32 to vector<16xi32>
        %broadcast_in_dim3A_232 = vector.broadcast %jit3A_230 : i32 to vector<16xi32>
        %select_n3A_233 = arith.select %ge3A_228, %broadcast_in_dim3A_231, %broadcast_in_dim3A_232 : vector<16xi1>, vector<16xi32>
        %add3A_234 = arith.addi %add3A_221, %select_n3A_233 : vector<16xi32>
        %scan3A_235 = arith.constant 6 : i32
        %scan3A_236 = arith.addi %scan3A_159, %scan3A_235 : i32
        %mul3A_237 = arith.constant 16 : i32
        %mul3A_238 = arith.muli %scan3A_236, %mul3A_237 : i32
        %get3A_239 = arith.index_cast %mul3A_238 : i32 to index
        %get3A_240 = tpu.vector_load %arg5[%get3A_239] {strides = array<i32>} : memref<5120xf32, #tpu.memory_space<vmem>>, vector<16xf32>,
        %ge3A_241 = arith.cmpf oge, %get3A_240, %mul3A_121 : vector<16xf32>
        %jit3A_242 = arith.constant 1 : i32
        %jit3A_243 = arith.constant 0 : i32
        %broadcast_in_dim3A_244 = vector.broadcast %jit3A_242 : i32 to vector<16xi32>
        %broadcast_in_dim3A_245 = vector.broadcast %jit3A_243 : i32 to vector<16xi32>
        %select_n3A_246 = arith.select %ge3A_241, %broadcast_in_dim3A_244, %broadcast_in_dim3A_245 : vector<16xi1>, vector<16xi32>
        %add3A_247 = arith.addi %add3A_234, %select_n3A_246 : vector<16xi32>
        %scan3A_248 = arith.constant 7 : i32
        %scan3A_249 = arith.addi %scan3A_159, %scan3A_248 : i32
        %mul3A_250 = arith.constant 16 : i32
        %mul3A_251 = arith.muli %scan3A_249, %mul3A_250 : i32
        %get3A_252 = arith.index_cast %mul3A_251 : i32 to index
        %get3A_253 = tpu.vector_load %arg5[%get3A_252] {strides = array<i32>} : memref<5120xf32, #tpu.memory_space<vmem>>, vector<16xf32>,
        %ge3A_254 = arith.cmpf oge, %get3A_253, %mul3A_121 : vector<16xf32>
        %jit3A_255 = arith.constant 1 : i32
        %jit3A_256 = arith.constant 0 : i32
        %broadcast_in_dim3A_257 = vector.broadcast %jit3A_255 : i32 to vector<16xi32>
        %broadcast_in_dim3A_258 = vector.broadcast %jit3A_256 : i32 to vector<16xi32>
        %select_n3A_259 = arith.select %ge3A_254, %broadcast_in_dim3A_257, %broadcast_in_dim3A_258 : vector<16xi1>, vector<16xi32>
        %add3A_260 = arith.addi %add3A_247, %select_n3A_259 : vector<16xi32>
        scf.yield %add3A_260 : vector<16xi32>
      }
      %scan3A_127 = arith.constant 320 : i32
      %swap3A_128 = arith.constant 0 : index
      %swap3A_129 = tpu.vector_load %arg10[%swap3A_128] {strides = array<i32>} : memref<128xi32, #tpu.memory_space<vmem>>, vector<16xi32>,
      tpu.vector_store %arg10[%swap3A_128], %scan3A_126 {strides = array<i32>} : memref<128xi32, #tpu.memory_space<vmem>>, vector<16xi32>,
      %xor3A_130 = arith.constant 1 : i32
      %xor3A_131 = vector.broadcast %xor3A_130 : i32 to vector<16xi32>
      %xor3A_132 = arith.xori %iota3A, %xor3A_131 : vector<16xi32>
      %gather3A_133 = tpu.vector_load_idx %arg10[%xor3A_132] : memref<128xi32, #tpu.memory_space<vmem>>[vector<16xi32>], vector<16xi32>,
      %add3A_134 = arith.addi %scan3A_126, %gather3A_133 : vector<16xi32>
      %swap3A_135 = arith.constant 0 : index
      %swap3A_136 = tpu.vector_load %arg10[%swap3A_135] {strides = array<i32>} : memref<128xi32, #tpu.memory_space<vmem>>, vector<16xi32>,
      tpu.vector_store %arg10[%swap3A_135], %add3A_134 {strides = array<i32>} : memref<128xi32, #tpu.memory_space<vmem>>, vector<16xi32>,
      %xor3A_137 = arith.constant 2 : i32
      %xor3A_138 = vector.broadcast %xor3A_137 : i32 to vector<16xi32>
      %xor3A_139 = arith.xori %iota3A, %xor3A_138 : vector<16xi32>
      %gather3A_140 = tpu.vector_load_idx %arg10[%xor3A_139] : memref<128xi32, #tpu.memory_space<vmem>>[vector<16xi32>], vector<16xi32>,
      %add3A_141 = arith.addi %add3A_134, %gather3A_140 : vector<16xi32>
      %swap3A_142 = arith.constant 0 : index
      %swap3A_143 = tpu.vector_load %arg10[%swap3A_142] {strides = array<i32>} : memref<128xi32, #tpu.memory_space<vmem>>, vector<16xi32>,
      tpu.vector_store %arg10[%swap3A_142], %add3A_141 {strides = array<i32>} : memref<128xi32, #tpu.memory_space<vmem>>, vector<16xi32>,
      %xor3A_144 = arith.constant 4 : i32
      %xor3A_145 = vector.broadcast %xor3A_144 : i32 to vector<16xi32>
      %xor3A_146 = arith.xori %iota3A, %xor3A_145 : vector<16xi32>
      %gather3A_147 = tpu.vector_load_idx %arg10[%xor3A_146] : memref<128xi32, #tpu.memory_space<vmem>>[vector<16xi32>], vector<16xi32>,
      %add3A_148 = arith.addi %add3A_141, %gather3A_147 : vector<16xi32>
      %swap3A_149 = arith.constant 0 : index
      %swap3A_150 = tpu.vector_load %arg10[%swap3A_149] {strides = array<i32>} : memref<128xi32, #tpu.memory_space<vmem>>, vector<16xi32>,
      tpu.vector_store %arg10[%swap3A_149], %add3A_148 {strides = array<i32>} : memref<128xi32, #tpu.memory_space<vmem>>, vector<16xi32>,
      %xor3A_151 = arith.constant 8 : i32
      %xor3A_152 = vector.broadcast %xor3A_151 : i32 to vector<16xi32>
      %xor3A_153 = arith.xori %iota3A, %xor3A_152 : vector<16xi32>
      %gather3A_154 = tpu.vector_load_idx %arg10[%xor3A_153] : memref<128xi32, #tpu.memory_space<vmem>>[vector<16xi32>], vector<16xi32>,
      %add3A_155 = arith.addi %add3A_148, %gather3A_154 : vector<16xi32>
      %ge3A = arith.constant 300 : i32
      %ge3A_156 = vector.broadcast %ge3A : i32 to vector<16xi32>
      %ge3A_157 = arith.cmpi sge, %add3A_155, %ge3A_156 : vector<16xi32>
      %select_n3A = arith.select %ge3A_157, %mul3A_121, %scan3A_116 : vector<16xi1>, vector<16xf32>
      %select_n3A_158 = arith.select %ge3A_157, %scan3A_117, %mul3A_121 : vector<16xi1>, vector<16xf32>
      scf.yield %select_n3A, %select_n3A_158 : vector<16xf32>, vector<16xf32>
    }
    %scan3A_19 = arith.constant 27 : i32
    %scan3A_20 = arith.constant 0 : i32
    %scan3A_21 = arith.constant 320 : i32
    %scan3A_22 = arith.addi %scan3A_20, %scan3A_21 : i32
    %scan3A_23 = arith.constant 8 : i32
    %scan3A_24 = scf.for %scan3A_115 = %scan3A_20 to %scan3A_22 step %scan3A_23 iter_args(%scan3A_116 = %broadcast_in_dim3A_9) -> (vector<16xi32>)  : i32 {
      %mul3A_117 = arith.constant 16 : i32
      %mul3A_118 = arith.muli %scan3A_115, %mul3A_117 : i32
      %get3A = arith.index_cast %mul3A_118 : i32 to index
      %get3A_119 = tpu.vector_load %arg5[%get3A] {strides = array<i32>} : memref<5120xf32, #tpu.memory_space<vmem>>, vector<16xf32>,
      %gt3A = arith.cmpf ogt, %get3A_119, %scan3A_18#0 : vector<16xf32>
      %jit3A = arith.constant 1 : i32
      %jit3A_120 = arith.constant 0 : i32
      %broadcast_in_dim3A_121 = vector.broadcast %jit3A : i32 to vector<16xi32>
      %broadcast_in_dim3A_122 = vector.broadcast %jit3A_120 : i32 to vector<16xi32>
      %select_n3A = arith.select %gt3A, %broadcast_in_dim3A_121, %broadcast_in_dim3A_122 : vector<16xi1>, vector<16xi32>
      %add3A_123 = arith.addi %scan3A_116, %select_n3A : vector<16xi32>
      %scan3A_124 = arith.constant 1 : i32
      %scan3A_125 = arith.addi %scan3A_115, %scan3A_124 : i32
      %mul3A_126 = arith.constant 16 : i32
      %mul3A_127 = arith.muli %scan3A_125, %mul3A_126 : i32
      %get3A_128 = arith.index_cast %mul3A_127 : i32 to index
      %get3A_129 = tpu.vector_load %arg5[%get3A_128] {strides = array<i32>} : memref<5120xf32, #tpu.memory_space<vmem>>, vector<16xf32>,
      %gt3A_130 = arith.cmpf ogt, %get3A_129, %scan3A_18#0 : vector<16xf32>
      %jit3A_131 = arith.constant 1 : i32
      %jit3A_132 = arith.constant 0 : i32
      %broadcast_in_dim3A_133 = vector.broadcast %jit3A_131 : i32 to vector<16xi32>
      %broadcast_in_dim3A_134 = vector.broadcast %jit3A_132 : i32 to vector<16xi32>
      %select_n3A_135 = arith.select %gt3A_130, %broadcast_in_dim3A_133, %broadcast_in_dim3A_134 : vector<16xi1>, vector<16xi32>
      %add3A_136 = arith.addi %add3A_123, %select_n3A_135 : vector<16xi32>
      %scan3A_137 = arith.constant 2 : i32
      %scan3A_138 = arith.addi %scan3A_115, %scan3A_137 : i32
      %mul3A_139 = arith.constant 16 : i32
      %mul3A_140 = arith.muli %scan3A_138, %mul3A_139 : i32
      %get3A_141 = arith.index_cast %mul3A_140 : i32 to index
      %get3A_142 = tpu.vector_load %arg5[%get3A_141] {strides = array<i32>} : memref<5120xf32, #tpu.memory_space<vmem>>, vector<16xf32>,
      %gt3A_143 = arith.cmpf ogt, %get3A_142, %scan3A_18#0 : vector<16xf32>
      %jit3A_144 = arith.constant 1 : i32
      %jit3A_145 = arith.constant 0 : i32
      %broadcast_in_dim3A_146 = vector.broadcast %jit3A_144 : i32 to vector<16xi32>
      %broadcast_in_dim3A_147 = vector.broadcast %jit3A_145 : i32 to vector<16xi32>
      %select_n3A_148 = arith.select %gt3A_143, %broadcast_in_dim3A_146, %broadcast_in_dim3A_147 : vector<16xi1>, vector<16xi32>
      %add3A_149 = arith.addi %add3A_136, %select_n3A_148 : vector<16xi32>
      %scan3A_150 = arith.constant 3 : i32
      %scan3A_151 = arith.addi %scan3A_115, %scan3A_150 : i32
      %mul3A_152 = arith.constant 16 : i32
      %mul3A_153 = arith.muli %scan3A_151, %mul3A_152 : i32
      %get3A_154 = arith.index_cast %mul3A_153 : i32 to index
      %get3A_155 = tpu.vector_load %arg5[%get3A_154] {strides = array<i32>} : memref<5120xf32, #tpu.memory_space<vmem>>, vector<16xf32>,
      %gt3A_156 = arith.cmpf ogt, %get3A_155, %scan3A_18#0 : vector<16xf32>
      %jit3A_157 = arith.constant 1 : i32
      %jit3A_158 = arith.constant 0 : i32
      %broadcast_in_dim3A_159 = vector.broadcast %jit3A_157 : i32 to vector<16xi32>
      %broadcast_in_dim3A_160 = vector.broadcast %jit3A_158 : i32 to vector<16xi32>
      %select_n3A_161 = arith.select %gt3A_156, %broadcast_in_dim3A_159, %broadcast_in_dim3A_160 : vector<16xi1>, vector<16xi32>
      %add3A_162 = arith.addi %add3A_149, %select_n3A_161 : vector<16xi32>
      %scan3A_163 = arith.constant 4 : i32
      %scan3A_164 = arith.addi %scan3A_115, %scan3A_163 : i32
      %mul3A_165 = arith.constant 16 : i32
      %mul3A_166 = arith.muli %scan3A_164, %mul3A_165 : i32
      %get3A_167 = arith.index_cast %mul3A_166 : i32 to index
      %get3A_168 = tpu.vector_load %arg5[%get3A_167] {strides = array<i32>} : memref<5120xf32, #tpu.memory_space<vmem>>, vector<16xf32>,
      %gt3A_169 = arith.cmpf ogt, %get3A_168, %scan3A_18#0 : vector<16xf32>
      %jit3A_170 = arith.constant 1 : i32
      %jit3A_171 = arith.constant 0 : i32
      %broadcast_in_dim3A_172 = vector.broadcast %jit3A_170 : i32 to vector<16xi32>
      %broadcast_in_dim3A_173 = vector.broadcast %jit3A_171 : i32 to vector<16xi32>
      %select_n3A_174 = arith.select %gt3A_169, %broadcast_in_dim3A_172, %broadcast_in_dim3A_173 : vector<16xi1>, vector<16xi32>
      %add3A_175 = arith.addi %add3A_162, %select_n3A_174 : vector<16xi32>
      %scan3A_176 = arith.constant 5 : i32
      %scan3A_177 = arith.addi %scan3A_115, %scan3A_176 : i32
      %mul3A_178 = arith.constant 16 : i32
      %mul3A_179 = arith.muli %scan3A_177, %mul3A_178 : i32
      %get3A_180 = arith.index_cast %mul3A_179 : i32 to index
      %get3A_181 = tpu.vector_load %arg5[%get3A_180] {strides = array<i32>} : memref<5120xf32, #tpu.memory_space<vmem>>, vector<16xf32>,
      %gt3A_182 = arith.cmpf ogt, %get3A_181, %scan3A_18#0 : vector<16xf32>
      %jit3A_183 = arith.constant 1 : i32
      %jit3A_184 = arith.constant 0 : i32
      %broadcast_in_dim3A_185 = vector.broadcast %jit3A_183 : i32 to vector<16xi32>
      %broadcast_in_dim3A_186 = vector.broadcast %jit3A_184 : i32 to vector<16xi32>
      %select_n3A_187 = arith.select %gt3A_182, %broadcast_in_dim3A_185, %broadcast_in_dim3A_186 : vector<16xi1>, vector<16xi32>
      %add3A_188 = arith.addi %add3A_175, %select_n3A_187 : vector<16xi32>
      %scan3A_189 = arith.constant 6 : i32
      %scan3A_190 = arith.addi %scan3A_115, %scan3A_189 : i32
      %mul3A_191 = arith.constant 16 : i32
      %mul3A_192 = arith.muli %scan3A_190, %mul3A_191 : i32
      %get3A_193 = arith.index_cast %mul3A_192 : i32 to index
      %get3A_194 = tpu.vector_load %arg5[%get3A_193] {strides = array<i32>} : memref<5120xf32, #tpu.memory_space<vmem>>, vector<16xf32>,
      %gt3A_195 = arith.cmpf ogt, %get3A_194, %scan3A_18#0 : vector<16xf32>
      %jit3A_196 = arith.constant 1 : i32
      %jit3A_197 = arith.constant 0 : i32
      %broadcast_in_dim3A_198 = vector.broadcast %jit3A_196 : i32 to vector<16xi32>
      %broadcast_in_dim3A_199 = vector.broadcast %jit3A_197 : i32 to vector<16xi32>
      %select_n3A_200 = arith.select %gt3A_195, %broadcast_in_dim3A_198, %broadcast_in_dim3A_199 : vector<16xi1>, vector<16xi32>
      %add3A_201 = arith.addi %add3A_188, %select_n3A_200 : vector<16xi32>
      %scan3A_202 = arith.constant 7 : i32
      %scan3A_203 = arith.addi %scan3A_115, %scan3A_202 : i32
      %mul3A_204 = arith.constant 16 : i32
      %mul3A_205 = arith.muli %scan3A_203, %mul3A_204 : i32
      %get3A_206 = arith.index_cast %mul3A_205 : i32 to index
      %get3A_207 = tpu.vector_load %arg5[%get3A_206] {strides = array<i32>} : memref<5120xf32, #tpu.memory_space<vmem>>, vector<16xf32>,
      %gt3A_208 = arith.cmpf ogt, %get3A_207, %scan3A_18#0 : vector<16xf32>
      %jit3A_209 = arith.constant 1 : i32
      %jit3A_210 = arith.constant 0 : i32
      %broadcast_in_dim3A_211 = vector.broadcast %jit3A_209 : i32 to vector<16xi32>
      %broadcast_in_dim3A_212 = vector.broadcast %jit3A_210 : i32 to vector<16xi32>
      %select_n3A_213 = arith.select %gt3A_208, %broadcast_in_dim3A_211, %broadcast_in_dim3A_212 : vector<16xi1>, vector<16xi32>
      %add3A_214 = arith.addi %add3A_201, %select_n3A_213 : vector<16xi32>
      scf.yield %add3A_214 : vector<16xi32>
    }
    %scan3A_25 = arith.constant 320 : i32
    %swap3A = arith.constant 0 : index
    %swap3A_26 = tpu.vector_load %arg10[%swap3A] {strides = array<i32>} : memref<128xi32, #tpu.memory_space<vmem>>, vector<16xi32>,
    tpu.vector_store %arg10[%swap3A], %scan3A_24 {strides = array<i32>} : memref<128xi32, #tpu.memory_space<vmem>>, vector<16xi32>,
    %xor3A = arith.constant 1 : i32
    %xor3A_27 = vector.broadcast %xor3A : i32 to vector<16xi32>
    %xor3A_28 = arith.xori %iota3A, %xor3A_27 : vector<16xi32>
    %gather3A = tpu.vector_load_idx %arg10[%xor3A_28] : memref<128xi32, #tpu.memory_space<vmem>>[vector<16xi32>], vector<16xi32>,
    %add3A_29 = arith.addi %scan3A_24, %gather3A : vector<16xi32>
    %swap3A_30 = arith.constant 0 : index
    %swap3A_31 = tpu.vector_load %arg10[%swap3A_30] {strides = array<i32>} : memref<128xi32, #tpu.memory_space<vmem>>, vector<16xi32>,
    tpu.vector_store %arg10[%swap3A_30], %add3A_29 {strides = array<i32>} : memref<128xi32, #tpu.memory_space<vmem>>, vector<16xi32>,
    %xor3A_32 = arith.constant 2 : i32
    %xor3A_33 = vector.broadcast %xor3A_32 : i32 to vector<16xi32>
    %xor3A_34 = arith.xori %iota3A, %xor3A_33 : vector<16xi32>
    %gather3A_35 = tpu.vector_load_idx %arg10[%xor3A_34] : memref<128xi32, #tpu.memory_space<vmem>>[vector<16xi32>], vector<16xi32>,
    %add3A_36 = arith.addi %add3A_29, %gather3A_35 : vector<16xi32>
    %swap3A_37 = arith.constant 0 : index
    %swap3A_38 = tpu.vector_load %arg10[%swap3A_37] {strides = array<i32>} : memref<128xi32, #tpu.memory_space<vmem>>, vector<16xi32>,
    tpu.vector_store %arg10[%swap3A_37], %add3A_36 {strides = array<i32>} : memref<128xi32, #tpu.memory_space<vmem>>, vector<16xi32>,
    %xor3A_39 = arith.constant 4 : i32
    %xor3A_40 = vector.broadcast %xor3A_39 : i32 to vector<16xi32>
    %xor3A_41 = arith.xori %iota3A, %xor3A_40 : vector<16xi32>
    %gather3A_42 = tpu.vector_load_idx %arg10[%xor3A_41] : memref<128xi32, #tpu.memory_space<vmem>>[vector<16xi32>], vector<16xi32>,
    %add3A_43 = arith.addi %add3A_36, %gather3A_42 : vector<16xi32>
    %swap3A_44 = arith.constant 0 : index
    %swap3A_45 = tpu.vector_load %arg10[%swap3A_44] {strides = array<i32>} : memref<128xi32, #tpu.memory_space<vmem>>, vector<16xi32>,
    tpu.vector_store %arg10[%swap3A_44], %add3A_43 {strides = array<i32>} : memref<128xi32, #tpu.memory_space<vmem>>, vector<16xi32>,
    %xor3A_46 = arith.constant 8 : i32
    %xor3A_47 = vector.broadcast %xor3A_46 : i32 to vector<16xi32>
    %xor3A_48 = arith.xori %iota3A, %xor3A_47 : vector<16xi32>
    %gather3A_49 = tpu.vector_load_idx %arg10[%xor3A_48] : memref<128xi32, #tpu.memory_space<vmem>>[vector<16xi32>], vector<16xi32>,
    %add3A_50 = arith.addi %add3A_43, %gather3A_49 : vector<16xi32>
    %sub3A = arith.constant 300 : i32
    %sub3A_51 = vector.broadcast %sub3A : i32 to vector<16xi32>
    %sub3A_52 = arith.subi %sub3A_51, %add3A_50 : vector<16xi32>
    %broadcast_in_dim3A_53 = arith.constant 5119 : i32
    %broadcast_in_dim3A_54 = vector.broadcast %broadcast_in_dim3A_53 : i32 to vector<16xi32>
    %scan3A_55 = arith.constant 0 : i32
    %scan3A_56 = arith.constant 320 : i32
    %scan3A_57 = arith.addi %scan3A_55, %scan3A_56 : i32
    %scan3A_58 = arith.constant 8 : i32
    %scan3A_59 = scf.for %scan3A_115 = %scan3A_55 to %scan3A_57 step %scan3A_58 iter_args(%scan3A_116 = %broadcast_in_dim3A_9) -> (vector<16xi32>)  : i32 {
      %mul3A_117 = arith.constant 16 : i32
      %mul3A_118 = arith.muli %scan3A_115, %mul3A_117 : i32
      %add3A_119 = vector.broadcast %mul3A_118 : i32 to vector<16xi32>
      %add3A_120 = arith.addi %iota3A, %add3A_119 : vector<16xi32>
      %and3A = arith.constant 1023 : i32
      %and3A_121 = vector.broadcast %and3A : i32 to vector<16xi32>
      %and3A_122 = arith.andi %add3A_120, %and3A_121 : vector<16xi32>
      %mul3A_123 = arith.constant 5 : i32
      %mul3A_124 = vector.broadcast %mul3A_123 : i32 to vector<16xi32>
      %mul3A_125 = arith.muli %and3A_122, %mul3A_124 : vector<16xi32>
      %shift_right_logical3A = arith.constant 10 : i32
      %shift_right_logical3A_126 = vector.broadcast %shift_right_logical3A : i32 to vector<16xi32>
      %shift_right_logical3A_127 = arith.shrui %add3A_120, %shift_right_logical3A_126 : vector<16xi32>
      %add3A_128 = arith.addi %mul3A_125, %shift_right_logical3A_127 : vector<16xi32>
      %mul3A_129 = arith.constant 16 : i32
      %mul3A_130 = arith.muli %scan3A_115, %mul3A_129 : i32
      %get3A = arith.index_cast %mul3A_130 : i32 to index
      %get3A_131 = tpu.vector_load %arg5[%get3A] {strides = array<i32>} : memref<5120xf32, #tpu.memory_space<vmem>>, vector<16xf32>,
      %eq3A = arith.cmpf oeq, %get3A_131, %scan3A_18#0 : vector<16xf32>
      %le3A_132 = arith.cmpi sle, %add3A_128, %broadcast_in_dim3A_54 : vector<16xi32>
      %and3A_133 = arith.andi %eq3A, %le3A_132 : vector<16xi1>
      %jit3A = arith.constant 1 : i32
      %jit3A_134 = arith.constant 0 : i32
      %broadcast_in_dim3A_135 = vector.broadcast %jit3A : i32 to vector<16xi32>
      %broadcast_in_dim3A_136 = vector.broadcast %jit3A_134 : i32 to vector<16xi32>
      %select_n3A = arith.select %and3A_133, %broadcast_in_dim3A_135, %broadcast_in_dim3A_136 : vector<16xi1>, vector<16xi32>
      %add3A_137 = arith.addi %scan3A_116, %select_n3A : vector<16xi32>
      %scan3A_138 = arith.constant 1 : i32
      %scan3A_139 = arith.addi %scan3A_115, %scan3A_138 : i32
      %mul3A_140 = arith.constant 16 : i32
      %mul3A_141 = arith.muli %scan3A_139, %mul3A_140 : i32
      %add3A_142 = vector.broadcast %mul3A_141 : i32 to vector<16xi32>
      %add3A_143 = arith.addi %iota3A, %add3A_142 : vector<16xi32>
      %and3A_144 = arith.constant 1023 : i32
      %and3A_145 = vector.broadcast %and3A_144 : i32 to vector<16xi32>
      %and3A_146 = arith.andi %add3A_143, %and3A_145 : vector<16xi32>
      %mul3A_147 = arith.constant 5 : i32
      %mul3A_148 = vector.broadcast %mul3A_147 : i32 to vector<16xi32>
      %mul3A_149 = arith.muli %and3A_146, %mul3A_148 : vector<16xi32>
      %shift_right_logical3A_150 = arith.constant 10 : i32
      %shift_right_logical3A_151 = vector.broadcast %shift_right_logical3A_150 : i32 to vector<16xi32>
      %shift_right_logical3A_152 = arith.shrui %add3A_143, %shift_right_logical3A_151 : vector<16xi32>
      %add3A_153 = arith.addi %mul3A_149, %shift_right_logical3A_152 : vector<16xi32>
      %mul3A_154 = arith.constant 16 : i32
      %mul3A_155 = arith.muli %scan3A_139, %mul3A_154 : i32
      %get3A_156 = arith.index_cast %mul3A_155 : i32 to index
      %get3A_157 = tpu.vector_load %arg5[%get3A_156] {strides = array<i32>} : memref<5120xf32, #tpu.memory_space<vmem>>, vector<16xf32>,
      %eq3A_158 = arith.cmpf oeq, %get3A_157, %scan3A_18#0 : vector<16xf32>
      %le3A_159 = arith.cmpi sle, %add3A_153, %broadcast_in_dim3A_54 : vector<16xi32>
      %and3A_160 = arith.andi %eq3A_158, %le3A_159 : vector<16xi1>
      %jit3A_161 = arith.constant 1 : i32
      %jit3A_162 = arith.constant 0 : i32
      %broadcast_in_dim3A_163 = vector.broadcast %jit3A_161 : i32 to vector<16xi32>
      %broadcast_in_dim3A_164 = vector.broadcast %jit3A_162 : i32 to vector<16xi32>
      %select_n3A_165 = arith.select %and3A_160, %broadcast_in_dim3A_163, %broadcast_in_dim3A_164 : vector<16xi1>, vector<16xi32>
      %add3A_166 = arith.addi %add3A_137, %select_n3A_165 : vector<16xi32>
      %scan3A_167 = arith.constant 2 : i32
      %scan3A_168 = arith.addi %scan3A_115, %scan3A_167 : i32
      %mul3A_169 = arith.constant 16 : i32
      %mul3A_170 = arith.muli %scan3A_168, %mul3A_169 : i32
      %add3A_171 = vector.broadcast %mul3A_170 : i32 to vector<16xi32>
      %add3A_172 = arith.addi %iota3A, %add3A_171 : vector<16xi32>
      %and3A_173 = arith.constant 1023 : i32
      %and3A_174 = vector.broadcast %and3A_173 : i32 to vector<16xi32>
      %and3A_175 = arith.andi %add3A_172, %and3A_174 : vector<16xi32>
      %mul3A_176 = arith.constant 5 : i32
      %mul3A_177 = vector.broadcast %mul3A_176 : i32 to vector<16xi32>
      %mul3A_178 = arith.muli %and3A_175, %mul3A_177 : vector<16xi32>
      %shift_right_logical3A_179 = arith.constant 10 : i32
      %shift_right_logical3A_180 = vector.broadcast %shift_right_logical3A_179 : i32 to vector<16xi32>
      %shift_right_logical3A_181 = arith.shrui %add3A_172, %shift_right_logical3A_180 : vector<16xi32>
      %add3A_182 = arith.addi %mul3A_178, %shift_right_logical3A_181 : vector<16xi32>
      %mul3A_183 = arith.constant 16 : i32
      %mul3A_184 = arith.muli %scan3A_168, %mul3A_183 : i32
      %get3A_185 = arith.index_cast %mul3A_184 : i32 to index
      %get3A_186 = tpu.vector_load %arg5[%get3A_185] {strides = array<i32>} : memref<5120xf32, #tpu.memory_space<vmem>>, vector<16xf32>,
      %eq3A_187 = arith.cmpf oeq, %get3A_186, %scan3A_18#0 : vector<16xf32>
      %le3A_188 = arith.cmpi sle, %add3A_182, %broadcast_in_dim3A_54 : vector<16xi32>
      %and3A_189 = arith.andi %eq3A_187, %le3A_188 : vector<16xi1>
      %jit3A_190 = arith.constant 1 : i32
      %jit3A_191 = arith.constant 0 : i32
      %broadcast_in_dim3A_192 = vector.broadcast %jit3A_190 : i32 to vector<16xi32>
      %broadcast_in_dim3A_193 = vector.broadcast %jit3A_191 : i32 to vector<16xi32>
      %select_n3A_194 = arith.select %and3A_189, %broadcast_in_dim3A_192, %broadcast_in_dim3A_193 : vector<16xi1>, vector<16xi32>
      %add3A_195 = arith.addi %add3A_166, %select_n3A_194 : vector<16xi32>
      %scan3A_196 = arith.constant 3 : i32
      %scan3A_197 = arith.addi %scan3A_115, %scan3A_196 : i32
      %mul3A_198 = arith.constant 16 : i32
      %mul3A_199 = arith.muli %scan3A_197, %mul3A_198 : i32
      %add3A_200 = vector.broadcast %mul3A_199 : i32 to vector<16xi32>
      %add3A_201 = arith.addi %iota3A, %add3A_200 : vector<16xi32>
      %and3A_202 = arith.constant 1023 : i32
      %and3A_203 = vector.broadcast %and3A_202 : i32 to vector<16xi32>
      %and3A_204 = arith.andi %add3A_201, %and3A_203 : vector<16xi32>
      %mul3A_205 = arith.constant 5 : i32
      %mul3A_206 = vector.broadcast %mul3A_205 : i32 to vector<16xi32>
      %mul3A_207 = arith.muli %and3A_204, %mul3A_206 : vector<16xi32>
      %shift_right_logical3A_208 = arith.constant 10 : i32
      %shift_right_logical3A_209 = vector.broadcast %shift_right_logical3A_208 : i32 to vector<16xi32>
      %shift_right_logical3A_210 = arith.shrui %add3A_201, %shift_right_logical3A_209 : vector<16xi32>
      %add3A_211 = arith.addi %mul3A_207, %shift_right_logical3A_210 : vector<16xi32>
      %mul3A_212 = arith.constant 16 : i32
      %mul3A_213 = arith.muli %scan3A_197, %mul3A_212 : i32
      %get3A_214 = arith.index_cast %mul3A_213 : i32 to index
      %get3A_215 = tpu.vector_load %arg5[%get3A_214] {strides = array<i32>} : memref<5120xf32, #tpu.memory_space<vmem>>, vector<16xf32>,
      %eq3A_216 = arith.cmpf oeq, %get3A_215, %scan3A_18#0 : vector<16xf32>
      %le3A_217 = arith.cmpi sle, %add3A_211, %broadcast_in_dim3A_54 : vector<16xi32>
      %and3A_218 = arith.andi %eq3A_216, %le3A_217 : vector<16xi1>
      %jit3A_219 = arith.constant 1 : i32
      %jit3A_220 = arith.constant 0 : i32
      %broadcast_in_dim3A_221 = vector.broadcast %jit3A_219 : i32 to vector<16xi32>
      %broadcast_in_dim3A_222 = vector.broadcast %jit3A_220 : i32 to vector<16xi32>
      %select_n3A_223 = arith.select %and3A_218, %broadcast_in_dim3A_221, %broadcast_in_dim3A_222 : vector<16xi1>, vector<16xi32>
      %add3A_224 = arith.addi %add3A_195, %select_n3A_223 : vector<16xi32>
      %scan3A_225 = arith.constant 4 : i32
      %scan3A_226 = arith.addi %scan3A_115, %scan3A_225 : i32
      %mul3A_227 = arith.constant 16 : i32
      %mul3A_228 = arith.muli %scan3A_226, %mul3A_227 : i32
      %add3A_229 = vector.broadcast %mul3A_228 : i32 to vector<16xi32>
      %add3A_230 = arith.addi %iota3A, %add3A_229 : vector<16xi32>
      %and3A_231 = arith.constant 1023 : i32
      %and3A_232 = vector.broadcast %and3A_231 : i32 to vector<16xi32>
      %and3A_233 = arith.andi %add3A_230, %and3A_232 : vector<16xi32>
      %mul3A_234 = arith.constant 5 : i32
      %mul3A_235 = vector.broadcast %mul3A_234 : i32 to vector<16xi32>
      %mul3A_236 = arith.muli %and3A_233, %mul3A_235 : vector<16xi32>
      %shift_right_logical3A_237 = arith.constant 10 : i32
      %shift_right_logical3A_238 = vector.broadcast %shift_right_logical3A_237 : i32 to vector<16xi32>
      %shift_right_logical3A_239 = arith.shrui %add3A_230, %shift_right_logical3A_238 : vector<16xi32>
      %add3A_240 = arith.addi %mul3A_236, %shift_right_logical3A_239 : vector<16xi32>
      %mul3A_241 = arith.constant 16 : i32
      %mul3A_242 = arith.muli %scan3A_226, %mul3A_241 : i32
      %get3A_243 = arith.index_cast %mul3A_242 : i32 to index
      %get3A_244 = tpu.vector_load %arg5[%get3A_243] {strides = array<i32>} : memref<5120xf32, #tpu.memory_space<vmem>>, vector<16xf32>,
      %eq3A_245 = arith.cmpf oeq, %get3A_244, %scan3A_18#0 : vector<16xf32>
      %le3A_246 = arith.cmpi sle, %add3A_240, %broadcast_in_dim3A_54 : vector<16xi32>
      %and3A_247 = arith.andi %eq3A_245, %le3A_246 : vector<16xi1>
      %jit3A_248 = arith.constant 1 : i32
      %jit3A_249 = arith.constant 0 : i32
      %broadcast_in_dim3A_250 = vector.broadcast %jit3A_248 : i32 to vector<16xi32>
      %broadcast_in_dim3A_251 = vector.broadcast %jit3A_249 : i32 to vector<16xi32>
      %select_n3A_252 = arith.select %and3A_247, %broadcast_in_dim3A_250, %broadcast_in_dim3A_251 : vector<16xi1>, vector<16xi32>
      %add3A_253 = arith.addi %add3A_224, %select_n3A_252 : vector<16xi32>
      %scan3A_254 = arith.constant 5 : i32
      %scan3A_255 = arith.addi %scan3A_115, %scan3A_254 : i32
      %mul3A_256 = arith.constant 16 : i32
      %mul3A_257 = arith.muli %scan3A_255, %mul3A_256 : i32
      %add3A_258 = vector.broadcast %mul3A_257 : i32 to vector<16xi32>
      %add3A_259 = arith.addi %iota3A, %add3A_258 : vector<16xi32>
      %and3A_260 = arith.constant 1023 : i32
      %and3A_261 = vector.broadcast %and3A_260 : i32 to vector<16xi32>
      %and3A_262 = arith.andi %add3A_259, %and3A_261 : vector<16xi32>
      %mul3A_263 = arith.constant 5 : i32
      %mul3A_264 = vector.broadcast %mul3A_263 : i32 to vector<16xi32>
      %mul3A_265 = arith.muli %and3A_262, %mul3A_264 : vector<16xi32>
      %shift_right_logical3A_266 = arith.constant 10 : i32
      %shift_right_logical3A_267 = vector.broadcast %shift_right_logical3A_266 : i32 to vector<16xi32>
      %shift_right_logical3A_268 = arith.shrui %add3A_259, %shift_right_logical3A_267 : vector<16xi32>
      %add3A_269 = arith.addi %mul3A_265, %shift_right_logical3A_268 : vector<16xi32>
      %mul3A_270 = arith.constant 16 : i32
      %mul3A_271 = arith.muli %scan3A_255, %mul3A_270 : i32
      %get3A_272 = arith.index_cast %mul3A_271 : i32 to index
      %get3A_273 = tpu.vector_load %arg5[%get3A_272] {strides = array<i32>} : memref<5120xf32, #tpu.memory_space<vmem>>, vector<16xf32>,
      %eq3A_274 = arith.cmpf oeq, %get3A_273, %scan3A_18#0 : vector<16xf32>
      %le3A_275 = arith.cmpi sle, %add3A_269, %broadcast_in_dim3A_54 : vector<16xi32>
      %and3A_276 = arith.andi %eq3A_274, %le3A_275 : vector<16xi1>
      %jit3A_277 = arith.constant 1 : i32
      %jit3A_278 = arith.constant 0 : i32
      %broadcast_in_dim3A_279 = vector.broadcast %jit3A_277 : i32 to vector<16xi32>
      %broadcast_in_dim3A_280 = vector.broadcast %jit3A_278 : i32 to vector<16xi32>
      %select_n3A_281 = arith.select %and3A_276, %broadcast_in_dim3A_279, %broadcast_in_dim3A_280 : vector<16xi1>, vector<16xi32>
      %add3A_282 = arith.addi %add3A_253, %select_n3A_281 : vector<16xi32>
      %scan3A_283 = arith.constant 6 : i32
      %scan3A_284 = arith.addi %scan3A_115, %scan3A_283 : i32
      %mul3A_285 = arith.constant 16 : i32
      %mul3A_286 = arith.muli %scan3A_284, %mul3A_285 : i32
      %add3A_287 = vector.broadcast %mul3A_286 : i32 to vector<16xi32>
      %add3A_288 = arith.addi %iota3A, %add3A_287 : vector<16xi32>
      %and3A_289 = arith.constant 1023 : i32
      %and3A_290 = vector.broadcast %and3A_289 : i32 to vector<16xi32>
      %and3A_291 = arith.andi %add3A_288, %and3A_290 : vector<16xi32>
      %mul3A_292 = arith.constant 5 : i32
      %mul3A_293 = vector.broadcast %mul3A_292 : i32 to vector<16xi32>
      %mul3A_294 = arith.muli %and3A_291, %mul3A_293 : vector<16xi32>
      %shift_right_logical3A_295 = arith.constant 10 : i32
      %shift_right_logical3A_296 = vector.broadcast %shift_right_logical3A_295 : i32 to vector<16xi32>
      %shift_right_logical3A_297 = arith.shrui %add3A_288, %shift_right_logical3A_296 : vector<16xi32>
      %add3A_298 = arith.addi %mul3A_294, %shift_right_logical3A_297 : vector<16xi32>
      %mul3A_299 = arith.constant 16 : i32
      %mul3A_300 = arith.muli %scan3A_284, %mul3A_299 : i32
      %get3A_301 = arith.index_cast %mul3A_300 : i32 to index
      %get3A_302 = tpu.vector_load %arg5[%get3A_301] {strides = array<i32>} : memref<5120xf32, #tpu.memory_space<vmem>>, vector<16xf32>,
      %eq3A_303 = arith.cmpf oeq, %get3A_302, %scan3A_18#0 : vector<16xf32>
      %le3A_304 = arith.cmpi sle, %add3A_298, %broadcast_in_dim3A_54 : vector<16xi32>
      %and3A_305 = arith.andi %eq3A_303, %le3A_304 : vector<16xi1>
      %jit3A_306 = arith.constant 1 : i32
      %jit3A_307 = arith.constant 0 : i32
      %broadcast_in_dim3A_308 = vector.broadcast %jit3A_306 : i32 to vector<16xi32>
      %broadcast_in_dim3A_309 = vector.broadcast %jit3A_307 : i32 to vector<16xi32>
      %select_n3A_310 = arith.select %and3A_305, %broadcast_in_dim3A_308, %broadcast_in_dim3A_309 : vector<16xi1>, vector<16xi32>
      %add3A_311 = arith.addi %add3A_282, %select_n3A_310 : vector<16xi32>
      %scan3A_312 = arith.constant 7 : i32
      %scan3A_313 = arith.addi %scan3A_115, %scan3A_312 : i32
      %mul3A_314 = arith.constant 16 : i32
      %mul3A_315 = arith.muli %scan3A_313, %mul3A_314 : i32
      %add3A_316 = vector.broadcast %mul3A_315 : i32 to vector<16xi32>
      %add3A_317 = arith.addi %iota3A, %add3A_316 : vector<16xi32>
      %and3A_318 = arith.constant 1023 : i32
      %and3A_319 = vector.broadcast %and3A_318 : i32 to vector<16xi32>
      %and3A_320 = arith.andi %add3A_317, %and3A_319 : vector<16xi32>
      %mul3A_321 = arith.constant 5 : i32
      %mul3A_322 = vector.broadcast %mul3A_321 : i32 to vector<16xi32>
      %mul3A_323 = arith.muli %and3A_320, %mul3A_322 : vector<16xi32>
      %shift_right_logical3A_324 = arith.constant 10 : i32
      %shift_right_logical3A_325 = vector.broadcast %shift_right_logical3A_324 : i32 to vector<16xi32>
      %shift_right_logical3A_326 = arith.shrui %add3A_317, %shift_right_logical3A_325 : vector<16xi32>
      %add3A_327 = arith.addi %mul3A_323, %shift_right_logical3A_326 : vector<16xi32>
      %mul3A_328 = arith.constant 16 : i32
      %mul3A_329 = arith.muli %scan3A_313, %mul3A_328 : i32
      %get3A_330 = arith.index_cast %mul3A_329 : i32 to index
      %get3A_331 = tpu.vector_load %arg5[%get3A_330] {strides = array<i32>} : memref<5120xf32, #tpu.memory_space<vmem>>, vector<16xf32>,
      %eq3A_332 = arith.cmpf oeq, %get3A_331, %scan3A_18#0 : vector<16xf32>
      %le3A_333 = arith.cmpi sle, %add3A_327, %broadcast_in_dim3A_54 : vector<16xi32>
      %and3A_334 = arith.andi %eq3A_332, %le3A_333 : vector<16xi1>
      %jit3A_335 = arith.constant 1 : i32
      %jit3A_336 = arith.constant 0 : i32
      %broadcast_in_dim3A_337 = vector.broadcast %jit3A_335 : i32 to vector<16xi32>
      %broadcast_in_dim3A_338 = vector.broadcast %jit3A_336 : i32 to vector<16xi32>
      %select_n3A_339 = arith.select %and3A_334, %broadcast_in_dim3A_337, %broadcast_in_dim3A_338 : vector<16xi1>, vector<16xi32>
      %add3A_340 = arith.addi %add3A_311, %select_n3A_339 : vector<16xi32>
      scf.yield %add3A_340 : vector<16xi32>
    }
    %scan3A_60 = arith.constant 320 : i32
    %swap3A_61 = arith.constant 0 : index
    %swap3A_62 = tpu.vector_load %arg10[%swap3A_61] {strides = array<i32>} : memref<128xi32, #tpu.memory_space<vmem>>, vector<16xi32>,
    tpu.vector_store %arg10[%swap3A_61], %scan3A_59 {strides = array<i32>} : memref<128xi32, #tpu.memory_space<vmem>>, vector<16xi32>,
    %xor3A_63 = arith.constant 1 : i32
    %xor3A_64 = vector.broadcast %xor3A_63 : i32 to vector<16xi32>
    %xor3A_65 = arith.xori %iota3A, %xor3A_64 : vector<16xi32>
    %gather3A_66 = tpu.vector_load_idx %arg10[%xor3A_65] : memref<128xi32, #tpu.memory_space<vmem>>[vector<16xi32>], vector<16xi32>,
    %add3A_67 = arith.addi %scan3A_59, %gather3A_66 : vector<16xi32>
    %swap3A_68 = arith.constant 0 : index
    %swap3A_69 = tpu.vector_load %arg10[%swap3A_68] {strides = array<i32>} : memref<128xi32, #tpu.memory_space<vmem>>, vector<16xi32>,
    tpu.vector_store %arg10[%swap3A_68], %add3A_67 {strides = array<i32>} : memref<128xi32, #tpu.memory_space<vmem>>, vector<16xi32>,
    %xor3A_70 = arith.constant 2 : i32
    %xor3A_71 = vector.broadcast %xor3A_70 : i32 to vector<16xi32>
    %xor3A_72 = arith.xori %iota3A, %xor3A_71 : vector<16xi32>
    %gather3A_73 = tpu.vector_load_idx %arg10[%xor3A_72] : memref<128xi32, #tpu.memory_space<vmem>>[vector<16xi32>], vector<16xi32>,
    %add3A_74 = arith.addi %add3A_67, %gather3A_73 : vector<16xi32>
    %swap3A_75 = arith.constant 0 : index
    %swap3A_76 = tpu.vector_load %arg10[%swap3A_75] {strides = array<i32>} : memref<128xi32, #tpu.memory_space<vmem>>, vector<16xi32>,
    tpu.vector_store %arg10[%swap3A_75], %add3A_74 {strides = array<i32>} : memref<128xi32, #tpu.memory_space<vmem>>, vector<16xi32>,
    %xor3A_77 = arith.constant 4 : i32
    %xor3A_78 = vector.broadcast %xor3A_77 : i32 to vector<16xi32>
    %xor3A_79 = arith.xori %iota3A, %xor3A_78 : vector<16xi32>
    %gather3A_80 = tpu.vector_load_idx %arg10[%xor3A_79] : memref<128xi32, #tpu.memory_space<vmem>>[vector<16xi32>], vector<16xi32>,
    %add3A_81 = arith.addi %add3A_74, %gather3A_80 : vector<16xi32>
    %swap3A_82 = arith.constant 0 : index
    %swap3A_83 = tpu.vector_load %arg10[%swap3A_82] {strides = array<i32>} : memref<128xi32, #tpu.memory_space<vmem>>, vector<16xi32>,
    tpu.vector_store %arg10[%swap3A_82], %add3A_81 {strides = array<i32>} : memref<128xi32, #tpu.memory_space<vmem>>, vector<16xi32>,
    %xor3A_84 = arith.constant 8 : i32
    %xor3A_85 = vector.broadcast %xor3A_84 : i32 to vector<16xi32>
    %xor3A_86 = arith.xori %iota3A, %xor3A_85 : vector<16xi32>
    %gather3A_87 = tpu.vector_load_idx %arg10[%xor3A_86] : memref<128xi32, #tpu.memory_space<vmem>>[vector<16xi32>], vector<16xi32>,
    %add3A_88 = arith.addi %add3A_81, %gather3A_87 : vector<16xi32>
    %slice3A = vector.extract_strided_slice %add3A_88 {offsets = [0], sizes = [1], strides = [1]} : vector<16xi32> to vector<1xi32>
    %squeeze3A = vector.extract %slice3A[0] : i32 from vector<1xi32>
    %slice3A_89 = vector.extract_strided_slice %sub3A_52 {offsets = [0], sizes = [1], strides = [1]} : vector<16xi32> to vector<1xi32>
    %squeeze3A_90 = vector.extract %slice3A_89[0] : i32 from vector<1xi32>
    %le3A = arith.cmpi sle, %squeeze3A, %squeeze3A_90 : i32
    %convert_element_type3A = arith.extui %le3A : i1 to i32
    %cond3A = arith.constant 0 : i32
    %cond3A_91 = arith.constant 0 : i32
    %cond3A_92 = arith.cmpi ne, %convert_element_type3A, %cond3A_91 : i32
    %cond3A_93 = scf.if %cond3A_92 -> (vector<16xi32>) {
      %broadcast_in_dim3A_115 = arith.constant 5119 : i32
      %broadcast_in_dim3A_116 = vector.broadcast %broadcast_in_dim3A_115 : i32 to vector<16xi32>
      scf.yield %broadcast_in_dim3A_116 : vector<16xi32>
    } else {
      %broadcast_in_dim3A_115 = arith.constant -1 : i32
      %broadcast_in_dim3A_116 = vector.broadcast %broadcast_in_dim3A_115 : i32 to vector<16xi32>
      %broadcast_in_dim3A_117 = arith.constant 5119 : i32
      %broadcast_in_dim3A_118 = vector.broadcast %broadcast_in_dim3A_117 : i32 to vector<16xi32>
      %scan3A_119 = arith.constant 0 : i32
      %scan3A_120 = arith.constant 14 : i32
      %scan3A_121 = arith.addi %scan3A_119, %scan3A_120 : i32
      %scan3A_122 = arith.constant 1 : i32
      %scan3A_123:2 = scf.for %scan3A_125 = %scan3A_119 to %scan3A_121 step %scan3A_122 iter_args(%scan3A_126 = %broadcast_in_dim3A_116, %scan3A_127 = %broadcast_in_dim3A_118) -> (vector<16xi32>, vector<16xi32>)  : i32 {
        %add3A_128 = arith.addi %scan3A_126, %scan3A_127 : vector<16xi32>
        %shift_right_arithmetic3A = arith.constant 1 : i32
        %shift_right_arithmetic3A_129 = vector.broadcast %shift_right_arithmetic3A : i32 to vector<16xi32>
        %shift_right_arithmetic3A_130 = arith.shrsi %add3A_128, %shift_right_arithmetic3A_129 : vector<16xi32>
        %scan3A_131 = arith.constant 0 : i32
        %scan3A_132 = arith.constant 320 : i32
        %scan3A_133 = arith.addi %scan3A_131, %scan3A_132 : i32
        %scan3A_134 = arith.constant 8 : i32
        %scan3A_135 = scf.for %scan3A_166 = %scan3A_131 to %scan3A_133 step %scan3A_134 iter_args(%scan3A_167 = %broadcast_in_dim3A_9) -> (vector<16xi32>)  : i32 {
          %mul3A_168 = arith.constant 16 : i32
          %mul3A_169 = arith.muli %scan3A_166, %mul3A_168 : i32
          %add3A_170 = vector.broadcast %mul3A_169 : i32 to vector<16xi32>
          %add3A_171 = arith.addi %iota3A, %add3A_170 : vector<16xi32>
          %and3A = arith.constant 1023 : i32
          %and3A_172 = vector.broadcast %and3A : i32 to vector<16xi32>
          %and3A_173 = arith.andi %add3A_171, %and3A_172 : vector<16xi32>
          %mul3A_174 = arith.constant 5 : i32
          %mul3A_175 = vector.broadcast %mul3A_174 : i32 to vector<16xi32>
          %mul3A_176 = arith.muli %and3A_173, %mul3A_175 : vector<16xi32>
          %shift_right_logical3A = arith.constant 10 : i32
          %shift_right_logical3A_177 = vector.broadcast %shift_right_logical3A : i32 to vector<16xi32>
          %shift_right_logical3A_178 = arith.shrui %add3A_171, %shift_right_logical3A_177 : vector<16xi32>
          %add3A_179 = arith.addi %mul3A_176, %shift_right_logical3A_178 : vector<16xi32>
          %mul3A_180 = arith.constant 16 : i32
          %mul3A_181 = arith.muli %scan3A_166, %mul3A_180 : i32
          %get3A = arith.index_cast %mul3A_181 : i32 to index
          %get3A_182 = tpu.vector_load %arg5[%get3A] {strides = array<i32>} : memref<5120xf32, #tpu.memory_space<vmem>>, vector<16xf32>,
          %eq3A = arith.cmpf oeq, %get3A_182, %scan3A_18#0 : vector<16xf32>
          %le3A_183 = arith.cmpi sle, %add3A_179, %shift_right_arithmetic3A_130 : vector<16xi32>
          %and3A_184 = arith.andi %eq3A, %le3A_183 : vector<16xi1>
          %jit3A = arith.constant 1 : i32
          %jit3A_185 = arith.constant 0 : i32
          %broadcast_in_dim3A_186 = vector.broadcast %jit3A : i32 to vector<16xi32>
          %broadcast_in_dim3A_187 = vector.broadcast %jit3A_185 : i32 to vector<16xi32>
          %select_n3A_188 = arith.select %and3A_184, %broadcast_in_dim3A_186, %broadcast_in_dim3A_187 : vector<16xi1>, vector<16xi32>
          %add3A_189 = arith.addi %scan3A_167, %select_n3A_188 : vector<16xi32>
          %scan3A_190 = arith.constant 1 : i32
          %scan3A_191 = arith.addi %scan3A_166, %scan3A_190 : i32
          %mul3A_192 = arith.constant 16 : i32
          %mul3A_193 = arith.muli %scan3A_191, %mul3A_192 : i32
          %add3A_194 = vector.broadcast %mul3A_193 : i32 to vector<16xi32>
          %add3A_195 = arith.addi %iota3A, %add3A_194 : vector<16xi32>
          %and3A_196 = arith.constant 1023 : i32
          %and3A_197 = vector.broadcast %and3A_196 : i32 to vector<16xi32>
          %and3A_198 = arith.andi %add3A_195, %and3A_197 : vector<16xi32>
          %mul3A_199 = arith.constant 5 : i32
          %mul3A_200 = vector.broadcast %mul3A_199 : i32 to vector<16xi32>
          %mul3A_201 = arith.muli %and3A_198, %mul3A_200 : vector<16xi32>
          %shift_right_logical3A_202 = arith.constant 10 : i32
          %shift_right_logical3A_203 = vector.broadcast %shift_right_logical3A_202 : i32 to vector<16xi32>
          %shift_right_logical3A_204 = arith.shrui %add3A_195, %shift_right_logical3A_203 : vector<16xi32>
          %add3A_205 = arith.addi %mul3A_201, %shift_right_logical3A_204 : vector<16xi32>
          %mul3A_206 = arith.constant 16 : i32
          %mul3A_207 = arith.muli %scan3A_191, %mul3A_206 : i32
          %get3A_208 = arith.index_cast %mul3A_207 : i32 to index
          %get3A_209 = tpu.vector_load %arg5[%get3A_208] {strides = array<i32>} : memref<5120xf32, #tpu.memory_space<vmem>>, vector<16xf32>,
          %eq3A_210 = arith.cmpf oeq, %get3A_209, %scan3A_18#0 : vector<16xf32>
          %le3A_211 = arith.cmpi sle, %add3A_205, %shift_right_arithmetic3A_130 : vector<16xi32>
          %and3A_212 = arith.andi %eq3A_210, %le3A_211 : vector<16xi1>
          %jit3A_213 = arith.constant 1 : i32
          %jit3A_214 = arith.constant 0 : i32
          %broadcast_in_dim3A_215 = vector.broadcast %jit3A_213 : i32 to vector<16xi32>
          %broadcast_in_dim3A_216 = vector.broadcast %jit3A_214 : i32 to vector<16xi32>
          %select_n3A_217 = arith.select %and3A_212, %broadcast_in_dim3A_215, %broadcast_in_dim3A_216 : vector<16xi1>, vector<16xi32>
          %add3A_218 = arith.addi %add3A_189, %select_n3A_217 : vector<16xi32>
          %scan3A_219 = arith.constant 2 : i32
          %scan3A_220 = arith.addi %scan3A_166, %scan3A_219 : i32
          %mul3A_221 = arith.constant 16 : i32
          %mul3A_222 = arith.muli %scan3A_220, %mul3A_221 : i32
          %add3A_223 = vector.broadcast %mul3A_222 : i32 to vector<16xi32>
          %add3A_224 = arith.addi %iota3A, %add3A_223 : vector<16xi32>
          %and3A_225 = arith.constant 1023 : i32
          %and3A_226 = vector.broadcast %and3A_225 : i32 to vector<16xi32>
          %and3A_227 = arith.andi %add3A_224, %and3A_226 : vector<16xi32>
          %mul3A_228 = arith.constant 5 : i32
          %mul3A_229 = vector.broadcast %mul3A_228 : i32 to vector<16xi32>
          %mul3A_230 = arith.muli %and3A_227, %mul3A_229 : vector<16xi32>
          %shift_right_logical3A_231 = arith.constant 10 : i32
          %shift_right_logical3A_232 = vector.broadcast %shift_right_logical3A_231 : i32 to vector<16xi32>
          %shift_right_logical3A_233 = arith.shrui %add3A_224, %shift_right_logical3A_232 : vector<16xi32>
          %add3A_234 = arith.addi %mul3A_230, %shift_right_logical3A_233 : vector<16xi32>
          %mul3A_235 = arith.constant 16 : i32
          %mul3A_236 = arith.muli %scan3A_220, %mul3A_235 : i32
          %get3A_237 = arith.index_cast %mul3A_236 : i32 to index
          %get3A_238 = tpu.vector_load %arg5[%get3A_237] {strides = array<i32>} : memref<5120xf32, #tpu.memory_space<vmem>>, vector<16xf32>,
          %eq3A_239 = arith.cmpf oeq, %get3A_238, %scan3A_18#0 : vector<16xf32>
          %le3A_240 = arith.cmpi sle, %add3A_234, %shift_right_arithmetic3A_130 : vector<16xi32>
          %and3A_241 = arith.andi %eq3A_239, %le3A_240 : vector<16xi1>
          %jit3A_242 = arith.constant 1 : i32
          %jit3A_243 = arith.constant 0 : i32
          %broadcast_in_dim3A_244 = vector.broadcast %jit3A_242 : i32 to vector<16xi32>
          %broadcast_in_dim3A_245 = vector.broadcast %jit3A_243 : i32 to vector<16xi32>
          %select_n3A_246 = arith.select %and3A_241, %broadcast_in_dim3A_244, %broadcast_in_dim3A_245 : vector<16xi1>, vector<16xi32>
          %add3A_247 = arith.addi %add3A_218, %select_n3A_246 : vector<16xi32>
          %scan3A_248 = arith.constant 3 : i32
          %scan3A_249 = arith.addi %scan3A_166, %scan3A_248 : i32
          %mul3A_250 = arith.constant 16 : i32
          %mul3A_251 = arith.muli %scan3A_249, %mul3A_250 : i32
          %add3A_252 = vector.broadcast %mul3A_251 : i32 to vector<16xi32>
          %add3A_253 = arith.addi %iota3A, %add3A_252 : vector<16xi32>
          %and3A_254 = arith.constant 1023 : i32
          %and3A_255 = vector.broadcast %and3A_254 : i32 to vector<16xi32>
          %and3A_256 = arith.andi %add3A_253, %and3A_255 : vector<16xi32>
          %mul3A_257 = arith.constant 5 : i32
          %mul3A_258 = vector.broadcast %mul3A_257 : i32 to vector<16xi32>
          %mul3A_259 = arith.muli %and3A_256, %mul3A_258 : vector<16xi32>
          %shift_right_logical3A_260 = arith.constant 10 : i32
          %shift_right_logical3A_261 = vector.broadcast %shift_right_logical3A_260 : i32 to vector<16xi32>
          %shift_right_logical3A_262 = arith.shrui %add3A_253, %shift_right_logical3A_261 : vector<16xi32>
          %add3A_263 = arith.addi %mul3A_259, %shift_right_logical3A_262 : vector<16xi32>
          %mul3A_264 = arith.constant 16 : i32
          %mul3A_265 = arith.muli %scan3A_249, %mul3A_264 : i32
          %get3A_266 = arith.index_cast %mul3A_265 : i32 to index
          %get3A_267 = tpu.vector_load %arg5[%get3A_266] {strides = array<i32>} : memref<5120xf32, #tpu.memory_space<vmem>>, vector<16xf32>,
          %eq3A_268 = arith.cmpf oeq, %get3A_267, %scan3A_18#0 : vector<16xf32>
          %le3A_269 = arith.cmpi sle, %add3A_263, %shift_right_arithmetic3A_130 : vector<16xi32>
          %and3A_270 = arith.andi %eq3A_268, %le3A_269 : vector<16xi1>
          %jit3A_271 = arith.constant 1 : i32
          %jit3A_272 = arith.constant 0 : i32
          %broadcast_in_dim3A_273 = vector.broadcast %jit3A_271 : i32 to vector<16xi32>
          %broadcast_in_dim3A_274 = vector.broadcast %jit3A_272 : i32 to vector<16xi32>
          %select_n3A_275 = arith.select %and3A_270, %broadcast_in_dim3A_273, %broadcast_in_dim3A_274 : vector<16xi1>, vector<16xi32>
          %add3A_276 = arith.addi %add3A_247, %select_n3A_275 : vector<16xi32>
          %scan3A_277 = arith.constant 4 : i32
          %scan3A_278 = arith.addi %scan3A_166, %scan3A_277 : i32
          %mul3A_279 = arith.constant 16 : i32
          %mul3A_280 = arith.muli %scan3A_278, %mul3A_279 : i32
          %add3A_281 = vector.broadcast %mul3A_280 : i32 to vector<16xi32>
          %add3A_282 = arith.addi %iota3A, %add3A_281 : vector<16xi32>
          %and3A_283 = arith.constant 1023 : i32
          %and3A_284 = vector.broadcast %and3A_283 : i32 to vector<16xi32>
          %and3A_285 = arith.andi %add3A_282, %and3A_284 : vector<16xi32>
          %mul3A_286 = arith.constant 5 : i32
          %mul3A_287 = vector.broadcast %mul3A_286 : i32 to vector<16xi32>
          %mul3A_288 = arith.muli %and3A_285, %mul3A_287 : vector<16xi32>
          %shift_right_logical3A_289 = arith.constant 10 : i32
          %shift_right_logical3A_290 = vector.broadcast %shift_right_logical3A_289 : i32 to vector<16xi32>
          %shift_right_logical3A_291 = arith.shrui %add3A_282, %shift_right_logical3A_290 : vector<16xi32>
          %add3A_292 = arith.addi %mul3A_288, %shift_right_logical3A_291 : vector<16xi32>
          %mul3A_293 = arith.constant 16 : i32
          %mul3A_294 = arith.muli %scan3A_278, %mul3A_293 : i32
          %get3A_295 = arith.index_cast %mul3A_294 : i32 to index
          %get3A_296 = tpu.vector_load %arg5[%get3A_295] {strides = array<i32>} : memref<5120xf32, #tpu.memory_space<vmem>>, vector<16xf32>,
          %eq3A_297 = arith.cmpf oeq, %get3A_296, %scan3A_18#0 : vector<16xf32>
          %le3A_298 = arith.cmpi sle, %add3A_292, %shift_right_arithmetic3A_130 : vector<16xi32>
          %and3A_299 = arith.andi %eq3A_297, %le3A_298 : vector<16xi1>
          %jit3A_300 = arith.constant 1 : i32
          %jit3A_301 = arith.constant 0 : i32
          %broadcast_in_dim3A_302 = vector.broadcast %jit3A_300 : i32 to vector<16xi32>
          %broadcast_in_dim3A_303 = vector.broadcast %jit3A_301 : i32 to vector<16xi32>
          %select_n3A_304 = arith.select %and3A_299, %broadcast_in_dim3A_302, %broadcast_in_dim3A_303 : vector<16xi1>, vector<16xi32>
          %add3A_305 = arith.addi %add3A_276, %select_n3A_304 : vector<16xi32>
          %scan3A_306 = arith.constant 5 : i32
          %scan3A_307 = arith.addi %scan3A_166, %scan3A_306 : i32
          %mul3A_308 = arith.constant 16 : i32
          %mul3A_309 = arith.muli %scan3A_307, %mul3A_308 : i32
          %add3A_310 = vector.broadcast %mul3A_309 : i32 to vector<16xi32>
          %add3A_311 = arith.addi %iota3A, %add3A_310 : vector<16xi32>
          %and3A_312 = arith.constant 1023 : i32
          %and3A_313 = vector.broadcast %and3A_312 : i32 to vector<16xi32>
          %and3A_314 = arith.andi %add3A_311, %and3A_313 : vector<16xi32>
          %mul3A_315 = arith.constant 5 : i32
          %mul3A_316 = vector.broadcast %mul3A_315 : i32 to vector<16xi32>
          %mul3A_317 = arith.muli %and3A_314, %mul3A_316 : vector<16xi32>
          %shift_right_logical3A_318 = arith.constant 10 : i32
          %shift_right_logical3A_319 = vector.broadcast %shift_right_logical3A_318 : i32 to vector<16xi32>
          %shift_right_logical3A_320 = arith.shrui %add3A_311, %shift_right_logical3A_319 : vector<16xi32>
          %add3A_321 = arith.addi %mul3A_317, %shift_right_logical3A_320 : vector<16xi32>
          %mul3A_322 = arith.constant 16 : i32
          %mul3A_323 = arith.muli %scan3A_307, %mul3A_322 : i32
          %get3A_324 = arith.index_cast %mul3A_323 : i32 to index
          %get3A_325 = tpu.vector_load %arg5[%get3A_324] {strides = array<i32>} : memref<5120xf32, #tpu.memory_space<vmem>>, vector<16xf32>,
          %eq3A_326 = arith.cmpf oeq, %get3A_325, %scan3A_18#0 : vector<16xf32>
          %le3A_327 = arith.cmpi sle, %add3A_321, %shift_right_arithmetic3A_130 : vector<16xi32>
          %and3A_328 = arith.andi %eq3A_326, %le3A_327 : vector<16xi1>
          %jit3A_329 = arith.constant 1 : i32
          %jit3A_330 = arith.constant 0 : i32
          %broadcast_in_dim3A_331 = vector.broadcast %jit3A_329 : i32 to vector<16xi32>
          %broadcast_in_dim3A_332 = vector.broadcast %jit3A_330 : i32 to vector<16xi32>
          %select_n3A_333 = arith.select %and3A_328, %broadcast_in_dim3A_331, %broadcast_in_dim3A_332 : vector<16xi1>, vector<16xi32>
          %add3A_334 = arith.addi %add3A_305, %select_n3A_333 : vector<16xi32>
          %scan3A_335 = arith.constant 6 : i32
          %scan3A_336 = arith.addi %scan3A_166, %scan3A_335 : i32
          %mul3A_337 = arith.constant 16 : i32
          %mul3A_338 = arith.muli %scan3A_336, %mul3A_337 : i32
          %add3A_339 = vector.broadcast %mul3A_338 : i32 to vector<16xi32>
          %add3A_340 = arith.addi %iota3A, %add3A_339 : vector<16xi32>
          %and3A_341 = arith.constant 1023 : i32
          %and3A_342 = vector.broadcast %and3A_341 : i32 to vector<16xi32>
          %and3A_343 = arith.andi %add3A_340, %and3A_342 : vector<16xi32>
          %mul3A_344 = arith.constant 5 : i32
          %mul3A_345 = vector.broadcast %mul3A_344 : i32 to vector<16xi32>
          %mul3A_346 = arith.muli %and3A_343, %mul3A_345 : vector<16xi32>
          %shift_right_logical3A_347 = arith.constant 10 : i32
          %shift_right_logical3A_348 = vector.broadcast %shift_right_logical3A_347 : i32 to vector<16xi32>
          %shift_right_logical3A_349 = arith.shrui %add3A_340, %shift_right_logical3A_348 : vector<16xi32>
          %add3A_350 = arith.addi %mul3A_346, %shift_right_logical3A_349 : vector<16xi32>
          %mul3A_351 = arith.constant 16 : i32
          %mul3A_352 = arith.muli %scan3A_336, %mul3A_351 : i32
          %get3A_353 = arith.index_cast %mul3A_352 : i32 to index
          %get3A_354 = tpu.vector_load %arg5[%get3A_353] {strides = array<i32>} : memref<5120xf32, #tpu.memory_space<vmem>>, vector<16xf32>,
          %eq3A_355 = arith.cmpf oeq, %get3A_354, %scan3A_18#0 : vector<16xf32>
          %le3A_356 = arith.cmpi sle, %add3A_350, %shift_right_arithmetic3A_130 : vector<16xi32>
          %and3A_357 = arith.andi %eq3A_355, %le3A_356 : vector<16xi1>
          %jit3A_358 = arith.constant 1 : i32
          %jit3A_359 = arith.constant 0 : i32
          %broadcast_in_dim3A_360 = vector.broadcast %jit3A_358 : i32 to vector<16xi32>
          %broadcast_in_dim3A_361 = vector.broadcast %jit3A_359 : i32 to vector<16xi32>
          %select_n3A_362 = arith.select %and3A_357, %broadcast_in_dim3A_360, %broadcast_in_dim3A_361 : vector<16xi1>, vector<16xi32>
          %add3A_363 = arith.addi %add3A_334, %select_n3A_362 : vector<16xi32>
          %scan3A_364 = arith.constant 7 : i32
          %scan3A_365 = arith.addi %scan3A_166, %scan3A_364 : i32
          %mul3A_366 = arith.constant 16 : i32
          %mul3A_367 = arith.muli %scan3A_365, %mul3A_366 : i32
          %add3A_368 = vector.broadcast %mul3A_367 : i32 to vector<16xi32>
          %add3A_369 = arith.addi %iota3A, %add3A_368 : vector<16xi32>
          %and3A_370 = arith.constant 1023 : i32
          %and3A_371 = vector.broadcast %and3A_370 : i32 to vector<16xi32>
          %and3A_372 = arith.andi %add3A_369, %and3A_371 : vector<16xi32>
          %mul3A_373 = arith.constant 5 : i32
          %mul3A_374 = vector.broadcast %mul3A_373 : i32 to vector<16xi32>
          %mul3A_375 = arith.muli %and3A_372, %mul3A_374 : vector<16xi32>
          %shift_right_logical3A_376 = arith.constant 10 : i32
          %shift_right_logical3A_377 = vector.broadcast %shift_right_logical3A_376 : i32 to vector<16xi32>
          %shift_right_logical3A_378 = arith.shrui %add3A_369, %shift_right_logical3A_377 : vector<16xi32>
          %add3A_379 = arith.addi %mul3A_375, %shift_right_logical3A_378 : vector<16xi32>
          %mul3A_380 = arith.constant 16 : i32
          %mul3A_381 = arith.muli %scan3A_365, %mul3A_380 : i32
          %get3A_382 = arith.index_cast %mul3A_381 : i32 to index
          %get3A_383 = tpu.vector_load %arg5[%get3A_382] {strides = array<i32>} : memref<5120xf32, #tpu.memory_space<vmem>>, vector<16xf32>,
          %eq3A_384 = arith.cmpf oeq, %get3A_383, %scan3A_18#0 : vector<16xf32>
          %le3A_385 = arith.cmpi sle, %add3A_379, %shift_right_arithmetic3A_130 : vector<16xi32>
          %and3A_386 = arith.andi %eq3A_384, %le3A_385 : vector<16xi1>
          %jit3A_387 = arith.constant 1 : i32
          %jit3A_388 = arith.constant 0 : i32
          %broadcast_in_dim3A_389 = vector.broadcast %jit3A_387 : i32 to vector<16xi32>
          %broadcast_in_dim3A_390 = vector.broadcast %jit3A_388 : i32 to vector<16xi32>
          %select_n3A_391 = arith.select %and3A_386, %broadcast_in_dim3A_389, %broadcast_in_dim3A_390 : vector<16xi1>, vector<16xi32>
          %add3A_392 = arith.addi %add3A_363, %select_n3A_391 : vector<16xi32>
          scf.yield %add3A_392 : vector<16xi32>
        }
        %scan3A_136 = arith.constant 320 : i32
        %swap3A_137 = arith.constant 0 : index
        %swap3A_138 = tpu.vector_load %arg10[%swap3A_137] {strides = array<i32>} : memref<128xi32, #tpu.memory_space<vmem>>, vector<16xi32>,
        tpu.vector_store %arg10[%swap3A_137], %scan3A_135 {strides = array<i32>} : memref<128xi32, #tpu.memory_space<vmem>>, vector<16xi32>,
        %xor3A_139 = arith.constant 1 : i32
        %xor3A_140 = vector.broadcast %xor3A_139 : i32 to vector<16xi32>
        %xor3A_141 = arith.xori %iota3A, %xor3A_140 : vector<16xi32>
        %gather3A_142 = tpu.vector_load_idx %arg10[%xor3A_141] : memref<128xi32, #tpu.memory_space<vmem>>[vector<16xi32>], vector<16xi32>,
        %add3A_143 = arith.addi %scan3A_135, %gather3A_142 : vector<16xi32>
        %swap3A_144 = arith.constant 0 : index
        %swap3A_145 = tpu.vector_load %arg10[%swap3A_144] {strides = array<i32>} : memref<128xi32, #tpu.memory_space<vmem>>, vector<16xi32>,
        tpu.vector_store %arg10[%swap3A_144], %add3A_143 {strides = array<i32>} : memref<128xi32, #tpu.memory_space<vmem>>, vector<16xi32>,
        %xor3A_146 = arith.constant 2 : i32
        %xor3A_147 = vector.broadcast %xor3A_146 : i32 to vector<16xi32>
        %xor3A_148 = arith.xori %iota3A, %xor3A_147 : vector<16xi32>
        %gather3A_149 = tpu.vector_load_idx %arg10[%xor3A_148] : memref<128xi32, #tpu.memory_space<vmem>>[vector<16xi32>], vector<16xi32>,
        %add3A_150 = arith.addi %add3A_143, %gather3A_149 : vector<16xi32>
        %swap3A_151 = arith.constant 0 : index
        %swap3A_152 = tpu.vector_load %arg10[%swap3A_151] {strides = array<i32>} : memref<128xi32, #tpu.memory_space<vmem>>, vector<16xi32>,
        tpu.vector_store %arg10[%swap3A_151], %add3A_150 {strides = array<i32>} : memref<128xi32, #tpu.memory_space<vmem>>, vector<16xi32>,
        %xor3A_153 = arith.constant 4 : i32
        %xor3A_154 = vector.broadcast %xor3A_153 : i32 to vector<16xi32>
        %xor3A_155 = arith.xori %iota3A, %xor3A_154 : vector<16xi32>
        %gather3A_156 = tpu.vector_load_idx %arg10[%xor3A_155] : memref<128xi32, #tpu.memory_space<vmem>>[vector<16xi32>], vector<16xi32>,
        %add3A_157 = arith.addi %add3A_150, %gather3A_156 : vector<16xi32>
        %swap3A_158 = arith.constant 0 : index
        %swap3A_159 = tpu.vector_load %arg10[%swap3A_158] {strides = array<i32>} : memref<128xi32, #tpu.memory_space<vmem>>, vector<16xi32>,
        tpu.vector_store %arg10[%swap3A_158], %add3A_157 {strides = array<i32>} : memref<128xi32, #tpu.memory_space<vmem>>, vector<16xi32>,
        %xor3A_160 = arith.constant 8 : i32
        %xor3A_161 = vector.broadcast %xor3A_160 : i32 to vector<16xi32>
        %xor3A_162 = arith.xori %iota3A, %xor3A_161 : vector<16xi32>
        %gather3A_163 = tpu.vector_load_idx %arg10[%xor3A_162] : memref<128xi32, #tpu.memory_space<vmem>>[vector<16xi32>], vector<16xi32>,
        %add3A_164 = arith.addi %add3A_157, %gather3A_163 : vector<16xi32>
        %ge3A = arith.cmpi sge, %add3A_164, %sub3A_52 : vector<16xi32>
        %select_n3A = arith.select %ge3A, %scan3A_126, %shift_right_arithmetic3A_130 : vector<16xi1>, vector<16xi32>
        %select_n3A_165 = arith.select %ge3A, %shift_right_arithmetic3A_130, %scan3A_127 : vector<16xi1>, vector<16xi32>
        scf.yield %select_n3A, %select_n3A_165 : vector<16xi32>, vector<16xi32>
      }
      %scan3A_124 = arith.constant 14 : i32
      scf.yield %scan3A_123#1 : vector<16xi32>
    }
    %scan3A_94 = arith.constant 0 : i32
    %scan3A_95 = arith.constant 0 : i32
    %scan3A_96 = arith.constant 24 : i32
    %scan3A_97 = arith.addi %scan3A_95, %scan3A_96 : i32
    %scan3A_98 = arith.constant 1 : i32
    %scan3A_99 = scf.for %scan3A_115 = %scan3A_95 to %scan3A_97 step %scan3A_98 iter_args(%scan3A_116 = %scan3A_94) -> (i32)  : i32 {
      %mul3A_117 = arith.constant 16 : i32
      %mul3A_118 = arith.muli %scan3A_115, %mul3A_117 : i32
      %swap3A_119 = arith.index_cast %mul3A_118 : i32 to index
      %swap3A_120 = tpu.vector_load %arg8[%swap3A_119] {strides = array<i32>} : memref<384xf32, #tpu.memory_space<vmem>>, vector<16xf32>,
      tpu.vector_store %arg8[%swap3A_119], %broadcast_in_dim3A_1 {strides = array<i32>} : memref<384xf32, #tpu.memory_space<vmem>>, vector<16xf32>,
      %broadcast_in_dim3A_121 = arith.constant 8.191000e+03 : f32
      %broadcast_in_dim3A_122 = vector.broadcast %broadcast_in_dim3A_121 : f32 to vector<16xf32>
      %mul3A_123 = arith.constant 16 : i32
      %mul3A_124 = arith.muli %scan3A_115, %mul3A_123 : i32
      %swap3A_125 = arith.index_cast %mul3A_124 : i32 to index
      %swap3A_126 = tpu.vector_load %arg9[%swap3A_125] {strides = array<i32>} : memref<384xf32, #tpu.memory_space<vmem>>, vector<16xf32>,
      tpu.vector_store %arg9[%swap3A_125], %broadcast_in_dim3A_122 {strides = array<i32>} : memref<384xf32, #tpu.memory_space<vmem>>, vector<16xf32>,
      %scan3A_127 = arith.constant 0 : i32
      scf.yield %scan3A_127 : i32
    }
    %scan3A_100 = arith.constant 24 : i32
    %scan3A_101 = arith.constant 0 : i32
    %scan3A_102 = arith.constant 0 : i32
    %scan3A_103 = arith.constant 320 : i32
    %scan3A_104 = arith.addi %scan3A_102, %scan3A_103 : i32
    %scan3A_105 = arith.constant 1 : i32
    %scan3A_106 = scf.for %scan3A_115 = %scan3A_102 to %scan3A_104 step %scan3A_105 iter_args(%scan3A_116 = %scan3A_101) -> (i32)  : i32 {
      %mul3A_117 = arith.constant 16 : i32
      %mul3A_118 = arith.muli %scan3A_115, %mul3A_117 : i32
      %add3A_119 = vector.broadcast %mul3A_118 : i32 to vector<16xi32>
      %add3A_120 = arith.addi %iota3A, %add3A_119 : vector<16xi32>
      %and3A = arith.constant 1023 : i32
      %and3A_121 = vector.broadcast %and3A : i32 to vector<16xi32>
      %and3A_122 = arith.andi %add3A_120, %and3A_121 : vector<16xi32>
      %mul3A_123 = arith.constant 5 : i32
      %mul3A_124 = vector.broadcast %mul3A_123 : i32 to vector<16xi32>
      %mul3A_125 = arith.muli %and3A_122, %mul3A_124 : vector<16xi32>
      %shift_right_logical3A = arith.constant 10 : i32
      %shift_right_logical3A_126 = vector.broadcast %shift_right_logical3A : i32 to vector<16xi32>
      %shift_right_logical3A_127 = arith.shrui %add3A_120, %shift_right_logical3A_126 : vector<16xi32>
      %add3A_128 = arith.addi %mul3A_125, %shift_right_logical3A_127 : vector<16xi32>
      %mul3A_129 = arith.constant 16 : i32
      %mul3A_130 = arith.muli %scan3A_115, %mul3A_129 : i32
      %get3A = arith.index_cast %mul3A_130 : i32 to index
      %get3A_131 = tpu.vector_load %arg5[%get3A] {strides = array<i32>} : memref<5120xf32, #tpu.memory_space<vmem>>, vector<16xf32>,
      %gt3A = arith.cmpf ogt, %get3A_131, %scan3A_18#0 : vector<16xf32>
      %eq3A = arith.cmpf oeq, %get3A_131, %scan3A_18#0 : vector<16xf32>
      %le3A_132 = arith.cmpi sle, %add3A_128, %cond3A_93 : vector<16xi32>
      %and3A_133 = arith.andi %eq3A, %le3A_132 : vector<16xi1>
      %or3A = arith.ori %gt3A, %and3A_133 : vector<16xi1>
      %swap3A_134 = arith.index_cast %scan3A_116 : i32 to index
      %swap3A_135 = tpu.vector_load %arg8[%swap3A_134] masked %or3A {strides = array<i32>} : memref<384xf32, #tpu.memory_space<vmem>>, vector<16xf32>, vector<16xi1>
      tpu.vector_store %arg8[%swap3A_134], %get3A_131 masked %or3A {strides = array<i32>} : memref<384xf32, #tpu.memory_space<vmem>>, vector<16xf32>, vector<16xi1>
      %convert_element_type3A_136 = arith.sitofp %add3A_128 : vector<16xi32> to vector<16xf32>
      %swap3A_137 = arith.index_cast %scan3A_116 : i32 to index
      %swap3A_138 = tpu.vector_load %arg9[%swap3A_137] masked %or3A {strides = array<i32>} : memref<384xf32, #tpu.memory_space<vmem>>, vector<16xf32>, vector<16xi1>
      tpu.vector_store %arg9[%swap3A_137], %convert_element_type3A_136 masked %or3A {strides = array<i32>} : memref<384xf32, #tpu.memory_space<vmem>>, vector<16xf32>, vector<16xi1>
      %jit3A = arith.constant 1 : i32
      %jit3A_139 = arith.constant 0 : i32
      %broadcast_in_dim3A_140 = vector.broadcast %jit3A : i32 to vector<16xi32>
      %broadcast_in_dim3A_141 = vector.broadcast %jit3A_139 : i32 to vector<16xi32>
      %select_n3A = arith.select %or3A, %broadcast_in_dim3A_140, %broadcast_in_dim3A_141 : vector<16xi1>, vector<16xi32>
      %swap3A_142 = arith.constant 0 : index
      %swap3A_143 = tpu.vector_load %arg10[%swap3A_142] {strides = array<i32>} : memref<128xi32, #tpu.memory_space<vmem>>, vector<16xi32>,
      tpu.vector_store %arg10[%swap3A_142], %select_n3A {strides = array<i32>} : memref<128xi32, #tpu.memory_space<vmem>>, vector<16xi32>,
      %xor3A_144 = arith.constant 1 : i32
      %xor3A_145 = vector.broadcast %xor3A_144 : i32 to vector<16xi32>
      %xor3A_146 = arith.xori %iota3A, %xor3A_145 : vector<16xi32>
      %gather3A_147 = tpu.vector_load_idx %arg10[%xor3A_146] : memref<128xi32, #tpu.memory_space<vmem>>[vector<16xi32>], vector<16xi32>,
      %add3A_148 = arith.addi %select_n3A, %gather3A_147 : vector<16xi32>
      %swap3A_149 = arith.constant 0 : index
      %swap3A_150 = tpu.vector_load %arg10[%swap3A_149] {strides = array<i32>} : memref<128xi32, #tpu.memory_space<vmem>>, vector<16xi32>,
      tpu.vector_store %arg10[%swap3A_149], %add3A_148 {strides = array<i32>} : memref<128xi32, #tpu.memory_space<vmem>>, vector<16xi32>,
      %xor3A_151 = arith.constant 2 : i32
      %xor3A_152 = vector.broadcast %xor3A_151 : i32 to vector<16xi32>
      %xor3A_153 = arith.xori %iota3A, %xor3A_152 : vector<16xi32>
      %gather3A_154 = tpu.vector_load_idx %arg10[%xor3A_153] : memref<128xi32, #tpu.memory_space<vmem>>[vector<16xi32>], vector<16xi32>,
      %add3A_155 = arith.addi %add3A_148, %gather3A_154 : vector<16xi32>
      %swap3A_156 = arith.constant 0 : index
      %swap3A_157 = tpu.vector_load %arg10[%swap3A_156] {strides = array<i32>} : memref<128xi32, #tpu.memory_space<vmem>>, vector<16xi32>,
      tpu.vector_store %arg10[%swap3A_156], %add3A_155 {strides = array<i32>} : memref<128xi32, #tpu.memory_space<vmem>>, vector<16xi32>,
      %xor3A_158 = arith.constant 4 : i32
      %xor3A_159 = vector.broadcast %xor3A_158 : i32 to vector<16xi32>
      %xor3A_160 = arith.xori %iota3A, %xor3A_159 : vector<16xi32>
      %gather3A_161 = tpu.vector_load_idx %arg10[%xor3A_160] : memref<128xi32, #tpu.memory_space<vmem>>[vector<16xi32>], vector<16xi32>,
      %add3A_162 = arith.addi %add3A_155, %gather3A_161 : vector<16xi32>
      %swap3A_163 = arith.constant 0 : index
      %swap3A_164 = tpu.vector_load %arg10[%swap3A_163] {strides = array<i32>} : memref<128xi32, #tpu.memory_space<vmem>>, vector<16xi32>,
      tpu.vector_store %arg10[%swap3A_163], %add3A_162 {strides = array<i32>} : memref<128xi32, #tpu.memory_space<vmem>>, vector<16xi32>,
      %xor3A_165 = arith.constant 8 : i32
      %xor3A_166 = vector.broadcast %xor3A_165 : i32 to vector<16xi32>
      %xor3A_167 = arith.xori %iota3A, %xor3A_166 : vector<16xi32>
      %gather3A_168 = tpu.vector_load_idx %arg10[%xor3A_167] : memref<128xi32, #tpu.memory_space<vmem>>[vector<16xi32>], vector<16xi32>,
      %add3A_169 = arith.addi %add3A_162, %gather3A_168 : vector<16xi32>
      %slice3A_170 = vector.extract_strided_slice %add3A_169 {offsets = [0], sizes = [1], strides = [1]} : vector<16xi32> to vector<1xi32>
      %squeeze3A_171 = vector.extract %slice3A_170[0] : i32 from vector<1xi32>
      %add3A_172 = arith.addi %scan3A_116, %squeeze3A_171 : i32
      scf.yield %add3A_172 : i32
    }
    %scan3A_107 = arith.constant 320 : i32
    %scan3A_108 = arith.constant 0 : i32
    %scan3A_109 = arith.constant 0 : i32
    %scan3A_110 = arith.constant 19 : i32
    %scan3A_111 = arith.addi %scan3A_109, %scan3A_110 : i32
    %scan3A_112 = arith.constant 1 : i32
    %scan3A_113 = scf.for %scan3A_115 = %scan3A_109 to %scan3A_111 step %scan3A_112 iter_args(%scan3A_116 = %scan3A_108) -> (i32)  : i32 {
      %mul3A_117 = arith.constant 16 : i32
      %mul3A_118 = arith.muli %scan3A_115, %mul3A_117 : i32
      %get3A = arith.index_cast %mul3A_118 : i32 to index
      %get3A_119 = tpu.vector_load %arg8[%get3A] {strides = array<i32>} : memref<384xf32, #tpu.memory_space<vmem>>, vector<16xf32>,
      %mul3A_120 = arith.constant 16 : i32
      %mul3A_121 = arith.muli %scan3A_115, %mul3A_120 : i32
      %get3A_122 = arith.index_cast %mul3A_121 : i32 to index
      %get3A_123 = tpu.vector_load %arg9[%get3A_122] {strides = array<i32>} : memref<384xf32, #tpu.memory_space<vmem>>, vector<16xf32>,
      %scan3A_124 = arith.constant 0 : i32
      %scan3A_125 = arith.constant 16 : i32
      %scan3A_126 = arith.addi %scan3A_124, %scan3A_125 : i32
      %scan3A_127 = arith.constant 4 : i32
      %scan3A_128 = scf.for %scan3A_1124 = %scan3A_124 to %scan3A_126 step %scan3A_127 iter_args(%scan3A_1125 = %broadcast_in_dim3A_1) -> (vector<16xf32>)  : i32 {
        %mul3A_1126 = arith.constant 16 : i32
        %mul3A_1127 = arith.muli %scan3A_1124, %mul3A_1126 : i32
        %get3A_1128 = arith.index_cast %mul3A_1127 : i32 to index
        %get3A_1129 = tpu.vector_load %arg8[%get3A_1128] {strides = array<i32>} : memref<384xf32, #tpu.memory_space<vmem>>, vector<16xf32>,
        %mul3A_1130 = arith.constant 16 : i32
        %mul3A_1131 = arith.muli %scan3A_1124, %mul3A_1130 : i32
        %get3A_1132 = arith.index_cast %mul3A_1131 : i32 to index
        %get3A_1133 = tpu.vector_load %arg9[%get3A_1132] {strides = array<i32>} : memref<384xf32, #tpu.memory_space<vmem>>, vector<16xf32>,
        %slice3A_1134 = vector.extract_strided_slice %get3A_1129 {offsets = [0], sizes = [1], strides = [1]} : vector<16xf32> to vector<1xf32>
        %squeeze3A_1135 = vector.extract %slice3A_1134[0] : f32 from vector<1xf32>
        %slice3A_1136 = vector.extract_strided_slice %get3A_1133 {offsets = [0], sizes = [1], strides = [1]} : vector<16xf32> to vector<1xf32>
        %squeeze3A_1137 = vector.extract %slice3A_1136[0] : f32 from vector<1xf32>
        %gt3A_1138 = vector.broadcast %squeeze3A_1135 : f32 to vector<16xf32>
        %gt3A_1139 = arith.cmpf ogt, %gt3A_1138, %get3A_119 : vector<16xf32>
        %eq3A_1140 = vector.broadcast %squeeze3A_1135 : f32 to vector<16xf32>
        %eq3A_1141 = arith.cmpf oeq, %eq3A_1140, %get3A_119 : vector<16xf32>
        %lt3A_1142 = vector.broadcast %squeeze3A_1137 : f32 to vector<16xf32>
        %lt3A_1143 = arith.cmpf olt, %lt3A_1142, %get3A_123 : vector<16xf32>
        %and3A_1144 = arith.andi %eq3A_1141, %lt3A_1143 : vector<16xi1>
        %or3A_1145 = arith.ori %gt3A_1139, %and3A_1144 : vector<16xi1>
        %jit3A_1146 = arith.constant 1.000000e+00 : f32
        %jit3A_1147 = arith.constant 0.000000e+00 : f32
        %broadcast_in_dim3A_1148 = vector.broadcast %jit3A_1146 : f32 to vector<16xf32>
        %broadcast_in_dim3A_1149 = vector.broadcast %jit3A_1147 : f32 to vector<16xf32>
        %select_n3A_1150 = arith.select %or3A_1145, %broadcast_in_dim3A_1148, %broadcast_in_dim3A_1149 : vector<16xi1>, vector<16xf32>
        %add3A_1151 = arith.addf %scan3A_1125, %select_n3A_1150 : vector<16xf32>
        %slice3A_1152 = vector.extract_strided_slice %get3A_1129 {offsets = [1], sizes = [1], strides = [1]} : vector<16xf32> to vector<1xf32>
        %squeeze3A_1153 = vector.extract %slice3A_1152[0] : f32 from vector<1xf32>
        %slice3A_1154 = vector.extract_strided_slice %get3A_1133 {offsets = [1], sizes = [1], strides = [1]} : vector<16xf32> to vector<1xf32>
        %squeeze3A_1155 = vector.extract %slice3A_1154[0] : f32 from vector<1xf32>
        %gt3A_1156 = vector.broadcast %squeeze3A_1153 : f32 to vector<16xf32>
        %gt3A_1157 = arith.cmpf ogt, %gt3A_1156, %get3A_119 : vector<16xf32>
        %eq3A_1158 = vector.broadcast %squeeze3A_1153 : f32 to vector<16xf32>
        %eq3A_1159 = arith.cmpf oeq, %eq3A_1158, %get3A_119 : vector<16xf32>
        %lt3A_1160 = vector.broadcast %squeeze3A_1155 : f32 to vector<16xf32>
        %lt3A_1161 = arith.cmpf olt, %lt3A_1160, %get3A_123 : vector<16xf32>
        %and3A_1162 = arith.andi %eq3A_1159, %lt3A_1161 : vector<16xi1>
        %or3A_1163 = arith.ori %gt3A_1157, %and3A_1162 : vector<16xi1>
        %jit3A_1164 = arith.constant 1.000000e+00 : f32
        %jit3A_1165 = arith.constant 0.000000e+00 : f32
        %broadcast_in_dim3A_1166 = vector.broadcast %jit3A_1164 : f32 to vector<16xf32>
        %broadcast_in_dim3A_1167 = vector.broadcast %jit3A_1165 : f32 to vector<16xf32>
        %select_n3A_1168 = arith.select %or3A_1163, %broadcast_in_dim3A_1166, %broadcast_in_dim3A_1167 : vector<16xi1>, vector<16xf32>
        %add3A_1169 = arith.addf %add3A_1151, %select_n3A_1168 : vector<16xf32>
        %slice3A_1170 = vector.extract_strided_slice %get3A_1129 {offsets = [2], sizes = [1], strides = [1]} : vector<16xf32> to vector<1xf32>
        %squeeze3A_1171 = vector.extract %slice3A_1170[0] : f32 from vector<1xf32>
        %slice3A_1172 = vector.extract_strided_slice %get3A_1133 {offsets = [2], sizes = [1], strides = [1]} : vector<16xf32> to vector<1xf32>
        %squeeze3A_1173 = vector.extract %slice3A_1172[0] : f32 from vector<1xf32>
        %gt3A_1174 = vector.broadcast %squeeze3A_1171 : f32 to vector<16xf32>
        %gt3A_1175 = arith.cmpf ogt, %gt3A_1174, %get3A_119 : vector<16xf32>
        %eq3A_1176 = vector.broadcast %squeeze3A_1171 : f32 to vector<16xf32>
        %eq3A_1177 = arith.cmpf oeq, %eq3A_1176, %get3A_119 : vector<16xf32>
        %lt3A_1178 = vector.broadcast %squeeze3A_1173 : f32 to vector<16xf32>
        %lt3A_1179 = arith.cmpf olt, %lt3A_1178, %get3A_123 : vector<16xf32>
        %and3A_1180 = arith.andi %eq3A_1177, %lt3A_1179 : vector<16xi1>
        %or3A_1181 = arith.ori %gt3A_1175, %and3A_1180 : vector<16xi1>
        %jit3A_1182 = arith.constant 1.000000e+00 : f32
        %jit3A_1183 = arith.constant 0.000000e+00 : f32
        %broadcast_in_dim3A_1184 = vector.broadcast %jit3A_1182 : f32 to vector<16xf32>
        %broadcast_in_dim3A_1185 = vector.broadcast %jit3A_1183 : f32 to vector<16xf32>
        %select_n3A_1186 = arith.select %or3A_1181, %broadcast_in_dim3A_1184, %broadcast_in_dim3A_1185 : vector<16xi1>, vector<16xf32>
        %add3A_1187 = arith.addf %add3A_1169, %select_n3A_1186 : vector<16xf32>
        %slice3A_1188 = vector.extract_strided_slice %get3A_1129 {offsets = [3], sizes = [1], strides = [1]} : vector<16xf32> to vector<1xf32>
        %squeeze3A_1189 = vector.extract %slice3A_1188[0] : f32 from vector<1xf32>
        %slice3A_1190 = vector.extract_strided_slice %get3A_1133 {offsets = [3], sizes = [1], strides = [1]} : vector<16xf32> to vector<1xf32>
        %squeeze3A_1191 = vector.extract %slice3A_1190[0] : f32 from vector<1xf32>
        %gt3A_1192 = vector.broadcast %squeeze3A_1189 : f32 to vector<16xf32>
        %gt3A_1193 = arith.cmpf ogt, %gt3A_1192, %get3A_119 : vector<16xf32>
        %eq3A_1194 = vector.broadcast %squeeze3A_1189 : f32 to vector<16xf32>
        %eq3A_1195 = arith.cmpf oeq, %eq3A_1194, %get3A_119 : vector<16xf32>
        %lt3A_1196 = vector.broadcast %squeeze3A_1191 : f32 to vector<16xf32>
        %lt3A_1197 = arith.cmpf olt, %lt3A_1196, %get3A_123 : vector<16xf32>
        %and3A_1198 = arith.andi %eq3A_1195, %lt3A_1197 : vector<16xi1>
        %or3A_1199 = arith.ori %gt3A_1193, %and3A_1198 : vector<16xi1>
        %jit3A_1200 = arith.constant 1.000000e+00 : f32
        %jit3A_1201 = arith.constant 0.000000e+00 : f32
        %broadcast_in_dim3A_1202 = vector.broadcast %jit3A_1200 : f32 to vector<16xf32>
        %broadcast_in_dim3A_1203 = vector.broadcast %jit3A_1201 : f32 to vector<16xf32>
        %select_n3A_1204 = arith.select %or3A_1199, %broadcast_in_dim3A_1202, %broadcast_in_dim3A_1203 : vector<16xi1>, vector<16xf32>
        %add3A_1205 = arith.addf %add3A_1187, %select_n3A_1204 : vector<16xf32>
        %slice3A_1206 = vector.extract_strided_slice %get3A_1129 {offsets = [4], sizes = [1], strides = [1]} : vector<16xf32> to vector<1xf32>
        %squeeze3A_1207 = vector.extract %slice3A_1206[0] : f32 from vector<1xf32>
        %slice3A_1208 = vector.extract_strided_slice %get3A_1133 {offsets = [4], sizes = [1], strides = [1]} : vector<16xf32> to vector<1xf32>
        %squeeze3A_1209 = vector.extract %slice3A_1208[0] : f32 from vector<1xf32>
        %gt3A_1210 = vector.broadcast %squeeze3A_1207 : f32 to vector<16xf32>
        %gt3A_1211 = arith.cmpf ogt, %gt3A_1210, %get3A_119 : vector<16xf32>
        %eq3A_1212 = vector.broadcast %squeeze3A_1207 : f32 to vector<16xf32>
        %eq3A_1213 = arith.cmpf oeq, %eq3A_1212, %get3A_119 : vector<16xf32>
        %lt3A_1214 = vector.broadcast %squeeze3A_1209 : f32 to vector<16xf32>
        %lt3A_1215 = arith.cmpf olt, %lt3A_1214, %get3A_123 : vector<16xf32>
        %and3A_1216 = arith.andi %eq3A_1213, %lt3A_1215 : vector<16xi1>
        %or3A_1217 = arith.ori %gt3A_1211, %and3A_1216 : vector<16xi1>
        %jit3A_1218 = arith.constant 1.000000e+00 : f32
        %jit3A_1219 = arith.constant 0.000000e+00 : f32
        %broadcast_in_dim3A_1220 = vector.broadcast %jit3A_1218 : f32 to vector<16xf32>
        %broadcast_in_dim3A_1221 = vector.broadcast %jit3A_1219 : f32 to vector<16xf32>
        %select_n3A_1222 = arith.select %or3A_1217, %broadcast_in_dim3A_1220, %broadcast_in_dim3A_1221 : vector<16xi1>, vector<16xf32>
        %add3A_1223 = arith.addf %add3A_1205, %select_n3A_1222 : vector<16xf32>
        %slice3A_1224 = vector.extract_strided_slice %get3A_1129 {offsets = [5], sizes = [1], strides = [1]} : vector<16xf32> to vector<1xf32>
        %squeeze3A_1225 = vector.extract %slice3A_1224[0] : f32 from vector<1xf32>
        %slice3A_1226 = vector.extract_strided_slice %get3A_1133 {offsets = [5], sizes = [1], strides = [1]} : vector<16xf32> to vector<1xf32>
        %squeeze3A_1227 = vector.extract %slice3A_1226[0] : f32 from vector<1xf32>
        %gt3A_1228 = vector.broadcast %squeeze3A_1225 : f32 to vector<16xf32>
        %gt3A_1229 = arith.cmpf ogt, %gt3A_1228, %get3A_119 : vector<16xf32>
        %eq3A_1230 = vector.broadcast %squeeze3A_1225 : f32 to vector<16xf32>
        %eq3A_1231 = arith.cmpf oeq, %eq3A_1230, %get3A_119 : vector<16xf32>
        %lt3A_1232 = vector.broadcast %squeeze3A_1227 : f32 to vector<16xf32>
        %lt3A_1233 = arith.cmpf olt, %lt3A_1232, %get3A_123 : vector<16xf32>
        %and3A_1234 = arith.andi %eq3A_1231, %lt3A_1233 : vector<16xi1>
        %or3A_1235 = arith.ori %gt3A_1229, %and3A_1234 : vector<16xi1>
        %jit3A_1236 = arith.constant 1.000000e+00 : f32
        %jit3A_1237 = arith.constant 0.000000e+00 : f32
        %broadcast_in_dim3A_1238 = vector.broadcast %jit3A_1236 : f32 to vector<16xf32>
        %broadcast_in_dim3A_1239 = vector.broadcast %jit3A_1237 : f32 to vector<16xf32>
        %select_n3A_1240 = arith.select %or3A_1235, %broadcast_in_dim3A_1238, %broadcast_in_dim3A_1239 : vector<16xi1>, vector<16xf32>
        %add3A_1241 = arith.addf %add3A_1223, %select_n3A_1240 : vector<16xf32>
        %slice3A_1242 = vector.extract_strided_slice %get3A_1129 {offsets = [6], sizes = [1], strides = [1]} : vector<16xf32> to vector<1xf32>
        %squeeze3A_1243 = vector.extract %slice3A_1242[0] : f32 from vector<1xf32>
        %slice3A_1244 = vector.extract_strided_slice %get3A_1133 {offsets = [6], sizes = [1], strides = [1]} : vector<16xf32> to vector<1xf32>
        %squeeze3A_1245 = vector.extract %slice3A_1244[0] : f32 from vector<1xf32>
        %gt3A_1246 = vector.broadcast %squeeze3A_1243 : f32 to vector<16xf32>
        %gt3A_1247 = arith.cmpf ogt, %gt3A_1246, %get3A_119 : vector<16xf32>
        %eq3A_1248 = vector.broadcast %squeeze3A_1243 : f32 to vector<16xf32>
        %eq3A_1249 = arith.cmpf oeq, %eq3A_1248, %get3A_119 : vector<16xf32>
        %lt3A_1250 = vector.broadcast %squeeze3A_1245 : f32 to vector<16xf32>
        %lt3A_1251 = arith.cmpf olt, %lt3A_1250, %get3A_123 : vector<16xf32>
        %and3A_1252 = arith.andi %eq3A_1249, %lt3A_1251 : vector<16xi1>
        %or3A_1253 = arith.ori %gt3A_1247, %and3A_1252 : vector<16xi1>
        %jit3A_1254 = arith.constant 1.000000e+00 : f32
        %jit3A_1255 = arith.constant 0.000000e+00 : f32
        %broadcast_in_dim3A_1256 = vector.broadcast %jit3A_1254 : f32 to vector<16xf32>
        %broadcast_in_dim3A_1257 = vector.broadcast %jit3A_1255 : f32 to vector<16xf32>
        %select_n3A_1258 = arith.select %or3A_1253, %broadcast_in_dim3A_1256, %broadcast_in_dim3A_1257 : vector<16xi1>, vector<16xf32>
        %add3A_1259 = arith.addf %add3A_1241, %select_n3A_1258 : vector<16xf32>
        %slice3A_1260 = vector.extract_strided_slice %get3A_1129 {offsets = [7], sizes = [1], strides = [1]} : vector<16xf32> to vector<1xf32>
        %squeeze3A_1261 = vector.extract %slice3A_1260[0] : f32 from vector<1xf32>
        %slice3A_1262 = vector.extract_strided_slice %get3A_1133 {offsets = [7], sizes = [1], strides = [1]} : vector<16xf32> to vector<1xf32>
        %squeeze3A_1263 = vector.extract %slice3A_1262[0] : f32 from vector<1xf32>
        %gt3A_1264 = vector.broadcast %squeeze3A_1261 : f32 to vector<16xf32>
        %gt3A_1265 = arith.cmpf ogt, %gt3A_1264, %get3A_119 : vector<16xf32>
        %eq3A_1266 = vector.broadcast %squeeze3A_1261 : f32 to vector<16xf32>
        %eq3A_1267 = arith.cmpf oeq, %eq3A_1266, %get3A_119 : vector<16xf32>
        %lt3A_1268 = vector.broadcast %squeeze3A_1263 : f32 to vector<16xf32>
        %lt3A_1269 = arith.cmpf olt, %lt3A_1268, %get3A_123 : vector<16xf32>
        %and3A_1270 = arith.andi %eq3A_1267, %lt3A_1269 : vector<16xi1>
        %or3A_1271 = arith.ori %gt3A_1265, %and3A_1270 : vector<16xi1>
        %jit3A_1272 = arith.constant 1.000000e+00 : f32
        %jit3A_1273 = arith.constant 0.000000e+00 : f32
        %broadcast_in_dim3A_1274 = vector.broadcast %jit3A_1272 : f32 to vector<16xf32>
        %broadcast_in_dim3A_1275 = vector.broadcast %jit3A_1273 : f32 to vector<16xf32>
        %select_n3A_1276 = arith.select %or3A_1271, %broadcast_in_dim3A_1274, %broadcast_in_dim3A_1275 : vector<16xi1>, vector<16xf32>
        %add3A_1277 = arith.addf %add3A_1259, %select_n3A_1276 : vector<16xf32>
        %slice3A_1278 = vector.extract_strided_slice %get3A_1129 {offsets = [8], sizes = [1], strides = [1]} : vector<16xf32> to vector<1xf32>
        %squeeze3A_1279 = vector.extract %slice3A_1278[0] : f32 from vector<1xf32>
        %slice3A_1280 = vector.extract_strided_slice %get3A_1133 {offsets = [8], sizes = [1], strides = [1]} : vector<16xf32> to vector<1xf32>
        %squeeze3A_1281 = vector.extract %slice3A_1280[0] : f32 from vector<1xf32>
        %gt3A_1282 = vector.broadcast %squeeze3A_1279 : f32 to vector<16xf32>
        %gt3A_1283 = arith.cmpf ogt, %gt3A_1282, %get3A_119 : vector<16xf32>
        %eq3A_1284 = vector.broadcast %squeeze3A_1279 : f32 to vector<16xf32>
        %eq3A_1285 = arith.cmpf oeq, %eq3A_1284, %get3A_119 : vector<16xf32>
        %lt3A_1286 = vector.broadcast %squeeze3A_1281 : f32 to vector<16xf32>
        %lt3A_1287 = arith.cmpf olt, %lt3A_1286, %get3A_123 : vector<16xf32>
        %and3A_1288 = arith.andi %eq3A_1285, %lt3A_1287 : vector<16xi1>
        %or3A_1289 = arith.ori %gt3A_1283, %and3A_1288 : vector<16xi1>
        %jit3A_1290 = arith.constant 1.000000e+00 : f32
        %jit3A_1291 = arith.constant 0.000000e+00 : f32
        %broadcast_in_dim3A_1292 = vector.broadcast %jit3A_1290 : f32 to vector<16xf32>
        %broadcast_in_dim3A_1293 = vector.broadcast %jit3A_1291 : f32 to vector<16xf32>
        %select_n3A_1294 = arith.select %or3A_1289, %broadcast_in_dim3A_1292, %broadcast_in_dim3A_1293 : vector<16xi1>, vector<16xf32>
        %add3A_1295 = arith.addf %add3A_1277, %select_n3A_1294 : vector<16xf32>
        %slice3A_1296 = vector.extract_strided_slice %get3A_1129 {offsets = [9], sizes = [1], strides = [1]} : vector<16xf32> to vector<1xf32>
        %squeeze3A_1297 = vector.extract %slice3A_1296[0] : f32 from vector<1xf32>
        %slice3A_1298 = vector.extract_strided_slice %get3A_1133 {offsets = [9], sizes = [1], strides = [1]} : vector<16xf32> to vector<1xf32>
        %squeeze3A_1299 = vector.extract %slice3A_1298[0] : f32 from vector<1xf32>
        %gt3A_1300 = vector.broadcast %squeeze3A_1297 : f32 to vector<16xf32>
        %gt3A_1301 = arith.cmpf ogt, %gt3A_1300, %get3A_119 : vector<16xf32>
        %eq3A_1302 = vector.broadcast %squeeze3A_1297 : f32 to vector<16xf32>
        %eq3A_1303 = arith.cmpf oeq, %eq3A_1302, %get3A_119 : vector<16xf32>
        %lt3A_1304 = vector.broadcast %squeeze3A_1299 : f32 to vector<16xf32>
        %lt3A_1305 = arith.cmpf olt, %lt3A_1304, %get3A_123 : vector<16xf32>
        %and3A_1306 = arith.andi %eq3A_1303, %lt3A_1305 : vector<16xi1>
        %or3A_1307 = arith.ori %gt3A_1301, %and3A_1306 : vector<16xi1>
        %jit3A_1308 = arith.constant 1.000000e+00 : f32
        %jit3A_1309 = arith.constant 0.000000e+00 : f32
        %broadcast_in_dim3A_1310 = vector.broadcast %jit3A_1308 : f32 to vector<16xf32>
        %broadcast_in_dim3A_1311 = vector.broadcast %jit3A_1309 : f32 to vector<16xf32>
        %select_n3A_1312 = arith.select %or3A_1307, %broadcast_in_dim3A_1310, %broadcast_in_dim3A_1311 : vector<16xi1>, vector<16xf32>
        %add3A_1313 = arith.addf %add3A_1295, %select_n3A_1312 : vector<16xf32>
        %slice3A_1314 = vector.extract_strided_slice %get3A_1129 {offsets = [10], sizes = [1], strides = [1]} : vector<16xf32> to vector<1xf32>
        %squeeze3A_1315 = vector.extract %slice3A_1314[0] : f32 from vector<1xf32>
        %slice3A_1316 = vector.extract_strided_slice %get3A_1133 {offsets = [10], sizes = [1], strides = [1]} : vector<16xf32> to vector<1xf32>
        %squeeze3A_1317 = vector.extract %slice3A_1316[0] : f32 from vector<1xf32>
        %gt3A_1318 = vector.broadcast %squeeze3A_1315 : f32 to vector<16xf32>
        %gt3A_1319 = arith.cmpf ogt, %gt3A_1318, %get3A_119 : vector<16xf32>
        %eq3A_1320 = vector.broadcast %squeeze3A_1315 : f32 to vector<16xf32>
        %eq3A_1321 = arith.cmpf oeq, %eq3A_1320, %get3A_119 : vector<16xf32>
        %lt3A_1322 = vector.broadcast %squeeze3A_1317 : f32 to vector<16xf32>
        %lt3A_1323 = arith.cmpf olt, %lt3A_1322, %get3A_123 : vector<16xf32>
        %and3A_1324 = arith.andi %eq3A_1321, %lt3A_1323 : vector<16xi1>
        %or3A_1325 = arith.ori %gt3A_1319, %and3A_1324 : vector<16xi1>
        %jit3A_1326 = arith.constant 1.000000e+00 : f32
        %jit3A_1327 = arith.constant 0.000000e+00 : f32
        %broadcast_in_dim3A_1328 = vector.broadcast %jit3A_1326 : f32 to vector<16xf32>
        %broadcast_in_dim3A_1329 = vector.broadcast %jit3A_1327 : f32 to vector<16xf32>
        %select_n3A_1330 = arith.select %or3A_1325, %broadcast_in_dim3A_1328, %broadcast_in_dim3A_1329 : vector<16xi1>, vector<16xf32>
        %add3A_1331 = arith.addf %add3A_1313, %select_n3A_1330 : vector<16xf32>
        %slice3A_1332 = vector.extract_strided_slice %get3A_1129 {offsets = [11], sizes = [1], strides = [1]} : vector<16xf32> to vector<1xf32>
        %squeeze3A_1333 = vector.extract %slice3A_1332[0] : f32 from vector<1xf32>
        %slice3A_1334 = vector.extract_strided_slice %get3A_1133 {offsets = [11], sizes = [1], strides = [1]} : vector<16xf32> to vector<1xf32>
        %squeeze3A_1335 = vector.extract %slice3A_1334[0] : f32 from vector<1xf32>
        %gt3A_1336 = vector.broadcast %squeeze3A_1333 : f32 to vector<16xf32>
        %gt3A_1337 = arith.cmpf ogt, %gt3A_1336, %get3A_119 : vector<16xf32>
        %eq3A_1338 = vector.broadcast %squeeze3A_1333 : f32 to vector<16xf32>
        %eq3A_1339 = arith.cmpf oeq, %eq3A_1338, %get3A_119 : vector<16xf32>
        %lt3A_1340 = vector.broadcast %squeeze3A_1335 : f32 to vector<16xf32>
        %lt3A_1341 = arith.cmpf olt, %lt3A_1340, %get3A_123 : vector<16xf32>
        %and3A_1342 = arith.andi %eq3A_1339, %lt3A_1341 : vector<16xi1>
        %or3A_1343 = arith.ori %gt3A_1337, %and3A_1342 : vector<16xi1>
        %jit3A_1344 = arith.constant 1.000000e+00 : f32
        %jit3A_1345 = arith.constant 0.000000e+00 : f32
        %broadcast_in_dim3A_1346 = vector.broadcast %jit3A_1344 : f32 to vector<16xf32>
        %broadcast_in_dim3A_1347 = vector.broadcast %jit3A_1345 : f32 to vector<16xf32>
        %select_n3A_1348 = arith.select %or3A_1343, %broadcast_in_dim3A_1346, %broadcast_in_dim3A_1347 : vector<16xi1>, vector<16xf32>
        %add3A_1349 = arith.addf %add3A_1331, %select_n3A_1348 : vector<16xf32>
        %slice3A_1350 = vector.extract_strided_slice %get3A_1129 {offsets = [12], sizes = [1], strides = [1]} : vector<16xf32> to vector<1xf32>
        %squeeze3A_1351 = vector.extract %slice3A_1350[0] : f32 from vector<1xf32>
        %slice3A_1352 = vector.extract_strided_slice %get3A_1133 {offsets = [12], sizes = [1], strides = [1]} : vector<16xf32> to vector<1xf32>
        %squeeze3A_1353 = vector.extract %slice3A_1352[0] : f32 from vector<1xf32>
        %gt3A_1354 = vector.broadcast %squeeze3A_1351 : f32 to vector<16xf32>
        %gt3A_1355 = arith.cmpf ogt, %gt3A_1354, %get3A_119 : vector<16xf32>
        %eq3A_1356 = vector.broadcast %squeeze3A_1351 : f32 to vector<16xf32>
        %eq3A_1357 = arith.cmpf oeq, %eq3A_1356, %get3A_119 : vector<16xf32>
        %lt3A_1358 = vector.broadcast %squeeze3A_1353 : f32 to vector<16xf32>
        %lt3A_1359 = arith.cmpf olt, %lt3A_1358, %get3A_123 : vector<16xf32>
        %and3A_1360 = arith.andi %eq3A_1357, %lt3A_1359 : vector<16xi1>
        %or3A_1361 = arith.ori %gt3A_1355, %and3A_1360 : vector<16xi1>
        %jit3A_1362 = arith.constant 1.000000e+00 : f32
        %jit3A_1363 = arith.constant 0.000000e+00 : f32
        %broadcast_in_dim3A_1364 = vector.broadcast %jit3A_1362 : f32 to vector<16xf32>
        %broadcast_in_dim3A_1365 = vector.broadcast %jit3A_1363 : f32 to vector<16xf32>
        %select_n3A_1366 = arith.select %or3A_1361, %broadcast_in_dim3A_1364, %broadcast_in_dim3A_1365 : vector<16xi1>, vector<16xf32>
        %add3A_1367 = arith.addf %add3A_1349, %select_n3A_1366 : vector<16xf32>
        %slice3A_1368 = vector.extract_strided_slice %get3A_1129 {offsets = [13], sizes = [1], strides = [1]} : vector<16xf32> to vector<1xf32>
        %squeeze3A_1369 = vector.extract %slice3A_1368[0] : f32 from vector<1xf32>
        %slice3A_1370 = vector.extract_strided_slice %get3A_1133 {offsets = [13], sizes = [1], strides = [1]} : vector<16xf32> to vector<1xf32>
        %squeeze3A_1371 = vector.extract %slice3A_1370[0] : f32 from vector<1xf32>
        %gt3A_1372 = vector.broadcast %squeeze3A_1369 : f32 to vector<16xf32>
        %gt3A_1373 = arith.cmpf ogt, %gt3A_1372, %get3A_119 : vector<16xf32>
        %eq3A_1374 = vector.broadcast %squeeze3A_1369 : f32 to vector<16xf32>
        %eq3A_1375 = arith.cmpf oeq, %eq3A_1374, %get3A_119 : vector<16xf32>
        %lt3A_1376 = vector.broadcast %squeeze3A_1371 : f32 to vector<16xf32>
        %lt3A_1377 = arith.cmpf olt, %lt3A_1376, %get3A_123 : vector<16xf32>
        %and3A_1378 = arith.andi %eq3A_1375, %lt3A_1377 : vector<16xi1>
        %or3A_1379 = arith.ori %gt3A_1373, %and3A_1378 : vector<16xi1>
        %jit3A_1380 = arith.constant 1.000000e+00 : f32
        %jit3A_1381 = arith.constant 0.000000e+00 : f32
        %broadcast_in_dim3A_1382 = vector.broadcast %jit3A_1380 : f32 to vector<16xf32>
        %broadcast_in_dim3A_1383 = vector.broadcast %jit3A_1381 : f32 to vector<16xf32>
        %select_n3A_1384 = arith.select %or3A_1379, %broadcast_in_dim3A_1382, %broadcast_in_dim3A_1383 : vector<16xi1>, vector<16xf32>
        %add3A_1385 = arith.addf %add3A_1367, %select_n3A_1384 : vector<16xf32>
        %slice3A_1386 = vector.extract_strided_slice %get3A_1129 {offsets = [14], sizes = [1], strides = [1]} : vector<16xf32> to vector<1xf32>
        %squeeze3A_1387 = vector.extract %slice3A_1386[0] : f32 from vector<1xf32>
        %slice3A_1388 = vector.extract_strided_slice %get3A_1133 {offsets = [14], sizes = [1], strides = [1]} : vector<16xf32> to vector<1xf32>
        %squeeze3A_1389 = vector.extract %slice3A_1388[0] : f32 from vector<1xf32>
        %gt3A_1390 = vector.broadcast %squeeze3A_1387 : f32 to vector<16xf32>
        %gt3A_1391 = arith.cmpf ogt, %gt3A_1390, %get3A_119 : vector<16xf32>
        %eq3A_1392 = vector.broadcast %squeeze3A_1387 : f32 to vector<16xf32>
        %eq3A_1393 = arith.cmpf oeq, %eq3A_1392, %get3A_119 : vector<16xf32>
        %lt3A_1394 = vector.broadcast %squeeze3A_1389 : f32 to vector<16xf32>
        %lt3A_1395 = arith.cmpf olt, %lt3A_1394, %get3A_123 : vector<16xf32>
        %and3A_1396 = arith.andi %eq3A_1393, %lt3A_1395 : vector<16xi1>
        %or3A_1397 = arith.ori %gt3A_1391, %and3A_1396 : vector<16xi1>
        %jit3A_1398 = arith.constant 1.000000e+00 : f32
        %jit3A_1399 = arith.constant 0.000000e+00 : f32
        %broadcast_in_dim3A_1400 = vector.broadcast %jit3A_1398 : f32 to vector<16xf32>
        %broadcast_in_dim3A_1401 = vector.broadcast %jit3A_1399 : f32 to vector<16xf32>
        %select_n3A_1402 = arith.select %or3A_1397, %broadcast_in_dim3A_1400, %broadcast_in_dim3A_1401 : vector<16xi1>, vector<16xf32>
        %add3A_1403 = arith.addf %add3A_1385, %select_n3A_1402 : vector<16xf32>
        %slice3A_1404 = vector.extract_strided_slice %get3A_1129 {offsets = [15], sizes = [1], strides = [1]} : vector<16xf32> to vector<1xf32>
        %squeeze3A_1405 = vector.extract %slice3A_1404[0] : f32 from vector<1xf32>
        %slice3A_1406 = vector.extract_strided_slice %get3A_1133 {offsets = [15], sizes = [1], strides = [1]} : vector<16xf32> to vector<1xf32>
        %squeeze3A_1407 = vector.extract %slice3A_1406[0] : f32 from vector<1xf32>
        %gt3A_1408 = vector.broadcast %squeeze3A_1405 : f32 to vector<16xf32>
        %gt3A_1409 = arith.cmpf ogt, %gt3A_1408, %get3A_119 : vector<16xf32>
        %eq3A_1410 = vector.broadcast %squeeze3A_1405 : f32 to vector<16xf32>
        %eq3A_1411 = arith.cmpf oeq, %eq3A_1410, %get3A_119 : vector<16xf32>
        %lt3A_1412 = vector.broadcast %squeeze3A_1407 : f32 to vector<16xf32>
        %lt3A_1413 = arith.cmpf olt, %lt3A_1412, %get3A_123 : vector<16xf32>
        %and3A_1414 = arith.andi %eq3A_1411, %lt3A_1413 : vector<16xi1>
        %or3A_1415 = arith.ori %gt3A_1409, %and3A_1414 : vector<16xi1>
        %jit3A_1416 = arith.constant 1.000000e+00 : f32
        %jit3A_1417 = arith.constant 0.000000e+00 : f32
        %broadcast_in_dim3A_1418 = vector.broadcast %jit3A_1416 : f32 to vector<16xf32>
        %broadcast_in_dim3A_1419 = vector.broadcast %jit3A_1417 : f32 to vector<16xf32>
        %select_n3A_1420 = arith.select %or3A_1415, %broadcast_in_dim3A_1418, %broadcast_in_dim3A_1419 : vector<16xi1>, vector<16xf32>
        %add3A_1421 = arith.addf %add3A_1403, %select_n3A_1420 : vector<16xf32>
        %scan3A_1422 = arith.constant 1 : i32
        %scan3A_1423 = arith.addi %scan3A_1124, %scan3A_1422 : i32
        %mul3A_1424 = arith.constant 16 : i32
        %mul3A_1425 = arith.muli %scan3A_1423, %mul3A_1424 : i32
        %get3A_1426 = arith.index_cast %mul3A_1425 : i32 to index
        %get3A_1427 = tpu.vector_load %arg8[%get3A_1426] {strides = array<i32>} : memref<384xf32, #tpu.memory_space<vmem>>, vector<16xf32>,
        %mul3A_1428 = arith.constant 16 : i32
        %mul3A_1429 = arith.muli %scan3A_1423, %mul3A_1428 : i32
        %get3A_1430 = arith.index_cast %mul3A_1429 : i32 to index
        %get3A_1431 = tpu.vector_load %arg9[%get3A_1430] {strides = array<i32>} : memref<384xf32, #tpu.memory_space<vmem>>, vector<16xf32>,
        %slice3A_1432 = vector.extract_strided_slice %get3A_1427 {offsets = [0], sizes = [1], strides = [1]} : vector<16xf32> to vector<1xf32>
        %squeeze3A_1433 = vector.extract %slice3A_1432[0] : f32 from vector<1xf32>
        %slice3A_1434 = vector.extract_strided_slice %get3A_1431 {offsets = [0], sizes = [1], strides = [1]} : vector<16xf32> to vector<1xf32>
        %squeeze3A_1435 = vector.extract %slice3A_1434[0] : f32 from vector<1xf32>
        %gt3A_1436 = vector.broadcast %squeeze3A_1433 : f32 to vector<16xf32>
        %gt3A_1437 = arith.cmpf ogt, %gt3A_1436, %get3A_119 : vector<16xf32>
        %eq3A_1438 = vector.broadcast %squeeze3A_1433 : f32 to vector<16xf32>
        %eq3A_1439 = arith.cmpf oeq, %eq3A_1438, %get3A_119 : vector<16xf32>
        %lt3A_1440 = vector.broadcast %squeeze3A_1435 : f32 to vector<16xf32>
        %lt3A_1441 = arith.cmpf olt, %lt3A_1440, %get3A_123 : vector<16xf32>
        %and3A_1442 = arith.andi %eq3A_1439, %lt3A_1441 : vector<16xi1>
        %or3A_1443 = arith.ori %gt3A_1437, %and3A_1442 : vector<16xi1>
        %jit3A_1444 = arith.constant 1.000000e+00 : f32
        %jit3A_1445 = arith.constant 0.000000e+00 : f32
        %broadcast_in_dim3A_1446 = vector.broadcast %jit3A_1444 : f32 to vector<16xf32>
        %broadcast_in_dim3A_1447 = vector.broadcast %jit3A_1445 : f32 to vector<16xf32>
        %select_n3A_1448 = arith.select %or3A_1443, %broadcast_in_dim3A_1446, %broadcast_in_dim3A_1447 : vector<16xi1>, vector<16xf32>
        %add3A_1449 = arith.addf %add3A_1421, %select_n3A_1448 : vector<16xf32>
        %slice3A_1450 = vector.extract_strided_slice %get3A_1427 {offsets = [1], sizes = [1], strides = [1]} : vector<16xf32> to vector<1xf32>
        %squeeze3A_1451 = vector.extract %slice3A_1450[0] : f32 from vector<1xf32>
        %slice3A_1452 = vector.extract_strided_slice %get3A_1431 {offsets = [1], sizes = [1], strides = [1]} : vector<16xf32> to vector<1xf32>
        %squeeze3A_1453 = vector.extract %slice3A_1452[0] : f32 from vector<1xf32>
        %gt3A_1454 = vector.broadcast %squeeze3A_1451 : f32 to vector<16xf32>
        %gt3A_1455 = arith.cmpf ogt, %gt3A_1454, %get3A_119 : vector<16xf32>
        %eq3A_1456 = vector.broadcast %squeeze3A_1451 : f32 to vector<16xf32>
        %eq3A_1457 = arith.cmpf oeq, %eq3A_1456, %get3A_119 : vector<16xf32>
        %lt3A_1458 = vector.broadcast %squeeze3A_1453 : f32 to vector<16xf32>
        %lt3A_1459 = arith.cmpf olt, %lt3A_1458, %get3A_123 : vector<16xf32>
        %and3A_1460 = arith.andi %eq3A_1457, %lt3A_1459 : vector<16xi1>
        %or3A_1461 = arith.ori %gt3A_1455, %and3A_1460 : vector<16xi1>
        %jit3A_1462 = arith.constant 1.000000e+00 : f32
        %jit3A_1463 = arith.constant 0.000000e+00 : f32
        %broadcast_in_dim3A_1464 = vector.broadcast %jit3A_1462 : f32 to vector<16xf32>
        %broadcast_in_dim3A_1465 = vector.broadcast %jit3A_1463 : f32 to vector<16xf32>
        %select_n3A_1466 = arith.select %or3A_1461, %broadcast_in_dim3A_1464, %broadcast_in_dim3A_1465 : vector<16xi1>, vector<16xf32>
        %add3A_1467 = arith.addf %add3A_1449, %select_n3A_1466 : vector<16xf32>
        %slice3A_1468 = vector.extract_strided_slice %get3A_1427 {offsets = [2], sizes = [1], strides = [1]} : vector<16xf32> to vector<1xf32>
        %squeeze3A_1469 = vector.extract %slice3A_1468[0] : f32 from vector<1xf32>
        %slice3A_1470 = vector.extract_strided_slice %get3A_1431 {offsets = [2], sizes = [1], strides = [1]} : vector<16xf32> to vector<1xf32>
        %squeeze3A_1471 = vector.extract %slice3A_1470[0] : f32 from vector<1xf32>
        %gt3A_1472 = vector.broadcast %squeeze3A_1469 : f32 to vector<16xf32>
        %gt3A_1473 = arith.cmpf ogt, %gt3A_1472, %get3A_119 : vector<16xf32>
        %eq3A_1474 = vector.broadcast %squeeze3A_1469 : f32 to vector<16xf32>
        %eq3A_1475 = arith.cmpf oeq, %eq3A_1474, %get3A_119 : vector<16xf32>
        %lt3A_1476 = vector.broadcast %squeeze3A_1471 : f32 to vector<16xf32>
        %lt3A_1477 = arith.cmpf olt, %lt3A_1476, %get3A_123 : vector<16xf32>
        %and3A_1478 = arith.andi %eq3A_1475, %lt3A_1477 : vector<16xi1>
        %or3A_1479 = arith.ori %gt3A_1473, %and3A_1478 : vector<16xi1>
        %jit3A_1480 = arith.constant 1.000000e+00 : f32
        %jit3A_1481 = arith.constant 0.000000e+00 : f32
        %broadcast_in_dim3A_1482 = vector.broadcast %jit3A_1480 : f32 to vector<16xf32>
        %broadcast_in_dim3A_1483 = vector.broadcast %jit3A_1481 : f32 to vector<16xf32>
        %select_n3A_1484 = arith.select %or3A_1479, %broadcast_in_dim3A_1482, %broadcast_in_dim3A_1483 : vector<16xi1>, vector<16xf32>
        %add3A_1485 = arith.addf %add3A_1467, %select_n3A_1484 : vector<16xf32>
        %slice3A_1486 = vector.extract_strided_slice %get3A_1427 {offsets = [3], sizes = [1], strides = [1]} : vector<16xf32> to vector<1xf32>
        %squeeze3A_1487 = vector.extract %slice3A_1486[0] : f32 from vector<1xf32>
        %slice3A_1488 = vector.extract_strided_slice %get3A_1431 {offsets = [3], sizes = [1], strides = [1]} : vector<16xf32> to vector<1xf32>
        %squeeze3A_1489 = vector.extract %slice3A_1488[0] : f32 from vector<1xf32>
        %gt3A_1490 = vector.broadcast %squeeze3A_1487 : f32 to vector<16xf32>
        %gt3A_1491 = arith.cmpf ogt, %gt3A_1490, %get3A_119 : vector<16xf32>
        %eq3A_1492 = vector.broadcast %squeeze3A_1487 : f32 to vector<16xf32>
        %eq3A_1493 = arith.cmpf oeq, %eq3A_1492, %get3A_119 : vector<16xf32>
        %lt3A_1494 = vector.broadcast %squeeze3A_1489 : f32 to vector<16xf32>
        %lt3A_1495 = arith.cmpf olt, %lt3A_1494, %get3A_123 : vector<16xf32>
        %and3A_1496 = arith.andi %eq3A_1493, %lt3A_1495 : vector<16xi1>
        %or3A_1497 = arith.ori %gt3A_1491, %and3A_1496 : vector<16xi1>
        %jit3A_1498 = arith.constant 1.000000e+00 : f32
        %jit3A_1499 = arith.constant 0.000000e+00 : f32
        %broadcast_in_dim3A_1500 = vector.broadcast %jit3A_1498 : f32 to vector<16xf32>
        %broadcast_in_dim3A_1501 = vector.broadcast %jit3A_1499 : f32 to vector<16xf32>
        %select_n3A_1502 = arith.select %or3A_1497, %broadcast_in_dim3A_1500, %broadcast_in_dim3A_1501 : vector<16xi1>, vector<16xf32>
        %add3A_1503 = arith.addf %add3A_1485, %select_n3A_1502 : vector<16xf32>
        %slice3A_1504 = vector.extract_strided_slice %get3A_1427 {offsets = [4], sizes = [1], strides = [1]} : vector<16xf32> to vector<1xf32>
        %squeeze3A_1505 = vector.extract %slice3A_1504[0] : f32 from vector<1xf32>
        %slice3A_1506 = vector.extract_strided_slice %get3A_1431 {offsets = [4], sizes = [1], strides = [1]} : vector<16xf32> to vector<1xf32>
        %squeeze3A_1507 = vector.extract %slice3A_1506[0] : f32 from vector<1xf32>
        %gt3A_1508 = vector.broadcast %squeeze3A_1505 : f32 to vector<16xf32>
        %gt3A_1509 = arith.cmpf ogt, %gt3A_1508, %get3A_119 : vector<16xf32>
        %eq3A_1510 = vector.broadcast %squeeze3A_1505 : f32 to vector<16xf32>
        %eq3A_1511 = arith.cmpf oeq, %eq3A_1510, %get3A_119 : vector<16xf32>
        %lt3A_1512 = vector.broadcast %squeeze3A_1507 : f32 to vector<16xf32>
        %lt3A_1513 = arith.cmpf olt, %lt3A_1512, %get3A_123 : vector<16xf32>
        %and3A_1514 = arith.andi %eq3A_1511, %lt3A_1513 : vector<16xi1>
        %or3A_1515 = arith.ori %gt3A_1509, %and3A_1514 : vector<16xi1>
        %jit3A_1516 = arith.constant 1.000000e+00 : f32
        %jit3A_1517 = arith.constant 0.000000e+00 : f32
        %broadcast_in_dim3A_1518 = vector.broadcast %jit3A_1516 : f32 to vector<16xf32>
        %broadcast_in_dim3A_1519 = vector.broadcast %jit3A_1517 : f32 to vector<16xf32>
        %select_n3A_1520 = arith.select %or3A_1515, %broadcast_in_dim3A_1518, %broadcast_in_dim3A_1519 : vector<16xi1>, vector<16xf32>
        %add3A_1521 = arith.addf %add3A_1503, %select_n3A_1520 : vector<16xf32>
        %slice3A_1522 = vector.extract_strided_slice %get3A_1427 {offsets = [5], sizes = [1], strides = [1]} : vector<16xf32> to vector<1xf32>
        %squeeze3A_1523 = vector.extract %slice3A_1522[0] : f32 from vector<1xf32>
        %slice3A_1524 = vector.extract_strided_slice %get3A_1431 {offsets = [5], sizes = [1], strides = [1]} : vector<16xf32> to vector<1xf32>
        %squeeze3A_1525 = vector.extract %slice3A_1524[0] : f32 from vector<1xf32>
        %gt3A_1526 = vector.broadcast %squeeze3A_1523 : f32 to vector<16xf32>
        %gt3A_1527 = arith.cmpf ogt, %gt3A_1526, %get3A_119 : vector<16xf32>
        %eq3A_1528 = vector.broadcast %squeeze3A_1523 : f32 to vector<16xf32>
        %eq3A_1529 = arith.cmpf oeq, %eq3A_1528, %get3A_119 : vector<16xf32>
        %lt3A_1530 = vector.broadcast %squeeze3A_1525 : f32 to vector<16xf32>
        %lt3A_1531 = arith.cmpf olt, %lt3A_1530, %get3A_123 : vector<16xf32>
        %and3A_1532 = arith.andi %eq3A_1529, %lt3A_1531 : vector<16xi1>
        %or3A_1533 = arith.ori %gt3A_1527, %and3A_1532 : vector<16xi1>
        %jit3A_1534 = arith.constant 1.000000e+00 : f32
        %jit3A_1535 = arith.constant 0.000000e+00 : f32
        %broadcast_in_dim3A_1536 = vector.broadcast %jit3A_1534 : f32 to vector<16xf32>
        %broadcast_in_dim3A_1537 = vector.broadcast %jit3A_1535 : f32 to vector<16xf32>
        %select_n3A_1538 = arith.select %or3A_1533, %broadcast_in_dim3A_1536, %broadcast_in_dim3A_1537 : vector<16xi1>, vector<16xf32>
        %add3A_1539 = arith.addf %add3A_1521, %select_n3A_1538 : vector<16xf32>
        %slice3A_1540 = vector.extract_strided_slice %get3A_1427 {offsets = [6], sizes = [1], strides = [1]} : vector<16xf32> to vector<1xf32>
        %squeeze3A_1541 = vector.extract %slice3A_1540[0] : f32 from vector<1xf32>
        %slice3A_1542 = vector.extract_strided_slice %get3A_1431 {offsets = [6], sizes = [1], strides = [1]} : vector<16xf32> to vector<1xf32>
        %squeeze3A_1543 = vector.extract %slice3A_1542[0] : f32 from vector<1xf32>
        %gt3A_1544 = vector.broadcast %squeeze3A_1541 : f32 to vector<16xf32>
        %gt3A_1545 = arith.cmpf ogt, %gt3A_1544, %get3A_119 : vector<16xf32>
        %eq3A_1546 = vector.broadcast %squeeze3A_1541 : f32 to vector<16xf32>
        %eq3A_1547 = arith.cmpf oeq, %eq3A_1546, %get3A_119 : vector<16xf32>
        %lt3A_1548 = vector.broadcast %squeeze3A_1543 : f32 to vector<16xf32>
        %lt3A_1549 = arith.cmpf olt, %lt3A_1548, %get3A_123 : vector<16xf32>
        %and3A_1550 = arith.andi %eq3A_1547, %lt3A_1549 : vector<16xi1>
        %or3A_1551 = arith.ori %gt3A_1545, %and3A_1550 : vector<16xi1>
        %jit3A_1552 = arith.constant 1.000000e+00 : f32
        %jit3A_1553 = arith.constant 0.000000e+00 : f32
        %broadcast_in_dim3A_1554 = vector.broadcast %jit3A_1552 : f32 to vector<16xf32>
        %broadcast_in_dim3A_1555 = vector.broadcast %jit3A_1553 : f32 to vector<16xf32>
        %select_n3A_1556 = arith.select %or3A_1551, %broadcast_in_dim3A_1554, %broadcast_in_dim3A_1555 : vector<16xi1>, vector<16xf32>
        %add3A_1557 = arith.addf %add3A_1539, %select_n3A_1556 : vector<16xf32>
        %slice3A_1558 = vector.extract_strided_slice %get3A_1427 {offsets = [7], sizes = [1], strides = [1]} : vector<16xf32> to vector<1xf32>
        %squeeze3A_1559 = vector.extract %slice3A_1558[0] : f32 from vector<1xf32>
        %slice3A_1560 = vector.extract_strided_slice %get3A_1431 {offsets = [7], sizes = [1], strides = [1]} : vector<16xf32> to vector<1xf32>
        %squeeze3A_1561 = vector.extract %slice3A_1560[0] : f32 from vector<1xf32>
        %gt3A_1562 = vector.broadcast %squeeze3A_1559 : f32 to vector<16xf32>
        %gt3A_1563 = arith.cmpf ogt, %gt3A_1562, %get3A_119 : vector<16xf32>
        %eq3A_1564 = vector.broadcast %squeeze3A_1559 : f32 to vector<16xf32>
        %eq3A_1565 = arith.cmpf oeq, %eq3A_1564, %get3A_119 : vector<16xf32>
        %lt3A_1566 = vector.broadcast %squeeze3A_1561 : f32 to vector<16xf32>
        %lt3A_1567 = arith.cmpf olt, %lt3A_1566, %get3A_123 : vector<16xf32>
        %and3A_1568 = arith.andi %eq3A_1565, %lt3A_1567 : vector<16xi1>
        %or3A_1569 = arith.ori %gt3A_1563, %and3A_1568 : vector<16xi1>
        %jit3A_1570 = arith.constant 1.000000e+00 : f32
        %jit3A_1571 = arith.constant 0.000000e+00 : f32
        %broadcast_in_dim3A_1572 = vector.broadcast %jit3A_1570 : f32 to vector<16xf32>
        %broadcast_in_dim3A_1573 = vector.broadcast %jit3A_1571 : f32 to vector<16xf32>
        %select_n3A_1574 = arith.select %or3A_1569, %broadcast_in_dim3A_1572, %broadcast_in_dim3A_1573 : vector<16xi1>, vector<16xf32>
        %add3A_1575 = arith.addf %add3A_1557, %select_n3A_1574 : vector<16xf32>
        %slice3A_1576 = vector.extract_strided_slice %get3A_1427 {offsets = [8], sizes = [1], strides = [1]} : vector<16xf32> to vector<1xf32>
        %squeeze3A_1577 = vector.extract %slice3A_1576[0] : f32 from vector<1xf32>
        %slice3A_1578 = vector.extract_strided_slice %get3A_1431 {offsets = [8], sizes = [1], strides = [1]} : vector<16xf32> to vector<1xf32>
        %squeeze3A_1579 = vector.extract %slice3A_1578[0] : f32 from vector<1xf32>
        %gt3A_1580 = vector.broadcast %squeeze3A_1577 : f32 to vector<16xf32>
        %gt3A_1581 = arith.cmpf ogt, %gt3A_1580, %get3A_119 : vector<16xf32>
        %eq3A_1582 = vector.broadcast %squeeze3A_1577 : f32 to vector<16xf32>
        %eq3A_1583 = arith.cmpf oeq, %eq3A_1582, %get3A_119 : vector<16xf32>
        %lt3A_1584 = vector.broadcast %squeeze3A_1579 : f32 to vector<16xf32>
        %lt3A_1585 = arith.cmpf olt, %lt3A_1584, %get3A_123 : vector<16xf32>
        %and3A_1586 = arith.andi %eq3A_1583, %lt3A_1585 : vector<16xi1>
        %or3A_1587 = arith.ori %gt3A_1581, %and3A_1586 : vector<16xi1>
        %jit3A_1588 = arith.constant 1.000000e+00 : f32
        %jit3A_1589 = arith.constant 0.000000e+00 : f32
        %broadcast_in_dim3A_1590 = vector.broadcast %jit3A_1588 : f32 to vector<16xf32>
        %broadcast_in_dim3A_1591 = vector.broadcast %jit3A_1589 : f32 to vector<16xf32>
        %select_n3A_1592 = arith.select %or3A_1587, %broadcast_in_dim3A_1590, %broadcast_in_dim3A_1591 : vector<16xi1>, vector<16xf32>
        %add3A_1593 = arith.addf %add3A_1575, %select_n3A_1592 : vector<16xf32>
        %slice3A_1594 = vector.extract_strided_slice %get3A_1427 {offsets = [9], sizes = [1], strides = [1]} : vector<16xf32> to vector<1xf32>
        %squeeze3A_1595 = vector.extract %slice3A_1594[0] : f32 from vector<1xf32>
        %slice3A_1596 = vector.extract_strided_slice %get3A_1431 {offsets = [9], sizes = [1], strides = [1]} : vector<16xf32> to vector<1xf32>
        %squeeze3A_1597 = vector.extract %slice3A_1596[0] : f32 from vector<1xf32>
        %gt3A_1598 = vector.broadcast %squeeze3A_1595 : f32 to vector<16xf32>
        %gt3A_1599 = arith.cmpf ogt, %gt3A_1598, %get3A_119 : vector<16xf32>
        %eq3A_1600 = vector.broadcast %squeeze3A_1595 : f32 to vector<16xf32>
        %eq3A_1601 = arith.cmpf oeq, %eq3A_1600, %get3A_119 : vector<16xf32>
        %lt3A_1602 = vector.broadcast %squeeze3A_1597 : f32 to vector<16xf32>
        %lt3A_1603 = arith.cmpf olt, %lt3A_1602, %get3A_123 : vector<16xf32>
        %and3A_1604 = arith.andi %eq3A_1601, %lt3A_1603 : vector<16xi1>
        %or3A_1605 = arith.ori %gt3A_1599, %and3A_1604 : vector<16xi1>
        %jit3A_1606 = arith.constant 1.000000e+00 : f32
        %jit3A_1607 = arith.constant 0.000000e+00 : f32
        %broadcast_in_dim3A_1608 = vector.broadcast %jit3A_1606 : f32 to vector<16xf32>
        %broadcast_in_dim3A_1609 = vector.broadcast %jit3A_1607 : f32 to vector<16xf32>
        %select_n3A_1610 = arith.select %or3A_1605, %broadcast_in_dim3A_1608, %broadcast_in_dim3A_1609 : vector<16xi1>, vector<16xf32>
        %add3A_1611 = arith.addf %add3A_1593, %select_n3A_1610 : vector<16xf32>
        %slice3A_1612 = vector.extract_strided_slice %get3A_1427 {offsets = [10], sizes = [1], strides = [1]} : vector<16xf32> to vector<1xf32>
        %squeeze3A_1613 = vector.extract %slice3A_1612[0] : f32 from vector<1xf32>
        %slice3A_1614 = vector.extract_strided_slice %get3A_1431 {offsets = [10], sizes = [1], strides = [1]} : vector<16xf32> to vector<1xf32>
        %squeeze3A_1615 = vector.extract %slice3A_1614[0] : f32 from vector<1xf32>
        %gt3A_1616 = vector.broadcast %squeeze3A_1613 : f32 to vector<16xf32>
        %gt3A_1617 = arith.cmpf ogt, %gt3A_1616, %get3A_119 : vector<16xf32>
        %eq3A_1618 = vector.broadcast %squeeze3A_1613 : f32 to vector<16xf32>
        %eq3A_1619 = arith.cmpf oeq, %eq3A_1618, %get3A_119 : vector<16xf32>
        %lt3A_1620 = vector.broadcast %squeeze3A_1615 : f32 to vector<16xf32>
        %lt3A_1621 = arith.cmpf olt, %lt3A_1620, %get3A_123 : vector<16xf32>
        %and3A_1622 = arith.andi %eq3A_1619, %lt3A_1621 : vector<16xi1>
        %or3A_1623 = arith.ori %gt3A_1617, %and3A_1622 : vector<16xi1>
        %jit3A_1624 = arith.constant 1.000000e+00 : f32
        %jit3A_1625 = arith.constant 0.000000e+00 : f32
        %broadcast_in_dim3A_1626 = vector.broadcast %jit3A_1624 : f32 to vector<16xf32>
        %broadcast_in_dim3A_1627 = vector.broadcast %jit3A_1625 : f32 to vector<16xf32>
        %select_n3A_1628 = arith.select %or3A_1623, %broadcast_in_dim3A_1626, %broadcast_in_dim3A_1627 : vector<16xi1>, vector<16xf32>
        %add3A_1629 = arith.addf %add3A_1611, %select_n3A_1628 : vector<16xf32>
        %slice3A_1630 = vector.extract_strided_slice %get3A_1427 {offsets = [11], sizes = [1], strides = [1]} : vector<16xf32> to vector<1xf32>
        %squeeze3A_1631 = vector.extract %slice3A_1630[0] : f32 from vector<1xf32>
        %slice3A_1632 = vector.extract_strided_slice %get3A_1431 {offsets = [11], sizes = [1], strides = [1]} : vector<16xf32> to vector<1xf32>
        %squeeze3A_1633 = vector.extract %slice3A_1632[0] : f32 from vector<1xf32>
        %gt3A_1634 = vector.broadcast %squeeze3A_1631 : f32 to vector<16xf32>
        %gt3A_1635 = arith.cmpf ogt, %gt3A_1634, %get3A_119 : vector<16xf32>
        %eq3A_1636 = vector.broadcast %squeeze3A_1631 : f32 to vector<16xf32>
        %eq3A_1637 = arith.cmpf oeq, %eq3A_1636, %get3A_119 : vector<16xf32>
        %lt3A_1638 = vector.broadcast %squeeze3A_1633 : f32 to vector<16xf32>
        %lt3A_1639 = arith.cmpf olt, %lt3A_1638, %get3A_123 : vector<16xf32>
        %and3A_1640 = arith.andi %eq3A_1637, %lt3A_1639 : vector<16xi1>
        %or3A_1641 = arith.ori %gt3A_1635, %and3A_1640 : vector<16xi1>
        %jit3A_1642 = arith.constant 1.000000e+00 : f32
        %jit3A_1643 = arith.constant 0.000000e+00 : f32
        %broadcast_in_dim3A_1644 = vector.broadcast %jit3A_1642 : f32 to vector<16xf32>
        %broadcast_in_dim3A_1645 = vector.broadcast %jit3A_1643 : f32 to vector<16xf32>
        %select_n3A_1646 = arith.select %or3A_1641, %broadcast_in_dim3A_1644, %broadcast_in_dim3A_1645 : vector<16xi1>, vector<16xf32>
        %add3A_1647 = arith.addf %add3A_1629, %select_n3A_1646 : vector<16xf32>
        %slice3A_1648 = vector.extract_strided_slice %get3A_1427 {offsets = [12], sizes = [1], strides = [1]} : vector<16xf32> to vector<1xf32>
        %squeeze3A_1649 = vector.extract %slice3A_1648[0] : f32 from vector<1xf32>
        %slice3A_1650 = vector.extract_strided_slice %get3A_1431 {offsets = [12], sizes = [1], strides = [1]} : vector<16xf32> to vector<1xf32>
        %squeeze3A_1651 = vector.extract %slice3A_1650[0] : f32 from vector<1xf32>
        %gt3A_1652 = vector.broadcast %squeeze3A_1649 : f32 to vector<16xf32>
        %gt3A_1653 = arith.cmpf ogt, %gt3A_1652, %get3A_119 : vector<16xf32>
        %eq3A_1654 = vector.broadcast %squeeze3A_1649 : f32 to vector<16xf32>
        %eq3A_1655 = arith.cmpf oeq, %eq3A_1654, %get3A_119 : vector<16xf32>
        %lt3A_1656 = vector.broadcast %squeeze3A_1651 : f32 to vector<16xf32>
        %lt3A_1657 = arith.cmpf olt, %lt3A_1656, %get3A_123 : vector<16xf32>
        %and3A_1658 = arith.andi %eq3A_1655, %lt3A_1657 : vector<16xi1>
        %or3A_1659 = arith.ori %gt3A_1653, %and3A_1658 : vector<16xi1>
        %jit3A_1660 = arith.constant 1.000000e+00 : f32
        %jit3A_1661 = arith.constant 0.000000e+00 : f32
        %broadcast_in_dim3A_1662 = vector.broadcast %jit3A_1660 : f32 to vector<16xf32>
        %broadcast_in_dim3A_1663 = vector.broadcast %jit3A_1661 : f32 to vector<16xf32>
        %select_n3A_1664 = arith.select %or3A_1659, %broadcast_in_dim3A_1662, %broadcast_in_dim3A_1663 : vector<16xi1>, vector<16xf32>
        %add3A_1665 = arith.addf %add3A_1647, %select_n3A_1664 : vector<16xf32>
        %slice3A_1666 = vector.extract_strided_slice %get3A_1427 {offsets = [13], sizes = [1], strides = [1]} : vector<16xf32> to vector<1xf32>
        %squeeze3A_1667 = vector.extract %slice3A_1666[0] : f32 from vector<1xf32>
        %slice3A_1668 = vector.extract_strided_slice %get3A_1431 {offsets = [13], sizes = [1], strides = [1]} : vector<16xf32> to vector<1xf32>
        %squeeze3A_1669 = vector.extract %slice3A_1668[0] : f32 from vector<1xf32>
        %gt3A_1670 = vector.broadcast %squeeze3A_1667 : f32 to vector<16xf32>
        %gt3A_1671 = arith.cmpf ogt, %gt3A_1670, %get3A_119 : vector<16xf32>
        %eq3A_1672 = vector.broadcast %squeeze3A_1667 : f32 to vector<16xf32>
        %eq3A_1673 = arith.cmpf oeq, %eq3A_1672, %get3A_119 : vector<16xf32>
        %lt3A_1674 = vector.broadcast %squeeze3A_1669 : f32 to vector<16xf32>
        %lt3A_1675 = arith.cmpf olt, %lt3A_1674, %get3A_123 : vector<16xf32>
        %and3A_1676 = arith.andi %eq3A_1673, %lt3A_1675 : vector<16xi1>
        %or3A_1677 = arith.ori %gt3A_1671, %and3A_1676 : vector<16xi1>
        %jit3A_1678 = arith.constant 1.000000e+00 : f32
        %jit3A_1679 = arith.constant 0.000000e+00 : f32
        %broadcast_in_dim3A_1680 = vector.broadcast %jit3A_1678 : f32 to vector<16xf32>
        %broadcast_in_dim3A_1681 = vector.broadcast %jit3A_1679 : f32 to vector<16xf32>
        %select_n3A_1682 = arith.select %or3A_1677, %broadcast_in_dim3A_1680, %broadcast_in_dim3A_1681 : vector<16xi1>, vector<16xf32>
        %add3A_1683 = arith.addf %add3A_1665, %select_n3A_1682 : vector<16xf32>
        %slice3A_1684 = vector.extract_strided_slice %get3A_1427 {offsets = [14], sizes = [1], strides = [1]} : vector<16xf32> to vector<1xf32>
        %squeeze3A_1685 = vector.extract %slice3A_1684[0] : f32 from vector<1xf32>
        %slice3A_1686 = vector.extract_strided_slice %get3A_1431 {offsets = [14], sizes = [1], strides = [1]} : vector<16xf32> to vector<1xf32>
        %squeeze3A_1687 = vector.extract %slice3A_1686[0] : f32 from vector<1xf32>
        %gt3A_1688 = vector.broadcast %squeeze3A_1685 : f32 to vector<16xf32>
        %gt3A_1689 = arith.cmpf ogt, %gt3A_1688, %get3A_119 : vector<16xf32>
        %eq3A_1690 = vector.broadcast %squeeze3A_1685 : f32 to vector<16xf32>
        %eq3A_1691 = arith.cmpf oeq, %eq3A_1690, %get3A_119 : vector<16xf32>
        %lt3A_1692 = vector.broadcast %squeeze3A_1687 : f32 to vector<16xf32>
        %lt3A_1693 = arith.cmpf olt, %lt3A_1692, %get3A_123 : vector<16xf32>
        %and3A_1694 = arith.andi %eq3A_1691, %lt3A_1693 : vector<16xi1>
        %or3A_1695 = arith.ori %gt3A_1689, %and3A_1694 : vector<16xi1>
        %jit3A_1696 = arith.constant 1.000000e+00 : f32
        %jit3A_1697 = arith.constant 0.000000e+00 : f32
        %broadcast_in_dim3A_1698 = vector.broadcast %jit3A_1696 : f32 to vector<16xf32>
        %broadcast_in_dim3A_1699 = vector.broadcast %jit3A_1697 : f32 to vector<16xf32>
        %select_n3A_1700 = arith.select %or3A_1695, %broadcast_in_dim3A_1698, %broadcast_in_dim3A_1699 : vector<16xi1>, vector<16xf32>
        %add3A_1701 = arith.addf %add3A_1683, %select_n3A_1700 : vector<16xf32>
        %slice3A_1702 = vector.extract_strided_slice %get3A_1427 {offsets = [15], sizes = [1], strides = [1]} : vector<16xf32> to vector<1xf32>
        %squeeze3A_1703 = vector.extract %slice3A_1702[0] : f32 from vector<1xf32>
        %slice3A_1704 = vector.extract_strided_slice %get3A_1431 {offsets = [15], sizes = [1], strides = [1]} : vector<16xf32> to vector<1xf32>
        %squeeze3A_1705 = vector.extract %slice3A_1704[0] : f32 from vector<1xf32>
        %gt3A_1706 = vector.broadcast %squeeze3A_1703 : f32 to vector<16xf32>
        %gt3A_1707 = arith.cmpf ogt, %gt3A_1706, %get3A_119 : vector<16xf32>
        %eq3A_1708 = vector.broadcast %squeeze3A_1703 : f32 to vector<16xf32>
        %eq3A_1709 = arith.cmpf oeq, %eq3A_1708, %get3A_119 : vector<16xf32>
        %lt3A_1710 = vector.broadcast %squeeze3A_1705 : f32 to vector<16xf32>
        %lt3A_1711 = arith.cmpf olt, %lt3A_1710, %get3A_123 : vector<16xf32>
        %and3A_1712 = arith.andi %eq3A_1709, %lt3A_1711 : vector<16xi1>
        %or3A_1713 = arith.ori %gt3A_1707, %and3A_1712 : vector<16xi1>
        %jit3A_1714 = arith.constant 1.000000e+00 : f32
        %jit3A_1715 = arith.constant 0.000000e+00 : f32
        %broadcast_in_dim3A_1716 = vector.broadcast %jit3A_1714 : f32 to vector<16xf32>
        %broadcast_in_dim3A_1717 = vector.broadcast %jit3A_1715 : f32 to vector<16xf32>
        %select_n3A_1718 = arith.select %or3A_1713, %broadcast_in_dim3A_1716, %broadcast_in_dim3A_1717 : vector<16xi1>, vector<16xf32>
        %add3A_1719 = arith.addf %add3A_1701, %select_n3A_1718 : vector<16xf32>
        %scan3A_1720 = arith.constant 2 : i32
        %scan3A_1721 = arith.addi %scan3A_1124, %scan3A_1720 : i32
        %mul3A_1722 = arith.constant 16 : i32
        %mul3A_1723 = arith.muli %scan3A_1721, %mul3A_1722 : i32
        %get3A_1724 = arith.index_cast %mul3A_1723 : i32 to index
        %get3A_1725 = tpu.vector_load %arg8[%get3A_1724] {strides = array<i32>} : memref<384xf32, #tpu.memory_space<vmem>>, vector<16xf32>,
        %mul3A_1726 = arith.constant 16 : i32
        %mul3A_1727 = arith.muli %scan3A_1721, %mul3A_1726 : i32
        %get3A_1728 = arith.index_cast %mul3A_1727 : i32 to index
        %get3A_1729 = tpu.vector_load %arg9[%get3A_1728] {strides = array<i32>} : memref<384xf32, #tpu.memory_space<vmem>>, vector<16xf32>,
        %slice3A_1730 = vector.extract_strided_slice %get3A_1725 {offsets = [0], sizes = [1], strides = [1]} : vector<16xf32> to vector<1xf32>
        %squeeze3A_1731 = vector.extract %slice3A_1730[0] : f32 from vector<1xf32>
        %slice3A_1732 = vector.extract_strided_slice %get3A_1729 {offsets = [0], sizes = [1], strides = [1]} : vector<16xf32> to vector<1xf32>
        %squeeze3A_1733 = vector.extract %slice3A_1732[0] : f32 from vector<1xf32>
        %gt3A_1734 = vector.broadcast %squeeze3A_1731 : f32 to vector<16xf32>
        %gt3A_1735 = arith.cmpf ogt, %gt3A_1734, %get3A_119 : vector<16xf32>
        %eq3A_1736 = vector.broadcast %squeeze3A_1731 : f32 to vector<16xf32>
        %eq3A_1737 = arith.cmpf oeq, %eq3A_1736, %get3A_119 : vector<16xf32>
        %lt3A_1738 = vector.broadcast %squeeze3A_1733 : f32 to vector<16xf32>
        %lt3A_1739 = arith.cmpf olt, %lt3A_1738, %get3A_123 : vector<16xf32>
        %and3A_1740 = arith.andi %eq3A_1737, %lt3A_1739 : vector<16xi1>
        %or3A_1741 = arith.ori %gt3A_1735, %and3A_1740 : vector<16xi1>
        %jit3A_1742 = arith.constant 1.000000e+00 : f32
        %jit3A_1743 = arith.constant 0.000000e+00 : f32
        %broadcast_in_dim3A_1744 = vector.broadcast %jit3A_1742 : f32 to vector<16xf32>
        %broadcast_in_dim3A_1745 = vector.broadcast %jit3A_1743 : f32 to vector<16xf32>
        %select_n3A_1746 = arith.select %or3A_1741, %broadcast_in_dim3A_1744, %broadcast_in_dim3A_1745 : vector<16xi1>, vector<16xf32>
        %add3A_1747 = arith.addf %add3A_1719, %select_n3A_1746 : vector<16xf32>
        %slice3A_1748 = vector.extract_strided_slice %get3A_1725 {offsets = [1], sizes = [1], strides = [1]} : vector<16xf32> to vector<1xf32>
        %squeeze3A_1749 = vector.extract %slice3A_1748[0] : f32 from vector<1xf32>
        %slice3A_1750 = vector.extract_strided_slice %get3A_1729 {offsets = [1], sizes = [1], strides = [1]} : vector<16xf32> to vector<1xf32>
        %squeeze3A_1751 = vector.extract %slice3A_1750[0] : f32 from vector<1xf32>
        %gt3A_1752 = vector.broadcast %squeeze3A_1749 : f32 to vector<16xf32>
        %gt3A_1753 = arith.cmpf ogt, %gt3A_1752, %get3A_119 : vector<16xf32>
        %eq3A_1754 = vector.broadcast %squeeze3A_1749 : f32 to vector<16xf32>
        %eq3A_1755 = arith.cmpf oeq, %eq3A_1754, %get3A_119 : vector<16xf32>
        %lt3A_1756 = vector.broadcast %squeeze3A_1751 : f32 to vector<16xf32>
        %lt3A_1757 = arith.cmpf olt, %lt3A_1756, %get3A_123 : vector<16xf32>
        %and3A_1758 = arith.andi %eq3A_1755, %lt3A_1757 : vector<16xi1>
        %or3A_1759 = arith.ori %gt3A_1753, %and3A_1758 : vector<16xi1>
        %jit3A_1760 = arith.constant 1.000000e+00 : f32
        %jit3A_1761 = arith.constant 0.000000e+00 : f32
        %broadcast_in_dim3A_1762 = vector.broadcast %jit3A_1760 : f32 to vector<16xf32>
        %broadcast_in_dim3A_1763 = vector.broadcast %jit3A_1761 : f32 to vector<16xf32>
        %select_n3A_1764 = arith.select %or3A_1759, %broadcast_in_dim3A_1762, %broadcast_in_dim3A_1763 : vector<16xi1>, vector<16xf32>
        %add3A_1765 = arith.addf %add3A_1747, %select_n3A_1764 : vector<16xf32>
        %slice3A_1766 = vector.extract_strided_slice %get3A_1725 {offsets = [2], sizes = [1], strides = [1]} : vector<16xf32> to vector<1xf32>
        %squeeze3A_1767 = vector.extract %slice3A_1766[0] : f32 from vector<1xf32>
        %slice3A_1768 = vector.extract_strided_slice %get3A_1729 {offsets = [2], sizes = [1], strides = [1]} : vector<16xf32> to vector<1xf32>
        %squeeze3A_1769 = vector.extract %slice3A_1768[0] : f32 from vector<1xf32>
        %gt3A_1770 = vector.broadcast %squeeze3A_1767 : f32 to vector<16xf32>
        %gt3A_1771 = arith.cmpf ogt, %gt3A_1770, %get3A_119 : vector<16xf32>
        %eq3A_1772 = vector.broadcast %squeeze3A_1767 : f32 to vector<16xf32>
        %eq3A_1773 = arith.cmpf oeq, %eq3A_1772, %get3A_119 : vector<16xf32>
        %lt3A_1774 = vector.broadcast %squeeze3A_1769 : f32 to vector<16xf32>
        %lt3A_1775 = arith.cmpf olt, %lt3A_1774, %get3A_123 : vector<16xf32>
        %and3A_1776 = arith.andi %eq3A_1773, %lt3A_1775 : vector<16xi1>
        %or3A_1777 = arith.ori %gt3A_1771, %and3A_1776 : vector<16xi1>
        %jit3A_1778 = arith.constant 1.000000e+00 : f32
        %jit3A_1779 = arith.constant 0.000000e+00 : f32
        %broadcast_in_dim3A_1780 = vector.broadcast %jit3A_1778 : f32 to vector<16xf32>
        %broadcast_in_dim3A_1781 = vector.broadcast %jit3A_1779 : f32 to vector<16xf32>
        %select_n3A_1782 = arith.select %or3A_1777, %broadcast_in_dim3A_1780, %broadcast_in_dim3A_1781 : vector<16xi1>, vector<16xf32>
        %add3A_1783 = arith.addf %add3A_1765, %select_n3A_1782 : vector<16xf32>
        %slice3A_1784 = vector.extract_strided_slice %get3A_1725 {offsets = [3], sizes = [1], strides = [1]} : vector<16xf32> to vector<1xf32>
        %squeeze3A_1785 = vector.extract %slice3A_1784[0] : f32 from vector<1xf32>
        %slice3A_1786 = vector.extract_strided_slice %get3A_1729 {offsets = [3], sizes = [1], strides = [1]} : vector<16xf32> to vector<1xf32>
        %squeeze3A_1787 = vector.extract %slice3A_1786[0] : f32 from vector<1xf32>
        %gt3A_1788 = vector.broadcast %squeeze3A_1785 : f32 to vector<16xf32>
        %gt3A_1789 = arith.cmpf ogt, %gt3A_1788, %get3A_119 : vector<16xf32>
        %eq3A_1790 = vector.broadcast %squeeze3A_1785 : f32 to vector<16xf32>
        %eq3A_1791 = arith.cmpf oeq, %eq3A_1790, %get3A_119 : vector<16xf32>
        %lt3A_1792 = vector.broadcast %squeeze3A_1787 : f32 to vector<16xf32>
        %lt3A_1793 = arith.cmpf olt, %lt3A_1792, %get3A_123 : vector<16xf32>
        %and3A_1794 = arith.andi %eq3A_1791, %lt3A_1793 : vector<16xi1>
        %or3A_1795 = arith.ori %gt3A_1789, %and3A_1794 : vector<16xi1>
        %jit3A_1796 = arith.constant 1.000000e+00 : f32
        %jit3A_1797 = arith.constant 0.000000e+00 : f32
        %broadcast_in_dim3A_1798 = vector.broadcast %jit3A_1796 : f32 to vector<16xf32>
        %broadcast_in_dim3A_1799 = vector.broadcast %jit3A_1797 : f32 to vector<16xf32>
        %select_n3A_1800 = arith.select %or3A_1795, %broadcast_in_dim3A_1798, %broadcast_in_dim3A_1799 : vector<16xi1>, vector<16xf32>
        %add3A_1801 = arith.addf %add3A_1783, %select_n3A_1800 : vector<16xf32>
        %slice3A_1802 = vector.extract_strided_slice %get3A_1725 {offsets = [4], sizes = [1], strides = [1]} : vector<16xf32> to vector<1xf32>
        %squeeze3A_1803 = vector.extract %slice3A_1802[0] : f32 from vector<1xf32>
        %slice3A_1804 = vector.extract_strided_slice %get3A_1729 {offsets = [4], sizes = [1], strides = [1]} : vector<16xf32> to vector<1xf32>
        %squeeze3A_1805 = vector.extract %slice3A_1804[0] : f32 from vector<1xf32>
        %gt3A_1806 = vector.broadcast %squeeze3A_1803 : f32 to vector<16xf32>
        %gt3A_1807 = arith.cmpf ogt, %gt3A_1806, %get3A_119 : vector<16xf32>
        %eq3A_1808 = vector.broadcast %squeeze3A_1803 : f32 to vector<16xf32>
        %eq3A_1809 = arith.cmpf oeq, %eq3A_1808, %get3A_119 : vector<16xf32>
        %lt3A_1810 = vector.broadcast %squeeze3A_1805 : f32 to vector<16xf32>
        %lt3A_1811 = arith.cmpf olt, %lt3A_1810, %get3A_123 : vector<16xf32>
        %and3A_1812 = arith.andi %eq3A_1809, %lt3A_1811 : vector<16xi1>
        %or3A_1813 = arith.ori %gt3A_1807, %and3A_1812 : vector<16xi1>
        %jit3A_1814 = arith.constant 1.000000e+00 : f32
        %jit3A_1815 = arith.constant 0.000000e+00 : f32
        %broadcast_in_dim3A_1816 = vector.broadcast %jit3A_1814 : f32 to vector<16xf32>
        %broadcast_in_dim3A_1817 = vector.broadcast %jit3A_1815 : f32 to vector<16xf32>
        %select_n3A_1818 = arith.select %or3A_1813, %broadcast_in_dim3A_1816, %broadcast_in_dim3A_1817 : vector<16xi1>, vector<16xf32>
        %add3A_1819 = arith.addf %add3A_1801, %select_n3A_1818 : vector<16xf32>
        %slice3A_1820 = vector.extract_strided_slice %get3A_1725 {offsets = [5], sizes = [1], strides = [1]} : vector<16xf32> to vector<1xf32>
        %squeeze3A_1821 = vector.extract %slice3A_1820[0] : f32 from vector<1xf32>
        %slice3A_1822 = vector.extract_strided_slice %get3A_1729 {offsets = [5], sizes = [1], strides = [1]} : vector<16xf32> to vector<1xf32>
        %squeeze3A_1823 = vector.extract %slice3A_1822[0] : f32 from vector<1xf32>
        %gt3A_1824 = vector.broadcast %squeeze3A_1821 : f32 to vector<16xf32>
        %gt3A_1825 = arith.cmpf ogt, %gt3A_1824, %get3A_119 : vector<16xf32>
        %eq3A_1826 = vector.broadcast %squeeze3A_1821 : f32 to vector<16xf32>
        %eq3A_1827 = arith.cmpf oeq, %eq3A_1826, %get3A_119 : vector<16xf32>
        %lt3A_1828 = vector.broadcast %squeeze3A_1823 : f32 to vector<16xf32>
        %lt3A_1829 = arith.cmpf olt, %lt3A_1828, %get3A_123 : vector<16xf32>
        %and3A_1830 = arith.andi %eq3A_1827, %lt3A_1829 : vector<16xi1>
        %or3A_1831 = arith.ori %gt3A_1825, %and3A_1830 : vector<16xi1>
        %jit3A_1832 = arith.constant 1.000000e+00 : f32
        %jit3A_1833 = arith.constant 0.000000e+00 : f32
        %broadcast_in_dim3A_1834 = vector.broadcast %jit3A_1832 : f32 to vector<16xf32>
        %broadcast_in_dim3A_1835 = vector.broadcast %jit3A_1833 : f32 to vector<16xf32>
        %select_n3A_1836 = arith.select %or3A_1831, %broadcast_in_dim3A_1834, %broadcast_in_dim3A_1835 : vector<16xi1>, vector<16xf32>
        %add3A_1837 = arith.addf %add3A_1819, %select_n3A_1836 : vector<16xf32>
        %slice3A_1838 = vector.extract_strided_slice %get3A_1725 {offsets = [6], sizes = [1], strides = [1]} : vector<16xf32> to vector<1xf32>
        %squeeze3A_1839 = vector.extract %slice3A_1838[0] : f32 from vector<1xf32>
        %slice3A_1840 = vector.extract_strided_slice %get3A_1729 {offsets = [6], sizes = [1], strides = [1]} : vector<16xf32> to vector<1xf32>
        %squeeze3A_1841 = vector.extract %slice3A_1840[0] : f32 from vector<1xf32>
        %gt3A_1842 = vector.broadcast %squeeze3A_1839 : f32 to vector<16xf32>
        %gt3A_1843 = arith.cmpf ogt, %gt3A_1842, %get3A_119 : vector<16xf32>
        %eq3A_1844 = vector.broadcast %squeeze3A_1839 : f32 to vector<16xf32>
        %eq3A_1845 = arith.cmpf oeq, %eq3A_1844, %get3A_119 : vector<16xf32>
        %lt3A_1846 = vector.broadcast %squeeze3A_1841 : f32 to vector<16xf32>
        %lt3A_1847 = arith.cmpf olt, %lt3A_1846, %get3A_123 : vector<16xf32>
        %and3A_1848 = arith.andi %eq3A_1845, %lt3A_1847 : vector<16xi1>
        %or3A_1849 = arith.ori %gt3A_1843, %and3A_1848 : vector<16xi1>
        %jit3A_1850 = arith.constant 1.000000e+00 : f32
        %jit3A_1851 = arith.constant 0.000000e+00 : f32
        %broadcast_in_dim3A_1852 = vector.broadcast %jit3A_1850 : f32 to vector<16xf32>
        %broadcast_in_dim3A_1853 = vector.broadcast %jit3A_1851 : f32 to vector<16xf32>
        %select_n3A_1854 = arith.select %or3A_1849, %broadcast_in_dim3A_1852, %broadcast_in_dim3A_1853 : vector<16xi1>, vector<16xf32>
        %add3A_1855 = arith.addf %add3A_1837, %select_n3A_1854 : vector<16xf32>
        %slice3A_1856 = vector.extract_strided_slice %get3A_1725 {offsets = [7], sizes = [1], strides = [1]} : vector<16xf32> to vector<1xf32>
        %squeeze3A_1857 = vector.extract %slice3A_1856[0] : f32 from vector<1xf32>
        %slice3A_1858 = vector.extract_strided_slice %get3A_1729 {offsets = [7], sizes = [1], strides = [1]} : vector<16xf32> to vector<1xf32>
        %squeeze3A_1859 = vector.extract %slice3A_1858[0] : f32 from vector<1xf32>
        %gt3A_1860 = vector.broadcast %squeeze3A_1857 : f32 to vector<16xf32>
        %gt3A_1861 = arith.cmpf ogt, %gt3A_1860, %get3A_119 : vector<16xf32>
        %eq3A_1862 = vector.broadcast %squeeze3A_1857 : f32 to vector<16xf32>
        %eq3A_1863 = arith.cmpf oeq, %eq3A_1862, %get3A_119 : vector<16xf32>
        %lt3A_1864 = vector.broadcast %squeeze3A_1859 : f32 to vector<16xf32>
        %lt3A_1865 = arith.cmpf olt, %lt3A_1864, %get3A_123 : vector<16xf32>
        %and3A_1866 = arith.andi %eq3A_1863, %lt3A_1865 : vector<16xi1>
        %or3A_1867 = arith.ori %gt3A_1861, %and3A_1866 : vector<16xi1>
        %jit3A_1868 = arith.constant 1.000000e+00 : f32
        %jit3A_1869 = arith.constant 0.000000e+00 : f32
        %broadcast_in_dim3A_1870 = vector.broadcast %jit3A_1868 : f32 to vector<16xf32>
        %broadcast_in_dim3A_1871 = vector.broadcast %jit3A_1869 : f32 to vector<16xf32>
        %select_n3A_1872 = arith.select %or3A_1867, %broadcast_in_dim3A_1870, %broadcast_in_dim3A_1871 : vector<16xi1>, vector<16xf32>
        %add3A_1873 = arith.addf %add3A_1855, %select_n3A_1872 : vector<16xf32>
        %slice3A_1874 = vector.extract_strided_slice %get3A_1725 {offsets = [8], sizes = [1], strides = [1]} : vector<16xf32> to vector<1xf32>
        %squeeze3A_1875 = vector.extract %slice3A_1874[0] : f32 from vector<1xf32>
        %slice3A_1876 = vector.extract_strided_slice %get3A_1729 {offsets = [8], sizes = [1], strides = [1]} : vector<16xf32> to vector<1xf32>
        %squeeze3A_1877 = vector.extract %slice3A_1876[0] : f32 from vector<1xf32>
        %gt3A_1878 = vector.broadcast %squeeze3A_1875 : f32 to vector<16xf32>
        %gt3A_1879 = arith.cmpf ogt, %gt3A_1878, %get3A_119 : vector<16xf32>
        %eq3A_1880 = vector.broadcast %squeeze3A_1875 : f32 to vector<16xf32>
        %eq3A_1881 = arith.cmpf oeq, %eq3A_1880, %get3A_119 : vector<16xf32>
        %lt3A_1882 = vector.broadcast %squeeze3A_1877 : f32 to vector<16xf32>
        %lt3A_1883 = arith.cmpf olt, %lt3A_1882, %get3A_123 : vector<16xf32>
        %and3A_1884 = arith.andi %eq3A_1881, %lt3A_1883 : vector<16xi1>
        %or3A_1885 = arith.ori %gt3A_1879, %and3A_1884 : vector<16xi1>
        %jit3A_1886 = arith.constant 1.000000e+00 : f32
        %jit3A_1887 = arith.constant 0.000000e+00 : f32
        %broadcast_in_dim3A_1888 = vector.broadcast %jit3A_1886 : f32 to vector<16xf32>
        %broadcast_in_dim3A_1889 = vector.broadcast %jit3A_1887 : f32 to vector<16xf32>
        %select_n3A_1890 = arith.select %or3A_1885, %broadcast_in_dim3A_1888, %broadcast_in_dim3A_1889 : vector<16xi1>, vector<16xf32>
        %add3A_1891 = arith.addf %add3A_1873, %select_n3A_1890 : vector<16xf32>
        %slice3A_1892 = vector.extract_strided_slice %get3A_1725 {offsets = [9], sizes = [1], strides = [1]} : vector<16xf32> to vector<1xf32>
        %squeeze3A_1893 = vector.extract %slice3A_1892[0] : f32 from vector<1xf32>
        %slice3A_1894 = vector.extract_strided_slice %get3A_1729 {offsets = [9], sizes = [1], strides = [1]} : vector<16xf32> to vector<1xf32>
        %squeeze3A_1895 = vector.extract %slice3A_1894[0] : f32 from vector<1xf32>
        %gt3A_1896 = vector.broadcast %squeeze3A_1893 : f32 to vector<16xf32>
        %gt3A_1897 = arith.cmpf ogt, %gt3A_1896, %get3A_119 : vector<16xf32>
        %eq3A_1898 = vector.broadcast %squeeze3A_1893 : f32 to vector<16xf32>
        %eq3A_1899 = arith.cmpf oeq, %eq3A_1898, %get3A_119 : vector<16xf32>
        %lt3A_1900 = vector.broadcast %squeeze3A_1895 : f32 to vector<16xf32>
        %lt3A_1901 = arith.cmpf olt, %lt3A_1900, %get3A_123 : vector<16xf32>
        %and3A_1902 = arith.andi %eq3A_1899, %lt3A_1901 : vector<16xi1>
        %or3A_1903 = arith.ori %gt3A_1897, %and3A_1902 : vector<16xi1>
        %jit3A_1904 = arith.constant 1.000000e+00 : f32
        %jit3A_1905 = arith.constant 0.000000e+00 : f32
        %broadcast_in_dim3A_1906 = vector.broadcast %jit3A_1904 : f32 to vector<16xf32>
        %broadcast_in_dim3A_1907 = vector.broadcast %jit3A_1905 : f32 to vector<16xf32>
        %select_n3A_1908 = arith.select %or3A_1903, %broadcast_in_dim3A_1906, %broadcast_in_dim3A_1907 : vector<16xi1>, vector<16xf32>
        %add3A_1909 = arith.addf %add3A_1891, %select_n3A_1908 : vector<16xf32>
        %slice3A_1910 = vector.extract_strided_slice %get3A_1725 {offsets = [10], sizes = [1], strides = [1]} : vector<16xf32> to vector<1xf32>
        %squeeze3A_1911 = vector.extract %slice3A_1910[0] : f32 from vector<1xf32>
        %slice3A_1912 = vector.extract_strided_slice %get3A_1729 {offsets = [10], sizes = [1], strides = [1]} : vector<16xf32> to vector<1xf32>
        %squeeze3A_1913 = vector.extract %slice3A_1912[0] : f32 from vector<1xf32>
        %gt3A_1914 = vector.broadcast %squeeze3A_1911 : f32 to vector<16xf32>
        %gt3A_1915 = arith.cmpf ogt, %gt3A_1914, %get3A_119 : vector<16xf32>
        %eq3A_1916 = vector.broadcast %squeeze3A_1911 : f32 to vector<16xf32>
        %eq3A_1917 = arith.cmpf oeq, %eq3A_1916, %get3A_119 : vector<16xf32>
        %lt3A_1918 = vector.broadcast %squeeze3A_1913 : f32 to vector<16xf32>
        %lt3A_1919 = arith.cmpf olt, %lt3A_1918, %get3A_123 : vector<16xf32>
        %and3A_1920 = arith.andi %eq3A_1917, %lt3A_1919 : vector<16xi1>
        %or3A_1921 = arith.ori %gt3A_1915, %and3A_1920 : vector<16xi1>
        %jit3A_1922 = arith.constant 1.000000e+00 : f32
        %jit3A_1923 = arith.constant 0.000000e+00 : f32
        %broadcast_in_dim3A_1924 = vector.broadcast %jit3A_1922 : f32 to vector<16xf32>
        %broadcast_in_dim3A_1925 = vector.broadcast %jit3A_1923 : f32 to vector<16xf32>
        %select_n3A_1926 = arith.select %or3A_1921, %broadcast_in_dim3A_1924, %broadcast_in_dim3A_1925 : vector<16xi1>, vector<16xf32>
        %add3A_1927 = arith.addf %add3A_1909, %select_n3A_1926 : vector<16xf32>
        %slice3A_1928 = vector.extract_strided_slice %get3A_1725 {offsets = [11], sizes = [1], strides = [1]} : vector<16xf32> to vector<1xf32>
        %squeeze3A_1929 = vector.extract %slice3A_1928[0] : f32 from vector<1xf32>
        %slice3A_1930 = vector.extract_strided_slice %get3A_1729 {offsets = [11], sizes = [1], strides = [1]} : vector<16xf32> to vector<1xf32>
        %squeeze3A_1931 = vector.extract %slice3A_1930[0] : f32 from vector<1xf32>
        %gt3A_1932 = vector.broadcast %squeeze3A_1929 : f32 to vector<16xf32>
        %gt3A_1933 = arith.cmpf ogt, %gt3A_1932, %get3A_119 : vector<16xf32>
        %eq3A_1934 = vector.broadcast %squeeze3A_1929 : f32 to vector<16xf32>
        %eq3A_1935 = arith.cmpf oeq, %eq3A_1934, %get3A_119 : vector<16xf32>
        %lt3A_1936 = vector.broadcast %squeeze3A_1931 : f32 to vector<16xf32>
        %lt3A_1937 = arith.cmpf olt, %lt3A_1936, %get3A_123 : vector<16xf32>
        %and3A_1938 = arith.andi %eq3A_1935, %lt3A_1937 : vector<16xi1>
        %or3A_1939 = arith.ori %gt3A_1933, %and3A_1938 : vector<16xi1>
        %jit3A_1940 = arith.constant 1.000000e+00 : f32
        %jit3A_1941 = arith.constant 0.000000e+00 : f32
        %broadcast_in_dim3A_1942 = vector.broadcast %jit3A_1940 : f32 to vector<16xf32>
        %broadcast_in_dim3A_1943 = vector.broadcast %jit3A_1941 : f32 to vector<16xf32>
        %select_n3A_1944 = arith.select %or3A_1939, %broadcast_in_dim3A_1942, %broadcast_in_dim3A_1943 : vector<16xi1>, vector<16xf32>
        %add3A_1945 = arith.addf %add3A_1927, %select_n3A_1944 : vector<16xf32>
        %slice3A_1946 = vector.extract_strided_slice %get3A_1725 {offsets = [12], sizes = [1], strides = [1]} : vector<16xf32> to vector<1xf32>
        %squeeze3A_1947 = vector.extract %slice3A_1946[0] : f32 from vector<1xf32>
        %slice3A_1948 = vector.extract_strided_slice %get3A_1729 {offsets = [12], sizes = [1], strides = [1]} : vector<16xf32> to vector<1xf32>
        %squeeze3A_1949 = vector.extract %slice3A_1948[0] : f32 from vector<1xf32>
        %gt3A_1950 = vector.broadcast %squeeze3A_1947 : f32 to vector<16xf32>
        %gt3A_1951 = arith.cmpf ogt, %gt3A_1950, %get3A_119 : vector<16xf32>
        %eq3A_1952 = vector.broadcast %squeeze3A_1947 : f32 to vector<16xf32>
        %eq3A_1953 = arith.cmpf oeq, %eq3A_1952, %get3A_119 : vector<16xf32>
        %lt3A_1954 = vector.broadcast %squeeze3A_1949 : f32 to vector<16xf32>
        %lt3A_1955 = arith.cmpf olt, %lt3A_1954, %get3A_123 : vector<16xf32>
        %and3A_1956 = arith.andi %eq3A_1953, %lt3A_1955 : vector<16xi1>
        %or3A_1957 = arith.ori %gt3A_1951, %and3A_1956 : vector<16xi1>
        %jit3A_1958 = arith.constant 1.000000e+00 : f32
        %jit3A_1959 = arith.constant 0.000000e+00 : f32
        %broadcast_in_dim3A_1960 = vector.broadcast %jit3A_1958 : f32 to vector<16xf32>
        %broadcast_in_dim3A_1961 = vector.broadcast %jit3A_1959 : f32 to vector<16xf32>
        %select_n3A_1962 = arith.select %or3A_1957, %broadcast_in_dim3A_1960, %broadcast_in_dim3A_1961 : vector<16xi1>, vector<16xf32>
        %add3A_1963 = arith.addf %add3A_1945, %select_n3A_1962 : vector<16xf32>
        %slice3A_1964 = vector.extract_strided_slice %get3A_1725 {offsets = [13], sizes = [1], strides = [1]} : vector<16xf32> to vector<1xf32>
        %squeeze3A_1965 = vector.extract %slice3A_1964[0] : f32 from vector<1xf32>
        %slice3A_1966 = vector.extract_strided_slice %get3A_1729 {offsets = [13], sizes = [1], strides = [1]} : vector<16xf32> to vector<1xf32>
        %squeeze3A_1967 = vector.extract %slice3A_1966[0] : f32 from vector<1xf32>
        %gt3A_1968 = vector.broadcast %squeeze3A_1965 : f32 to vector<16xf32>
        %gt3A_1969 = arith.cmpf ogt, %gt3A_1968, %get3A_119 : vector<16xf32>
        %eq3A_1970 = vector.broadcast %squeeze3A_1965 : f32 to vector<16xf32>
        %eq3A_1971 = arith.cmpf oeq, %eq3A_1970, %get3A_119 : vector<16xf32>
        %lt3A_1972 = vector.broadcast %squeeze3A_1967 : f32 to vector<16xf32>
        %lt3A_1973 = arith.cmpf olt, %lt3A_1972, %get3A_123 : vector<16xf32>
        %and3A_1974 = arith.andi %eq3A_1971, %lt3A_1973 : vector<16xi1>
        %or3A_1975 = arith.ori %gt3A_1969, %and3A_1974 : vector<16xi1>
        %jit3A_1976 = arith.constant 1.000000e+00 : f32
        %jit3A_1977 = arith.constant 0.000000e+00 : f32
        %broadcast_in_dim3A_1978 = vector.broadcast %jit3A_1976 : f32 to vector<16xf32>
        %broadcast_in_dim3A_1979 = vector.broadcast %jit3A_1977 : f32 to vector<16xf32>
        %select_n3A_1980 = arith.select %or3A_1975, %broadcast_in_dim3A_1978, %broadcast_in_dim3A_1979 : vector<16xi1>, vector<16xf32>
        %add3A_1981 = arith.addf %add3A_1963, %select_n3A_1980 : vector<16xf32>
        %slice3A_1982 = vector.extract_strided_slice %get3A_1725 {offsets = [14], sizes = [1], strides = [1]} : vector<16xf32> to vector<1xf32>
        %squeeze3A_1983 = vector.extract %slice3A_1982[0] : f32 from vector<1xf32>
        %slice3A_1984 = vector.extract_strided_slice %get3A_1729 {offsets = [14], sizes = [1], strides = [1]} : vector<16xf32> to vector<1xf32>
        %squeeze3A_1985 = vector.extract %slice3A_1984[0] : f32 from vector<1xf32>
        %gt3A_1986 = vector.broadcast %squeeze3A_1983 : f32 to vector<16xf32>
        %gt3A_1987 = arith.cmpf ogt, %gt3A_1986, %get3A_119 : vector<16xf32>
        %eq3A_1988 = vector.broadcast %squeeze3A_1983 : f32 to vector<16xf32>
        %eq3A_1989 = arith.cmpf oeq, %eq3A_1988, %get3A_119 : vector<16xf32>
        %lt3A_1990 = vector.broadcast %squeeze3A_1985 : f32 to vector<16xf32>
        %lt3A_1991 = arith.cmpf olt, %lt3A_1990, %get3A_123 : vector<16xf32>
        %and3A_1992 = arith.andi %eq3A_1989, %lt3A_1991 : vector<16xi1>
        %or3A_1993 = arith.ori %gt3A_1987, %and3A_1992 : vector<16xi1>
        %jit3A_1994 = arith.constant 1.000000e+00 : f32
        %jit3A_1995 = arith.constant 0.000000e+00 : f32
        %broadcast_in_dim3A_1996 = vector.broadcast %jit3A_1994 : f32 to vector<16xf32>
        %broadcast_in_dim3A_1997 = vector.broadcast %jit3A_1995 : f32 to vector<16xf32>
        %select_n3A_1998 = arith.select %or3A_1993, %broadcast_in_dim3A_1996, %broadcast_in_dim3A_1997 : vector<16xi1>, vector<16xf32>
        %add3A_1999 = arith.addf %add3A_1981, %select_n3A_1998 : vector<16xf32>
        %slice3A_2000 = vector.extract_strided_slice %get3A_1725 {offsets = [15], sizes = [1], strides = [1]} : vector<16xf32> to vector<1xf32>
        %squeeze3A_2001 = vector.extract %slice3A_2000[0] : f32 from vector<1xf32>
        %slice3A_2002 = vector.extract_strided_slice %get3A_1729 {offsets = [15], sizes = [1], strides = [1]} : vector<16xf32> to vector<1xf32>
        %squeeze3A_2003 = vector.extract %slice3A_2002[0] : f32 from vector<1xf32>
        %gt3A_2004 = vector.broadcast %squeeze3A_2001 : f32 to vector<16xf32>
        %gt3A_2005 = arith.cmpf ogt, %gt3A_2004, %get3A_119 : vector<16xf32>
        %eq3A_2006 = vector.broadcast %squeeze3A_2001 : f32 to vector<16xf32>
        %eq3A_2007 = arith.cmpf oeq, %eq3A_2006, %get3A_119 : vector<16xf32>
        %lt3A_2008 = vector.broadcast %squeeze3A_2003 : f32 to vector<16xf32>
        %lt3A_2009 = arith.cmpf olt, %lt3A_2008, %get3A_123 : vector<16xf32>
        %and3A_2010 = arith.andi %eq3A_2007, %lt3A_2009 : vector<16xi1>
        %or3A_2011 = arith.ori %gt3A_2005, %and3A_2010 : vector<16xi1>
        %jit3A_2012 = arith.constant 1.000000e+00 : f32
        %jit3A_2013 = arith.constant 0.000000e+00 : f32
        %broadcast_in_dim3A_2014 = vector.broadcast %jit3A_2012 : f32 to vector<16xf32>
        %broadcast_in_dim3A_2015 = vector.broadcast %jit3A_2013 : f32 to vector<16xf32>
        %select_n3A_2016 = arith.select %or3A_2011, %broadcast_in_dim3A_2014, %broadcast_in_dim3A_2015 : vector<16xi1>, vector<16xf32>
        %add3A_2017 = arith.addf %add3A_1999, %select_n3A_2016 : vector<16xf32>
        %scan3A_2018 = arith.constant 3 : i32
        %scan3A_2019 = arith.addi %scan3A_1124, %scan3A_2018 : i32
        %mul3A_2020 = arith.constant 16 : i32
        %mul3A_2021 = arith.muli %scan3A_2019, %mul3A_2020 : i32
        %get3A_2022 = arith.index_cast %mul3A_2021 : i32 to index
        %get3A_2023 = tpu.vector_load %arg8[%get3A_2022] {strides = array<i32>} : memref<384xf32, #tpu.memory_space<vmem>>, vector<16xf32>,
        %mul3A_2024 = arith.constant 16 : i32
        %mul3A_2025 = arith.muli %scan3A_2019, %mul3A_2024 : i32
        %get3A_2026 = arith.index_cast %mul3A_2025 : i32 to index
        %get3A_2027 = tpu.vector_load %arg9[%get3A_2026] {strides = array<i32>} : memref<384xf32, #tpu.memory_space<vmem>>, vector<16xf32>,
        %slice3A_2028 = vector.extract_strided_slice %get3A_2023 {offsets = [0], sizes = [1], strides = [1]} : vector<16xf32> to vector<1xf32>
        %squeeze3A_2029 = vector.extract %slice3A_2028[0] : f32 from vector<1xf32>
        %slice3A_2030 = vector.extract_strided_slice %get3A_2027 {offsets = [0], sizes = [1], strides = [1]} : vector<16xf32> to vector<1xf32>
        %squeeze3A_2031 = vector.extract %slice3A_2030[0] : f32 from vector<1xf32>
        %gt3A_2032 = vector.broadcast %squeeze3A_2029 : f32 to vector<16xf32>
        %gt3A_2033 = arith.cmpf ogt, %gt3A_2032, %get3A_119 : vector<16xf32>
        %eq3A_2034 = vector.broadcast %squeeze3A_2029 : f32 to vector<16xf32>
        %eq3A_2035 = arith.cmpf oeq, %eq3A_2034, %get3A_119 : vector<16xf32>
        %lt3A_2036 = vector.broadcast %squeeze3A_2031 : f32 to vector<16xf32>
        %lt3A_2037 = arith.cmpf olt, %lt3A_2036, %get3A_123 : vector<16xf32>
        %and3A_2038 = arith.andi %eq3A_2035, %lt3A_2037 : vector<16xi1>
        %or3A_2039 = arith.ori %gt3A_2033, %and3A_2038 : vector<16xi1>
        %jit3A_2040 = arith.constant 1.000000e+00 : f32
        %jit3A_2041 = arith.constant 0.000000e+00 : f32
        %broadcast_in_dim3A_2042 = vector.broadcast %jit3A_2040 : f32 to vector<16xf32>
        %broadcast_in_dim3A_2043 = vector.broadcast %jit3A_2041 : f32 to vector<16xf32>
        %select_n3A_2044 = arith.select %or3A_2039, %broadcast_in_dim3A_2042, %broadcast_in_dim3A_2043 : vector<16xi1>, vector<16xf32>
        %add3A_2045 = arith.addf %add3A_2017, %select_n3A_2044 : vector<16xf32>
        %slice3A_2046 = vector.extract_strided_slice %get3A_2023 {offsets = [1], sizes = [1], strides = [1]} : vector<16xf32> to vector<1xf32>
        %squeeze3A_2047 = vector.extract %slice3A_2046[0] : f32 from vector<1xf32>
        %slice3A_2048 = vector.extract_strided_slice %get3A_2027 {offsets = [1], sizes = [1], strides = [1]} : vector<16xf32> to vector<1xf32>
        %squeeze3A_2049 = vector.extract %slice3A_2048[0] : f32 from vector<1xf32>
        %gt3A_2050 = vector.broadcast %squeeze3A_2047 : f32 to vector<16xf32>
        %gt3A_2051 = arith.cmpf ogt, %gt3A_2050, %get3A_119 : vector<16xf32>
        %eq3A_2052 = vector.broadcast %squeeze3A_2047 : f32 to vector<16xf32>
        %eq3A_2053 = arith.cmpf oeq, %eq3A_2052, %get3A_119 : vector<16xf32>
        %lt3A_2054 = vector.broadcast %squeeze3A_2049 : f32 to vector<16xf32>
        %lt3A_2055 = arith.cmpf olt, %lt3A_2054, %get3A_123 : vector<16xf32>
        %and3A_2056 = arith.andi %eq3A_2053, %lt3A_2055 : vector<16xi1>
        %or3A_2057 = arith.ori %gt3A_2051, %and3A_2056 : vector<16xi1>
        %jit3A_2058 = arith.constant 1.000000e+00 : f32
        %jit3A_2059 = arith.constant 0.000000e+00 : f32
        %broadcast_in_dim3A_2060 = vector.broadcast %jit3A_2058 : f32 to vector<16xf32>
        %broadcast_in_dim3A_2061 = vector.broadcast %jit3A_2059 : f32 to vector<16xf32>
        %select_n3A_2062 = arith.select %or3A_2057, %broadcast_in_dim3A_2060, %broadcast_in_dim3A_2061 : vector<16xi1>, vector<16xf32>
        %add3A_2063 = arith.addf %add3A_2045, %select_n3A_2062 : vector<16xf32>
        %slice3A_2064 = vector.extract_strided_slice %get3A_2023 {offsets = [2], sizes = [1], strides = [1]} : vector<16xf32> to vector<1xf32>
        %squeeze3A_2065 = vector.extract %slice3A_2064[0] : f32 from vector<1xf32>
        %slice3A_2066 = vector.extract_strided_slice %get3A_2027 {offsets = [2], sizes = [1], strides = [1]} : vector<16xf32> to vector<1xf32>
        %squeeze3A_2067 = vector.extract %slice3A_2066[0] : f32 from vector<1xf32>
        %gt3A_2068 = vector.broadcast %squeeze3A_2065 : f32 to vector<16xf32>
        %gt3A_2069 = arith.cmpf ogt, %gt3A_2068, %get3A_119 : vector<16xf32>
        %eq3A_2070 = vector.broadcast %squeeze3A_2065 : f32 to vector<16xf32>
        %eq3A_2071 = arith.cmpf oeq, %eq3A_2070, %get3A_119 : vector<16xf32>
        %lt3A_2072 = vector.broadcast %squeeze3A_2067 : f32 to vector<16xf32>
        %lt3A_2073 = arith.cmpf olt, %lt3A_2072, %get3A_123 : vector<16xf32>
        %and3A_2074 = arith.andi %eq3A_2071, %lt3A_2073 : vector<16xi1>
        %or3A_2075 = arith.ori %gt3A_2069, %and3A_2074 : vector<16xi1>
        %jit3A_2076 = arith.constant 1.000000e+00 : f32
        %jit3A_2077 = arith.constant 0.000000e+00 : f32
        %broadcast_in_dim3A_2078 = vector.broadcast %jit3A_2076 : f32 to vector<16xf32>
        %broadcast_in_dim3A_2079 = vector.broadcast %jit3A_2077 : f32 to vector<16xf32>
        %select_n3A_2080 = arith.select %or3A_2075, %broadcast_in_dim3A_2078, %broadcast_in_dim3A_2079 : vector<16xi1>, vector<16xf32>
        %add3A_2081 = arith.addf %add3A_2063, %select_n3A_2080 : vector<16xf32>
        %slice3A_2082 = vector.extract_strided_slice %get3A_2023 {offsets = [3], sizes = [1], strides = [1]} : vector<16xf32> to vector<1xf32>
        %squeeze3A_2083 = vector.extract %slice3A_2082[0] : f32 from vector<1xf32>
        %slice3A_2084 = vector.extract_strided_slice %get3A_2027 {offsets = [3], sizes = [1], strides = [1]} : vector<16xf32> to vector<1xf32>
        %squeeze3A_2085 = vector.extract %slice3A_2084[0] : f32 from vector<1xf32>
        %gt3A_2086 = vector.broadcast %squeeze3A_2083 : f32 to vector<16xf32>
        %gt3A_2087 = arith.cmpf ogt, %gt3A_2086, %get3A_119 : vector<16xf32>
        %eq3A_2088 = vector.broadcast %squeeze3A_2083 : f32 to vector<16xf32>
        %eq3A_2089 = arith.cmpf oeq, %eq3A_2088, %get3A_119 : vector<16xf32>
        %lt3A_2090 = vector.broadcast %squeeze3A_2085 : f32 to vector<16xf32>
        %lt3A_2091 = arith.cmpf olt, %lt3A_2090, %get3A_123 : vector<16xf32>
        %and3A_2092 = arith.andi %eq3A_2089, %lt3A_2091 : vector<16xi1>
        %or3A_2093 = arith.ori %gt3A_2087, %and3A_2092 : vector<16xi1>
        %jit3A_2094 = arith.constant 1.000000e+00 : f32
        %jit3A_2095 = arith.constant 0.000000e+00 : f32
        %broadcast_in_dim3A_2096 = vector.broadcast %jit3A_2094 : f32 to vector<16xf32>
        %broadcast_in_dim3A_2097 = vector.broadcast %jit3A_2095 : f32 to vector<16xf32>
        %select_n3A_2098 = arith.select %or3A_2093, %broadcast_in_dim3A_2096, %broadcast_in_dim3A_2097 : vector<16xi1>, vector<16xf32>
        %add3A_2099 = arith.addf %add3A_2081, %select_n3A_2098 : vector<16xf32>
        %slice3A_2100 = vector.extract_strided_slice %get3A_2023 {offsets = [4], sizes = [1], strides = [1]} : vector<16xf32> to vector<1xf32>
        %squeeze3A_2101 = vector.extract %slice3A_2100[0] : f32 from vector<1xf32>
        %slice3A_2102 = vector.extract_strided_slice %get3A_2027 {offsets = [4], sizes = [1], strides = [1]} : vector<16xf32> to vector<1xf32>
        %squeeze3A_2103 = vector.extract %slice3A_2102[0] : f32 from vector<1xf32>
        %gt3A_2104 = vector.broadcast %squeeze3A_2101 : f32 to vector<16xf32>
        %gt3A_2105 = arith.cmpf ogt, %gt3A_2104, %get3A_119 : vector<16xf32>
        %eq3A_2106 = vector.broadcast %squeeze3A_2101 : f32 to vector<16xf32>
        %eq3A_2107 = arith.cmpf oeq, %eq3A_2106, %get3A_119 : vector<16xf32>
        %lt3A_2108 = vector.broadcast %squeeze3A_2103 : f32 to vector<16xf32>
        %lt3A_2109 = arith.cmpf olt, %lt3A_2108, %get3A_123 : vector<16xf32>
        %and3A_2110 = arith.andi %eq3A_2107, %lt3A_2109 : vector<16xi1>
        %or3A_2111 = arith.ori %gt3A_2105, %and3A_2110 : vector<16xi1>
        %jit3A_2112 = arith.constant 1.000000e+00 : f32
        %jit3A_2113 = arith.constant 0.000000e+00 : f32
        %broadcast_in_dim3A_2114 = vector.broadcast %jit3A_2112 : f32 to vector<16xf32>
        %broadcast_in_dim3A_2115 = vector.broadcast %jit3A_2113 : f32 to vector<16xf32>
        %select_n3A_2116 = arith.select %or3A_2111, %broadcast_in_dim3A_2114, %broadcast_in_dim3A_2115 : vector<16xi1>, vector<16xf32>
        %add3A_2117 = arith.addf %add3A_2099, %select_n3A_2116 : vector<16xf32>
        %slice3A_2118 = vector.extract_strided_slice %get3A_2023 {offsets = [5], sizes = [1], strides = [1]} : vector<16xf32> to vector<1xf32>
        %squeeze3A_2119 = vector.extract %slice3A_2118[0] : f32 from vector<1xf32>
        %slice3A_2120 = vector.extract_strided_slice %get3A_2027 {offsets = [5], sizes = [1], strides = [1]} : vector<16xf32> to vector<1xf32>
        %squeeze3A_2121 = vector.extract %slice3A_2120[0] : f32 from vector<1xf32>
        %gt3A_2122 = vector.broadcast %squeeze3A_2119 : f32 to vector<16xf32>
        %gt3A_2123 = arith.cmpf ogt, %gt3A_2122, %get3A_119 : vector<16xf32>
        %eq3A_2124 = vector.broadcast %squeeze3A_2119 : f32 to vector<16xf32>
        %eq3A_2125 = arith.cmpf oeq, %eq3A_2124, %get3A_119 : vector<16xf32>
        %lt3A_2126 = vector.broadcast %squeeze3A_2121 : f32 to vector<16xf32>
        %lt3A_2127 = arith.cmpf olt, %lt3A_2126, %get3A_123 : vector<16xf32>
        %and3A_2128 = arith.andi %eq3A_2125, %lt3A_2127 : vector<16xi1>
        %or3A_2129 = arith.ori %gt3A_2123, %and3A_2128 : vector<16xi1>
        %jit3A_2130 = arith.constant 1.000000e+00 : f32
        %jit3A_2131 = arith.constant 0.000000e+00 : f32
        %broadcast_in_dim3A_2132 = vector.broadcast %jit3A_2130 : f32 to vector<16xf32>
        %broadcast_in_dim3A_2133 = vector.broadcast %jit3A_2131 : f32 to vector<16xf32>
        %select_n3A_2134 = arith.select %or3A_2129, %broadcast_in_dim3A_2132, %broadcast_in_dim3A_2133 : vector<16xi1>, vector<16xf32>
        %add3A_2135 = arith.addf %add3A_2117, %select_n3A_2134 : vector<16xf32>
        %slice3A_2136 = vector.extract_strided_slice %get3A_2023 {offsets = [6], sizes = [1], strides = [1]} : vector<16xf32> to vector<1xf32>
        %squeeze3A_2137 = vector.extract %slice3A_2136[0] : f32 from vector<1xf32>
        %slice3A_2138 = vector.extract_strided_slice %get3A_2027 {offsets = [6], sizes = [1], strides = [1]} : vector<16xf32> to vector<1xf32>
        %squeeze3A_2139 = vector.extract %slice3A_2138[0] : f32 from vector<1xf32>
        %gt3A_2140 = vector.broadcast %squeeze3A_2137 : f32 to vector<16xf32>
        %gt3A_2141 = arith.cmpf ogt, %gt3A_2140, %get3A_119 : vector<16xf32>
        %eq3A_2142 = vector.broadcast %squeeze3A_2137 : f32 to vector<16xf32>
        %eq3A_2143 = arith.cmpf oeq, %eq3A_2142, %get3A_119 : vector<16xf32>
        %lt3A_2144 = vector.broadcast %squeeze3A_2139 : f32 to vector<16xf32>
        %lt3A_2145 = arith.cmpf olt, %lt3A_2144, %get3A_123 : vector<16xf32>
        %and3A_2146 = arith.andi %eq3A_2143, %lt3A_2145 : vector<16xi1>
        %or3A_2147 = arith.ori %gt3A_2141, %and3A_2146 : vector<16xi1>
        %jit3A_2148 = arith.constant 1.000000e+00 : f32
        %jit3A_2149 = arith.constant 0.000000e+00 : f32
        %broadcast_in_dim3A_2150 = vector.broadcast %jit3A_2148 : f32 to vector<16xf32>
        %broadcast_in_dim3A_2151 = vector.broadcast %jit3A_2149 : f32 to vector<16xf32>
        %select_n3A_2152 = arith.select %or3A_2147, %broadcast_in_dim3A_2150, %broadcast_in_dim3A_2151 : vector<16xi1>, vector<16xf32>
        %add3A_2153 = arith.addf %add3A_2135, %select_n3A_2152 : vector<16xf32>
        %slice3A_2154 = vector.extract_strided_slice %get3A_2023 {offsets = [7], sizes = [1], strides = [1]} : vector<16xf32> to vector<1xf32>
        %squeeze3A_2155 = vector.extract %slice3A_2154[0] : f32 from vector<1xf32>
        %slice3A_2156 = vector.extract_strided_slice %get3A_2027 {offsets = [7], sizes = [1], strides = [1]} : vector<16xf32> to vector<1xf32>
        %squeeze3A_2157 = vector.extract %slice3A_2156[0] : f32 from vector<1xf32>
        %gt3A_2158 = vector.broadcast %squeeze3A_2155 : f32 to vector<16xf32>
        %gt3A_2159 = arith.cmpf ogt, %gt3A_2158, %get3A_119 : vector<16xf32>
        %eq3A_2160 = vector.broadcast %squeeze3A_2155 : f32 to vector<16xf32>
        %eq3A_2161 = arith.cmpf oeq, %eq3A_2160, %get3A_119 : vector<16xf32>
        %lt3A_2162 = vector.broadcast %squeeze3A_2157 : f32 to vector<16xf32>
        %lt3A_2163 = arith.cmpf olt, %lt3A_2162, %get3A_123 : vector<16xf32>
        %and3A_2164 = arith.andi %eq3A_2161, %lt3A_2163 : vector<16xi1>
        %or3A_2165 = arith.ori %gt3A_2159, %and3A_2164 : vector<16xi1>
        %jit3A_2166 = arith.constant 1.000000e+00 : f32
        %jit3A_2167 = arith.constant 0.000000e+00 : f32
        %broadcast_in_dim3A_2168 = vector.broadcast %jit3A_2166 : f32 to vector<16xf32>
        %broadcast_in_dim3A_2169 = vector.broadcast %jit3A_2167 : f32 to vector<16xf32>
        %select_n3A_2170 = arith.select %or3A_2165, %broadcast_in_dim3A_2168, %broadcast_in_dim3A_2169 : vector<16xi1>, vector<16xf32>
        %add3A_2171 = arith.addf %add3A_2153, %select_n3A_2170 : vector<16xf32>
        %slice3A_2172 = vector.extract_strided_slice %get3A_2023 {offsets = [8], sizes = [1], strides = [1]} : vector<16xf32> to vector<1xf32>
        %squeeze3A_2173 = vector.extract %slice3A_2172[0] : f32 from vector<1xf32>
        %slice3A_2174 = vector.extract_strided_slice %get3A_2027 {offsets = [8], sizes = [1], strides = [1]} : vector<16xf32> to vector<1xf32>
        %squeeze3A_2175 = vector.extract %slice3A_2174[0] : f32 from vector<1xf32>
        %gt3A_2176 = vector.broadcast %squeeze3A_2173 : f32 to vector<16xf32>
        %gt3A_2177 = arith.cmpf ogt, %gt3A_2176, %get3A_119 : vector<16xf32>
        %eq3A_2178 = vector.broadcast %squeeze3A_2173 : f32 to vector<16xf32>
        %eq3A_2179 = arith.cmpf oeq, %eq3A_2178, %get3A_119 : vector<16xf32>
        %lt3A_2180 = vector.broadcast %squeeze3A_2175 : f32 to vector<16xf32>
        %lt3A_2181 = arith.cmpf olt, %lt3A_2180, %get3A_123 : vector<16xf32>
        %and3A_2182 = arith.andi %eq3A_2179, %lt3A_2181 : vector<16xi1>
        %or3A_2183 = arith.ori %gt3A_2177, %and3A_2182 : vector<16xi1>
        %jit3A_2184 = arith.constant 1.000000e+00 : f32
        %jit3A_2185 = arith.constant 0.000000e+00 : f32
        %broadcast_in_dim3A_2186 = vector.broadcast %jit3A_2184 : f32 to vector<16xf32>
        %broadcast_in_dim3A_2187 = vector.broadcast %jit3A_2185 : f32 to vector<16xf32>
        %select_n3A_2188 = arith.select %or3A_2183, %broadcast_in_dim3A_2186, %broadcast_in_dim3A_2187 : vector<16xi1>, vector<16xf32>
        %add3A_2189 = arith.addf %add3A_2171, %select_n3A_2188 : vector<16xf32>
        %slice3A_2190 = vector.extract_strided_slice %get3A_2023 {offsets = [9], sizes = [1], strides = [1]} : vector<16xf32> to vector<1xf32>
        %squeeze3A_2191 = vector.extract %slice3A_2190[0] : f32 from vector<1xf32>
        %slice3A_2192 = vector.extract_strided_slice %get3A_2027 {offsets = [9], sizes = [1], strides = [1]} : vector<16xf32> to vector<1xf32>
        %squeeze3A_2193 = vector.extract %slice3A_2192[0] : f32 from vector<1xf32>
        %gt3A_2194 = vector.broadcast %squeeze3A_2191 : f32 to vector<16xf32>
        %gt3A_2195 = arith.cmpf ogt, %gt3A_2194, %get3A_119 : vector<16xf32>
        %eq3A_2196 = vector.broadcast %squeeze3A_2191 : f32 to vector<16xf32>
        %eq3A_2197 = arith.cmpf oeq, %eq3A_2196, %get3A_119 : vector<16xf32>
        %lt3A_2198 = vector.broadcast %squeeze3A_2193 : f32 to vector<16xf32>
        %lt3A_2199 = arith.cmpf olt, %lt3A_2198, %get3A_123 : vector<16xf32>
        %and3A_2200 = arith.andi %eq3A_2197, %lt3A_2199 : vector<16xi1>
        %or3A_2201 = arith.ori %gt3A_2195, %and3A_2200 : vector<16xi1>
        %jit3A_2202 = arith.constant 1.000000e+00 : f32
        %jit3A_2203 = arith.constant 0.000000e+00 : f32
        %broadcast_in_dim3A_2204 = vector.broadcast %jit3A_2202 : f32 to vector<16xf32>
        %broadcast_in_dim3A_2205 = vector.broadcast %jit3A_2203 : f32 to vector<16xf32>
        %select_n3A_2206 = arith.select %or3A_2201, %broadcast_in_dim3A_2204, %broadcast_in_dim3A_2205 : vector<16xi1>, vector<16xf32>
        %add3A_2207 = arith.addf %add3A_2189, %select_n3A_2206 : vector<16xf32>
        %slice3A_2208 = vector.extract_strided_slice %get3A_2023 {offsets = [10], sizes = [1], strides = [1]} : vector<16xf32> to vector<1xf32>
        %squeeze3A_2209 = vector.extract %slice3A_2208[0] : f32 from vector<1xf32>
        %slice3A_2210 = vector.extract_strided_slice %get3A_2027 {offsets = [10], sizes = [1], strides = [1]} : vector<16xf32> to vector<1xf32>
        %squeeze3A_2211 = vector.extract %slice3A_2210[0] : f32 from vector<1xf32>
        %gt3A_2212 = vector.broadcast %squeeze3A_2209 : f32 to vector<16xf32>
        %gt3A_2213 = arith.cmpf ogt, %gt3A_2212, %get3A_119 : vector<16xf32>
        %eq3A_2214 = vector.broadcast %squeeze3A_2209 : f32 to vector<16xf32>
        %eq3A_2215 = arith.cmpf oeq, %eq3A_2214, %get3A_119 : vector<16xf32>
        %lt3A_2216 = vector.broadcast %squeeze3A_2211 : f32 to vector<16xf32>
        %lt3A_2217 = arith.cmpf olt, %lt3A_2216, %get3A_123 : vector<16xf32>
        %and3A_2218 = arith.andi %eq3A_2215, %lt3A_2217 : vector<16xi1>
        %or3A_2219 = arith.ori %gt3A_2213, %and3A_2218 : vector<16xi1>
        %jit3A_2220 = arith.constant 1.000000e+00 : f32
        %jit3A_2221 = arith.constant 0.000000e+00 : f32
        %broadcast_in_dim3A_2222 = vector.broadcast %jit3A_2220 : f32 to vector<16xf32>
        %broadcast_in_dim3A_2223 = vector.broadcast %jit3A_2221 : f32 to vector<16xf32>
        %select_n3A_2224 = arith.select %or3A_2219, %broadcast_in_dim3A_2222, %broadcast_in_dim3A_2223 : vector<16xi1>, vector<16xf32>
        %add3A_2225 = arith.addf %add3A_2207, %select_n3A_2224 : vector<16xf32>
        %slice3A_2226 = vector.extract_strided_slice %get3A_2023 {offsets = [11], sizes = [1], strides = [1]} : vector<16xf32> to vector<1xf32>
        %squeeze3A_2227 = vector.extract %slice3A_2226[0] : f32 from vector<1xf32>
        %slice3A_2228 = vector.extract_strided_slice %get3A_2027 {offsets = [11], sizes = [1], strides = [1]} : vector<16xf32> to vector<1xf32>
        %squeeze3A_2229 = vector.extract %slice3A_2228[0] : f32 from vector<1xf32>
        %gt3A_2230 = vector.broadcast %squeeze3A_2227 : f32 to vector<16xf32>
        %gt3A_2231 = arith.cmpf ogt, %gt3A_2230, %get3A_119 : vector<16xf32>
        %eq3A_2232 = vector.broadcast %squeeze3A_2227 : f32 to vector<16xf32>
        %eq3A_2233 = arith.cmpf oeq, %eq3A_2232, %get3A_119 : vector<16xf32>
        %lt3A_2234 = vector.broadcast %squeeze3A_2229 : f32 to vector<16xf32>
        %lt3A_2235 = arith.cmpf olt, %lt3A_2234, %get3A_123 : vector<16xf32>
        %and3A_2236 = arith.andi %eq3A_2233, %lt3A_2235 : vector<16xi1>
        %or3A_2237 = arith.ori %gt3A_2231, %and3A_2236 : vector<16xi1>
        %jit3A_2238 = arith.constant 1.000000e+00 : f32
        %jit3A_2239 = arith.constant 0.000000e+00 : f32
        %broadcast_in_dim3A_2240 = vector.broadcast %jit3A_2238 : f32 to vector<16xf32>
        %broadcast_in_dim3A_2241 = vector.broadcast %jit3A_2239 : f32 to vector<16xf32>
        %select_n3A_2242 = arith.select %or3A_2237, %broadcast_in_dim3A_2240, %broadcast_in_dim3A_2241 : vector<16xi1>, vector<16xf32>
        %add3A_2243 = arith.addf %add3A_2225, %select_n3A_2242 : vector<16xf32>
        %slice3A_2244 = vector.extract_strided_slice %get3A_2023 {offsets = [12], sizes = [1], strides = [1]} : vector<16xf32> to vector<1xf32>
        %squeeze3A_2245 = vector.extract %slice3A_2244[0] : f32 from vector<1xf32>
        %slice3A_2246 = vector.extract_strided_slice %get3A_2027 {offsets = [12], sizes = [1], strides = [1]} : vector<16xf32> to vector<1xf32>
        %squeeze3A_2247 = vector.extract %slice3A_2246[0] : f32 from vector<1xf32>
        %gt3A_2248 = vector.broadcast %squeeze3A_2245 : f32 to vector<16xf32>
        %gt3A_2249 = arith.cmpf ogt, %gt3A_2248, %get3A_119 : vector<16xf32>
        %eq3A_2250 = vector.broadcast %squeeze3A_2245 : f32 to vector<16xf32>
        %eq3A_2251 = arith.cmpf oeq, %eq3A_2250, %get3A_119 : vector<16xf32>
        %lt3A_2252 = vector.broadcast %squeeze3A_2247 : f32 to vector<16xf32>
        %lt3A_2253 = arith.cmpf olt, %lt3A_2252, %get3A_123 : vector<16xf32>
        %and3A_2254 = arith.andi %eq3A_2251, %lt3A_2253 : vector<16xi1>
        %or3A_2255 = arith.ori %gt3A_2249, %and3A_2254 : vector<16xi1>
        %jit3A_2256 = arith.constant 1.000000e+00 : f32
        %jit3A_2257 = arith.constant 0.000000e+00 : f32
        %broadcast_in_dim3A_2258 = vector.broadcast %jit3A_2256 : f32 to vector<16xf32>
        %broadcast_in_dim3A_2259 = vector.broadcast %jit3A_2257 : f32 to vector<16xf32>
        %select_n3A_2260 = arith.select %or3A_2255, %broadcast_in_dim3A_2258, %broadcast_in_dim3A_2259 : vector<16xi1>, vector<16xf32>
        %add3A_2261 = arith.addf %add3A_2243, %select_n3A_2260 : vector<16xf32>
        %slice3A_2262 = vector.extract_strided_slice %get3A_2023 {offsets = [13], sizes = [1], strides = [1]} : vector<16xf32> to vector<1xf32>
        %squeeze3A_2263 = vector.extract %slice3A_2262[0] : f32 from vector<1xf32>
        %slice3A_2264 = vector.extract_strided_slice %get3A_2027 {offsets = [13], sizes = [1], strides = [1]} : vector<16xf32> to vector<1xf32>
        %squeeze3A_2265 = vector.extract %slice3A_2264[0] : f32 from vector<1xf32>
        %gt3A_2266 = vector.broadcast %squeeze3A_2263 : f32 to vector<16xf32>
        %gt3A_2267 = arith.cmpf ogt, %gt3A_2266, %get3A_119 : vector<16xf32>
        %eq3A_2268 = vector.broadcast %squeeze3A_2263 : f32 to vector<16xf32>
        %eq3A_2269 = arith.cmpf oeq, %eq3A_2268, %get3A_119 : vector<16xf32>
        %lt3A_2270 = vector.broadcast %squeeze3A_2265 : f32 to vector<16xf32>
        %lt3A_2271 = arith.cmpf olt, %lt3A_2270, %get3A_123 : vector<16xf32>
        %and3A_2272 = arith.andi %eq3A_2269, %lt3A_2271 : vector<16xi1>
        %or3A_2273 = arith.ori %gt3A_2267, %and3A_2272 : vector<16xi1>
        %jit3A_2274 = arith.constant 1.000000e+00 : f32
        %jit3A_2275 = arith.constant 0.000000e+00 : f32
        %broadcast_in_dim3A_2276 = vector.broadcast %jit3A_2274 : f32 to vector<16xf32>
        %broadcast_in_dim3A_2277 = vector.broadcast %jit3A_2275 : f32 to vector<16xf32>
        %select_n3A_2278 = arith.select %or3A_2273, %broadcast_in_dim3A_2276, %broadcast_in_dim3A_2277 : vector<16xi1>, vector<16xf32>
        %add3A_2279 = arith.addf %add3A_2261, %select_n3A_2278 : vector<16xf32>
        %slice3A_2280 = vector.extract_strided_slice %get3A_2023 {offsets = [14], sizes = [1], strides = [1]} : vector<16xf32> to vector<1xf32>
        %squeeze3A_2281 = vector.extract %slice3A_2280[0] : f32 from vector<1xf32>
        %slice3A_2282 = vector.extract_strided_slice %get3A_2027 {offsets = [14], sizes = [1], strides = [1]} : vector<16xf32> to vector<1xf32>
        %squeeze3A_2283 = vector.extract %slice3A_2282[0] : f32 from vector<1xf32>
        %gt3A_2284 = vector.broadcast %squeeze3A_2281 : f32 to vector<16xf32>
        %gt3A_2285 = arith.cmpf ogt, %gt3A_2284, %get3A_119 : vector<16xf32>
        %eq3A_2286 = vector.broadcast %squeeze3A_2281 : f32 to vector<16xf32>
        %eq3A_2287 = arith.cmpf oeq, %eq3A_2286, %get3A_119 : vector<16xf32>
        %lt3A_2288 = vector.broadcast %squeeze3A_2283 : f32 to vector<16xf32>
        %lt3A_2289 = arith.cmpf olt, %lt3A_2288, %get3A_123 : vector<16xf32>
        %and3A_2290 = arith.andi %eq3A_2287, %lt3A_2289 : vector<16xi1>
        %or3A_2291 = arith.ori %gt3A_2285, %and3A_2290 : vector<16xi1>
        %jit3A_2292 = arith.constant 1.000000e+00 : f32
        %jit3A_2293 = arith.constant 0.000000e+00 : f32
        %broadcast_in_dim3A_2294 = vector.broadcast %jit3A_2292 : f32 to vector<16xf32>
        %broadcast_in_dim3A_2295 = vector.broadcast %jit3A_2293 : f32 to vector<16xf32>
        %select_n3A_2296 = arith.select %or3A_2291, %broadcast_in_dim3A_2294, %broadcast_in_dim3A_2295 : vector<16xi1>, vector<16xf32>
        %add3A_2297 = arith.addf %add3A_2279, %select_n3A_2296 : vector<16xf32>
        %slice3A_2298 = vector.extract_strided_slice %get3A_2023 {offsets = [15], sizes = [1], strides = [1]} : vector<16xf32> to vector<1xf32>
        %squeeze3A_2299 = vector.extract %slice3A_2298[0] : f32 from vector<1xf32>
        %slice3A_2300 = vector.extract_strided_slice %get3A_2027 {offsets = [15], sizes = [1], strides = [1]} : vector<16xf32> to vector<1xf32>
        %squeeze3A_2301 = vector.extract %slice3A_2300[0] : f32 from vector<1xf32>
        %gt3A_2302 = vector.broadcast %squeeze3A_2299 : f32 to vector<16xf32>
        %gt3A_2303 = arith.cmpf ogt, %gt3A_2302, %get3A_119 : vector<16xf32>
        %eq3A_2304 = vector.broadcast %squeeze3A_2299 : f32 to vector<16xf32>
        %eq3A_2305 = arith.cmpf oeq, %eq3A_2304, %get3A_119 : vector<16xf32>
        %lt3A_2306 = vector.broadcast %squeeze3A_2301 : f32 to vector<16xf32>
        %lt3A_2307 = arith.cmpf olt, %lt3A_2306, %get3A_123 : vector<16xf32>
        %and3A_2308 = arith.andi %eq3A_2305, %lt3A_2307 : vector<16xi1>
        %or3A_2309 = arith.ori %gt3A_2303, %and3A_2308 : vector<16xi1>
        %jit3A_2310 = arith.constant 1.000000e+00 : f32
        %jit3A_2311 = arith.constant 0.000000e+00 : f32
        %broadcast_in_dim3A_2312 = vector.broadcast %jit3A_2310 : f32 to vector<16xf32>
        %broadcast_in_dim3A_2313 = vector.broadcast %jit3A_2311 : f32 to vector<16xf32>
        %select_n3A_2314 = arith.select %or3A_2309, %broadcast_in_dim3A_2312, %broadcast_in_dim3A_2313 : vector<16xi1>, vector<16xf32>
        %add3A_2315 = arith.addf %add3A_2297, %select_n3A_2314 : vector<16xf32>
        scf.yield %add3A_2315 : vector<16xf32>
      }
      %scan3A_129 = arith.constant 16 : i32
      %scan3A_130 = arith.addi %scan3A_124, %scan3A_129 : i32
      %mul3A_131 = arith.constant 16 : i32
      %mul3A_132 = arith.muli %scan3A_130, %mul3A_131 : i32
      %get3A_133 = arith.index_cast %mul3A_132 : i32 to index
      %get3A_134 = tpu.vector_load %arg8[%get3A_133] {strides = array<i32>} : memref<384xf32, #tpu.memory_space<vmem>>, vector<16xf32>,
      %mul3A_135 = arith.constant 16 : i32
      %mul3A_136 = arith.muli %scan3A_130, %mul3A_135 : i32
      %get3A_137 = arith.index_cast %mul3A_136 : i32 to index
      %get3A_138 = tpu.vector_load %arg9[%get3A_137] {strides = array<i32>} : memref<384xf32, #tpu.memory_space<vmem>>, vector<16xf32>,
      %slice3A_139 = vector.extract_strided_slice %get3A_134 {offsets = [0], sizes = [1], strides = [1]} : vector<16xf32> to vector<1xf32>
      %squeeze3A_140 = vector.extract %slice3A_139[0] : f32 from vector<1xf32>
      %slice3A_141 = vector.extract_strided_slice %get3A_138 {offsets = [0], sizes = [1], strides = [1]} : vector<16xf32> to vector<1xf32>
      %squeeze3A_142 = vector.extract %slice3A_141[0] : f32 from vector<1xf32>
      %gt3A = vector.broadcast %squeeze3A_140 : f32 to vector<16xf32>
      %gt3A_143 = arith.cmpf ogt, %gt3A, %get3A_119 : vector<16xf32>
      %eq3A = vector.broadcast %squeeze3A_140 : f32 to vector<16xf32>
      %eq3A_144 = arith.cmpf oeq, %eq3A, %get3A_119 : vector<16xf32>
      %lt3A = vector.broadcast %squeeze3A_142 : f32 to vector<16xf32>
      %lt3A_145 = arith.cmpf olt, %lt3A, %get3A_123 : vector<16xf32>
      %and3A = arith.andi %eq3A_144, %lt3A_145 : vector<16xi1>
      %or3A = arith.ori %gt3A_143, %and3A : vector<16xi1>
      %jit3A = arith.constant 1.000000e+00 : f32
      %jit3A_146 = arith.constant 0.000000e+00 : f32
      %broadcast_in_dim3A_147 = vector.broadcast %jit3A : f32 to vector<16xf32>
      %broadcast_in_dim3A_148 = vector.broadcast %jit3A_146 : f32 to vector<16xf32>
      %select_n3A = arith.select %or3A, %broadcast_in_dim3A_147, %broadcast_in_dim3A_148 : vector<16xi1>, vector<16xf32>
      %add3A_149 = arith.addf %scan3A_128, %select_n3A : vector<16xf32>
      %slice3A_150 = vector.extract_strided_slice %get3A_134 {offsets = [1], sizes = [1], strides = [1]} : vector<16xf32> to vector<1xf32>
      %squeeze3A_151 = vector.extract %slice3A_150[0] : f32 from vector<1xf32>
      %slice3A_152 = vector.extract_strided_slice %get3A_138 {offsets = [1], sizes = [1], strides = [1]} : vector<16xf32> to vector<1xf32>
      %squeeze3A_153 = vector.extract %slice3A_152[0] : f32 from vector<1xf32>
      %gt3A_154 = vector.broadcast %squeeze3A_151 : f32 to vector<16xf32>
      %gt3A_155 = arith.cmpf ogt, %gt3A_154, %get3A_119 : vector<16xf32>
      %eq3A_156 = vector.broadcast %squeeze3A_151 : f32 to vector<16xf32>
      %eq3A_157 = arith.cmpf oeq, %eq3A_156, %get3A_119 : vector<16xf32>
      %lt3A_158 = vector.broadcast %squeeze3A_153 : f32 to vector<16xf32>
      %lt3A_159 = arith.cmpf olt, %lt3A_158, %get3A_123 : vector<16xf32>
      %and3A_160 = arith.andi %eq3A_157, %lt3A_159 : vector<16xi1>
      %or3A_161 = arith.ori %gt3A_155, %and3A_160 : vector<16xi1>
      %jit3A_162 = arith.constant 1.000000e+00 : f32
      %jit3A_163 = arith.constant 0.000000e+00 : f32
      %broadcast_in_dim3A_164 = vector.broadcast %jit3A_162 : f32 to vector<16xf32>
      %broadcast_in_dim3A_165 = vector.broadcast %jit3A_163 : f32 to vector<16xf32>
      %select_n3A_166 = arith.select %or3A_161, %broadcast_in_dim3A_164, %broadcast_in_dim3A_165 : vector<16xi1>, vector<16xf32>
      %add3A_167 = arith.addf %add3A_149, %select_n3A_166 : vector<16xf32>
      %slice3A_168 = vector.extract_strided_slice %get3A_134 {offsets = [2], sizes = [1], strides = [1]} : vector<16xf32> to vector<1xf32>
      %squeeze3A_169 = vector.extract %slice3A_168[0] : f32 from vector<1xf32>
      %slice3A_170 = vector.extract_strided_slice %get3A_138 {offsets = [2], sizes = [1], strides = [1]} : vector<16xf32> to vector<1xf32>
      %squeeze3A_171 = vector.extract %slice3A_170[0] : f32 from vector<1xf32>
      %gt3A_172 = vector.broadcast %squeeze3A_169 : f32 to vector<16xf32>
      %gt3A_173 = arith.cmpf ogt, %gt3A_172, %get3A_119 : vector<16xf32>
      %eq3A_174 = vector.broadcast %squeeze3A_169 : f32 to vector<16xf32>
      %eq3A_175 = arith.cmpf oeq, %eq3A_174, %get3A_119 : vector<16xf32>
      %lt3A_176 = vector.broadcast %squeeze3A_171 : f32 to vector<16xf32>
      %lt3A_177 = arith.cmpf olt, %lt3A_176, %get3A_123 : vector<16xf32>
      %and3A_178 = arith.andi %eq3A_175, %lt3A_177 : vector<16xi1>
      %or3A_179 = arith.ori %gt3A_173, %and3A_178 : vector<16xi1>
      %jit3A_180 = arith.constant 1.000000e+00 : f32
      %jit3A_181 = arith.constant 0.000000e+00 : f32
      %broadcast_in_dim3A_182 = vector.broadcast %jit3A_180 : f32 to vector<16xf32>
      %broadcast_in_dim3A_183 = vector.broadcast %jit3A_181 : f32 to vector<16xf32>
      %select_n3A_184 = arith.select %or3A_179, %broadcast_in_dim3A_182, %broadcast_in_dim3A_183 : vector<16xi1>, vector<16xf32>
      %add3A_185 = arith.addf %add3A_167, %select_n3A_184 : vector<16xf32>
      %slice3A_186 = vector.extract_strided_slice %get3A_134 {offsets = [3], sizes = [1], strides = [1]} : vector<16xf32> to vector<1xf32>
      %squeeze3A_187 = vector.extract %slice3A_186[0] : f32 from vector<1xf32>
      %slice3A_188 = vector.extract_strided_slice %get3A_138 {offsets = [3], sizes = [1], strides = [1]} : vector<16xf32> to vector<1xf32>
      %squeeze3A_189 = vector.extract %slice3A_188[0] : f32 from vector<1xf32>
      %gt3A_190 = vector.broadcast %squeeze3A_187 : f32 to vector<16xf32>
      %gt3A_191 = arith.cmpf ogt, %gt3A_190, %get3A_119 : vector<16xf32>
      %eq3A_192 = vector.broadcast %squeeze3A_187 : f32 to vector<16xf32>
      %eq3A_193 = arith.cmpf oeq, %eq3A_192, %get3A_119 : vector<16xf32>
      %lt3A_194 = vector.broadcast %squeeze3A_189 : f32 to vector<16xf32>
      %lt3A_195 = arith.cmpf olt, %lt3A_194, %get3A_123 : vector<16xf32>
      %and3A_196 = arith.andi %eq3A_193, %lt3A_195 : vector<16xi1>
      %or3A_197 = arith.ori %gt3A_191, %and3A_196 : vector<16xi1>
      %jit3A_198 = arith.constant 1.000000e+00 : f32
      %jit3A_199 = arith.constant 0.000000e+00 : f32
      %broadcast_in_dim3A_200 = vector.broadcast %jit3A_198 : f32 to vector<16xf32>
      %broadcast_in_dim3A_201 = vector.broadcast %jit3A_199 : f32 to vector<16xf32>
      %select_n3A_202 = arith.select %or3A_197, %broadcast_in_dim3A_200, %broadcast_in_dim3A_201 : vector<16xi1>, vector<16xf32>
      %add3A_203 = arith.addf %add3A_185, %select_n3A_202 : vector<16xf32>
      %slice3A_204 = vector.extract_strided_slice %get3A_134 {offsets = [4], sizes = [1], strides = [1]} : vector<16xf32> to vector<1xf32>
      %squeeze3A_205 = vector.extract %slice3A_204[0] : f32 from vector<1xf32>
      %slice3A_206 = vector.extract_strided_slice %get3A_138 {offsets = [4], sizes = [1], strides = [1]} : vector<16xf32> to vector<1xf32>
      %squeeze3A_207 = vector.extract %slice3A_206[0] : f32 from vector<1xf32>
      %gt3A_208 = vector.broadcast %squeeze3A_205 : f32 to vector<16xf32>
      %gt3A_209 = arith.cmpf ogt, %gt3A_208, %get3A_119 : vector<16xf32>
      %eq3A_210 = vector.broadcast %squeeze3A_205 : f32 to vector<16xf32>
      %eq3A_211 = arith.cmpf oeq, %eq3A_210, %get3A_119 : vector<16xf32>
      %lt3A_212 = vector.broadcast %squeeze3A_207 : f32 to vector<16xf32>
      %lt3A_213 = arith.cmpf olt, %lt3A_212, %get3A_123 : vector<16xf32>
      %and3A_214 = arith.andi %eq3A_211, %lt3A_213 : vector<16xi1>
      %or3A_215 = arith.ori %gt3A_209, %and3A_214 : vector<16xi1>
      %jit3A_216 = arith.constant 1.000000e+00 : f32
      %jit3A_217 = arith.constant 0.000000e+00 : f32
      %broadcast_in_dim3A_218 = vector.broadcast %jit3A_216 : f32 to vector<16xf32>
      %broadcast_in_dim3A_219 = vector.broadcast %jit3A_217 : f32 to vector<16xf32>
      %select_n3A_220 = arith.select %or3A_215, %broadcast_in_dim3A_218, %broadcast_in_dim3A_219 : vector<16xi1>, vector<16xf32>
      %add3A_221 = arith.addf %add3A_203, %select_n3A_220 : vector<16xf32>
      %slice3A_222 = vector.extract_strided_slice %get3A_134 {offsets = [5], sizes = [1], strides = [1]} : vector<16xf32> to vector<1xf32>
      %squeeze3A_223 = vector.extract %slice3A_222[0] : f32 from vector<1xf32>
      %slice3A_224 = vector.extract_strided_slice %get3A_138 {offsets = [5], sizes = [1], strides = [1]} : vector<16xf32> to vector<1xf32>
      %squeeze3A_225 = vector.extract %slice3A_224[0] : f32 from vector<1xf32>
      %gt3A_226 = vector.broadcast %squeeze3A_223 : f32 to vector<16xf32>
      %gt3A_227 = arith.cmpf ogt, %gt3A_226, %get3A_119 : vector<16xf32>
      %eq3A_228 = vector.broadcast %squeeze3A_223 : f32 to vector<16xf32>
      %eq3A_229 = arith.cmpf oeq, %eq3A_228, %get3A_119 : vector<16xf32>
      %lt3A_230 = vector.broadcast %squeeze3A_225 : f32 to vector<16xf32>
      %lt3A_231 = arith.cmpf olt, %lt3A_230, %get3A_123 : vector<16xf32>
      %and3A_232 = arith.andi %eq3A_229, %lt3A_231 : vector<16xi1>
      %or3A_233 = arith.ori %gt3A_227, %and3A_232 : vector<16xi1>
      %jit3A_234 = arith.constant 1.000000e+00 : f32
      %jit3A_235 = arith.constant 0.000000e+00 : f32
      %broadcast_in_dim3A_236 = vector.broadcast %jit3A_234 : f32 to vector<16xf32>
      %broadcast_in_dim3A_237 = vector.broadcast %jit3A_235 : f32 to vector<16xf32>
      %select_n3A_238 = arith.select %or3A_233, %broadcast_in_dim3A_236, %broadcast_in_dim3A_237 : vector<16xi1>, vector<16xf32>
      %add3A_239 = arith.addf %add3A_221, %select_n3A_238 : vector<16xf32>
      %slice3A_240 = vector.extract_strided_slice %get3A_134 {offsets = [6], sizes = [1], strides = [1]} : vector<16xf32> to vector<1xf32>
      %squeeze3A_241 = vector.extract %slice3A_240[0] : f32 from vector<1xf32>
      %slice3A_242 = vector.extract_strided_slice %get3A_138 {offsets = [6], sizes = [1], strides = [1]} : vector<16xf32> to vector<1xf32>
      %squeeze3A_243 = vector.extract %slice3A_242[0] : f32 from vector<1xf32>
      %gt3A_244 = vector.broadcast %squeeze3A_241 : f32 to vector<16xf32>
      %gt3A_245 = arith.cmpf ogt, %gt3A_244, %get3A_119 : vector<16xf32>
      %eq3A_246 = vector.broadcast %squeeze3A_241 : f32 to vector<16xf32>
      %eq3A_247 = arith.cmpf oeq, %eq3A_246, %get3A_119 : vector<16xf32>
      %lt3A_248 = vector.broadcast %squeeze3A_243 : f32 to vector<16xf32>
      %lt3A_249 = arith.cmpf olt, %lt3A_248, %get3A_123 : vector<16xf32>
      %and3A_250 = arith.andi %eq3A_247, %lt3A_249 : vector<16xi1>
      %or3A_251 = arith.ori %gt3A_245, %and3A_250 : vector<16xi1>
      %jit3A_252 = arith.constant 1.000000e+00 : f32
      %jit3A_253 = arith.constant 0.000000e+00 : f32
      %broadcast_in_dim3A_254 = vector.broadcast %jit3A_252 : f32 to vector<16xf32>
      %broadcast_in_dim3A_255 = vector.broadcast %jit3A_253 : f32 to vector<16xf32>
      %select_n3A_256 = arith.select %or3A_251, %broadcast_in_dim3A_254, %broadcast_in_dim3A_255 : vector<16xi1>, vector<16xf32>
      %add3A_257 = arith.addf %add3A_239, %select_n3A_256 : vector<16xf32>
      %slice3A_258 = vector.extract_strided_slice %get3A_134 {offsets = [7], sizes = [1], strides = [1]} : vector<16xf32> to vector<1xf32>
      %squeeze3A_259 = vector.extract %slice3A_258[0] : f32 from vector<1xf32>
      %slice3A_260 = vector.extract_strided_slice %get3A_138 {offsets = [7], sizes = [1], strides = [1]} : vector<16xf32> to vector<1xf32>
      %squeeze3A_261 = vector.extract %slice3A_260[0] : f32 from vector<1xf32>
      %gt3A_262 = vector.broadcast %squeeze3A_259 : f32 to vector<16xf32>
      %gt3A_263 = arith.cmpf ogt, %gt3A_262, %get3A_119 : vector<16xf32>
      %eq3A_264 = vector.broadcast %squeeze3A_259 : f32 to vector<16xf32>
      %eq3A_265 = arith.cmpf oeq, %eq3A_264, %get3A_119 : vector<16xf32>
      %lt3A_266 = vector.broadcast %squeeze3A_261 : f32 to vector<16xf32>
      %lt3A_267 = arith.cmpf olt, %lt3A_266, %get3A_123 : vector<16xf32>
      %and3A_268 = arith.andi %eq3A_265, %lt3A_267 : vector<16xi1>
      %or3A_269 = arith.ori %gt3A_263, %and3A_268 : vector<16xi1>
      %jit3A_270 = arith.constant 1.000000e+00 : f32
      %jit3A_271 = arith.constant 0.000000e+00 : f32
      %broadcast_in_dim3A_272 = vector.broadcast %jit3A_270 : f32 to vector<16xf32>
      %broadcast_in_dim3A_273 = vector.broadcast %jit3A_271 : f32 to vector<16xf32>
      %select_n3A_274 = arith.select %or3A_269, %broadcast_in_dim3A_272, %broadcast_in_dim3A_273 : vector<16xi1>, vector<16xf32>
      %add3A_275 = arith.addf %add3A_257, %select_n3A_274 : vector<16xf32>
      %slice3A_276 = vector.extract_strided_slice %get3A_134 {offsets = [8], sizes = [1], strides = [1]} : vector<16xf32> to vector<1xf32>
      %squeeze3A_277 = vector.extract %slice3A_276[0] : f32 from vector<1xf32>
      %slice3A_278 = vector.extract_strided_slice %get3A_138 {offsets = [8], sizes = [1], strides = [1]} : vector<16xf32> to vector<1xf32>
      %squeeze3A_279 = vector.extract %slice3A_278[0] : f32 from vector<1xf32>
      %gt3A_280 = vector.broadcast %squeeze3A_277 : f32 to vector<16xf32>
      %gt3A_281 = arith.cmpf ogt, %gt3A_280, %get3A_119 : vector<16xf32>
      %eq3A_282 = vector.broadcast %squeeze3A_277 : f32 to vector<16xf32>
      %eq3A_283 = arith.cmpf oeq, %eq3A_282, %get3A_119 : vector<16xf32>
      %lt3A_284 = vector.broadcast %squeeze3A_279 : f32 to vector<16xf32>
      %lt3A_285 = arith.cmpf olt, %lt3A_284, %get3A_123 : vector<16xf32>
      %and3A_286 = arith.andi %eq3A_283, %lt3A_285 : vector<16xi1>
      %or3A_287 = arith.ori %gt3A_281, %and3A_286 : vector<16xi1>
      %jit3A_288 = arith.constant 1.000000e+00 : f32
      %jit3A_289 = arith.constant 0.000000e+00 : f32
      %broadcast_in_dim3A_290 = vector.broadcast %jit3A_288 : f32 to vector<16xf32>
      %broadcast_in_dim3A_291 = vector.broadcast %jit3A_289 : f32 to vector<16xf32>
      %select_n3A_292 = arith.select %or3A_287, %broadcast_in_dim3A_290, %broadcast_in_dim3A_291 : vector<16xi1>, vector<16xf32>
      %add3A_293 = arith.addf %add3A_275, %select_n3A_292 : vector<16xf32>
      %slice3A_294 = vector.extract_strided_slice %get3A_134 {offsets = [9], sizes = [1], strides = [1]} : vector<16xf32> to vector<1xf32>
      %squeeze3A_295 = vector.extract %slice3A_294[0] : f32 from vector<1xf32>
      %slice3A_296 = vector.extract_strided_slice %get3A_138 {offsets = [9], sizes = [1], strides = [1]} : vector<16xf32> to vector<1xf32>
      %squeeze3A_297 = vector.extract %slice3A_296[0] : f32 from vector<1xf32>
      %gt3A_298 = vector.broadcast %squeeze3A_295 : f32 to vector<16xf32>
      %gt3A_299 = arith.cmpf ogt, %gt3A_298, %get3A_119 : vector<16xf32>
      %eq3A_300 = vector.broadcast %squeeze3A_295 : f32 to vector<16xf32>
      %eq3A_301 = arith.cmpf oeq, %eq3A_300, %get3A_119 : vector<16xf32>
      %lt3A_302 = vector.broadcast %squeeze3A_297 : f32 to vector<16xf32>
      %lt3A_303 = arith.cmpf olt, %lt3A_302, %get3A_123 : vector<16xf32>
      %and3A_304 = arith.andi %eq3A_301, %lt3A_303 : vector<16xi1>
      %or3A_305 = arith.ori %gt3A_299, %and3A_304 : vector<16xi1>
      %jit3A_306 = arith.constant 1.000000e+00 : f32
      %jit3A_307 = arith.constant 0.000000e+00 : f32
      %broadcast_in_dim3A_308 = vector.broadcast %jit3A_306 : f32 to vector<16xf32>
      %broadcast_in_dim3A_309 = vector.broadcast %jit3A_307 : f32 to vector<16xf32>
      %select_n3A_310 = arith.select %or3A_305, %broadcast_in_dim3A_308, %broadcast_in_dim3A_309 : vector<16xi1>, vector<16xf32>
      %add3A_311 = arith.addf %add3A_293, %select_n3A_310 : vector<16xf32>
      %slice3A_312 = vector.extract_strided_slice %get3A_134 {offsets = [10], sizes = [1], strides = [1]} : vector<16xf32> to vector<1xf32>
      %squeeze3A_313 = vector.extract %slice3A_312[0] : f32 from vector<1xf32>
      %slice3A_314 = vector.extract_strided_slice %get3A_138 {offsets = [10], sizes = [1], strides = [1]} : vector<16xf32> to vector<1xf32>
      %squeeze3A_315 = vector.extract %slice3A_314[0] : f32 from vector<1xf32>
      %gt3A_316 = vector.broadcast %squeeze3A_313 : f32 to vector<16xf32>
      %gt3A_317 = arith.cmpf ogt, %gt3A_316, %get3A_119 : vector<16xf32>
      %eq3A_318 = vector.broadcast %squeeze3A_313 : f32 to vector<16xf32>
      %eq3A_319 = arith.cmpf oeq, %eq3A_318, %get3A_119 : vector<16xf32>
      %lt3A_320 = vector.broadcast %squeeze3A_315 : f32 to vector<16xf32>
      %lt3A_321 = arith.cmpf olt, %lt3A_320, %get3A_123 : vector<16xf32>
      %and3A_322 = arith.andi %eq3A_319, %lt3A_321 : vector<16xi1>
      %or3A_323 = arith.ori %gt3A_317, %and3A_322 : vector<16xi1>
      %jit3A_324 = arith.constant 1.000000e+00 : f32
      %jit3A_325 = arith.constant 0.000000e+00 : f32
      %broadcast_in_dim3A_326 = vector.broadcast %jit3A_324 : f32 to vector<16xf32>
      %broadcast_in_dim3A_327 = vector.broadcast %jit3A_325 : f32 to vector<16xf32>
      %select_n3A_328 = arith.select %or3A_323, %broadcast_in_dim3A_326, %broadcast_in_dim3A_327 : vector<16xi1>, vector<16xf32>
      %add3A_329 = arith.addf %add3A_311, %select_n3A_328 : vector<16xf32>
      %slice3A_330 = vector.extract_strided_slice %get3A_134 {offsets = [11], sizes = [1], strides = [1]} : vector<16xf32> to vector<1xf32>
      %squeeze3A_331 = vector.extract %slice3A_330[0] : f32 from vector<1xf32>
      %slice3A_332 = vector.extract_strided_slice %get3A_138 {offsets = [11], sizes = [1], strides = [1]} : vector<16xf32> to vector<1xf32>
      %squeeze3A_333 = vector.extract %slice3A_332[0] : f32 from vector<1xf32>
      %gt3A_334 = vector.broadcast %squeeze3A_331 : f32 to vector<16xf32>
      %gt3A_335 = arith.cmpf ogt, %gt3A_334, %get3A_119 : vector<16xf32>
      %eq3A_336 = vector.broadcast %squeeze3A_331 : f32 to vector<16xf32>
      %eq3A_337 = arith.cmpf oeq, %eq3A_336, %get3A_119 : vector<16xf32>
      %lt3A_338 = vector.broadcast %squeeze3A_333 : f32 to vector<16xf32>
      %lt3A_339 = arith.cmpf olt, %lt3A_338, %get3A_123 : vector<16xf32>
      %and3A_340 = arith.andi %eq3A_337, %lt3A_339 : vector<16xi1>
      %or3A_341 = arith.ori %gt3A_335, %and3A_340 : vector<16xi1>
      %jit3A_342 = arith.constant 1.000000e+00 : f32
      %jit3A_343 = arith.constant 0.000000e+00 : f32
      %broadcast_in_dim3A_344 = vector.broadcast %jit3A_342 : f32 to vector<16xf32>
      %broadcast_in_dim3A_345 = vector.broadcast %jit3A_343 : f32 to vector<16xf32>
      %select_n3A_346 = arith.select %or3A_341, %broadcast_in_dim3A_344, %broadcast_in_dim3A_345 : vector<16xi1>, vector<16xf32>
      %add3A_347 = arith.addf %add3A_329, %select_n3A_346 : vector<16xf32>
      %slice3A_348 = vector.extract_strided_slice %get3A_134 {offsets = [12], sizes = [1], strides = [1]} : vector<16xf32> to vector<1xf32>
      %squeeze3A_349 = vector.extract %slice3A_348[0] : f32 from vector<1xf32>
      %slice3A_350 = vector.extract_strided_slice %get3A_138 {offsets = [12], sizes = [1], strides = [1]} : vector<16xf32> to vector<1xf32>
      %squeeze3A_351 = vector.extract %slice3A_350[0] : f32 from vector<1xf32>
      %gt3A_352 = vector.broadcast %squeeze3A_349 : f32 to vector<16xf32>
      %gt3A_353 = arith.cmpf ogt, %gt3A_352, %get3A_119 : vector<16xf32>
      %eq3A_354 = vector.broadcast %squeeze3A_349 : f32 to vector<16xf32>
      %eq3A_355 = arith.cmpf oeq, %eq3A_354, %get3A_119 : vector<16xf32>
      %lt3A_356 = vector.broadcast %squeeze3A_351 : f32 to vector<16xf32>
      %lt3A_357 = arith.cmpf olt, %lt3A_356, %get3A_123 : vector<16xf32>
      %and3A_358 = arith.andi %eq3A_355, %lt3A_357 : vector<16xi1>
      %or3A_359 = arith.ori %gt3A_353, %and3A_358 : vector<16xi1>
      %jit3A_360 = arith.constant 1.000000e+00 : f32
      %jit3A_361 = arith.constant 0.000000e+00 : f32
      %broadcast_in_dim3A_362 = vector.broadcast %jit3A_360 : f32 to vector<16xf32>
      %broadcast_in_dim3A_363 = vector.broadcast %jit3A_361 : f32 to vector<16xf32>
      %select_n3A_364 = arith.select %or3A_359, %broadcast_in_dim3A_362, %broadcast_in_dim3A_363 : vector<16xi1>, vector<16xf32>
      %add3A_365 = arith.addf %add3A_347, %select_n3A_364 : vector<16xf32>
      %slice3A_366 = vector.extract_strided_slice %get3A_134 {offsets = [13], sizes = [1], strides = [1]} : vector<16xf32> to vector<1xf32>
      %squeeze3A_367 = vector.extract %slice3A_366[0] : f32 from vector<1xf32>
      %slice3A_368 = vector.extract_strided_slice %get3A_138 {offsets = [13], sizes = [1], strides = [1]} : vector<16xf32> to vector<1xf32>
      %squeeze3A_369 = vector.extract %slice3A_368[0] : f32 from vector<1xf32>
      %gt3A_370 = vector.broadcast %squeeze3A_367 : f32 to vector<16xf32>
      %gt3A_371 = arith.cmpf ogt, %gt3A_370, %get3A_119 : vector<16xf32>
      %eq3A_372 = vector.broadcast %squeeze3A_367 : f32 to vector<16xf32>
      %eq3A_373 = arith.cmpf oeq, %eq3A_372, %get3A_119 : vector<16xf32>
      %lt3A_374 = vector.broadcast %squeeze3A_369 : f32 to vector<16xf32>
      %lt3A_375 = arith.cmpf olt, %lt3A_374, %get3A_123 : vector<16xf32>
      %and3A_376 = arith.andi %eq3A_373, %lt3A_375 : vector<16xi1>
      %or3A_377 = arith.ori %gt3A_371, %and3A_376 : vector<16xi1>
      %jit3A_378 = arith.constant 1.000000e+00 : f32
      %jit3A_379 = arith.constant 0.000000e+00 : f32
      %broadcast_in_dim3A_380 = vector.broadcast %jit3A_378 : f32 to vector<16xf32>
      %broadcast_in_dim3A_381 = vector.broadcast %jit3A_379 : f32 to vector<16xf32>
      %select_n3A_382 = arith.select %or3A_377, %broadcast_in_dim3A_380, %broadcast_in_dim3A_381 : vector<16xi1>, vector<16xf32>
      %add3A_383 = arith.addf %add3A_365, %select_n3A_382 : vector<16xf32>
      %slice3A_384 = vector.extract_strided_slice %get3A_134 {offsets = [14], sizes = [1], strides = [1]} : vector<16xf32> to vector<1xf32>
      %squeeze3A_385 = vector.extract %slice3A_384[0] : f32 from vector<1xf32>
      %slice3A_386 = vector.extract_strided_slice %get3A_138 {offsets = [14], sizes = [1], strides = [1]} : vector<16xf32> to vector<1xf32>
      %squeeze3A_387 = vector.extract %slice3A_386[0] : f32 from vector<1xf32>
      %gt3A_388 = vector.broadcast %squeeze3A_385 : f32 to vector<16xf32>
      %gt3A_389 = arith.cmpf ogt, %gt3A_388, %get3A_119 : vector<16xf32>
      %eq3A_390 = vector.broadcast %squeeze3A_385 : f32 to vector<16xf32>
      %eq3A_391 = arith.cmpf oeq, %eq3A_390, %get3A_119 : vector<16xf32>
      %lt3A_392 = vector.broadcast %squeeze3A_387 : f32 to vector<16xf32>
      %lt3A_393 = arith.cmpf olt, %lt3A_392, %get3A_123 : vector<16xf32>
      %and3A_394 = arith.andi %eq3A_391, %lt3A_393 : vector<16xi1>
      %or3A_395 = arith.ori %gt3A_389, %and3A_394 : vector<16xi1>
      %jit3A_396 = arith.constant 1.000000e+00 : f32
      %jit3A_397 = arith.constant 0.000000e+00 : f32
      %broadcast_in_dim3A_398 = vector.broadcast %jit3A_396 : f32 to vector<16xf32>
      %broadcast_in_dim3A_399 = vector.broadcast %jit3A_397 : f32 to vector<16xf32>
      %select_n3A_400 = arith.select %or3A_395, %broadcast_in_dim3A_398, %broadcast_in_dim3A_399 : vector<16xi1>, vector<16xf32>
      %add3A_401 = arith.addf %add3A_383, %select_n3A_400 : vector<16xf32>
      %slice3A_402 = vector.extract_strided_slice %get3A_134 {offsets = [15], sizes = [1], strides = [1]} : vector<16xf32> to vector<1xf32>
      %squeeze3A_403 = vector.extract %slice3A_402[0] : f32 from vector<1xf32>
      %slice3A_404 = vector.extract_strided_slice %get3A_138 {offsets = [15], sizes = [1], strides = [1]} : vector<16xf32> to vector<1xf32>
      %squeeze3A_405 = vector.extract %slice3A_404[0] : f32 from vector<1xf32>
      %gt3A_406 = vector.broadcast %squeeze3A_403 : f32 to vector<16xf32>
      %gt3A_407 = arith.cmpf ogt, %gt3A_406, %get3A_119 : vector<16xf32>
      %eq3A_408 = vector.broadcast %squeeze3A_403 : f32 to vector<16xf32>
      %eq3A_409 = arith.cmpf oeq, %eq3A_408, %get3A_119 : vector<16xf32>
      %lt3A_410 = vector.broadcast %squeeze3A_405 : f32 to vector<16xf32>
      %lt3A_411 = arith.cmpf olt, %lt3A_410, %get3A_123 : vector<16xf32>
      %and3A_412 = arith.andi %eq3A_409, %lt3A_411 : vector<16xi1>
      %or3A_413 = arith.ori %gt3A_407, %and3A_412 : vector<16xi1>
      %jit3A_414 = arith.constant 1.000000e+00 : f32
      %jit3A_415 = arith.constant 0.000000e+00 : f32
      %broadcast_in_dim3A_416 = vector.broadcast %jit3A_414 : f32 to vector<16xf32>
      %broadcast_in_dim3A_417 = vector.broadcast %jit3A_415 : f32 to vector<16xf32>
      %select_n3A_418 = arith.select %or3A_413, %broadcast_in_dim3A_416, %broadcast_in_dim3A_417 : vector<16xi1>, vector<16xf32>
      %add3A_419 = arith.addf %add3A_401, %select_n3A_418 : vector<16xf32>
      %scan3A_420 = arith.constant 17 : i32
      %scan3A_421 = arith.addi %scan3A_124, %scan3A_420 : i32
      %mul3A_422 = arith.constant 16 : i32
      %mul3A_423 = arith.muli %scan3A_421, %mul3A_422 : i32
      %get3A_424 = arith.index_cast %mul3A_423 : i32 to index
      %get3A_425 = tpu.vector_load %arg8[%get3A_424] {strides = array<i32>} : memref<384xf32, #tpu.memory_space<vmem>>, vector<16xf32>,
      %mul3A_426 = arith.constant 16 : i32
      %mul3A_427 = arith.muli %scan3A_421, %mul3A_426 : i32
      %get3A_428 = arith.index_cast %mul3A_427 : i32 to index
      %get3A_429 = tpu.vector_load %arg9[%get3A_428] {strides = array<i32>} : memref<384xf32, #tpu.memory_space<vmem>>, vector<16xf32>,
      %slice3A_430 = vector.extract_strided_slice %get3A_425 {offsets = [0], sizes = [1], strides = [1]} : vector<16xf32> to vector<1xf32>
      %squeeze3A_431 = vector.extract %slice3A_430[0] : f32 from vector<1xf32>
      %slice3A_432 = vector.extract_strided_slice %get3A_429 {offsets = [0], sizes = [1], strides = [1]} : vector<16xf32> to vector<1xf32>
      %squeeze3A_433 = vector.extract %slice3A_432[0] : f32 from vector<1xf32>
      %gt3A_434 = vector.broadcast %squeeze3A_431 : f32 to vector<16xf32>
      %gt3A_435 = arith.cmpf ogt, %gt3A_434, %get3A_119 : vector<16xf32>
      %eq3A_436 = vector.broadcast %squeeze3A_431 : f32 to vector<16xf32>
      %eq3A_437 = arith.cmpf oeq, %eq3A_436, %get3A_119 : vector<16xf32>
      %lt3A_438 = vector.broadcast %squeeze3A_433 : f32 to vector<16xf32>
      %lt3A_439 = arith.cmpf olt, %lt3A_438, %get3A_123 : vector<16xf32>
      %and3A_440 = arith.andi %eq3A_437, %lt3A_439 : vector<16xi1>
      %or3A_441 = arith.ori %gt3A_435, %and3A_440 : vector<16xi1>
      %jit3A_442 = arith.constant 1.000000e+00 : f32
      %jit3A_443 = arith.constant 0.000000e+00 : f32
      %broadcast_in_dim3A_444 = vector.broadcast %jit3A_442 : f32 to vector<16xf32>
      %broadcast_in_dim3A_445 = vector.broadcast %jit3A_443 : f32 to vector<16xf32>
      %select_n3A_446 = arith.select %or3A_441, %broadcast_in_dim3A_444, %broadcast_in_dim3A_445 : vector<16xi1>, vector<16xf32>
      %add3A_447 = arith.addf %add3A_419, %select_n3A_446 : vector<16xf32>
      %slice3A_448 = vector.extract_strided_slice %get3A_425 {offsets = [1], sizes = [1], strides = [1]} : vector<16xf32> to vector<1xf32>
      %squeeze3A_449 = vector.extract %slice3A_448[0] : f32 from vector<1xf32>
      %slice3A_450 = vector.extract_strided_slice %get3A_429 {offsets = [1], sizes = [1], strides = [1]} : vector<16xf32> to vector<1xf32>
      %squeeze3A_451 = vector.extract %slice3A_450[0] : f32 from vector<1xf32>
      %gt3A_452 = vector.broadcast %squeeze3A_449 : f32 to vector<16xf32>
      %gt3A_453 = arith.cmpf ogt, %gt3A_452, %get3A_119 : vector<16xf32>
      %eq3A_454 = vector.broadcast %squeeze3A_449 : f32 to vector<16xf32>
      %eq3A_455 = arith.cmpf oeq, %eq3A_454, %get3A_119 : vector<16xf32>
      %lt3A_456 = vector.broadcast %squeeze3A_451 : f32 to vector<16xf32>
      %lt3A_457 = arith.cmpf olt, %lt3A_456, %get3A_123 : vector<16xf32>
      %and3A_458 = arith.andi %eq3A_455, %lt3A_457 : vector<16xi1>
      %or3A_459 = arith.ori %gt3A_453, %and3A_458 : vector<16xi1>
      %jit3A_460 = arith.constant 1.000000e+00 : f32
      %jit3A_461 = arith.constant 0.000000e+00 : f32
      %broadcast_in_dim3A_462 = vector.broadcast %jit3A_460 : f32 to vector<16xf32>
      %broadcast_in_dim3A_463 = vector.broadcast %jit3A_461 : f32 to vector<16xf32>
      %select_n3A_464 = arith.select %or3A_459, %broadcast_in_dim3A_462, %broadcast_in_dim3A_463 : vector<16xi1>, vector<16xf32>
      %add3A_465 = arith.addf %add3A_447, %select_n3A_464 : vector<16xf32>
      %slice3A_466 = vector.extract_strided_slice %get3A_425 {offsets = [2], sizes = [1], strides = [1]} : vector<16xf32> to vector<1xf32>
      %squeeze3A_467 = vector.extract %slice3A_466[0] : f32 from vector<1xf32>
      %slice3A_468 = vector.extract_strided_slice %get3A_429 {offsets = [2], sizes = [1], strides = [1]} : vector<16xf32> to vector<1xf32>
      %squeeze3A_469 = vector.extract %slice3A_468[0] : f32 from vector<1xf32>
      %gt3A_470 = vector.broadcast %squeeze3A_467 : f32 to vector<16xf32>
      %gt3A_471 = arith.cmpf ogt, %gt3A_470, %get3A_119 : vector<16xf32>
      %eq3A_472 = vector.broadcast %squeeze3A_467 : f32 to vector<16xf32>
      %eq3A_473 = arith.cmpf oeq, %eq3A_472, %get3A_119 : vector<16xf32>
      %lt3A_474 = vector.broadcast %squeeze3A_469 : f32 to vector<16xf32>
      %lt3A_475 = arith.cmpf olt, %lt3A_474, %get3A_123 : vector<16xf32>
      %and3A_476 = arith.andi %eq3A_473, %lt3A_475 : vector<16xi1>
      %or3A_477 = arith.ori %gt3A_471, %and3A_476 : vector<16xi1>
      %jit3A_478 = arith.constant 1.000000e+00 : f32
      %jit3A_479 = arith.constant 0.000000e+00 : f32
      %broadcast_in_dim3A_480 = vector.broadcast %jit3A_478 : f32 to vector<16xf32>
      %broadcast_in_dim3A_481 = vector.broadcast %jit3A_479 : f32 to vector<16xf32>
      %select_n3A_482 = arith.select %or3A_477, %broadcast_in_dim3A_480, %broadcast_in_dim3A_481 : vector<16xi1>, vector<16xf32>
      %add3A_483 = arith.addf %add3A_465, %select_n3A_482 : vector<16xf32>
      %slice3A_484 = vector.extract_strided_slice %get3A_425 {offsets = [3], sizes = [1], strides = [1]} : vector<16xf32> to vector<1xf32>
      %squeeze3A_485 = vector.extract %slice3A_484[0] : f32 from vector<1xf32>
      %slice3A_486 = vector.extract_strided_slice %get3A_429 {offsets = [3], sizes = [1], strides = [1]} : vector<16xf32> to vector<1xf32>
      %squeeze3A_487 = vector.extract %slice3A_486[0] : f32 from vector<1xf32>
      %gt3A_488 = vector.broadcast %squeeze3A_485 : f32 to vector<16xf32>
      %gt3A_489 = arith.cmpf ogt, %gt3A_488, %get3A_119 : vector<16xf32>
      %eq3A_490 = vector.broadcast %squeeze3A_485 : f32 to vector<16xf32>
      %eq3A_491 = arith.cmpf oeq, %eq3A_490, %get3A_119 : vector<16xf32>
      %lt3A_492 = vector.broadcast %squeeze3A_487 : f32 to vector<16xf32>
      %lt3A_493 = arith.cmpf olt, %lt3A_492, %get3A_123 : vector<16xf32>
      %and3A_494 = arith.andi %eq3A_491, %lt3A_493 : vector<16xi1>
      %or3A_495 = arith.ori %gt3A_489, %and3A_494 : vector<16xi1>
      %jit3A_496 = arith.constant 1.000000e+00 : f32
      %jit3A_497 = arith.constant 0.000000e+00 : f32
      %broadcast_in_dim3A_498 = vector.broadcast %jit3A_496 : f32 to vector<16xf32>
      %broadcast_in_dim3A_499 = vector.broadcast %jit3A_497 : f32 to vector<16xf32>
      %select_n3A_500 = arith.select %or3A_495, %broadcast_in_dim3A_498, %broadcast_in_dim3A_499 : vector<16xi1>, vector<16xf32>
      %add3A_501 = arith.addf %add3A_483, %select_n3A_500 : vector<16xf32>
      %slice3A_502 = vector.extract_strided_slice %get3A_425 {offsets = [4], sizes = [1], strides = [1]} : vector<16xf32> to vector<1xf32>
      %squeeze3A_503 = vector.extract %slice3A_502[0] : f32 from vector<1xf32>
      %slice3A_504 = vector.extract_strided_slice %get3A_429 {offsets = [4], sizes = [1], strides = [1]} : vector<16xf32> to vector<1xf32>
      %squeeze3A_505 = vector.extract %slice3A_504[0] : f32 from vector<1xf32>
      %gt3A_506 = vector.broadcast %squeeze3A_503 : f32 to vector<16xf32>
      %gt3A_507 = arith.cmpf ogt, %gt3A_506, %get3A_119 : vector<16xf32>
      %eq3A_508 = vector.broadcast %squeeze3A_503 : f32 to vector<16xf32>
      %eq3A_509 = arith.cmpf oeq, %eq3A_508, %get3A_119 : vector<16xf32>
      %lt3A_510 = vector.broadcast %squeeze3A_505 : f32 to vector<16xf32>
      %lt3A_511 = arith.cmpf olt, %lt3A_510, %get3A_123 : vector<16xf32>
      %and3A_512 = arith.andi %eq3A_509, %lt3A_511 : vector<16xi1>
      %or3A_513 = arith.ori %gt3A_507, %and3A_512 : vector<16xi1>
      %jit3A_514 = arith.constant 1.000000e+00 : f32
      %jit3A_515 = arith.constant 0.000000e+00 : f32
      %broadcast_in_dim3A_516 = vector.broadcast %jit3A_514 : f32 to vector<16xf32>
      %broadcast_in_dim3A_517 = vector.broadcast %jit3A_515 : f32 to vector<16xf32>
      %select_n3A_518 = arith.select %or3A_513, %broadcast_in_dim3A_516, %broadcast_in_dim3A_517 : vector<16xi1>, vector<16xf32>
      %add3A_519 = arith.addf %add3A_501, %select_n3A_518 : vector<16xf32>
      %slice3A_520 = vector.extract_strided_slice %get3A_425 {offsets = [5], sizes = [1], strides = [1]} : vector<16xf32> to vector<1xf32>
      %squeeze3A_521 = vector.extract %slice3A_520[0] : f32 from vector<1xf32>
      %slice3A_522 = vector.extract_strided_slice %get3A_429 {offsets = [5], sizes = [1], strides = [1]} : vector<16xf32> to vector<1xf32>
      %squeeze3A_523 = vector.extract %slice3A_522[0] : f32 from vector<1xf32>
      %gt3A_524 = vector.broadcast %squeeze3A_521 : f32 to vector<16xf32>
      %gt3A_525 = arith.cmpf ogt, %gt3A_524, %get3A_119 : vector<16xf32>
      %eq3A_526 = vector.broadcast %squeeze3A_521 : f32 to vector<16xf32>
      %eq3A_527 = arith.cmpf oeq, %eq3A_526, %get3A_119 : vector<16xf32>
      %lt3A_528 = vector.broadcast %squeeze3A_523 : f32 to vector<16xf32>
      %lt3A_529 = arith.cmpf olt, %lt3A_528, %get3A_123 : vector<16xf32>
      %and3A_530 = arith.andi %eq3A_527, %lt3A_529 : vector<16xi1>
      %or3A_531 = arith.ori %gt3A_525, %and3A_530 : vector<16xi1>
      %jit3A_532 = arith.constant 1.000000e+00 : f32
      %jit3A_533 = arith.constant 0.000000e+00 : f32
      %broadcast_in_dim3A_534 = vector.broadcast %jit3A_532 : f32 to vector<16xf32>
      %broadcast_in_dim3A_535 = vector.broadcast %jit3A_533 : f32 to vector<16xf32>
      %select_n3A_536 = arith.select %or3A_531, %broadcast_in_dim3A_534, %broadcast_in_dim3A_535 : vector<16xi1>, vector<16xf32>
      %add3A_537 = arith.addf %add3A_519, %select_n3A_536 : vector<16xf32>
      %slice3A_538 = vector.extract_strided_slice %get3A_425 {offsets = [6], sizes = [1], strides = [1]} : vector<16xf32> to vector<1xf32>
      %squeeze3A_539 = vector.extract %slice3A_538[0] : f32 from vector<1xf32>
      %slice3A_540 = vector.extract_strided_slice %get3A_429 {offsets = [6], sizes = [1], strides = [1]} : vector<16xf32> to vector<1xf32>
      %squeeze3A_541 = vector.extract %slice3A_540[0] : f32 from vector<1xf32>
      %gt3A_542 = vector.broadcast %squeeze3A_539 : f32 to vector<16xf32>
      %gt3A_543 = arith.cmpf ogt, %gt3A_542, %get3A_119 : vector<16xf32>
      %eq3A_544 = vector.broadcast %squeeze3A_539 : f32 to vector<16xf32>
      %eq3A_545 = arith.cmpf oeq, %eq3A_544, %get3A_119 : vector<16xf32>
      %lt3A_546 = vector.broadcast %squeeze3A_541 : f32 to vector<16xf32>
      %lt3A_547 = arith.cmpf olt, %lt3A_546, %get3A_123 : vector<16xf32>
      %and3A_548 = arith.andi %eq3A_545, %lt3A_547 : vector<16xi1>
      %or3A_549 = arith.ori %gt3A_543, %and3A_548 : vector<16xi1>
      %jit3A_550 = arith.constant 1.000000e+00 : f32
      %jit3A_551 = arith.constant 0.000000e+00 : f32
      %broadcast_in_dim3A_552 = vector.broadcast %jit3A_550 : f32 to vector<16xf32>
      %broadcast_in_dim3A_553 = vector.broadcast %jit3A_551 : f32 to vector<16xf32>
      %select_n3A_554 = arith.select %or3A_549, %broadcast_in_dim3A_552, %broadcast_in_dim3A_553 : vector<16xi1>, vector<16xf32>
      %add3A_555 = arith.addf %add3A_537, %select_n3A_554 : vector<16xf32>
      %slice3A_556 = vector.extract_strided_slice %get3A_425 {offsets = [7], sizes = [1], strides = [1]} : vector<16xf32> to vector<1xf32>
      %squeeze3A_557 = vector.extract %slice3A_556[0] : f32 from vector<1xf32>
      %slice3A_558 = vector.extract_strided_slice %get3A_429 {offsets = [7], sizes = [1], strides = [1]} : vector<16xf32> to vector<1xf32>
      %squeeze3A_559 = vector.extract %slice3A_558[0] : f32 from vector<1xf32>
      %gt3A_560 = vector.broadcast %squeeze3A_557 : f32 to vector<16xf32>
      %gt3A_561 = arith.cmpf ogt, %gt3A_560, %get3A_119 : vector<16xf32>
      %eq3A_562 = vector.broadcast %squeeze3A_557 : f32 to vector<16xf32>
      %eq3A_563 = arith.cmpf oeq, %eq3A_562, %get3A_119 : vector<16xf32>
      %lt3A_564 = vector.broadcast %squeeze3A_559 : f32 to vector<16xf32>
      %lt3A_565 = arith.cmpf olt, %lt3A_564, %get3A_123 : vector<16xf32>
      %and3A_566 = arith.andi %eq3A_563, %lt3A_565 : vector<16xi1>
      %or3A_567 = arith.ori %gt3A_561, %and3A_566 : vector<16xi1>
      %jit3A_568 = arith.constant 1.000000e+00 : f32
      %jit3A_569 = arith.constant 0.000000e+00 : f32
      %broadcast_in_dim3A_570 = vector.broadcast %jit3A_568 : f32 to vector<16xf32>
      %broadcast_in_dim3A_571 = vector.broadcast %jit3A_569 : f32 to vector<16xf32>
      %select_n3A_572 = arith.select %or3A_567, %broadcast_in_dim3A_570, %broadcast_in_dim3A_571 : vector<16xi1>, vector<16xf32>
      %add3A_573 = arith.addf %add3A_555, %select_n3A_572 : vector<16xf32>
      %slice3A_574 = vector.extract_strided_slice %get3A_425 {offsets = [8], sizes = [1], strides = [1]} : vector<16xf32> to vector<1xf32>
      %squeeze3A_575 = vector.extract %slice3A_574[0] : f32 from vector<1xf32>
      %slice3A_576 = vector.extract_strided_slice %get3A_429 {offsets = [8], sizes = [1], strides = [1]} : vector<16xf32> to vector<1xf32>
      %squeeze3A_577 = vector.extract %slice3A_576[0] : f32 from vector<1xf32>
      %gt3A_578 = vector.broadcast %squeeze3A_575 : f32 to vector<16xf32>
      %gt3A_579 = arith.cmpf ogt, %gt3A_578, %get3A_119 : vector<16xf32>
      %eq3A_580 = vector.broadcast %squeeze3A_575 : f32 to vector<16xf32>
      %eq3A_581 = arith.cmpf oeq, %eq3A_580, %get3A_119 : vector<16xf32>
      %lt3A_582 = vector.broadcast %squeeze3A_577 : f32 to vector<16xf32>
      %lt3A_583 = arith.cmpf olt, %lt3A_582, %get3A_123 : vector<16xf32>
      %and3A_584 = arith.andi %eq3A_581, %lt3A_583 : vector<16xi1>
      %or3A_585 = arith.ori %gt3A_579, %and3A_584 : vector<16xi1>
      %jit3A_586 = arith.constant 1.000000e+00 : f32
      %jit3A_587 = arith.constant 0.000000e+00 : f32
      %broadcast_in_dim3A_588 = vector.broadcast %jit3A_586 : f32 to vector<16xf32>
      %broadcast_in_dim3A_589 = vector.broadcast %jit3A_587 : f32 to vector<16xf32>
      %select_n3A_590 = arith.select %or3A_585, %broadcast_in_dim3A_588, %broadcast_in_dim3A_589 : vector<16xi1>, vector<16xf32>
      %add3A_591 = arith.addf %add3A_573, %select_n3A_590 : vector<16xf32>
      %slice3A_592 = vector.extract_strided_slice %get3A_425 {offsets = [9], sizes = [1], strides = [1]} : vector<16xf32> to vector<1xf32>
      %squeeze3A_593 = vector.extract %slice3A_592[0] : f32 from vector<1xf32>
      %slice3A_594 = vector.extract_strided_slice %get3A_429 {offsets = [9], sizes = [1], strides = [1]} : vector<16xf32> to vector<1xf32>
      %squeeze3A_595 = vector.extract %slice3A_594[0] : f32 from vector<1xf32>
      %gt3A_596 = vector.broadcast %squeeze3A_593 : f32 to vector<16xf32>
      %gt3A_597 = arith.cmpf ogt, %gt3A_596, %get3A_119 : vector<16xf32>
      %eq3A_598 = vector.broadcast %squeeze3A_593 : f32 to vector<16xf32>
      %eq3A_599 = arith.cmpf oeq, %eq3A_598, %get3A_119 : vector<16xf32>
      %lt3A_600 = vector.broadcast %squeeze3A_595 : f32 to vector<16xf32>
      %lt3A_601 = arith.cmpf olt, %lt3A_600, %get3A_123 : vector<16xf32>
      %and3A_602 = arith.andi %eq3A_599, %lt3A_601 : vector<16xi1>
      %or3A_603 = arith.ori %gt3A_597, %and3A_602 : vector<16xi1>
      %jit3A_604 = arith.constant 1.000000e+00 : f32
      %jit3A_605 = arith.constant 0.000000e+00 : f32
      %broadcast_in_dim3A_606 = vector.broadcast %jit3A_604 : f32 to vector<16xf32>
      %broadcast_in_dim3A_607 = vector.broadcast %jit3A_605 : f32 to vector<16xf32>
      %select_n3A_608 = arith.select %or3A_603, %broadcast_in_dim3A_606, %broadcast_in_dim3A_607 : vector<16xi1>, vector<16xf32>
      %add3A_609 = arith.addf %add3A_591, %select_n3A_608 : vector<16xf32>
      %slice3A_610 = vector.extract_strided_slice %get3A_425 {offsets = [10], sizes = [1], strides = [1]} : vector<16xf32> to vector<1xf32>
      %squeeze3A_611 = vector.extract %slice3A_610[0] : f32 from vector<1xf32>
      %slice3A_612 = vector.extract_strided_slice %get3A_429 {offsets = [10], sizes = [1], strides = [1]} : vector<16xf32> to vector<1xf32>
      %squeeze3A_613 = vector.extract %slice3A_612[0] : f32 from vector<1xf32>
      %gt3A_614 = vector.broadcast %squeeze3A_611 : f32 to vector<16xf32>
      %gt3A_615 = arith.cmpf ogt, %gt3A_614, %get3A_119 : vector<16xf32>
      %eq3A_616 = vector.broadcast %squeeze3A_611 : f32 to vector<16xf32>
      %eq3A_617 = arith.cmpf oeq, %eq3A_616, %get3A_119 : vector<16xf32>
      %lt3A_618 = vector.broadcast %squeeze3A_613 : f32 to vector<16xf32>
      %lt3A_619 = arith.cmpf olt, %lt3A_618, %get3A_123 : vector<16xf32>
      %and3A_620 = arith.andi %eq3A_617, %lt3A_619 : vector<16xi1>
      %or3A_621 = arith.ori %gt3A_615, %and3A_620 : vector<16xi1>
      %jit3A_622 = arith.constant 1.000000e+00 : f32
      %jit3A_623 = arith.constant 0.000000e+00 : f32
      %broadcast_in_dim3A_624 = vector.broadcast %jit3A_622 : f32 to vector<16xf32>
      %broadcast_in_dim3A_625 = vector.broadcast %jit3A_623 : f32 to vector<16xf32>
      %select_n3A_626 = arith.select %or3A_621, %broadcast_in_dim3A_624, %broadcast_in_dim3A_625 : vector<16xi1>, vector<16xf32>
      %add3A_627 = arith.addf %add3A_609, %select_n3A_626 : vector<16xf32>
      %slice3A_628 = vector.extract_strided_slice %get3A_425 {offsets = [11], sizes = [1], strides = [1]} : vector<16xf32> to vector<1xf32>
      %squeeze3A_629 = vector.extract %slice3A_628[0] : f32 from vector<1xf32>
      %slice3A_630 = vector.extract_strided_slice %get3A_429 {offsets = [11], sizes = [1], strides = [1]} : vector<16xf32> to vector<1xf32>
      %squeeze3A_631 = vector.extract %slice3A_630[0] : f32 from vector<1xf32>
      %gt3A_632 = vector.broadcast %squeeze3A_629 : f32 to vector<16xf32>
      %gt3A_633 = arith.cmpf ogt, %gt3A_632, %get3A_119 : vector<16xf32>
      %eq3A_634 = vector.broadcast %squeeze3A_629 : f32 to vector<16xf32>
      %eq3A_635 = arith.cmpf oeq, %eq3A_634, %get3A_119 : vector<16xf32>
      %lt3A_636 = vector.broadcast %squeeze3A_631 : f32 to vector<16xf32>
      %lt3A_637 = arith.cmpf olt, %lt3A_636, %get3A_123 : vector<16xf32>
      %and3A_638 = arith.andi %eq3A_635, %lt3A_637 : vector<16xi1>
      %or3A_639 = arith.ori %gt3A_633, %and3A_638 : vector<16xi1>
      %jit3A_640 = arith.constant 1.000000e+00 : f32
      %jit3A_641 = arith.constant 0.000000e+00 : f32
      %broadcast_in_dim3A_642 = vector.broadcast %jit3A_640 : f32 to vector<16xf32>
      %broadcast_in_dim3A_643 = vector.broadcast %jit3A_641 : f32 to vector<16xf32>
      %select_n3A_644 = arith.select %or3A_639, %broadcast_in_dim3A_642, %broadcast_in_dim3A_643 : vector<16xi1>, vector<16xf32>
      %add3A_645 = arith.addf %add3A_627, %select_n3A_644 : vector<16xf32>
      %slice3A_646 = vector.extract_strided_slice %get3A_425 {offsets = [12], sizes = [1], strides = [1]} : vector<16xf32> to vector<1xf32>
      %squeeze3A_647 = vector.extract %slice3A_646[0] : f32 from vector<1xf32>
      %slice3A_648 = vector.extract_strided_slice %get3A_429 {offsets = [12], sizes = [1], strides = [1]} : vector<16xf32> to vector<1xf32>
      %squeeze3A_649 = vector.extract %slice3A_648[0] : f32 from vector<1xf32>
      %gt3A_650 = vector.broadcast %squeeze3A_647 : f32 to vector<16xf32>
      %gt3A_651 = arith.cmpf ogt, %gt3A_650, %get3A_119 : vector<16xf32>
      %eq3A_652 = vector.broadcast %squeeze3A_647 : f32 to vector<16xf32>
      %eq3A_653 = arith.cmpf oeq, %eq3A_652, %get3A_119 : vector<16xf32>
      %lt3A_654 = vector.broadcast %squeeze3A_649 : f32 to vector<16xf32>
      %lt3A_655 = arith.cmpf olt, %lt3A_654, %get3A_123 : vector<16xf32>
      %and3A_656 = arith.andi %eq3A_653, %lt3A_655 : vector<16xi1>
      %or3A_657 = arith.ori %gt3A_651, %and3A_656 : vector<16xi1>
      %jit3A_658 = arith.constant 1.000000e+00 : f32
      %jit3A_659 = arith.constant 0.000000e+00 : f32
      %broadcast_in_dim3A_660 = vector.broadcast %jit3A_658 : f32 to vector<16xf32>
      %broadcast_in_dim3A_661 = vector.broadcast %jit3A_659 : f32 to vector<16xf32>
      %select_n3A_662 = arith.select %or3A_657, %broadcast_in_dim3A_660, %broadcast_in_dim3A_661 : vector<16xi1>, vector<16xf32>
      %add3A_663 = arith.addf %add3A_645, %select_n3A_662 : vector<16xf32>
      %slice3A_664 = vector.extract_strided_slice %get3A_425 {offsets = [13], sizes = [1], strides = [1]} : vector<16xf32> to vector<1xf32>
      %squeeze3A_665 = vector.extract %slice3A_664[0] : f32 from vector<1xf32>
      %slice3A_666 = vector.extract_strided_slice %get3A_429 {offsets = [13], sizes = [1], strides = [1]} : vector<16xf32> to vector<1xf32>
      %squeeze3A_667 = vector.extract %slice3A_666[0] : f32 from vector<1xf32>
      %gt3A_668 = vector.broadcast %squeeze3A_665 : f32 to vector<16xf32>
      %gt3A_669 = arith.cmpf ogt, %gt3A_668, %get3A_119 : vector<16xf32>
      %eq3A_670 = vector.broadcast %squeeze3A_665 : f32 to vector<16xf32>
      %eq3A_671 = arith.cmpf oeq, %eq3A_670, %get3A_119 : vector<16xf32>
      %lt3A_672 = vector.broadcast %squeeze3A_667 : f32 to vector<16xf32>
      %lt3A_673 = arith.cmpf olt, %lt3A_672, %get3A_123 : vector<16xf32>
      %and3A_674 = arith.andi %eq3A_671, %lt3A_673 : vector<16xi1>
      %or3A_675 = arith.ori %gt3A_669, %and3A_674 : vector<16xi1>
      %jit3A_676 = arith.constant 1.000000e+00 : f32
      %jit3A_677 = arith.constant 0.000000e+00 : f32
      %broadcast_in_dim3A_678 = vector.broadcast %jit3A_676 : f32 to vector<16xf32>
      %broadcast_in_dim3A_679 = vector.broadcast %jit3A_677 : f32 to vector<16xf32>
      %select_n3A_680 = arith.select %or3A_675, %broadcast_in_dim3A_678, %broadcast_in_dim3A_679 : vector<16xi1>, vector<16xf32>
      %add3A_681 = arith.addf %add3A_663, %select_n3A_680 : vector<16xf32>
      %slice3A_682 = vector.extract_strided_slice %get3A_425 {offsets = [14], sizes = [1], strides = [1]} : vector<16xf32> to vector<1xf32>
      %squeeze3A_683 = vector.extract %slice3A_682[0] : f32 from vector<1xf32>
      %slice3A_684 = vector.extract_strided_slice %get3A_429 {offsets = [14], sizes = [1], strides = [1]} : vector<16xf32> to vector<1xf32>
      %squeeze3A_685 = vector.extract %slice3A_684[0] : f32 from vector<1xf32>
      %gt3A_686 = vector.broadcast %squeeze3A_683 : f32 to vector<16xf32>
      %gt3A_687 = arith.cmpf ogt, %gt3A_686, %get3A_119 : vector<16xf32>
      %eq3A_688 = vector.broadcast %squeeze3A_683 : f32 to vector<16xf32>
      %eq3A_689 = arith.cmpf oeq, %eq3A_688, %get3A_119 : vector<16xf32>
      %lt3A_690 = vector.broadcast %squeeze3A_685 : f32 to vector<16xf32>
      %lt3A_691 = arith.cmpf olt, %lt3A_690, %get3A_123 : vector<16xf32>
      %and3A_692 = arith.andi %eq3A_689, %lt3A_691 : vector<16xi1>
      %or3A_693 = arith.ori %gt3A_687, %and3A_692 : vector<16xi1>
      %jit3A_694 = arith.constant 1.000000e+00 : f32
      %jit3A_695 = arith.constant 0.000000e+00 : f32
      %broadcast_in_dim3A_696 = vector.broadcast %jit3A_694 : f32 to vector<16xf32>
      %broadcast_in_dim3A_697 = vector.broadcast %jit3A_695 : f32 to vector<16xf32>
      %select_n3A_698 = arith.select %or3A_693, %broadcast_in_dim3A_696, %broadcast_in_dim3A_697 : vector<16xi1>, vector<16xf32>
      %add3A_699 = arith.addf %add3A_681, %select_n3A_698 : vector<16xf32>
      %slice3A_700 = vector.extract_strided_slice %get3A_425 {offsets = [15], sizes = [1], strides = [1]} : vector<16xf32> to vector<1xf32>
      %squeeze3A_701 = vector.extract %slice3A_700[0] : f32 from vector<1xf32>
      %slice3A_702 = vector.extract_strided_slice %get3A_429 {offsets = [15], sizes = [1], strides = [1]} : vector<16xf32> to vector<1xf32>
      %squeeze3A_703 = vector.extract %slice3A_702[0] : f32 from vector<1xf32>
      %gt3A_704 = vector.broadcast %squeeze3A_701 : f32 to vector<16xf32>
      %gt3A_705 = arith.cmpf ogt, %gt3A_704, %get3A_119 : vector<16xf32>
      %eq3A_706 = vector.broadcast %squeeze3A_701 : f32 to vector<16xf32>
      %eq3A_707 = arith.cmpf oeq, %eq3A_706, %get3A_119 : vector<16xf32>
      %lt3A_708 = vector.broadcast %squeeze3A_703 : f32 to vector<16xf32>
      %lt3A_709 = arith.cmpf olt, %lt3A_708, %get3A_123 : vector<16xf32>
      %and3A_710 = arith.andi %eq3A_707, %lt3A_709 : vector<16xi1>
      %or3A_711 = arith.ori %gt3A_705, %and3A_710 : vector<16xi1>
      %jit3A_712 = arith.constant 1.000000e+00 : f32
      %jit3A_713 = arith.constant 0.000000e+00 : f32
      %broadcast_in_dim3A_714 = vector.broadcast %jit3A_712 : f32 to vector<16xf32>
      %broadcast_in_dim3A_715 = vector.broadcast %jit3A_713 : f32 to vector<16xf32>
      %select_n3A_716 = arith.select %or3A_711, %broadcast_in_dim3A_714, %broadcast_in_dim3A_715 : vector<16xi1>, vector<16xf32>
      %add3A_717 = arith.addf %add3A_699, %select_n3A_716 : vector<16xf32>
      %scan3A_718 = arith.constant 18 : i32
      %scan3A_719 = arith.addi %scan3A_124, %scan3A_718 : i32
      %mul3A_720 = arith.constant 16 : i32
      %mul3A_721 = arith.muli %scan3A_719, %mul3A_720 : i32
      %get3A_722 = arith.index_cast %mul3A_721 : i32 to index
      %get3A_723 = tpu.vector_load %arg8[%get3A_722] {strides = array<i32>} : memref<384xf32, #tpu.memory_space<vmem>>, vector<16xf32>,
      %mul3A_724 = arith.constant 16 : i32
      %mul3A_725 = arith.muli %scan3A_719, %mul3A_724 : i32
      %get3A_726 = arith.index_cast %mul3A_725 : i32 to index
      %get3A_727 = tpu.vector_load %arg9[%get3A_726] {strides = array<i32>} : memref<384xf32, #tpu.memory_space<vmem>>, vector<16xf32>,
      %slice3A_728 = vector.extract_strided_slice %get3A_723 {offsets = [0], sizes = [1], strides = [1]} : vector<16xf32> to vector<1xf32>
      %squeeze3A_729 = vector.extract %slice3A_728[0] : f32 from vector<1xf32>
      %slice3A_730 = vector.extract_strided_slice %get3A_727 {offsets = [0], sizes = [1], strides = [1]} : vector<16xf32> to vector<1xf32>
      %squeeze3A_731 = vector.extract %slice3A_730[0] : f32 from vector<1xf32>
      %gt3A_732 = vector.broadcast %squeeze3A_729 : f32 to vector<16xf32>
      %gt3A_733 = arith.cmpf ogt, %gt3A_732, %get3A_119 : vector<16xf32>
      %eq3A_734 = vector.broadcast %squeeze3A_729 : f32 to vector<16xf32>
      %eq3A_735 = arith.cmpf oeq, %eq3A_734, %get3A_119 : vector<16xf32>
      %lt3A_736 = vector.broadcast %squeeze3A_731 : f32 to vector<16xf32>
      %lt3A_737 = arith.cmpf olt, %lt3A_736, %get3A_123 : vector<16xf32>
      %and3A_738 = arith.andi %eq3A_735, %lt3A_737 : vector<16xi1>
      %or3A_739 = arith.ori %gt3A_733, %and3A_738 : vector<16xi1>
      %jit3A_740 = arith.constant 1.000000e+00 : f32
      %jit3A_741 = arith.constant 0.000000e+00 : f32
      %broadcast_in_dim3A_742 = vector.broadcast %jit3A_740 : f32 to vector<16xf32>
      %broadcast_in_dim3A_743 = vector.broadcast %jit3A_741 : f32 to vector<16xf32>
      %select_n3A_744 = arith.select %or3A_739, %broadcast_in_dim3A_742, %broadcast_in_dim3A_743 : vector<16xi1>, vector<16xf32>
      %add3A_745 = arith.addf %add3A_717, %select_n3A_744 : vector<16xf32>
      %slice3A_746 = vector.extract_strided_slice %get3A_723 {offsets = [1], sizes = [1], strides = [1]} : vector<16xf32> to vector<1xf32>
      %squeeze3A_747 = vector.extract %slice3A_746[0] : f32 from vector<1xf32>
      %slice3A_748 = vector.extract_strided_slice %get3A_727 {offsets = [1], sizes = [1], strides = [1]} : vector<16xf32> to vector<1xf32>
      %squeeze3A_749 = vector.extract %slice3A_748[0] : f32 from vector<1xf32>
      %gt3A_750 = vector.broadcast %squeeze3A_747 : f32 to vector<16xf32>
      %gt3A_751 = arith.cmpf ogt, %gt3A_750, %get3A_119 : vector<16xf32>
      %eq3A_752 = vector.broadcast %squeeze3A_747 : f32 to vector<16xf32>
      %eq3A_753 = arith.cmpf oeq, %eq3A_752, %get3A_119 : vector<16xf32>
      %lt3A_754 = vector.broadcast %squeeze3A_749 : f32 to vector<16xf32>
      %lt3A_755 = arith.cmpf olt, %lt3A_754, %get3A_123 : vector<16xf32>
      %and3A_756 = arith.andi %eq3A_753, %lt3A_755 : vector<16xi1>
      %or3A_757 = arith.ori %gt3A_751, %and3A_756 : vector<16xi1>
      %jit3A_758 = arith.constant 1.000000e+00 : f32
      %jit3A_759 = arith.constant 0.000000e+00 : f32
      %broadcast_in_dim3A_760 = vector.broadcast %jit3A_758 : f32 to vector<16xf32>
      %broadcast_in_dim3A_761 = vector.broadcast %jit3A_759 : f32 to vector<16xf32>
      %select_n3A_762 = arith.select %or3A_757, %broadcast_in_dim3A_760, %broadcast_in_dim3A_761 : vector<16xi1>, vector<16xf32>
      %add3A_763 = arith.addf %add3A_745, %select_n3A_762 : vector<16xf32>
      %slice3A_764 = vector.extract_strided_slice %get3A_723 {offsets = [2], sizes = [1], strides = [1]} : vector<16xf32> to vector<1xf32>
      %squeeze3A_765 = vector.extract %slice3A_764[0] : f32 from vector<1xf32>
      %slice3A_766 = vector.extract_strided_slice %get3A_727 {offsets = [2], sizes = [1], strides = [1]} : vector<16xf32> to vector<1xf32>
      %squeeze3A_767 = vector.extract %slice3A_766[0] : f32 from vector<1xf32>
      %gt3A_768 = vector.broadcast %squeeze3A_765 : f32 to vector<16xf32>
      %gt3A_769 = arith.cmpf ogt, %gt3A_768, %get3A_119 : vector<16xf32>
      %eq3A_770 = vector.broadcast %squeeze3A_765 : f32 to vector<16xf32>
      %eq3A_771 = arith.cmpf oeq, %eq3A_770, %get3A_119 : vector<16xf32>
      %lt3A_772 = vector.broadcast %squeeze3A_767 : f32 to vector<16xf32>
      %lt3A_773 = arith.cmpf olt, %lt3A_772, %get3A_123 : vector<16xf32>
      %and3A_774 = arith.andi %eq3A_771, %lt3A_773 : vector<16xi1>
      %or3A_775 = arith.ori %gt3A_769, %and3A_774 : vector<16xi1>
      %jit3A_776 = arith.constant 1.000000e+00 : f32
      %jit3A_777 = arith.constant 0.000000e+00 : f32
      %broadcast_in_dim3A_778 = vector.broadcast %jit3A_776 : f32 to vector<16xf32>
      %broadcast_in_dim3A_779 = vector.broadcast %jit3A_777 : f32 to vector<16xf32>
      %select_n3A_780 = arith.select %or3A_775, %broadcast_in_dim3A_778, %broadcast_in_dim3A_779 : vector<16xi1>, vector<16xf32>
      %add3A_781 = arith.addf %add3A_763, %select_n3A_780 : vector<16xf32>
      %slice3A_782 = vector.extract_strided_slice %get3A_723 {offsets = [3], sizes = [1], strides = [1]} : vector<16xf32> to vector<1xf32>
      %squeeze3A_783 = vector.extract %slice3A_782[0] : f32 from vector<1xf32>
      %slice3A_784 = vector.extract_strided_slice %get3A_727 {offsets = [3], sizes = [1], strides = [1]} : vector<16xf32> to vector<1xf32>
      %squeeze3A_785 = vector.extract %slice3A_784[0] : f32 from vector<1xf32>
      %gt3A_786 = vector.broadcast %squeeze3A_783 : f32 to vector<16xf32>
      %gt3A_787 = arith.cmpf ogt, %gt3A_786, %get3A_119 : vector<16xf32>
      %eq3A_788 = vector.broadcast %squeeze3A_783 : f32 to vector<16xf32>
      %eq3A_789 = arith.cmpf oeq, %eq3A_788, %get3A_119 : vector<16xf32>
      %lt3A_790 = vector.broadcast %squeeze3A_785 : f32 to vector<16xf32>
      %lt3A_791 = arith.cmpf olt, %lt3A_790, %get3A_123 : vector<16xf32>
      %and3A_792 = arith.andi %eq3A_789, %lt3A_791 : vector<16xi1>
      %or3A_793 = arith.ori %gt3A_787, %and3A_792 : vector<16xi1>
      %jit3A_794 = arith.constant 1.000000e+00 : f32
      %jit3A_795 = arith.constant 0.000000e+00 : f32
      %broadcast_in_dim3A_796 = vector.broadcast %jit3A_794 : f32 to vector<16xf32>
      %broadcast_in_dim3A_797 = vector.broadcast %jit3A_795 : f32 to vector<16xf32>
      %select_n3A_798 = arith.select %or3A_793, %broadcast_in_dim3A_796, %broadcast_in_dim3A_797 : vector<16xi1>, vector<16xf32>
      %add3A_799 = arith.addf %add3A_781, %select_n3A_798 : vector<16xf32>
      %slice3A_800 = vector.extract_strided_slice %get3A_723 {offsets = [4], sizes = [1], strides = [1]} : vector<16xf32> to vector<1xf32>
      %squeeze3A_801 = vector.extract %slice3A_800[0] : f32 from vector<1xf32>
      %slice3A_802 = vector.extract_strided_slice %get3A_727 {offsets = [4], sizes = [1], strides = [1]} : vector<16xf32> to vector<1xf32>
      %squeeze3A_803 = vector.extract %slice3A_802[0] : f32 from vector<1xf32>
      %gt3A_804 = vector.broadcast %squeeze3A_801 : f32 to vector<16xf32>
      %gt3A_805 = arith.cmpf ogt, %gt3A_804, %get3A_119 : vector<16xf32>
      %eq3A_806 = vector.broadcast %squeeze3A_801 : f32 to vector<16xf32>
      %eq3A_807 = arith.cmpf oeq, %eq3A_806, %get3A_119 : vector<16xf32>
      %lt3A_808 = vector.broadcast %squeeze3A_803 : f32 to vector<16xf32>
      %lt3A_809 = arith.cmpf olt, %lt3A_808, %get3A_123 : vector<16xf32>
      %and3A_810 = arith.andi %eq3A_807, %lt3A_809 : vector<16xi1>
      %or3A_811 = arith.ori %gt3A_805, %and3A_810 : vector<16xi1>
      %jit3A_812 = arith.constant 1.000000e+00 : f32
      %jit3A_813 = arith.constant 0.000000e+00 : f32
      %broadcast_in_dim3A_814 = vector.broadcast %jit3A_812 : f32 to vector<16xf32>
      %broadcast_in_dim3A_815 = vector.broadcast %jit3A_813 : f32 to vector<16xf32>
      %select_n3A_816 = arith.select %or3A_811, %broadcast_in_dim3A_814, %broadcast_in_dim3A_815 : vector<16xi1>, vector<16xf32>
      %add3A_817 = arith.addf %add3A_799, %select_n3A_816 : vector<16xf32>
      %slice3A_818 = vector.extract_strided_slice %get3A_723 {offsets = [5], sizes = [1], strides = [1]} : vector<16xf32> to vector<1xf32>
      %squeeze3A_819 = vector.extract %slice3A_818[0] : f32 from vector<1xf32>
      %slice3A_820 = vector.extract_strided_slice %get3A_727 {offsets = [5], sizes = [1], strides = [1]} : vector<16xf32> to vector<1xf32>
      %squeeze3A_821 = vector.extract %slice3A_820[0] : f32 from vector<1xf32>
      %gt3A_822 = vector.broadcast %squeeze3A_819 : f32 to vector<16xf32>
      %gt3A_823 = arith.cmpf ogt, %gt3A_822, %get3A_119 : vector<16xf32>
      %eq3A_824 = vector.broadcast %squeeze3A_819 : f32 to vector<16xf32>
      %eq3A_825 = arith.cmpf oeq, %eq3A_824, %get3A_119 : vector<16xf32>
      %lt3A_826 = vector.broadcast %squeeze3A_821 : f32 to vector<16xf32>
      %lt3A_827 = arith.cmpf olt, %lt3A_826, %get3A_123 : vector<16xf32>
      %and3A_828 = arith.andi %eq3A_825, %lt3A_827 : vector<16xi1>
      %or3A_829 = arith.ori %gt3A_823, %and3A_828 : vector<16xi1>
      %jit3A_830 = arith.constant 1.000000e+00 : f32
      %jit3A_831 = arith.constant 0.000000e+00 : f32
      %broadcast_in_dim3A_832 = vector.broadcast %jit3A_830 : f32 to vector<16xf32>
      %broadcast_in_dim3A_833 = vector.broadcast %jit3A_831 : f32 to vector<16xf32>
      %select_n3A_834 = arith.select %or3A_829, %broadcast_in_dim3A_832, %broadcast_in_dim3A_833 : vector<16xi1>, vector<16xf32>
      %add3A_835 = arith.addf %add3A_817, %select_n3A_834 : vector<16xf32>
      %slice3A_836 = vector.extract_strided_slice %get3A_723 {offsets = [6], sizes = [1], strides = [1]} : vector<16xf32> to vector<1xf32>
      %squeeze3A_837 = vector.extract %slice3A_836[0] : f32 from vector<1xf32>
      %slice3A_838 = vector.extract_strided_slice %get3A_727 {offsets = [6], sizes = [1], strides = [1]} : vector<16xf32> to vector<1xf32>
      %squeeze3A_839 = vector.extract %slice3A_838[0] : f32 from vector<1xf32>
      %gt3A_840 = vector.broadcast %squeeze3A_837 : f32 to vector<16xf32>
      %gt3A_841 = arith.cmpf ogt, %gt3A_840, %get3A_119 : vector<16xf32>
      %eq3A_842 = vector.broadcast %squeeze3A_837 : f32 to vector<16xf32>
      %eq3A_843 = arith.cmpf oeq, %eq3A_842, %get3A_119 : vector<16xf32>
      %lt3A_844 = vector.broadcast %squeeze3A_839 : f32 to vector<16xf32>
      %lt3A_845 = arith.cmpf olt, %lt3A_844, %get3A_123 : vector<16xf32>
      %and3A_846 = arith.andi %eq3A_843, %lt3A_845 : vector<16xi1>
      %or3A_847 = arith.ori %gt3A_841, %and3A_846 : vector<16xi1>
      %jit3A_848 = arith.constant 1.000000e+00 : f32
      %jit3A_849 = arith.constant 0.000000e+00 : f32
      %broadcast_in_dim3A_850 = vector.broadcast %jit3A_848 : f32 to vector<16xf32>
      %broadcast_in_dim3A_851 = vector.broadcast %jit3A_849 : f32 to vector<16xf32>
      %select_n3A_852 = arith.select %or3A_847, %broadcast_in_dim3A_850, %broadcast_in_dim3A_851 : vector<16xi1>, vector<16xf32>
      %add3A_853 = arith.addf %add3A_835, %select_n3A_852 : vector<16xf32>
      %slice3A_854 = vector.extract_strided_slice %get3A_723 {offsets = [7], sizes = [1], strides = [1]} : vector<16xf32> to vector<1xf32>
      %squeeze3A_855 = vector.extract %slice3A_854[0] : f32 from vector<1xf32>
      %slice3A_856 = vector.extract_strided_slice %get3A_727 {offsets = [7], sizes = [1], strides = [1]} : vector<16xf32> to vector<1xf32>
      %squeeze3A_857 = vector.extract %slice3A_856[0] : f32 from vector<1xf32>
      %gt3A_858 = vector.broadcast %squeeze3A_855 : f32 to vector<16xf32>
      %gt3A_859 = arith.cmpf ogt, %gt3A_858, %get3A_119 : vector<16xf32>
      %eq3A_860 = vector.broadcast %squeeze3A_855 : f32 to vector<16xf32>
      %eq3A_861 = arith.cmpf oeq, %eq3A_860, %get3A_119 : vector<16xf32>
      %lt3A_862 = vector.broadcast %squeeze3A_857 : f32 to vector<16xf32>
      %lt3A_863 = arith.cmpf olt, %lt3A_862, %get3A_123 : vector<16xf32>
      %and3A_864 = arith.andi %eq3A_861, %lt3A_863 : vector<16xi1>
      %or3A_865 = arith.ori %gt3A_859, %and3A_864 : vector<16xi1>
      %jit3A_866 = arith.constant 1.000000e+00 : f32
      %jit3A_867 = arith.constant 0.000000e+00 : f32
      %broadcast_in_dim3A_868 = vector.broadcast %jit3A_866 : f32 to vector<16xf32>
      %broadcast_in_dim3A_869 = vector.broadcast %jit3A_867 : f32 to vector<16xf32>
      %select_n3A_870 = arith.select %or3A_865, %broadcast_in_dim3A_868, %broadcast_in_dim3A_869 : vector<16xi1>, vector<16xf32>
      %add3A_871 = arith.addf %add3A_853, %select_n3A_870 : vector<16xf32>
      %slice3A_872 = vector.extract_strided_slice %get3A_723 {offsets = [8], sizes = [1], strides = [1]} : vector<16xf32> to vector<1xf32>
      %squeeze3A_873 = vector.extract %slice3A_872[0] : f32 from vector<1xf32>
      %slice3A_874 = vector.extract_strided_slice %get3A_727 {offsets = [8], sizes = [1], strides = [1]} : vector<16xf32> to vector<1xf32>
      %squeeze3A_875 = vector.extract %slice3A_874[0] : f32 from vector<1xf32>
      %gt3A_876 = vector.broadcast %squeeze3A_873 : f32 to vector<16xf32>
      %gt3A_877 = arith.cmpf ogt, %gt3A_876, %get3A_119 : vector<16xf32>
      %eq3A_878 = vector.broadcast %squeeze3A_873 : f32 to vector<16xf32>
      %eq3A_879 = arith.cmpf oeq, %eq3A_878, %get3A_119 : vector<16xf32>
      %lt3A_880 = vector.broadcast %squeeze3A_875 : f32 to vector<16xf32>
      %lt3A_881 = arith.cmpf olt, %lt3A_880, %get3A_123 : vector<16xf32>
      %and3A_882 = arith.andi %eq3A_879, %lt3A_881 : vector<16xi1>
      %or3A_883 = arith.ori %gt3A_877, %and3A_882 : vector<16xi1>
      %jit3A_884 = arith.constant 1.000000e+00 : f32
      %jit3A_885 = arith.constant 0.000000e+00 : f32
      %broadcast_in_dim3A_886 = vector.broadcast %jit3A_884 : f32 to vector<16xf32>
      %broadcast_in_dim3A_887 = vector.broadcast %jit3A_885 : f32 to vector<16xf32>
      %select_n3A_888 = arith.select %or3A_883, %broadcast_in_dim3A_886, %broadcast_in_dim3A_887 : vector<16xi1>, vector<16xf32>
      %add3A_889 = arith.addf %add3A_871, %select_n3A_888 : vector<16xf32>
      %slice3A_890 = vector.extract_strided_slice %get3A_723 {offsets = [9], sizes = [1], strides = [1]} : vector<16xf32> to vector<1xf32>
      %squeeze3A_891 = vector.extract %slice3A_890[0] : f32 from vector<1xf32>
      %slice3A_892 = vector.extract_strided_slice %get3A_727 {offsets = [9], sizes = [1], strides = [1]} : vector<16xf32> to vector<1xf32>
      %squeeze3A_893 = vector.extract %slice3A_892[0] : f32 from vector<1xf32>
      %gt3A_894 = vector.broadcast %squeeze3A_891 : f32 to vector<16xf32>
      %gt3A_895 = arith.cmpf ogt, %gt3A_894, %get3A_119 : vector<16xf32>
      %eq3A_896 = vector.broadcast %squeeze3A_891 : f32 to vector<16xf32>
      %eq3A_897 = arith.cmpf oeq, %eq3A_896, %get3A_119 : vector<16xf32>
      %lt3A_898 = vector.broadcast %squeeze3A_893 : f32 to vector<16xf32>
      %lt3A_899 = arith.cmpf olt, %lt3A_898, %get3A_123 : vector<16xf32>
      %and3A_900 = arith.andi %eq3A_897, %lt3A_899 : vector<16xi1>
      %or3A_901 = arith.ori %gt3A_895, %and3A_900 : vector<16xi1>
      %jit3A_902 = arith.constant 1.000000e+00 : f32
      %jit3A_903 = arith.constant 0.000000e+00 : f32
      %broadcast_in_dim3A_904 = vector.broadcast %jit3A_902 : f32 to vector<16xf32>
      %broadcast_in_dim3A_905 = vector.broadcast %jit3A_903 : f32 to vector<16xf32>
      %select_n3A_906 = arith.select %or3A_901, %broadcast_in_dim3A_904, %broadcast_in_dim3A_905 : vector<16xi1>, vector<16xf32>
      %add3A_907 = arith.addf %add3A_889, %select_n3A_906 : vector<16xf32>
      %slice3A_908 = vector.extract_strided_slice %get3A_723 {offsets = [10], sizes = [1], strides = [1]} : vector<16xf32> to vector<1xf32>
      %squeeze3A_909 = vector.extract %slice3A_908[0] : f32 from vector<1xf32>
      %slice3A_910 = vector.extract_strided_slice %get3A_727 {offsets = [10], sizes = [1], strides = [1]} : vector<16xf32> to vector<1xf32>
      %squeeze3A_911 = vector.extract %slice3A_910[0] : f32 from vector<1xf32>
      %gt3A_912 = vector.broadcast %squeeze3A_909 : f32 to vector<16xf32>
      %gt3A_913 = arith.cmpf ogt, %gt3A_912, %get3A_119 : vector<16xf32>
      %eq3A_914 = vector.broadcast %squeeze3A_909 : f32 to vector<16xf32>
      %eq3A_915 = arith.cmpf oeq, %eq3A_914, %get3A_119 : vector<16xf32>
      %lt3A_916 = vector.broadcast %squeeze3A_911 : f32 to vector<16xf32>
      %lt3A_917 = arith.cmpf olt, %lt3A_916, %get3A_123 : vector<16xf32>
      %and3A_918 = arith.andi %eq3A_915, %lt3A_917 : vector<16xi1>
      %or3A_919 = arith.ori %gt3A_913, %and3A_918 : vector<16xi1>
      %jit3A_920 = arith.constant 1.000000e+00 : f32
      %jit3A_921 = arith.constant 0.000000e+00 : f32
      %broadcast_in_dim3A_922 = vector.broadcast %jit3A_920 : f32 to vector<16xf32>
      %broadcast_in_dim3A_923 = vector.broadcast %jit3A_921 : f32 to vector<16xf32>
      %select_n3A_924 = arith.select %or3A_919, %broadcast_in_dim3A_922, %broadcast_in_dim3A_923 : vector<16xi1>, vector<16xf32>
      %add3A_925 = arith.addf %add3A_907, %select_n3A_924 : vector<16xf32>
      %slice3A_926 = vector.extract_strided_slice %get3A_723 {offsets = [11], sizes = [1], strides = [1]} : vector<16xf32> to vector<1xf32>
      %squeeze3A_927 = vector.extract %slice3A_926[0] : f32 from vector<1xf32>
      %slice3A_928 = vector.extract_strided_slice %get3A_727 {offsets = [11], sizes = [1], strides = [1]} : vector<16xf32> to vector<1xf32>
      %squeeze3A_929 = vector.extract %slice3A_928[0] : f32 from vector<1xf32>
      %gt3A_930 = vector.broadcast %squeeze3A_927 : f32 to vector<16xf32>
      %gt3A_931 = arith.cmpf ogt, %gt3A_930, %get3A_119 : vector<16xf32>
      %eq3A_932 = vector.broadcast %squeeze3A_927 : f32 to vector<16xf32>
      %eq3A_933 = arith.cmpf oeq, %eq3A_932, %get3A_119 : vector<16xf32>
      %lt3A_934 = vector.broadcast %squeeze3A_929 : f32 to vector<16xf32>
      %lt3A_935 = arith.cmpf olt, %lt3A_934, %get3A_123 : vector<16xf32>
      %and3A_936 = arith.andi %eq3A_933, %lt3A_935 : vector<16xi1>
      %or3A_937 = arith.ori %gt3A_931, %and3A_936 : vector<16xi1>
      %jit3A_938 = arith.constant 1.000000e+00 : f32
      %jit3A_939 = arith.constant 0.000000e+00 : f32
      %broadcast_in_dim3A_940 = vector.broadcast %jit3A_938 : f32 to vector<16xf32>
      %broadcast_in_dim3A_941 = vector.broadcast %jit3A_939 : f32 to vector<16xf32>
      %select_n3A_942 = arith.select %or3A_937, %broadcast_in_dim3A_940, %broadcast_in_dim3A_941 : vector<16xi1>, vector<16xf32>
      %add3A_943 = arith.addf %add3A_925, %select_n3A_942 : vector<16xf32>
      %slice3A_944 = vector.extract_strided_slice %get3A_723 {offsets = [12], sizes = [1], strides = [1]} : vector<16xf32> to vector<1xf32>
      %squeeze3A_945 = vector.extract %slice3A_944[0] : f32 from vector<1xf32>
      %slice3A_946 = vector.extract_strided_slice %get3A_727 {offsets = [12], sizes = [1], strides = [1]} : vector<16xf32> to vector<1xf32>
      %squeeze3A_947 = vector.extract %slice3A_946[0] : f32 from vector<1xf32>
      %gt3A_948 = vector.broadcast %squeeze3A_945 : f32 to vector<16xf32>
      %gt3A_949 = arith.cmpf ogt, %gt3A_948, %get3A_119 : vector<16xf32>
      %eq3A_950 = vector.broadcast %squeeze3A_945 : f32 to vector<16xf32>
      %eq3A_951 = arith.cmpf oeq, %eq3A_950, %get3A_119 : vector<16xf32>
      %lt3A_952 = vector.broadcast %squeeze3A_947 : f32 to vector<16xf32>
      %lt3A_953 = arith.cmpf olt, %lt3A_952, %get3A_123 : vector<16xf32>
      %and3A_954 = arith.andi %eq3A_951, %lt3A_953 : vector<16xi1>
      %or3A_955 = arith.ori %gt3A_949, %and3A_954 : vector<16xi1>
      %jit3A_956 = arith.constant 1.000000e+00 : f32
      %jit3A_957 = arith.constant 0.000000e+00 : f32
      %broadcast_in_dim3A_958 = vector.broadcast %jit3A_956 : f32 to vector<16xf32>
      %broadcast_in_dim3A_959 = vector.broadcast %jit3A_957 : f32 to vector<16xf32>
      %select_n3A_960 = arith.select %or3A_955, %broadcast_in_dim3A_958, %broadcast_in_dim3A_959 : vector<16xi1>, vector<16xf32>
      %add3A_961 = arith.addf %add3A_943, %select_n3A_960 : vector<16xf32>
      %slice3A_962 = vector.extract_strided_slice %get3A_723 {offsets = [13], sizes = [1], strides = [1]} : vector<16xf32> to vector<1xf32>
      %squeeze3A_963 = vector.extract %slice3A_962[0] : f32 from vector<1xf32>
      %slice3A_964 = vector.extract_strided_slice %get3A_727 {offsets = [13], sizes = [1], strides = [1]} : vector<16xf32> to vector<1xf32>
      %squeeze3A_965 = vector.extract %slice3A_964[0] : f32 from vector<1xf32>
      %gt3A_966 = vector.broadcast %squeeze3A_963 : f32 to vector<16xf32>
      %gt3A_967 = arith.cmpf ogt, %gt3A_966, %get3A_119 : vector<16xf32>
      %eq3A_968 = vector.broadcast %squeeze3A_963 : f32 to vector<16xf32>
      %eq3A_969 = arith.cmpf oeq, %eq3A_968, %get3A_119 : vector<16xf32>
      %lt3A_970 = vector.broadcast %squeeze3A_965 : f32 to vector<16xf32>
      %lt3A_971 = arith.cmpf olt, %lt3A_970, %get3A_123 : vector<16xf32>
      %and3A_972 = arith.andi %eq3A_969, %lt3A_971 : vector<16xi1>
      %or3A_973 = arith.ori %gt3A_967, %and3A_972 : vector<16xi1>
      %jit3A_974 = arith.constant 1.000000e+00 : f32
      %jit3A_975 = arith.constant 0.000000e+00 : f32
      %broadcast_in_dim3A_976 = vector.broadcast %jit3A_974 : f32 to vector<16xf32>
      %broadcast_in_dim3A_977 = vector.broadcast %jit3A_975 : f32 to vector<16xf32>
      %select_n3A_978 = arith.select %or3A_973, %broadcast_in_dim3A_976, %broadcast_in_dim3A_977 : vector<16xi1>, vector<16xf32>
      %add3A_979 = arith.addf %add3A_961, %select_n3A_978 : vector<16xf32>
      %slice3A_980 = vector.extract_strided_slice %get3A_723 {offsets = [14], sizes = [1], strides = [1]} : vector<16xf32> to vector<1xf32>
      %squeeze3A_981 = vector.extract %slice3A_980[0] : f32 from vector<1xf32>
      %slice3A_982 = vector.extract_strided_slice %get3A_727 {offsets = [14], sizes = [1], strides = [1]} : vector<16xf32> to vector<1xf32>
      %squeeze3A_983 = vector.extract %slice3A_982[0] : f32 from vector<1xf32>
      %gt3A_984 = vector.broadcast %squeeze3A_981 : f32 to vector<16xf32>
      %gt3A_985 = arith.cmpf ogt, %gt3A_984, %get3A_119 : vector<16xf32>
      %eq3A_986 = vector.broadcast %squeeze3A_981 : f32 to vector<16xf32>
      %eq3A_987 = arith.cmpf oeq, %eq3A_986, %get3A_119 : vector<16xf32>
      %lt3A_988 = vector.broadcast %squeeze3A_983 : f32 to vector<16xf32>
      %lt3A_989 = arith.cmpf olt, %lt3A_988, %get3A_123 : vector<16xf32>
      %and3A_990 = arith.andi %eq3A_987, %lt3A_989 : vector<16xi1>
      %or3A_991 = arith.ori %gt3A_985, %and3A_990 : vector<16xi1>
      %jit3A_992 = arith.constant 1.000000e+00 : f32
      %jit3A_993 = arith.constant 0.000000e+00 : f32
      %broadcast_in_dim3A_994 = vector.broadcast %jit3A_992 : f32 to vector<16xf32>
      %broadcast_in_dim3A_995 = vector.broadcast %jit3A_993 : f32 to vector<16xf32>
      %select_n3A_996 = arith.select %or3A_991, %broadcast_in_dim3A_994, %broadcast_in_dim3A_995 : vector<16xi1>, vector<16xf32>
      %add3A_997 = arith.addf %add3A_979, %select_n3A_996 : vector<16xf32>
      %slice3A_998 = vector.extract_strided_slice %get3A_723 {offsets = [15], sizes = [1], strides = [1]} : vector<16xf32> to vector<1xf32>
      %squeeze3A_999 = vector.extract %slice3A_998[0] : f32 from vector<1xf32>
      %slice3A_1000 = vector.extract_strided_slice %get3A_727 {offsets = [15], sizes = [1], strides = [1]} : vector<16xf32> to vector<1xf32>
      %squeeze3A_1001 = vector.extract %slice3A_1000[0] : f32 from vector<1xf32>
      %gt3A_1002 = vector.broadcast %squeeze3A_999 : f32 to vector<16xf32>
      %gt3A_1003 = arith.cmpf ogt, %gt3A_1002, %get3A_119 : vector<16xf32>
      %eq3A_1004 = vector.broadcast %squeeze3A_999 : f32 to vector<16xf32>
      %eq3A_1005 = arith.cmpf oeq, %eq3A_1004, %get3A_119 : vector<16xf32>
      %lt3A_1006 = vector.broadcast %squeeze3A_1001 : f32 to vector<16xf32>
      %lt3A_1007 = arith.cmpf olt, %lt3A_1006, %get3A_123 : vector<16xf32>
      %and3A_1008 = arith.andi %eq3A_1005, %lt3A_1007 : vector<16xi1>
      %or3A_1009 = arith.ori %gt3A_1003, %and3A_1008 : vector<16xi1>
      %jit3A_1010 = arith.constant 1.000000e+00 : f32
      %jit3A_1011 = arith.constant 0.000000e+00 : f32
      %broadcast_in_dim3A_1012 = vector.broadcast %jit3A_1010 : f32 to vector<16xf32>
      %broadcast_in_dim3A_1013 = vector.broadcast %jit3A_1011 : f32 to vector<16xf32>
      %select_n3A_1014 = arith.select %or3A_1009, %broadcast_in_dim3A_1012, %broadcast_in_dim3A_1013 : vector<16xi1>, vector<16xf32>
      %add3A_1015 = arith.addf %add3A_997, %select_n3A_1014 : vector<16xf32>
      %scan3A_1016 = arith.constant 19 : i32
      %convert_element_type3A_1017 = arith.fptosi %add3A_1015 : vector<16xf32> to vector<16xi32>
      %convert_element_type3A_1018 = arith.fptosi %get3A_123 : vector<16xf32> to vector<16xi32>
      %and3A_1019 = arith.constant 32767 : i32
      %and3A_1020 = vector.broadcast %and3A_1019 : i32 to vector<16xi32>
      %and3A_1021 = arith.andi %convert_element_type3A_1018, %and3A_1020 : vector<16xi32>
      %jit3A_1022 = arith.constant 5 : i32
      %eq3A_1023 = arith.constant 0 : i32
      %eq3A_1024 = arith.cmpi eq, %jit3A_1022, %eq3A_1023 : i32
      %jit3A_1025 = arith.constant 1 : i32
      %select_n3A_1026 = arith.select %eq3A_1024, %jit3A_1025, %jit3A_1022 : i32
      %rem3A = vector.broadcast %select_n3A_1026 : i32 to vector<16xi32>
      %rem3A_1027 = arith.remsi %and3A_1021, %rem3A : vector<16xi32>
      %ne3A = arith.constant 0 : i32
      %ne3A_1028 = vector.broadcast %ne3A : i32 to vector<16xi32>
      %ne3A_1029 = arith.cmpi ne, %rem3A_1027, %ne3A_1028 : vector<16xi32>
      %lt3A_1030 = arith.constant 0 : i32
      %lt3A_1031 = vector.broadcast %lt3A_1030 : i32 to vector<16xi32>
      %lt3A_1032 = arith.cmpi slt, %rem3A_1027, %lt3A_1031 : vector<16xi32>
      %lt3A_1033 = arith.constant 0 : i32
      %lt3A_1034 = arith.cmpi slt, %select_n3A_1026, %lt3A_1033 : i32
      %ne3A_1035 = vector.broadcast %lt3A_1034 : i1 to vector<16xi1>
      %ne3A_1036 = vector.broadcast %ne3A_1035 : vector<16xi1> to vector<16xi1>
      %ne3A_1037 = arith.xori %lt3A_1032, %ne3A_1036 : vector<16xi1>
      %and3A_1038 = arith.andi %ne3A_1037, %ne3A_1029 : vector<16xi1>
      %add3A_1039 = vector.broadcast %select_n3A_1026 : i32 to vector<16xi32>
      %add3A_1040 = arith.addi %rem3A_1027, %add3A_1039 : vector<16xi32>
      %select_n3A_1041 = arith.select %and3A_1038, %add3A_1040, %rem3A_1027 : vector<16xi1>, vector<16xi32>
      %mul3A_1042 = arith.constant 1024 : i32
      %mul3A_1043 = vector.broadcast %mul3A_1042 : i32 to vector<16xi32>
      %mul3A_1044 = arith.muli %select_n3A_1041, %mul3A_1043 : vector<16xi32>
      %jit3A_1045 = arith.constant 5 : i32
      %div3A = vector.broadcast %jit3A_1045 : i32 to vector<16xi32>
      %div3A_1046 = arith.divsi %convert_element_type3A_1018, %div3A : vector<16xi32>
      %sign3A = arith.constant 0 : i32
      %sign3A_1047 = vector.broadcast %sign3A : i32 to vector<16xi32>
      %sign3A_1048 = arith.cmpi sgt, %convert_element_type3A_1018, %sign3A_1047 : vector<16xi32>
      %sign3A_1049 = arith.extui %sign3A_1048 : vector<16xi1> to vector<16xi32>
      %sign3A_1050 = arith.constant 0 : i32
      %sign3A_1051 = vector.broadcast %sign3A_1050 : i32 to vector<16xi32>
      %sign3A_1052 = arith.cmpi slt, %convert_element_type3A_1018, %sign3A_1051 : vector<16xi32>
      %sign3A_1053 = arith.extui %sign3A_1052 : vector<16xi1> to vector<16xi32>
      %sign3A_1054 = arith.subi %sign3A_1049, %sign3A_1053 : vector<16xi32>
      %sign3A_1055 = arith.constant 0 : i32
      %sign3A_1056 = arith.cmpi sgt, %jit3A_1045, %sign3A_1055 : i32
      %sign3A_1057 = arith.extui %sign3A_1056 : i1 to i32
      %sign3A_1058 = arith.constant 0 : i32
      %sign3A_1059 = arith.cmpi slt, %jit3A_1045, %sign3A_1058 : i32
      %sign3A_1060 = arith.extui %sign3A_1059 : i1 to i32
      %sign3A_1061 = arith.subi %sign3A_1057, %sign3A_1060 : i32
      %ne3A_1062 = vector.broadcast %sign3A_1061 : i32 to vector<16xi32>
      %ne3A_1063 = arith.cmpi ne, %sign3A_1054, %ne3A_1062 : vector<16xi32>
      %rem3A_1064 = vector.broadcast %jit3A_1045 : i32 to vector<16xi32>
      %rem3A_1065 = arith.remsi %convert_element_type3A_1018, %rem3A_1064 : vector<16xi32>
      %ne3A_1066 = arith.constant 0 : i32
      %ne3A_1067 = vector.broadcast %ne3A_1066 : i32 to vector<16xi32>
      %ne3A_1068 = arith.cmpi ne, %rem3A_1065, %ne3A_1067 : vector<16xi32>
      %and3A_1069 = arith.andi %ne3A_1063, %ne3A_1068 : vector<16xi1>
      %sub3A_1070 = arith.constant 1 : i32
      %sub3A_1071 = vector.broadcast %sub3A_1070 : i32 to vector<16xi32>
      %sub3A_1072 = arith.subi %div3A_1046, %sub3A_1071 : vector<16xi32>
      %select_n3A_1073 = arith.select %and3A_1069, %sub3A_1072, %div3A_1046 : vector<16xi1>, vector<16xi32>
      %add3A_1074 = arith.addi %mul3A_1044, %select_n3A_1073 : vector<16xi32>
      %lt3A_1075 = arith.constant 384 : i32
      %lt3A_1076 = vector.broadcast %lt3A_1075 : i32 to vector<16xi32>
      %lt3A_1077 = arith.cmpi slt, %convert_element_type3A_1017, %lt3A_1076 : vector<16xi32>
      %jit3A_1078 = arith.constant 383 : i32
      %broadcast_in_dim3A_1079 = vector.broadcast %jit3A_1078 : i32 to vector<16xi32>
      %select_n3A_1080 = arith.select %lt3A_1077, %convert_element_type3A_1017, %broadcast_in_dim3A_1079 : vector<16xi1>, vector<16xi32>
      %add3A_1081 = arith.constant 0 : i32
      %add3A_1082 = vector.broadcast %add3A_1081 : i32 to vector<16xi32>
      %add3A_1083 = arith.addi %add3A_1074, %add3A_1082 : vector<16xi32>
      %gather3A_1084 = tpu.vector_load_idx %arg6[%add3A_1083] : memref<30720xf32, #tpu.memory_space<vmem>>[vector<16xi32>], vector<16xf32>,
      %add3A_1085 = arith.constant 0 : i32
      %add3A_1086 = vector.broadcast %add3A_1085 : i32 to vector<16xi32>
      %add3A_1087 = arith.addi %select_n3A_1080, %add3A_1086 : vector<16xi32>
      tpu.vector_store_idx %arg7[%add3A_1087], %gather3A_1084 masked %lt3A_1077 : memref<3072xf32, #tpu.memory_space<vmem>>[vector<16xi32>], vector<16xf32>, vector<16xi1>
      %add3A_1088 = arith.constant 5120 : i32
      %add3A_1089 = vector.broadcast %add3A_1088 : i32 to vector<16xi32>
      %add3A_1090 = arith.addi %add3A_1074, %add3A_1089 : vector<16xi32>
      %gather3A_1091 = tpu.vector_load_idx %arg6[%add3A_1090] : memref<30720xf32, #tpu.memory_space<vmem>>[vector<16xi32>], vector<16xf32>,
      %add3A_1092 = arith.constant 384 : i32
      %add3A_1093 = vector.broadcast %add3A_1092 : i32 to vector<16xi32>
      %add3A_1094 = arith.addi %select_n3A_1080, %add3A_1093 : vector<16xi32>
      tpu.vector_store_idx %arg7[%add3A_1094], %gather3A_1091 masked %lt3A_1077 : memref<3072xf32, #tpu.memory_space<vmem>>[vector<16xi32>], vector<16xf32>, vector<16xi1>
      %add3A_1095 = arith.constant 10240 : i32
      %add3A_1096 = vector.broadcast %add3A_1095 : i32 to vector<16xi32>
      %add3A_1097 = arith.addi %add3A_1074, %add3A_1096 : vector<16xi32>
      %gather3A_1098 = tpu.vector_load_idx %arg6[%add3A_1097] : memref<30720xf32, #tpu.memory_space<vmem>>[vector<16xi32>], vector<16xf32>,
      %add3A_1099 = arith.constant 768 : i32
      %add3A_1100 = vector.broadcast %add3A_1099 : i32 to vector<16xi32>
      %add3A_1101 = arith.addi %select_n3A_1080, %add3A_1100 : vector<16xi32>
      tpu.vector_store_idx %arg7[%add3A_1101], %gather3A_1098 masked %lt3A_1077 : memref<3072xf32, #tpu.memory_space<vmem>>[vector<16xi32>], vector<16xf32>, vector<16xi1>
      %add3A_1102 = arith.constant 15360 : i32
      %add3A_1103 = vector.broadcast %add3A_1102 : i32 to vector<16xi32>
      %add3A_1104 = arith.addi %add3A_1074, %add3A_1103 : vector<16xi32>
      %gather3A_1105 = tpu.vector_load_idx %arg6[%add3A_1104] : memref<30720xf32, #tpu.memory_space<vmem>>[vector<16xi32>], vector<16xf32>,
      %add3A_1106 = arith.constant 1152 : i32
      %add3A_1107 = vector.broadcast %add3A_1106 : i32 to vector<16xi32>
      %add3A_1108 = arith.addi %select_n3A_1080, %add3A_1107 : vector<16xi32>
      tpu.vector_store_idx %arg7[%add3A_1108], %gather3A_1105 masked %lt3A_1077 : memref<3072xf32, #tpu.memory_space<vmem>>[vector<16xi32>], vector<16xf32>, vector<16xi1>
      %add3A_1109 = arith.constant 20480 : i32
      %add3A_1110 = vector.broadcast %add3A_1109 : i32 to vector<16xi32>
      %add3A_1111 = arith.addi %add3A_1074, %add3A_1110 : vector<16xi32>
      %gather3A_1112 = tpu.vector_load_idx %arg6[%add3A_1111] : memref<30720xf32, #tpu.memory_space<vmem>>[vector<16xi32>], vector<16xf32>,
      %add3A_1113 = arith.constant 1536 : i32
      %add3A_1114 = vector.broadcast %add3A_1113 : i32 to vector<16xi32>
      %add3A_1115 = arith.addi %select_n3A_1080, %add3A_1114 : vector<16xi32>
      tpu.vector_store_idx %arg7[%add3A_1115], %gather3A_1112 masked %lt3A_1077 : memref<3072xf32, #tpu.memory_space<vmem>>[vector<16xi32>], vector<16xf32>, vector<16xi1>
      %add3A_1116 = arith.constant 25600 : i32
      %add3A_1117 = vector.broadcast %add3A_1116 : i32 to vector<16xi32>
      %add3A_1118 = arith.addi %add3A_1074, %add3A_1117 : vector<16xi32>
      %gather3A_1119 = tpu.vector_load_idx %arg6[%add3A_1118] : memref<30720xf32, #tpu.memory_space<vmem>>[vector<16xi32>], vector<16xf32>,
      %add3A_1120 = arith.constant 1920 : i32
      %add3A_1121 = vector.broadcast %add3A_1120 : i32 to vector<16xi32>
      %add3A_1122 = arith.addi %select_n3A_1080, %add3A_1121 : vector<16xi32>
      tpu.vector_store_idx %arg7[%add3A_1122], %gather3A_1119 masked %lt3A_1077 : memref<3072xf32, #tpu.memory_space<vmem>>[vector<16xi32>], vector<16xf32>, vector<16xi1>
      %scan3A_1123 = arith.constant 0 : i32
      scf.yield %scan3A_1123 : i32
    }
    %scan3A_114 = arith.constant 19 : i32
    "tpu.region"() ({
      %run_scoped3A = tpu.sem_alloc : memref<!tpu.dma_semaphore, #tpu.memory_space<semaphore_mem>>
      %dma_start3A = arith.constant 0 : i32
      %dma_start3A_115 = tpu.memref_slice %arg4[%add3A, %dma_start3A] : memref<32x3072xf32, #tpu.memory_space<hbm>> -> memref<1x3072xf32, #tpu.memory_space<hbm>>
      %dma_start3A_116 = tpu.memref_squeeze %dma_start3A_115 : memref<1x3072xf32, #tpu.memory_space<hbm>> -> memref<3072xf32, #tpu.memory_space<hbm>>
      %dma_start3A_117 = arith.constant 0 : i32
      %dma_start3A_118 = tpu.memref_slice %arg4[%add3A, %dma_start3A_117] : memref<32x3072xf32, #tpu.memory_space<hbm>> -> memref<1x3072xf32, #tpu.memory_space<hbm>>
      %dma_start3A_119 = tpu.memref_squeeze %dma_start3A_118 : memref<1x3072xf32, #tpu.memory_space<hbm>> -> memref<3072xf32, #tpu.memory_space<hbm>>
      tpu.enqueue_dma source(%arg7 : memref<3072xf32, #tpu.memory_space<vmem>>) target(%dma_start3A_119 : memref<3072xf32, #tpu.memory_space<hbm>>) target_semaphore(%run_scoped3A : memref<!tpu.dma_semaphore, #tpu.memory_space<semaphore_mem>>)
      %dma_wait3A = arith.constant 0 : i32
      %dma_wait3A_120 = tpu.memref_slice %arg4[%add3A, %dma_wait3A] : memref<32x3072xf32, #tpu.memory_space<hbm>> -> memref<1x3072xf32, #tpu.memory_space<hbm>>
      %dma_wait3A_121 = tpu.memref_squeeze %dma_wait3A_120 : memref<1x3072xf32, #tpu.memory_space<hbm>> -> memref<3072xf32, #tpu.memory_space<hbm>>
      %dma_wait3A_122 = arith.constant 0 : i32
      %dma_wait3A_123 = tpu.memref_slice %arg4[%add3A, %dma_wait3A_122] : memref<32x3072xf32, #tpu.memory_space<hbm>> -> memref<1x3072xf32, #tpu.memory_space<hbm>>
      %dma_wait3A_124 = tpu.memref_squeeze %dma_wait3A_123 : memref<1x3072xf32, #tpu.memory_space<hbm>> -> memref<3072xf32, #tpu.memory_space<hbm>>
      tpu.wait_dma2 semaphore(%run_scoped3A : memref<!tpu.dma_semaphore, #tpu.memory_space<semaphore_mem>>) src(%arg7 : memref<3072xf32, #tpu.memory_space<vmem>>) dst(%dma_wait3A_124 : memref<3072xf32, #tpu.memory_space<hbm>>)
      tpu.yield
    }) : () -> ()
    return
  }
}

module attributes {stable_mosaic.version = 14 : i64} {
  func.func @_decode_kernel(%arg0: i32, %arg1: memref<1x425x1024xf32, #tpu.memory_space<vmem>>, %arg2: memref<1x5x1024xf32, #tpu.memory_space<vmem>>, %arg3: memref<1x1x2xf32, #tpu.memory_space<smem>>, %arg4: memref<1x6x5120xf32, #tpu.memory_space<vmem>>) attributes {dimension_semantics = [#tpu.dimension_semantics<arbitrary>], iteration_bounds = array<i64: 32>, scalar_prefetch = 0 : i64, scratch_operands = 0 : i64, tpu.core_type = #tpu.core_type<tc>, window_params = [{transform_indices = @transform_0, window_bounds = array<i64: 1, 425, 1024>}, {transform_indices = @transform_1, window_bounds = array<i64: 1, 5, 1024>}, {transform_indices = @transform_2, window_bounds = array<i64: 1, 1, 2>}, {transform_indices = @transform_3, window_bounds = array<i64: 1, 6, 5120>}]} {
    %get3A = arith.constant 0 : index
    %get3A_0 = arith.constant 0 : index
    %get3A_1 = arith.constant 0 : index
    %get3A_2 = memref.load %arg3[%get3A, %get3A_0, %get3A_1] : memref<1x1x2xf32, #tpu.memory_space<smem>>
    %get3A_3 = arith.constant 0 : index
    %get3A_4 = arith.constant 0 : index
    %get3A_5 = arith.constant 1 : index
    %get3A_6 = memref.load %arg3[%get3A_3, %get3A_4, %get3A_5] : memref<1x1x2xf32, #tpu.memory_space<smem>>
    %iota3A = tpu.iota {dimensions = array<i32: 1>} : vector<1x1024xi32>
    %iota3A_7 = vector.shape_cast %iota3A : vector<1x1024xi32> to vector<1024xi32>
    %and3A = arith.constant 31 : i32
    %and3A_8 = vector.broadcast %and3A : i32 to vector<1024xi32>
    %and3A_9 = arith.andi %iota3A_7, %and3A_8 : vector<1024xi32>
    %convert_element_type3A = arith.sitofp %and3A_9 : vector<1024xi32> to vector<1024xf32>
    %shift_right_logical3A = arith.constant 5 : i32
    %shift_right_logical3A_10 = vector.broadcast %shift_right_logical3A : i32 to vector<1024xi32>
    %shift_right_logical3A_11 = arith.shrui %iota3A_7, %shift_right_logical3A_10 : vector<1024xi32>
    %convert_element_type3A_12 = arith.sitofp %shift_right_logical3A_11 : vector<1024xi32> to vector<1024xf32>
    %get3A_13 = arith.constant 0 : index
    %get3A_14 = arith.constant 0 : index
    %get3A_15 = arith.constant 0 : index
    %get3A_16 = vector.load %arg1[%get3A_13, %get3A_14, %get3A_15] : memref<1x425x1024xf32, #tpu.memory_space<vmem>>, vector<1x80x1024xf32>
    %get3A_17 = vector.shape_cast %get3A_16 : vector<1x80x1024xf32> to vector<80x1024xf32>
    %reduce_max3A = arith.constant dense<0xFF800000> : vector<1024xf32>
    %reduce_max3A_18 = vector.multi_reduction <maximumf>, %get3A_17, %reduce_max3A [0] : vector<80x1024xf32> to vector<1024xf32>
    %iota3A_19 = tpu.iota {dimensions = array<i32: 0>} : vector<80x1024xi32>
    %convert_element_type3A_20 = arith.sitofp %iota3A_19 : vector<80x1024xi32> to vector<80x1024xf32>
    %broadcast_in_dim3A = vector.shape_cast %reduce_max3A_18 : vector<1024xf32> to vector<1x1024xf32>
    %eq3A = vector.broadcast %broadcast_in_dim3A : vector<1x1024xf32> to vector<80x1024xf32>
    %eq3A_21 = arith.cmpf oeq, %get3A_17, %eq3A : vector<80x1024xf32>
    %jit3A = arith.constant 1.000000e+09 : f32
    %broadcast_in_dim3A_22 = vector.broadcast %jit3A : f32 to vector<80x1024xf32>
    %select_n3A = arith.select %eq3A_21, %convert_element_type3A_20, %broadcast_in_dim3A_22 : vector<80x1024xi1>, vector<80x1024xf32>
    %reduce_min3A = arith.constant dense<0x7F800000> : vector<1024xf32>
    %reduce_min3A_23 = vector.multi_reduction <minimumf>, %select_n3A, %reduce_min3A [0] : vector<80x1024xf32> to vector<1024xf32>
    %broadcast_in_dim3A_24 = vector.shape_cast %reduce_min3A_23 : vector<1024xf32> to vector<1x1024xf32>
    %get3A_25 = arith.constant 0 : index
    %get3A_26 = arith.constant 80 : index
    %get3A_27 = arith.constant 0 : index
    %get3A_28 = vector.load %arg1[%get3A_25, %get3A_26, %get3A_27] : memref<1x425x1024xf32, #tpu.memory_space<vmem>>, vector<1x1x1024xf32>
    %get3A_29 = vector.shape_cast %get3A_28 : vector<1x1x1024xf32> to vector<1024xf32>
    %get3A_30 = arith.constant 0 : index
    %get3A_31 = arith.constant 81 : index
    %get3A_32 = arith.constant 0 : index
    %get3A_33 = vector.load %arg1[%get3A_30, %get3A_31, %get3A_32] : memref<1x425x1024xf32, #tpu.memory_space<vmem>>, vector<1x1x1024xf32>
    %get3A_34 = vector.shape_cast %get3A_33 : vector<1x1x1024xf32> to vector<1024xf32>
    %get3A_35 = arith.constant 0 : index
    %get3A_36 = arith.constant 82 : index
    %get3A_37 = arith.constant 0 : index
    %get3A_38 = vector.load %arg1[%get3A_35, %get3A_36, %get3A_37] : memref<1x425x1024xf32, #tpu.memory_space<vmem>>, vector<1x1x1024xf32>
    %get3A_39 = vector.shape_cast %get3A_38 : vector<1x1x1024xf32> to vector<1024xf32>
    %get3A_40 = arith.constant 0 : index
    %get3A_41 = arith.constant 83 : index
    %get3A_42 = arith.constant 0 : index
    %get3A_43 = vector.load %arg1[%get3A_40, %get3A_41, %get3A_42] : memref<1x425x1024xf32, #tpu.memory_space<vmem>>, vector<1x1x1024xf32>
    %get3A_44 = vector.shape_cast %get3A_43 : vector<1x1x1024xf32> to vector<1024xf32>
    %neg3A = arith.constant 0.000000e+00 : f32
    %neg3A_45 = vector.broadcast %neg3A : f32 to vector<1024xf32>
    %neg3A_46 = arith.subf %neg3A_45, %get3A_29 : vector<1024xf32>
    %exp3A = math.exp %neg3A_46 : vector<1024xf32>
    %add3A = arith.constant 1.000000e+00 : f32
    %add3A_47 = vector.broadcast %add3A : f32 to vector<1024xf32>
    %add3A_48 = arith.addf %add3A_47, %exp3A : vector<1024xf32>
    %div3A = arith.constant 1.000000e+00 : f32
    %div3A_49 = vector.broadcast %div3A : f32 to vector<1024xf32>
    %div3A_50 = arith.divf %div3A_49, %add3A_48 : vector<1024xf32>
    %neg3A_51 = arith.constant 0.000000e+00 : f32
    %neg3A_52 = vector.broadcast %neg3A_51 : f32 to vector<1024xf32>
    %neg3A_53 = arith.subf %neg3A_52, %get3A_34 : vector<1024xf32>
    %exp3A_54 = math.exp %neg3A_53 : vector<1024xf32>
    %add3A_55 = arith.constant 1.000000e+00 : f32
    %add3A_56 = vector.broadcast %add3A_55 : f32 to vector<1024xf32>
    %add3A_57 = arith.addf %add3A_56, %exp3A_54 : vector<1024xf32>
    %div3A_58 = arith.constant 1.000000e+00 : f32
    %div3A_59 = vector.broadcast %div3A_58 : f32 to vector<1024xf32>
    %div3A_60 = arith.divf %div3A_59, %add3A_57 : vector<1024xf32>
    %add3A_61 = arith.addf %convert_element_type3A, %div3A_50 : vector<1024xf32>
    %mul3A = arith.constant 3.200000e+01 : f32
    %mul3A_62 = vector.broadcast %mul3A : f32 to vector<1024xf32>
    %mul3A_63 = arith.mulf %add3A_61, %mul3A_62 : vector<1024xf32>
    %add3A_64 = arith.addf %convert_element_type3A_12, %div3A_60 : vector<1024xf32>
    %mul3A_65 = arith.constant 3.200000e+01 : f32
    %mul3A_66 = vector.broadcast %mul3A_65 : f32 to vector<1024xf32>
    %mul3A_67 = arith.mulf %add3A_64, %mul3A_66 : vector<1024xf32>
    %exp3A_68 = math.exp %get3A_39 : vector<1024xf32>
    %mul3A_69 = arith.constant 1.190000e+00 : f32
    %mul3A_70 = vector.broadcast %mul3A_69 : f32 to vector<1024xf32>
    %mul3A_71 = arith.mulf %mul3A_70, %exp3A_68 : vector<1024xf32>
    %mul3A_72 = arith.constant 3.200000e+01 : f32
    %mul3A_73 = vector.broadcast %mul3A_72 : f32 to vector<1024xf32>
    %mul3A_74 = arith.mulf %mul3A_71, %mul3A_73 : vector<1024xf32>
    %exp3A_75 = math.exp %get3A_44 : vector<1024xf32>
    %mul3A_76 = arith.constant 1.980000e+00 : f32
    %mul3A_77 = vector.broadcast %mul3A_76 : f32 to vector<1024xf32>
    %mul3A_78 = arith.mulf %mul3A_77, %exp3A_75 : vector<1024xf32>
    %mul3A_79 = arith.constant 3.200000e+01 : f32
    %mul3A_80 = vector.broadcast %mul3A_79 : f32 to vector<1024xf32>
    %mul3A_81 = arith.mulf %mul3A_78, %mul3A_80 : vector<1024xf32>
    %div3A_82 = arith.constant 2.000000e+00 : f32
    %div3A_83 = vector.broadcast %div3A_82 : f32 to vector<1024xf32>
    %div3A_84 = arith.divf %mul3A_74, %div3A_83 : vector<1024xf32>
    %sub3A = arith.subf %mul3A_63, %div3A_84 : vector<1024xf32>
    %jit3A_85 = arith.constant 0.000000e+00 : f32
    %max3A = vector.broadcast %jit3A_85 : f32 to vector<1024xf32>
    %max3A_86 = arith.maximumf %max3A, %sub3A : vector<1024xf32>
    %min3A = vector.broadcast %get3A_6 : f32 to vector<1024xf32>
    %min3A_87 = arith.minimumf %min3A, %max3A_86 : vector<1024xf32>
    %broadcast_in_dim3A_88 = vector.shape_cast %min3A_87 : vector<1024xf32> to vector<1x1024xf32>
    %div3A_89 = arith.constant 2.000000e+00 : f32
    %div3A_90 = vector.broadcast %div3A_89 : f32 to vector<1024xf32>
    %div3A_91 = arith.divf %mul3A_74, %div3A_90 : vector<1024xf32>
    %add3A_92 = arith.addf %mul3A_63, %div3A_91 : vector<1024xf32>
    %jit3A_93 = arith.constant 0.000000e+00 : f32
    %max3A_94 = vector.broadcast %jit3A_93 : f32 to vector<1024xf32>
    %max3A_95 = arith.maximumf %max3A_94, %add3A_92 : vector<1024xf32>
    %min3A_96 = vector.broadcast %get3A_6 : f32 to vector<1024xf32>
    %min3A_97 = arith.minimumf %min3A_96, %max3A_95 : vector<1024xf32>
    %broadcast_in_dim3A_98 = vector.shape_cast %min3A_97 : vector<1024xf32> to vector<1x1024xf32>
    %div3A_99 = arith.constant 2.000000e+00 : f32
    %div3A_100 = vector.broadcast %div3A_99 : f32 to vector<1024xf32>
    %div3A_101 = arith.divf %mul3A_81, %div3A_100 : vector<1024xf32>
    %sub3A_102 = arith.subf %mul3A_67, %div3A_101 : vector<1024xf32>
    %jit3A_103 = arith.constant 0.000000e+00 : f32
    %max3A_104 = vector.broadcast %jit3A_103 : f32 to vector<1024xf32>
    %max3A_105 = arith.maximumf %max3A_104, %sub3A_102 : vector<1024xf32>
    %min3A_106 = vector.broadcast %get3A_2 : f32 to vector<1024xf32>
    %min3A_107 = arith.minimumf %min3A_106, %max3A_105 : vector<1024xf32>
    %broadcast_in_dim3A_108 = vector.shape_cast %min3A_107 : vector<1024xf32> to vector<1x1024xf32>
    %div3A_109 = arith.constant 2.000000e+00 : f32
    %div3A_110 = vector.broadcast %div3A_109 : f32 to vector<1024xf32>
    %div3A_111 = arith.divf %mul3A_81, %div3A_110 : vector<1024xf32>
    %add3A_112 = arith.addf %mul3A_67, %div3A_111 : vector<1024xf32>
    %jit3A_113 = arith.constant 0.000000e+00 : f32
    %max3A_114 = vector.broadcast %jit3A_113 : f32 to vector<1024xf32>
    %max3A_115 = arith.maximumf %max3A_114, %add3A_112 : vector<1024xf32>
    %min3A_116 = vector.broadcast %get3A_2 : f32 to vector<1024xf32>
    %min3A_117 = arith.minimumf %min3A_116, %max3A_115 : vector<1024xf32>
    %broadcast_in_dim3A_118 = vector.shape_cast %min3A_117 : vector<1024xf32> to vector<1x1024xf32>
    %get3A_119 = arith.constant 0 : index
    %get3A_120 = arith.constant 85 : index
    %get3A_121 = arith.constant 0 : index
    %get3A_122 = vector.load %arg1[%get3A_119, %get3A_120, %get3A_121] : memref<1x425x1024xf32, #tpu.memory_space<vmem>>, vector<1x80x1024xf32>
    %get3A_123 = vector.shape_cast %get3A_122 : vector<1x80x1024xf32> to vector<80x1024xf32>
    %reduce_max3A_124 = arith.constant dense<0xFF800000> : vector<1024xf32>
    %reduce_max3A_125 = vector.multi_reduction <maximumf>, %get3A_123, %reduce_max3A_124 [0] : vector<80x1024xf32> to vector<1024xf32>
    %iota3A_126 = tpu.iota {dimensions = array<i32: 0>} : vector<80x1024xi32>
    %convert_element_type3A_127 = arith.sitofp %iota3A_126 : vector<80x1024xi32> to vector<80x1024xf32>
    %broadcast_in_dim3A_128 = vector.shape_cast %reduce_max3A_125 : vector<1024xf32> to vector<1x1024xf32>
    %eq3A_129 = vector.broadcast %broadcast_in_dim3A_128 : vector<1x1024xf32> to vector<80x1024xf32>
    %eq3A_130 = arith.cmpf oeq, %get3A_123, %eq3A_129 : vector<80x1024xf32>
    %jit3A_131 = arith.constant 1.000000e+09 : f32
    %broadcast_in_dim3A_132 = vector.broadcast %jit3A_131 : f32 to vector<80x1024xf32>
    %select_n3A_133 = arith.select %eq3A_130, %convert_element_type3A_127, %broadcast_in_dim3A_132 : vector<80x1024xi1>, vector<80x1024xf32>
    %reduce_min3A_134 = arith.constant dense<0x7F800000> : vector<1024xf32>
    %reduce_min3A_135 = vector.multi_reduction <minimumf>, %select_n3A_133, %reduce_min3A_134 [0] : vector<80x1024xf32> to vector<1024xf32>
    %broadcast_in_dim3A_136 = vector.shape_cast %reduce_min3A_135 : vector<1024xf32> to vector<1x1024xf32>
    %get3A_137 = arith.constant 0 : index
    %get3A_138 = arith.constant 165 : index
    %get3A_139 = arith.constant 0 : index
    %get3A_140 = vector.load %arg1[%get3A_137, %get3A_138, %get3A_139] : memref<1x425x1024xf32, #tpu.memory_space<vmem>>, vector<1x1x1024xf32>
    %get3A_141 = vector.shape_cast %get3A_140 : vector<1x1x1024xf32> to vector<1024xf32>
    %get3A_142 = arith.constant 0 : index
    %get3A_143 = arith.constant 166 : index
    %get3A_144 = arith.constant 0 : index
    %get3A_145 = vector.load %arg1[%get3A_142, %get3A_143, %get3A_144] : memref<1x425x1024xf32, #tpu.memory_space<vmem>>, vector<1x1x1024xf32>
    %get3A_146 = vector.shape_cast %get3A_145 : vector<1x1x1024xf32> to vector<1024xf32>
    %get3A_147 = arith.constant 0 : index
    %get3A_148 = arith.constant 167 : index
    %get3A_149 = arith.constant 0 : index
    %get3A_150 = vector.load %arg1[%get3A_147, %get3A_148, %get3A_149] : memref<1x425x1024xf32, #tpu.memory_space<vmem>>, vector<1x1x1024xf32>
    %get3A_151 = vector.shape_cast %get3A_150 : vector<1x1x1024xf32> to vector<1024xf32>
    %get3A_152 = arith.constant 0 : index
    %get3A_153 = arith.constant 168 : index
    %get3A_154 = arith.constant 0 : index
    %get3A_155 = vector.load %arg1[%get3A_152, %get3A_153, %get3A_154] : memref<1x425x1024xf32, #tpu.memory_space<vmem>>, vector<1x1x1024xf32>
    %get3A_156 = vector.shape_cast %get3A_155 : vector<1x1x1024xf32> to vector<1024xf32>
    %neg3A_157 = arith.constant 0.000000e+00 : f32
    %neg3A_158 = vector.broadcast %neg3A_157 : f32 to vector<1024xf32>
    %neg3A_159 = arith.subf %neg3A_158, %get3A_141 : vector<1024xf32>
    %exp3A_160 = math.exp %neg3A_159 : vector<1024xf32>
    %add3A_161 = arith.constant 1.000000e+00 : f32
    %add3A_162 = vector.broadcast %add3A_161 : f32 to vector<1024xf32>
    %add3A_163 = arith.addf %add3A_162, %exp3A_160 : vector<1024xf32>
    %div3A_164 = arith.constant 1.000000e+00 : f32
    %div3A_165 = vector.broadcast %div3A_164 : f32 to vector<1024xf32>
    %div3A_166 = arith.divf %div3A_165, %add3A_163 : vector<1024xf32>
    %neg3A_167 = arith.constant 0.000000e+00 : f32
    %neg3A_168 = vector.broadcast %neg3A_167 : f32 to vector<1024xf32>
    %neg3A_169 = arith.subf %neg3A_168, %get3A_146 : vector<1024xf32>
    %exp3A_170 = math.exp %neg3A_169 : vector<1024xf32>
    %add3A_171 = arith.constant 1.000000e+00 : f32
    %add3A_172 = vector.broadcast %add3A_171 : f32 to vector<1024xf32>
    %add3A_173 = arith.addf %add3A_172, %exp3A_170 : vector<1024xf32>
    %div3A_174 = arith.constant 1.000000e+00 : f32
    %div3A_175 = vector.broadcast %div3A_174 : f32 to vector<1024xf32>
    %div3A_176 = arith.divf %div3A_175, %add3A_173 : vector<1024xf32>
    %add3A_177 = arith.addf %convert_element_type3A, %div3A_166 : vector<1024xf32>
    %mul3A_178 = arith.constant 3.200000e+01 : f32
    %mul3A_179 = vector.broadcast %mul3A_178 : f32 to vector<1024xf32>
    %mul3A_180 = arith.mulf %add3A_177, %mul3A_179 : vector<1024xf32>
    %add3A_181 = arith.addf %convert_element_type3A_12, %div3A_176 : vector<1024xf32>
    %mul3A_182 = arith.constant 3.200000e+01 : f32
    %mul3A_183 = vector.broadcast %mul3A_182 : f32 to vector<1024xf32>
    %mul3A_184 = arith.mulf %add3A_181, %mul3A_183 : vector<1024xf32>
    %exp3A_185 = math.exp %get3A_151 : vector<1024xf32>
    %mul3A_186 = arith.constant 2.790000e+00 : f32
    %mul3A_187 = vector.broadcast %mul3A_186 : f32 to vector<1024xf32>
    %mul3A_188 = arith.mulf %mul3A_187, %exp3A_185 : vector<1024xf32>
    %mul3A_189 = arith.constant 3.200000e+01 : f32
    %mul3A_190 = vector.broadcast %mul3A_189 : f32 to vector<1024xf32>
    %mul3A_191 = arith.mulf %mul3A_188, %mul3A_190 : vector<1024xf32>
    %exp3A_192 = math.exp %get3A_156 : vector<1024xf32>
    %mul3A_193 = arith.constant 4.590000e+00 : f32
    %mul3A_194 = vector.broadcast %mul3A_193 : f32 to vector<1024xf32>
    %mul3A_195 = arith.mulf %mul3A_194, %exp3A_192 : vector<1024xf32>
    %mul3A_196 = arith.constant 3.200000e+01 : f32
    %mul3A_197 = vector.broadcast %mul3A_196 : f32 to vector<1024xf32>
    %mul3A_198 = arith.mulf %mul3A_195, %mul3A_197 : vector<1024xf32>
    %div3A_199 = arith.constant 2.000000e+00 : f32
    %div3A_200 = vector.broadcast %div3A_199 : f32 to vector<1024xf32>
    %div3A_201 = arith.divf %mul3A_191, %div3A_200 : vector<1024xf32>
    %sub3A_202 = arith.subf %mul3A_180, %div3A_201 : vector<1024xf32>
    %jit3A_203 = arith.constant 0.000000e+00 : f32
    %max3A_204 = vector.broadcast %jit3A_203 : f32 to vector<1024xf32>
    %max3A_205 = arith.maximumf %max3A_204, %sub3A_202 : vector<1024xf32>
    %min3A_206 = vector.broadcast %get3A_6 : f32 to vector<1024xf32>
    %min3A_207 = arith.minimumf %min3A_206, %max3A_205 : vector<1024xf32>
    %broadcast_in_dim3A_208 = vector.shape_cast %min3A_207 : vector<1024xf32> to vector<1x1024xf32>
    %div3A_209 = arith.constant 2.000000e+00 : f32
    %div3A_210 = vector.broadcast %div3A_209 : f32 to vector<1024xf32>
    %div3A_211 = arith.divf %mul3A_191, %div3A_210 : vector<1024xf32>
    %add3A_212 = arith.addf %mul3A_180, %div3A_211 : vector<1024xf32>
    %jit3A_213 = arith.constant 0.000000e+00 : f32
    %max3A_214 = vector.broadcast %jit3A_213 : f32 to vector<1024xf32>
    %max3A_215 = arith.maximumf %max3A_214, %add3A_212 : vector<1024xf32>
    %min3A_216 = vector.broadcast %get3A_6 : f32 to vector<1024xf32>
    %min3A_217 = arith.minimumf %min3A_216, %max3A_215 : vector<1024xf32>
    %broadcast_in_dim3A_218 = vector.shape_cast %min3A_217 : vector<1024xf32> to vector<1x1024xf32>
    %div3A_219 = arith.constant 2.000000e+00 : f32
    %div3A_220 = vector.broadcast %div3A_219 : f32 to vector<1024xf32>
    %div3A_221 = arith.divf %mul3A_198, %div3A_220 : vector<1024xf32>
    %sub3A_222 = arith.subf %mul3A_184, %div3A_221 : vector<1024xf32>
    %jit3A_223 = arith.constant 0.000000e+00 : f32
    %max3A_224 = vector.broadcast %jit3A_223 : f32 to vector<1024xf32>
    %max3A_225 = arith.maximumf %max3A_224, %sub3A_222 : vector<1024xf32>
    %min3A_226 = vector.broadcast %get3A_2 : f32 to vector<1024xf32>
    %min3A_227 = arith.minimumf %min3A_226, %max3A_225 : vector<1024xf32>
    %broadcast_in_dim3A_228 = vector.shape_cast %min3A_227 : vector<1024xf32> to vector<1x1024xf32>
    %div3A_229 = arith.constant 2.000000e+00 : f32
    %div3A_230 = vector.broadcast %div3A_229 : f32 to vector<1024xf32>
    %div3A_231 = arith.divf %mul3A_198, %div3A_230 : vector<1024xf32>
    %add3A_232 = arith.addf %mul3A_184, %div3A_231 : vector<1024xf32>
    %jit3A_233 = arith.constant 0.000000e+00 : f32
    %max3A_234 = vector.broadcast %jit3A_233 : f32 to vector<1024xf32>
    %max3A_235 = arith.maximumf %max3A_234, %add3A_232 : vector<1024xf32>
    %min3A_236 = vector.broadcast %get3A_2 : f32 to vector<1024xf32>
    %min3A_237 = arith.minimumf %min3A_236, %max3A_235 : vector<1024xf32>
    %broadcast_in_dim3A_238 = vector.shape_cast %min3A_237 : vector<1024xf32> to vector<1x1024xf32>
    %get3A_239 = arith.constant 0 : index
    %get3A_240 = arith.constant 170 : index
    %get3A_241 = arith.constant 0 : index
    %get3A_242 = vector.load %arg1[%get3A_239, %get3A_240, %get3A_241] : memref<1x425x1024xf32, #tpu.memory_space<vmem>>, vector<1x80x1024xf32>
    %get3A_243 = vector.shape_cast %get3A_242 : vector<1x80x1024xf32> to vector<80x1024xf32>
    %reduce_max3A_244 = arith.constant dense<0xFF800000> : vector<1024xf32>
    %reduce_max3A_245 = vector.multi_reduction <maximumf>, %get3A_243, %reduce_max3A_244 [0] : vector<80x1024xf32> to vector<1024xf32>
    %iota3A_246 = tpu.iota {dimensions = array<i32: 0>} : vector<80x1024xi32>
    %convert_element_type3A_247 = arith.sitofp %iota3A_246 : vector<80x1024xi32> to vector<80x1024xf32>
    %broadcast_in_dim3A_248 = vector.shape_cast %reduce_max3A_245 : vector<1024xf32> to vector<1x1024xf32>
    %eq3A_249 = vector.broadcast %broadcast_in_dim3A_248 : vector<1x1024xf32> to vector<80x1024xf32>
    %eq3A_250 = arith.cmpf oeq, %get3A_243, %eq3A_249 : vector<80x1024xf32>
    %jit3A_251 = arith.constant 1.000000e+09 : f32
    %broadcast_in_dim3A_252 = vector.broadcast %jit3A_251 : f32 to vector<80x1024xf32>
    %select_n3A_253 = arith.select %eq3A_250, %convert_element_type3A_247, %broadcast_in_dim3A_252 : vector<80x1024xi1>, vector<80x1024xf32>
    %reduce_min3A_254 = arith.constant dense<0x7F800000> : vector<1024xf32>
    %reduce_min3A_255 = vector.multi_reduction <minimumf>, %select_n3A_253, %reduce_min3A_254 [0] : vector<80x1024xf32> to vector<1024xf32>
    %broadcast_in_dim3A_256 = vector.shape_cast %reduce_min3A_255 : vector<1024xf32> to vector<1x1024xf32>
    %get3A_257 = arith.constant 0 : index
    %get3A_258 = arith.constant 250 : index
    %get3A_259 = arith.constant 0 : index
    %get3A_260 = vector.load %arg1[%get3A_257, %get3A_258, %get3A_259] : memref<1x425x1024xf32, #tpu.memory_space<vmem>>, vector<1x1x1024xf32>
    %get3A_261 = vector.shape_cast %get3A_260 : vector<1x1x1024xf32> to vector<1024xf32>
    %get3A_262 = arith.constant 0 : index
    %get3A_263 = arith.constant 251 : index
    %get3A_264 = arith.constant 0 : index
    %get3A_265 = vector.load %arg1[%get3A_262, %get3A_263, %get3A_264] : memref<1x425x1024xf32, #tpu.memory_space<vmem>>, vector<1x1x1024xf32>
    %get3A_266 = vector.shape_cast %get3A_265 : vector<1x1x1024xf32> to vector<1024xf32>
    %get3A_267 = arith.constant 0 : index
    %get3A_268 = arith.constant 252 : index
    %get3A_269 = arith.constant 0 : index
    %get3A_270 = vector.load %arg1[%get3A_267, %get3A_268, %get3A_269] : memref<1x425x1024xf32, #tpu.memory_space<vmem>>, vector<1x1x1024xf32>
    %get3A_271 = vector.shape_cast %get3A_270 : vector<1x1x1024xf32> to vector<1024xf32>
    %get3A_272 = arith.constant 0 : index
    %get3A_273 = arith.constant 253 : index
    %get3A_274 = arith.constant 0 : index
    %get3A_275 = vector.load %arg1[%get3A_272, %get3A_273, %get3A_274] : memref<1x425x1024xf32, #tpu.memory_space<vmem>>, vector<1x1x1024xf32>
    %get3A_276 = vector.shape_cast %get3A_275 : vector<1x1x1024xf32> to vector<1024xf32>
    %neg3A_277 = arith.constant 0.000000e+00 : f32
    %neg3A_278 = vector.broadcast %neg3A_277 : f32 to vector<1024xf32>
    %neg3A_279 = arith.subf %neg3A_278, %get3A_261 : vector<1024xf32>
    %exp3A_280 = math.exp %neg3A_279 : vector<1024xf32>
    %add3A_281 = arith.constant 1.000000e+00 : f32
    %add3A_282 = vector.broadcast %add3A_281 : f32 to vector<1024xf32>
    %add3A_283 = arith.addf %add3A_282, %exp3A_280 : vector<1024xf32>
    %div3A_284 = arith.constant 1.000000e+00 : f32
    %div3A_285 = vector.broadcast %div3A_284 : f32 to vector<1024xf32>
    %div3A_286 = arith.divf %div3A_285, %add3A_283 : vector<1024xf32>
    %neg3A_287 = arith.constant 0.000000e+00 : f32
    %neg3A_288 = vector.broadcast %neg3A_287 : f32 to vector<1024xf32>
    %neg3A_289 = arith.subf %neg3A_288, %get3A_266 : vector<1024xf32>
    %exp3A_290 = math.exp %neg3A_289 : vector<1024xf32>
    %add3A_291 = arith.constant 1.000000e+00 : f32
    %add3A_292 = vector.broadcast %add3A_291 : f32 to vector<1024xf32>
    %add3A_293 = arith.addf %add3A_292, %exp3A_290 : vector<1024xf32>
    %div3A_294 = arith.constant 1.000000e+00 : f32
    %div3A_295 = vector.broadcast %div3A_294 : f32 to vector<1024xf32>
    %div3A_296 = arith.divf %div3A_295, %add3A_293 : vector<1024xf32>
    %add3A_297 = arith.addf %convert_element_type3A, %div3A_286 : vector<1024xf32>
    %mul3A_298 = arith.constant 3.200000e+01 : f32
    %mul3A_299 = vector.broadcast %mul3A_298 : f32 to vector<1024xf32>
    %mul3A_300 = arith.mulf %add3A_297, %mul3A_299 : vector<1024xf32>
    %add3A_301 = arith.addf %convert_element_type3A_12, %div3A_296 : vector<1024xf32>
    %mul3A_302 = arith.constant 3.200000e+01 : f32
    %mul3A_303 = vector.broadcast %mul3A_302 : f32 to vector<1024xf32>
    %mul3A_304 = arith.mulf %add3A_301, %mul3A_303 : vector<1024xf32>
    %exp3A_305 = math.exp %get3A_271 : vector<1024xf32>
    %mul3A_306 = arith.constant 4.530000e+00 : f32
    %mul3A_307 = vector.broadcast %mul3A_306 : f32 to vector<1024xf32>
    %mul3A_308 = arith.mulf %mul3A_307, %exp3A_305 : vector<1024xf32>
    %mul3A_309 = arith.constant 3.200000e+01 : f32
    %mul3A_310 = vector.broadcast %mul3A_309 : f32 to vector<1024xf32>
    %mul3A_311 = arith.mulf %mul3A_308, %mul3A_310 : vector<1024xf32>
    %exp3A_312 = math.exp %get3A_276 : vector<1024xf32>
    %mul3A_313 = arith.constant 8.920000e+00 : f32
    %mul3A_314 = vector.broadcast %mul3A_313 : f32 to vector<1024xf32>
    %mul3A_315 = arith.mulf %mul3A_314, %exp3A_312 : vector<1024xf32>
    %mul3A_316 = arith.constant 3.200000e+01 : f32
    %mul3A_317 = vector.broadcast %mul3A_316 : f32 to vector<1024xf32>
    %mul3A_318 = arith.mulf %mul3A_315, %mul3A_317 : vector<1024xf32>
    %div3A_319 = arith.constant 2.000000e+00 : f32
    %div3A_320 = vector.broadcast %div3A_319 : f32 to vector<1024xf32>
    %div3A_321 = arith.divf %mul3A_311, %div3A_320 : vector<1024xf32>
    %sub3A_322 = arith.subf %mul3A_300, %div3A_321 : vector<1024xf32>
    %jit3A_323 = arith.constant 0.000000e+00 : f32
    %max3A_324 = vector.broadcast %jit3A_323 : f32 to vector<1024xf32>
    %max3A_325 = arith.maximumf %max3A_324, %sub3A_322 : vector<1024xf32>
    %min3A_326 = vector.broadcast %get3A_6 : f32 to vector<1024xf32>
    %min3A_327 = arith.minimumf %min3A_326, %max3A_325 : vector<1024xf32>
    %broadcast_in_dim3A_328 = vector.shape_cast %min3A_327 : vector<1024xf32> to vector<1x1024xf32>
    %div3A_329 = arith.constant 2.000000e+00 : f32
    %div3A_330 = vector.broadcast %div3A_329 : f32 to vector<1024xf32>
    %div3A_331 = arith.divf %mul3A_311, %div3A_330 : vector<1024xf32>
    %add3A_332 = arith.addf %mul3A_300, %div3A_331 : vector<1024xf32>
    %jit3A_333 = arith.constant 0.000000e+00 : f32
    %max3A_334 = vector.broadcast %jit3A_333 : f32 to vector<1024xf32>
    %max3A_335 = arith.maximumf %max3A_334, %add3A_332 : vector<1024xf32>
    %min3A_336 = vector.broadcast %get3A_6 : f32 to vector<1024xf32>
    %min3A_337 = arith.minimumf %min3A_336, %max3A_335 : vector<1024xf32>
    %broadcast_in_dim3A_338 = vector.shape_cast %min3A_337 : vector<1024xf32> to vector<1x1024xf32>
    %div3A_339 = arith.constant 2.000000e+00 : f32
    %div3A_340 = vector.broadcast %div3A_339 : f32 to vector<1024xf32>
    %div3A_341 = arith.divf %mul3A_318, %div3A_340 : vector<1024xf32>
    %sub3A_342 = arith.subf %mul3A_304, %div3A_341 : vector<1024xf32>
    %jit3A_343 = arith.constant 0.000000e+00 : f32
    %max3A_344 = vector.broadcast %jit3A_343 : f32 to vector<1024xf32>
    %max3A_345 = arith.maximumf %max3A_344, %sub3A_342 : vector<1024xf32>
    %min3A_346 = vector.broadcast %get3A_2 : f32 to vector<1024xf32>
    %min3A_347 = arith.minimumf %min3A_346, %max3A_345 : vector<1024xf32>
    %broadcast_in_dim3A_348 = vector.shape_cast %min3A_347 : vector<1024xf32> to vector<1x1024xf32>
    %div3A_349 = arith.constant 2.000000e+00 : f32
    %div3A_350 = vector.broadcast %div3A_349 : f32 to vector<1024xf32>
    %div3A_351 = arith.divf %mul3A_318, %div3A_350 : vector<1024xf32>
    %add3A_352 = arith.addf %mul3A_304, %div3A_351 : vector<1024xf32>
    %jit3A_353 = arith.constant 0.000000e+00 : f32
    %max3A_354 = vector.broadcast %jit3A_353 : f32 to vector<1024xf32>
    %max3A_355 = arith.maximumf %max3A_354, %add3A_352 : vector<1024xf32>
    %min3A_356 = vector.broadcast %get3A_2 : f32 to vector<1024xf32>
    %min3A_357 = arith.minimumf %min3A_356, %max3A_355 : vector<1024xf32>
    %broadcast_in_dim3A_358 = vector.shape_cast %min3A_357 : vector<1024xf32> to vector<1x1024xf32>
    %get3A_359 = arith.constant 0 : index
    %get3A_360 = arith.constant 255 : index
    %get3A_361 = arith.constant 0 : index
    %get3A_362 = vector.load %arg1[%get3A_359, %get3A_360, %get3A_361] : memref<1x425x1024xf32, #tpu.memory_space<vmem>>, vector<1x80x1024xf32>
    %get3A_363 = vector.shape_cast %get3A_362 : vector<1x80x1024xf32> to vector<80x1024xf32>
    %reduce_max3A_364 = arith.constant dense<0xFF800000> : vector<1024xf32>
    %reduce_max3A_365 = vector.multi_reduction <maximumf>, %get3A_363, %reduce_max3A_364 [0] : vector<80x1024xf32> to vector<1024xf32>
    %iota3A_366 = tpu.iota {dimensions = array<i32: 0>} : vector<80x1024xi32>
    %convert_element_type3A_367 = arith.sitofp %iota3A_366 : vector<80x1024xi32> to vector<80x1024xf32>
    %broadcast_in_dim3A_368 = vector.shape_cast %reduce_max3A_365 : vector<1024xf32> to vector<1x1024xf32>
    %eq3A_369 = vector.broadcast %broadcast_in_dim3A_368 : vector<1x1024xf32> to vector<80x1024xf32>
    %eq3A_370 = arith.cmpf oeq, %get3A_363, %eq3A_369 : vector<80x1024xf32>
    %jit3A_371 = arith.constant 1.000000e+09 : f32
    %broadcast_in_dim3A_372 = vector.broadcast %jit3A_371 : f32 to vector<80x1024xf32>
    %select_n3A_373 = arith.select %eq3A_370, %convert_element_type3A_367, %broadcast_in_dim3A_372 : vector<80x1024xi1>, vector<80x1024xf32>
    %reduce_min3A_374 = arith.constant dense<0x7F800000> : vector<1024xf32>
    %reduce_min3A_375 = vector.multi_reduction <minimumf>, %select_n3A_373, %reduce_min3A_374 [0] : vector<80x1024xf32> to vector<1024xf32>
    %broadcast_in_dim3A_376 = vector.shape_cast %reduce_min3A_375 : vector<1024xf32> to vector<1x1024xf32>
    %get3A_377 = arith.constant 0 : index
    %get3A_378 = arith.constant 335 : index
    %get3A_379 = arith.constant 0 : index
    %get3A_380 = vector.load %arg1[%get3A_377, %get3A_378, %get3A_379] : memref<1x425x1024xf32, #tpu.memory_space<vmem>>, vector<1x1x1024xf32>
    %get3A_381 = vector.shape_cast %get3A_380 : vector<1x1x1024xf32> to vector<1024xf32>
    %get3A_382 = arith.constant 0 : index
    %get3A_383 = arith.constant 336 : index
    %get3A_384 = arith.constant 0 : index
    %get3A_385 = vector.load %arg1[%get3A_382, %get3A_383, %get3A_384] : memref<1x425x1024xf32, #tpu.memory_space<vmem>>, vector<1x1x1024xf32>
    %get3A_386 = vector.shape_cast %get3A_385 : vector<1x1x1024xf32> to vector<1024xf32>
    %get3A_387 = arith.constant 0 : index
    %get3A_388 = arith.constant 337 : index
    %get3A_389 = arith.constant 0 : index
    %get3A_390 = vector.load %arg1[%get3A_387, %get3A_388, %get3A_389] : memref<1x425x1024xf32, #tpu.memory_space<vmem>>, vector<1x1x1024xf32>
    %get3A_391 = vector.shape_cast %get3A_390 : vector<1x1x1024xf32> to vector<1024xf32>
    %get3A_392 = arith.constant 0 : index
    %get3A_393 = arith.constant 338 : index
    %get3A_394 = arith.constant 0 : index
    %get3A_395 = vector.load %arg1[%get3A_392, %get3A_393, %get3A_394] : memref<1x425x1024xf32, #tpu.memory_space<vmem>>, vector<1x1x1024xf32>
    %get3A_396 = vector.shape_cast %get3A_395 : vector<1x1x1024xf32> to vector<1024xf32>
    %neg3A_397 = arith.constant 0.000000e+00 : f32
    %neg3A_398 = vector.broadcast %neg3A_397 : f32 to vector<1024xf32>
    %neg3A_399 = arith.subf %neg3A_398, %get3A_381 : vector<1024xf32>
    %exp3A_400 = math.exp %neg3A_399 : vector<1024xf32>
    %add3A_401 = arith.constant 1.000000e+00 : f32
    %add3A_402 = vector.broadcast %add3A_401 : f32 to vector<1024xf32>
    %add3A_403 = arith.addf %add3A_402, %exp3A_400 : vector<1024xf32>
    %div3A_404 = arith.constant 1.000000e+00 : f32
    %div3A_405 = vector.broadcast %div3A_404 : f32 to vector<1024xf32>
    %div3A_406 = arith.divf %div3A_405, %add3A_403 : vector<1024xf32>
    %neg3A_407 = arith.constant 0.000000e+00 : f32
    %neg3A_408 = vector.broadcast %neg3A_407 : f32 to vector<1024xf32>
    %neg3A_409 = arith.subf %neg3A_408, %get3A_386 : vector<1024xf32>
    %exp3A_410 = math.exp %neg3A_409 : vector<1024xf32>
    %add3A_411 = arith.constant 1.000000e+00 : f32
    %add3A_412 = vector.broadcast %add3A_411 : f32 to vector<1024xf32>
    %add3A_413 = arith.addf %add3A_412, %exp3A_410 : vector<1024xf32>
    %div3A_414 = arith.constant 1.000000e+00 : f32
    %div3A_415 = vector.broadcast %div3A_414 : f32 to vector<1024xf32>
    %div3A_416 = arith.divf %div3A_415, %add3A_413 : vector<1024xf32>
    %add3A_417 = arith.addf %convert_element_type3A, %div3A_406 : vector<1024xf32>
    %mul3A_418 = arith.constant 3.200000e+01 : f32
    %mul3A_419 = vector.broadcast %mul3A_418 : f32 to vector<1024xf32>
    %mul3A_420 = arith.mulf %add3A_417, %mul3A_419 : vector<1024xf32>
    %add3A_421 = arith.addf %convert_element_type3A_12, %div3A_416 : vector<1024xf32>
    %mul3A_422 = arith.constant 3.200000e+01 : f32
    %mul3A_423 = vector.broadcast %mul3A_422 : f32 to vector<1024xf32>
    %mul3A_424 = arith.mulf %add3A_421, %mul3A_423 : vector<1024xf32>
    %exp3A_425 = math.exp %get3A_391 : vector<1024xf32>
    %mul3A_426 = arith.constant 8.060000e+00 : f32
    %mul3A_427 = vector.broadcast %mul3A_426 : f32 to vector<1024xf32>
    %mul3A_428 = arith.mulf %mul3A_427, %exp3A_425 : vector<1024xf32>
    %mul3A_429 = arith.constant 3.200000e+01 : f32
    %mul3A_430 = vector.broadcast %mul3A_429 : f32 to vector<1024xf32>
    %mul3A_431 = arith.mulf %mul3A_428, %mul3A_430 : vector<1024xf32>
    %exp3A_432 = math.exp %get3A_396 : vector<1024xf32>
    %mul3A_433 = arith.constant 5.290000e+00 : f32
    %mul3A_434 = vector.broadcast %mul3A_433 : f32 to vector<1024xf32>
    %mul3A_435 = arith.mulf %mul3A_434, %exp3A_432 : vector<1024xf32>
    %mul3A_436 = arith.constant 3.200000e+01 : f32
    %mul3A_437 = vector.broadcast %mul3A_436 : f32 to vector<1024xf32>
    %mul3A_438 = arith.mulf %mul3A_435, %mul3A_437 : vector<1024xf32>
    %div3A_439 = arith.constant 2.000000e+00 : f32
    %div3A_440 = vector.broadcast %div3A_439 : f32 to vector<1024xf32>
    %div3A_441 = arith.divf %mul3A_431, %div3A_440 : vector<1024xf32>
    %sub3A_442 = arith.subf %mul3A_420, %div3A_441 : vector<1024xf32>
    %jit3A_443 = arith.constant 0.000000e+00 : f32
    %max3A_444 = vector.broadcast %jit3A_443 : f32 to vector<1024xf32>
    %max3A_445 = arith.maximumf %max3A_444, %sub3A_442 : vector<1024xf32>
    %min3A_446 = vector.broadcast %get3A_6 : f32 to vector<1024xf32>
    %min3A_447 = arith.minimumf %min3A_446, %max3A_445 : vector<1024xf32>
    %broadcast_in_dim3A_448 = vector.shape_cast %min3A_447 : vector<1024xf32> to vector<1x1024xf32>
    %div3A_449 = arith.constant 2.000000e+00 : f32
    %div3A_450 = vector.broadcast %div3A_449 : f32 to vector<1024xf32>
    %div3A_451 = arith.divf %mul3A_431, %div3A_450 : vector<1024xf32>
    %add3A_452 = arith.addf %mul3A_420, %div3A_451 : vector<1024xf32>
    %jit3A_453 = arith.constant 0.000000e+00 : f32
    %max3A_454 = vector.broadcast %jit3A_453 : f32 to vector<1024xf32>
    %max3A_455 = arith.maximumf %max3A_454, %add3A_452 : vector<1024xf32>
    %min3A_456 = vector.broadcast %get3A_6 : f32 to vector<1024xf32>
    %min3A_457 = arith.minimumf %min3A_456, %max3A_455 : vector<1024xf32>
    %broadcast_in_dim3A_458 = vector.shape_cast %min3A_457 : vector<1024xf32> to vector<1x1024xf32>
    %div3A_459 = arith.constant 2.000000e+00 : f32
    %div3A_460 = vector.broadcast %div3A_459 : f32 to vector<1024xf32>
    %div3A_461 = arith.divf %mul3A_438, %div3A_460 : vector<1024xf32>
    %sub3A_462 = arith.subf %mul3A_424, %div3A_461 : vector<1024xf32>
    %jit3A_463 = arith.constant 0.000000e+00 : f32
    %max3A_464 = vector.broadcast %jit3A_463 : f32 to vector<1024xf32>
    %max3A_465 = arith.maximumf %max3A_464, %sub3A_462 : vector<1024xf32>
    %min3A_466 = vector.broadcast %get3A_2 : f32 to vector<1024xf32>
    %min3A_467 = arith.minimumf %min3A_466, %max3A_465 : vector<1024xf32>
    %broadcast_in_dim3A_468 = vector.shape_cast %min3A_467 : vector<1024xf32> to vector<1x1024xf32>
    %div3A_469 = arith.constant 2.000000e+00 : f32
    %div3A_470 = vector.broadcast %div3A_469 : f32 to vector<1024xf32>
    %div3A_471 = arith.divf %mul3A_438, %div3A_470 : vector<1024xf32>
    %add3A_472 = arith.addf %mul3A_424, %div3A_471 : vector<1024xf32>
    %jit3A_473 = arith.constant 0.000000e+00 : f32
    %max3A_474 = vector.broadcast %jit3A_473 : f32 to vector<1024xf32>
    %max3A_475 = arith.maximumf %max3A_474, %add3A_472 : vector<1024xf32>
    %min3A_476 = vector.broadcast %get3A_2 : f32 to vector<1024xf32>
    %min3A_477 = arith.minimumf %min3A_476, %max3A_475 : vector<1024xf32>
    %broadcast_in_dim3A_478 = vector.shape_cast %min3A_477 : vector<1024xf32> to vector<1x1024xf32>
    %get3A_479 = arith.constant 0 : index
    %get3A_480 = arith.constant 340 : index
    %get3A_481 = arith.constant 0 : index
    %get3A_482 = vector.load %arg1[%get3A_479, %get3A_480, %get3A_481] : memref<1x425x1024xf32, #tpu.memory_space<vmem>>, vector<1x80x1024xf32>
    %get3A_483 = vector.shape_cast %get3A_482 : vector<1x80x1024xf32> to vector<80x1024xf32>
    %reduce_max3A_484 = arith.constant dense<0xFF800000> : vector<1024xf32>
    %reduce_max3A_485 = vector.multi_reduction <maximumf>, %get3A_483, %reduce_max3A_484 [0] : vector<80x1024xf32> to vector<1024xf32>
    %iota3A_486 = tpu.iota {dimensions = array<i32: 0>} : vector<80x1024xi32>
    %convert_element_type3A_487 = arith.sitofp %iota3A_486 : vector<80x1024xi32> to vector<80x1024xf32>
    %broadcast_in_dim3A_488 = vector.shape_cast %reduce_max3A_485 : vector<1024xf32> to vector<1x1024xf32>
    %eq3A_489 = vector.broadcast %broadcast_in_dim3A_488 : vector<1x1024xf32> to vector<80x1024xf32>
    %eq3A_490 = arith.cmpf oeq, %get3A_483, %eq3A_489 : vector<80x1024xf32>
    %jit3A_491 = arith.constant 1.000000e+09 : f32
    %broadcast_in_dim3A_492 = vector.broadcast %jit3A_491 : f32 to vector<80x1024xf32>
    %select_n3A_493 = arith.select %eq3A_490, %convert_element_type3A_487, %broadcast_in_dim3A_492 : vector<80x1024xi1>, vector<80x1024xf32>
    %reduce_min3A_494 = arith.constant dense<0x7F800000> : vector<1024xf32>
    %reduce_min3A_495 = vector.multi_reduction <minimumf>, %select_n3A_493, %reduce_min3A_494 [0] : vector<80x1024xf32> to vector<1024xf32>
    %broadcast_in_dim3A_496 = vector.shape_cast %reduce_min3A_495 : vector<1024xf32> to vector<1x1024xf32>
    %get3A_497 = arith.constant 0 : index
    %get3A_498 = arith.constant 420 : index
    %get3A_499 = arith.constant 0 : index
    %get3A_500 = vector.load %arg1[%get3A_497, %get3A_498, %get3A_499] : memref<1x425x1024xf32, #tpu.memory_space<vmem>>, vector<1x1x1024xf32>
    %get3A_501 = vector.shape_cast %get3A_500 : vector<1x1x1024xf32> to vector<1024xf32>
    %get3A_502 = arith.constant 0 : index
    %get3A_503 = arith.constant 421 : index
    %get3A_504 = arith.constant 0 : index
    %get3A_505 = vector.load %arg1[%get3A_502, %get3A_503, %get3A_504] : memref<1x425x1024xf32, #tpu.memory_space<vmem>>, vector<1x1x1024xf32>
    %get3A_506 = vector.shape_cast %get3A_505 : vector<1x1x1024xf32> to vector<1024xf32>
    %get3A_507 = arith.constant 0 : index
    %get3A_508 = arith.constant 422 : index
    %get3A_509 = arith.constant 0 : index
    %get3A_510 = vector.load %arg1[%get3A_507, %get3A_508, %get3A_509] : memref<1x425x1024xf32, #tpu.memory_space<vmem>>, vector<1x1x1024xf32>
    %get3A_511 = vector.shape_cast %get3A_510 : vector<1x1x1024xf32> to vector<1024xf32>
    %get3A_512 = arith.constant 0 : index
    %get3A_513 = arith.constant 423 : index
    %get3A_514 = arith.constant 0 : index
    %get3A_515 = vector.load %arg1[%get3A_512, %get3A_513, %get3A_514] : memref<1x425x1024xf32, #tpu.memory_space<vmem>>, vector<1x1x1024xf32>
    %get3A_516 = vector.shape_cast %get3A_515 : vector<1x1x1024xf32> to vector<1024xf32>
    %neg3A_517 = arith.constant 0.000000e+00 : f32
    %neg3A_518 = vector.broadcast %neg3A_517 : f32 to vector<1024xf32>
    %neg3A_519 = arith.subf %neg3A_518, %get3A_501 : vector<1024xf32>
    %exp3A_520 = math.exp %neg3A_519 : vector<1024xf32>
    %add3A_521 = arith.constant 1.000000e+00 : f32
    %add3A_522 = vector.broadcast %add3A_521 : f32 to vector<1024xf32>
    %add3A_523 = arith.addf %add3A_522, %exp3A_520 : vector<1024xf32>
    %div3A_524 = arith.constant 1.000000e+00 : f32
    %div3A_525 = vector.broadcast %div3A_524 : f32 to vector<1024xf32>
    %div3A_526 = arith.divf %div3A_525, %add3A_523 : vector<1024xf32>
    %neg3A_527 = arith.constant 0.000000e+00 : f32
    %neg3A_528 = vector.broadcast %neg3A_527 : f32 to vector<1024xf32>
    %neg3A_529 = arith.subf %neg3A_528, %get3A_506 : vector<1024xf32>
    %exp3A_530 = math.exp %neg3A_529 : vector<1024xf32>
    %add3A_531 = arith.constant 1.000000e+00 : f32
    %add3A_532 = vector.broadcast %add3A_531 : f32 to vector<1024xf32>
    %add3A_533 = arith.addf %add3A_532, %exp3A_530 : vector<1024xf32>
    %div3A_534 = arith.constant 1.000000e+00 : f32
    %div3A_535 = vector.broadcast %div3A_534 : f32 to vector<1024xf32>
    %div3A_536 = arith.divf %div3A_535, %add3A_533 : vector<1024xf32>
    %add3A_537 = arith.addf %convert_element_type3A, %div3A_526 : vector<1024xf32>
    %mul3A_538 = arith.constant 3.200000e+01 : f32
    %mul3A_539 = vector.broadcast %mul3A_538 : f32 to vector<1024xf32>
    %mul3A_540 = arith.mulf %add3A_537, %mul3A_539 : vector<1024xf32>
    %add3A_541 = arith.addf %convert_element_type3A_12, %div3A_536 : vector<1024xf32>
    %mul3A_542 = arith.constant 3.200000e+01 : f32
    %mul3A_543 = vector.broadcast %mul3A_542 : f32 to vector<1024xf32>
    %mul3A_544 = arith.mulf %add3A_541, %mul3A_543 : vector<1024xf32>
    %exp3A_545 = math.exp %get3A_511 : vector<1024xf32>
    %mul3A_546 = arith.constant 1.032000e+01 : f32
    %mul3A_547 = vector.broadcast %mul3A_546 : f32 to vector<1024xf32>
    %mul3A_548 = arith.mulf %mul3A_547, %exp3A_545 : vector<1024xf32>
    %mul3A_549 = arith.constant 3.200000e+01 : f32
    %mul3A_550 = vector.broadcast %mul3A_549 : f32 to vector<1024xf32>
    %mul3A_551 = arith.mulf %mul3A_548, %mul3A_550 : vector<1024xf32>
    %exp3A_552 = math.exp %get3A_516 : vector<1024xf32>
    %mul3A_553 = arith.constant 1.065000e+01 : f32
    %mul3A_554 = vector.broadcast %mul3A_553 : f32 to vector<1024xf32>
    %mul3A_555 = arith.mulf %mul3A_554, %exp3A_552 : vector<1024xf32>
    %mul3A_556 = arith.constant 3.200000e+01 : f32
    %mul3A_557 = vector.broadcast %mul3A_556 : f32 to vector<1024xf32>
    %mul3A_558 = arith.mulf %mul3A_555, %mul3A_557 : vector<1024xf32>
    %div3A_559 = arith.constant 2.000000e+00 : f32
    %div3A_560 = vector.broadcast %div3A_559 : f32 to vector<1024xf32>
    %div3A_561 = arith.divf %mul3A_551, %div3A_560 : vector<1024xf32>
    %sub3A_562 = arith.subf %mul3A_540, %div3A_561 : vector<1024xf32>
    %jit3A_563 = arith.constant 0.000000e+00 : f32
    %max3A_564 = vector.broadcast %jit3A_563 : f32 to vector<1024xf32>
    %max3A_565 = arith.maximumf %max3A_564, %sub3A_562 : vector<1024xf32>
    %min3A_566 = vector.broadcast %get3A_6 : f32 to vector<1024xf32>
    %min3A_567 = arith.minimumf %min3A_566, %max3A_565 : vector<1024xf32>
    %broadcast_in_dim3A_568 = vector.shape_cast %min3A_567 : vector<1024xf32> to vector<1x1024xf32>
    %div3A_569 = arith.constant 2.000000e+00 : f32
    %div3A_570 = vector.broadcast %div3A_569 : f32 to vector<1024xf32>
    %div3A_571 = arith.divf %mul3A_551, %div3A_570 : vector<1024xf32>
    %add3A_572 = arith.addf %mul3A_540, %div3A_571 : vector<1024xf32>
    %jit3A_573 = arith.constant 0.000000e+00 : f32
    %max3A_574 = vector.broadcast %jit3A_573 : f32 to vector<1024xf32>
    %max3A_575 = arith.maximumf %max3A_574, %add3A_572 : vector<1024xf32>
    %min3A_576 = vector.broadcast %get3A_6 : f32 to vector<1024xf32>
    %min3A_577 = arith.minimumf %min3A_576, %max3A_575 : vector<1024xf32>
    %broadcast_in_dim3A_578 = vector.shape_cast %min3A_577 : vector<1024xf32> to vector<1x1024xf32>
    %div3A_579 = arith.constant 2.000000e+00 : f32
    %div3A_580 = vector.broadcast %div3A_579 : f32 to vector<1024xf32>
    %div3A_581 = arith.divf %mul3A_558, %div3A_580 : vector<1024xf32>
    %sub3A_582 = arith.subf %mul3A_544, %div3A_581 : vector<1024xf32>
    %jit3A_583 = arith.constant 0.000000e+00 : f32
    %max3A_584 = vector.broadcast %jit3A_583 : f32 to vector<1024xf32>
    %max3A_585 = arith.maximumf %max3A_584, %sub3A_582 : vector<1024xf32>
    %min3A_586 = vector.broadcast %get3A_2 : f32 to vector<1024xf32>
    %min3A_587 = arith.minimumf %min3A_586, %max3A_585 : vector<1024xf32>
    %broadcast_in_dim3A_588 = vector.shape_cast %min3A_587 : vector<1024xf32> to vector<1x1024xf32>
    %div3A_589 = arith.constant 2.000000e+00 : f32
    %div3A_590 = vector.broadcast %div3A_589 : f32 to vector<1024xf32>
    %div3A_591 = arith.divf %mul3A_558, %div3A_590 : vector<1024xf32>
    %add3A_592 = arith.addf %mul3A_544, %div3A_591 : vector<1024xf32>
    %jit3A_593 = arith.constant 0.000000e+00 : f32
    %max3A_594 = vector.broadcast %jit3A_593 : f32 to vector<1024xf32>
    %max3A_595 = arith.maximumf %max3A_594, %add3A_592 : vector<1024xf32>
    %min3A_596 = vector.broadcast %get3A_2 : f32 to vector<1024xf32>
    %min3A_597 = arith.minimumf %min3A_596, %max3A_595 : vector<1024xf32>
    %broadcast_in_dim3A_598 = vector.shape_cast %min3A_597 : vector<1024xf32> to vector<1x1024xf32>
    %concatenate3A = tpu.concatenate %broadcast_in_dim3A_88, %broadcast_in_dim3A_208, %broadcast_in_dim3A_328, %broadcast_in_dim3A_448, %broadcast_in_dim3A_568 in 1 : vector<1x1024xf32>, vector<1x1024xf32>, vector<1x1024xf32>, vector<1x1024xf32>, vector<1x1024xf32> -> vector<1x5120xf32>
    %concatenate3A_599 = tpu.concatenate %broadcast_in_dim3A_108, %broadcast_in_dim3A_228, %broadcast_in_dim3A_348, %broadcast_in_dim3A_468, %broadcast_in_dim3A_588 in 1 : vector<1x1024xf32>, vector<1x1024xf32>, vector<1x1024xf32>, vector<1x1024xf32>, vector<1x1024xf32> -> vector<1x5120xf32>
    %concatenate3A_600 = tpu.concatenate %broadcast_in_dim3A_98, %broadcast_in_dim3A_218, %broadcast_in_dim3A_338, %broadcast_in_dim3A_458, %broadcast_in_dim3A_578 in 1 : vector<1x1024xf32>, vector<1x1024xf32>, vector<1x1024xf32>, vector<1x1024xf32>, vector<1x1024xf32> -> vector<1x5120xf32>
    %concatenate3A_601 = tpu.concatenate %broadcast_in_dim3A_118, %broadcast_in_dim3A_238, %broadcast_in_dim3A_358, %broadcast_in_dim3A_478, %broadcast_in_dim3A_598 in 1 : vector<1x1024xf32>, vector<1x1024xf32>, vector<1x1024xf32>, vector<1x1024xf32>, vector<1x1024xf32> -> vector<1x5120xf32>
    %get3A_602 = arith.constant 0 : index
    %get3A_603 = arith.constant 0 : index
    %get3A_604 = arith.constant 0 : index
    %get3A_605 = vector.load %arg2[%get3A_602, %get3A_603, %get3A_604] : memref<1x5x1024xf32, #tpu.memory_space<vmem>>, vector<1x5x1024xf32>
    %get3A_606 = vector.shape_cast %get3A_605 : vector<1x5x1024xf32> to vector<5x1024xf32>
    %reshape3A = vector.shape_cast %get3A_606 : vector<5x1024xf32> to vector<1x5120xf32>
    %concatenate3A_607 = tpu.concatenate %broadcast_in_dim3A_24, %broadcast_in_dim3A_136, %broadcast_in_dim3A_256, %broadcast_in_dim3A_376, %broadcast_in_dim3A_496 in 1 : vector<1x1024xf32>, vector<1x1024xf32>, vector<1x1024xf32>, vector<1x1024xf32>, vector<1x1024xf32> -> vector<1x5120xf32>
    %concatenate3A_608 = tpu.concatenate %concatenate3A, %concatenate3A_599, %concatenate3A_600, %concatenate3A_601, %reshape3A, %concatenate3A_607 in 0 : vector<1x5120xf32>, vector<1x5120xf32>, vector<1x5120xf32>, vector<1x5120xf32>, vector<1x5120xf32>, vector<1x5120xf32> -> vector<6x5120xf32>
    %swap3A = arith.constant 0 : index
    %swap3A_609 = arith.constant 0 : index
    %swap3A_610 = arith.constant 0 : index
    %swap3A_611 = vector.load %arg4[%swap3A, %swap3A_609, %swap3A_610] : memref<1x6x5120xf32, #tpu.memory_space<vmem>>, vector<1x6x5120xf32>
    %swap3A_612 = vector.shape_cast %swap3A_611 : vector<1x6x5120xf32> to vector<6x5120xf32>
    %swap3A_613 = vector.shape_cast %concatenate3A_608 : vector<6x5120xf32> to vector<1x6x5120xf32>
    tpu.vector_store %arg4[%swap3A, %swap3A_609, %swap3A_610], %swap3A_613 {strides = array<i32>} : memref<1x6x5120xf32, #tpu.memory_space<vmem>>, vector<1x6x5120xf32>,
    return
  }
  func.func @transform_0(%arg0: i32) -> (i32, i32, i32) {
    %c0_i32 = arith.constant 0 : i32
    %c0_i32_0 = arith.constant 0 : i32
    %c0_i32_1 = arith.constant 0 : i32
    return %arg0, %c0_i32, %c0_i32_0 : i32, i32, i32
  }
  func.func @transform_1(%arg0: i32) -> (i32, i32, i32) {
    %c0_i32 = arith.constant 0 : i32
    %c0_i32_0 = arith.constant 0 : i32
    %c0_i32_1 = arith.constant 0 : i32
    return %arg0, %c0_i32, %c0_i32_0 : i32, i32, i32
  }
  func.func @transform_2(%arg0: i32) -> (i32, i32, i32) {
    %c0_i32 = arith.constant 0 : i32
    %c0_i32_0 = arith.constant 0 : i32
    %c0_i32_1 = arith.constant 0 : i32
    return %arg0, %c0_i32, %c0_i32_0 : i32, i32, i32
  }
  func.func @transform_3(%arg0: i32) -> (i32, i32, i32) {
    %c0_i32 = arith.constant 0 : i32
    %c0_i32_0 = arith.constant 0 : i32
    %c0_i32_1 = arith.constant 0 : i32
    return %arg0, %c0_i32, %c0_i32_0 : i32, i32, i32
  }
}

module attributes {stable_mosaic.version = 14 : i64} {
  func.func @_nms_kernel(%arg0: i32, %arg1: memref<1x8x384xf32, #tpu.memory_space<vmem>>, %arg2: memref<1x8x384xf32, #tpu.memory_space<vmem>>) attributes {dimension_semantics = [#tpu.dimension_semantics<arbitrary>], iteration_bounds = array<i64: 32>, scalar_prefetch = 0 : i64, scratch_operands = 0 : i64, tpu.core_type = #tpu.core_type<tc>, window_params = [{transform_indices = @transform_0, window_bounds = array<i64: 1, 8, 384>}, {transform_indices = @transform_1, window_bounds = array<i64: 1, 8, 384>}]} {
    %get3A = arith.constant 0 : index
    %get3A_0 = arith.constant 0 : index
    %get3A_1 = arith.constant 0 : index
    %get3A_2 = vector.load %arg1[%get3A, %get3A_0, %get3A_1] : memref<1x8x384xf32, #tpu.memory_space<vmem>>, vector<1x8x384xf32>
    %get3A_3 = vector.shape_cast %get3A_2 : vector<1x8x384xf32> to vector<8x384xf32>
    %iota3A = tpu.iota {dimensions = array<i32: 0>} : vector<384x384xi32>
    %convert_element_type3A = arith.sitofp %iota3A : vector<384x384xi32> to vector<384x384xf32>
    %iota3A_4 = tpu.iota {dimensions = array<i32: 1>} : vector<384x384xi32>
    %convert_element_type3A_5 = arith.sitofp %iota3A_4 : vector<384x384xi32> to vector<384x384xf32>
    %eq3A = arith.cmpf oeq, %convert_element_type3A, %convert_element_type3A_5 : vector<384x384xf32>
    %jit3A = arith.constant 1.000000e+00 : f32
    %jit3A_6 = arith.constant 0.000000e+00 : f32
    %broadcast_in_dim3A = vector.broadcast %jit3A : f32 to vector<384x384xf32>
    %broadcast_in_dim3A_7 = vector.broadcast %jit3A_6 : f32 to vector<384x384xf32>
    %select_n3A = arith.select %eq3A, %broadcast_in_dim3A, %broadcast_in_dim3A_7 : vector<384x384xi1>, vector<384x384xf32>
    %slice3A = vector.extract_strided_slice %get3A_3 {offsets = [4, 0], sizes = [1, 384], strides = [1, 1]} : vector<8x384xf32> to vector<1x384xf32>
    %squeeze3A = vector.shape_cast %slice3A : vector<1x384xf32> to vector<384xf32>
    %broadcast_in_dim3A_8 = vector.shape_cast %squeeze3A : vector<384xf32> to vector<1x384xf32>
    %slice3A_9 = vector.extract_strided_slice %get3A_3 {offsets = [5, 0], sizes = [1, 384], strides = [1, 1]} : vector<8x384xf32> to vector<1x384xf32>
    %squeeze3A_10 = vector.shape_cast %slice3A_9 : vector<1x384xf32> to vector<384xf32>
    %broadcast_in_dim3A_11 = vector.shape_cast %squeeze3A_10 : vector<384xf32> to vector<1x384xf32>
    %mul3A = arith.constant 4.096000e+03 : f32
    %mul3A_12 = vector.broadcast %mul3A : f32 to vector<1x384xf32>
    %mul3A_13 = arith.mulf %broadcast_in_dim3A_11, %mul3A_12 : vector<1x384xf32>
    %slice3A_14 = vector.extract_strided_slice %get3A_3 {offsets = [0, 0], sizes = [1, 384], strides = [1, 1]} : vector<8x384xf32> to vector<1x384xf32>
    %squeeze3A_15 = vector.shape_cast %slice3A_14 : vector<1x384xf32> to vector<384xf32>
    %broadcast_in_dim3A_16 = vector.shape_cast %squeeze3A_15 : vector<384xf32> to vector<1x384xf32>
    %add3A = arith.addf %broadcast_in_dim3A_16, %mul3A_13 : vector<1x384xf32>
    %slice3A_17 = vector.extract_strided_slice %get3A_3 {offsets = [1, 0], sizes = [1, 384], strides = [1, 1]} : vector<8x384xf32> to vector<1x384xf32>
    %squeeze3A_18 = vector.shape_cast %slice3A_17 : vector<1x384xf32> to vector<384xf32>
    %broadcast_in_dim3A_19 = vector.shape_cast %squeeze3A_18 : vector<384xf32> to vector<1x384xf32>
    %add3A_20 = arith.addf %broadcast_in_dim3A_19, %mul3A_13 : vector<1x384xf32>
    %slice3A_21 = vector.extract_strided_slice %get3A_3 {offsets = [2, 0], sizes = [1, 384], strides = [1, 1]} : vector<8x384xf32> to vector<1x384xf32>
    %squeeze3A_22 = vector.shape_cast %slice3A_21 : vector<1x384xf32> to vector<384xf32>
    %broadcast_in_dim3A_23 = vector.shape_cast %squeeze3A_22 : vector<384xf32> to vector<1x384xf32>
    %add3A_24 = arith.addf %broadcast_in_dim3A_23, %mul3A_13 : vector<1x384xf32>
    %slice3A_25 = vector.extract_strided_slice %get3A_3 {offsets = [3, 0], sizes = [1, 384], strides = [1, 1]} : vector<8x384xf32> to vector<1x384xf32>
    %squeeze3A_26 = vector.shape_cast %slice3A_25 : vector<1x384xf32> to vector<384xf32>
    %broadcast_in_dim3A_27 = vector.shape_cast %squeeze3A_26 : vector<384xf32> to vector<1x384xf32>
    %add3A_28 = arith.addf %broadcast_in_dim3A_27, %mul3A_13 : vector<1x384xf32>
    %concatenate3A = tpu.concatenate %add3A, %add3A_20, %add3A_24, %add3A_28 in 0 : vector<1x384xf32>, vector<1x384xf32>, vector<1x384xf32>, vector<1x384xf32> -> vector<4x384xf32>
    %convert_element_type3A_29 = arith.truncf %select_n3A : vector<384x384xf32> to vector<384x384xbf16>
    %convert_element_type3A_30 = arith.truncf %concatenate3A : vector<4x384xf32> to vector<4x384xbf16>
    %convert_element_type3A_31 = arith.extf %convert_element_type3A_30 : vector<4x384xbf16> to vector<4x384xf32>
    %sub3A = arith.subf %concatenate3A, %convert_element_type3A_31 : vector<4x384xf32>
    %convert_element_type3A_32 = arith.truncf %sub3A : vector<4x384xf32> to vector<4x384xbf16>
    %convert_element_type3A_33 = arith.extf %convert_element_type3A_32 : vector<4x384xbf16> to vector<4x384xf32>
    %sub3A_34 = arith.subf %sub3A, %convert_element_type3A_33 : vector<4x384xf32>
    %convert_element_type3A_35 = arith.truncf %sub3A_34 : vector<4x384xf32> to vector<4x384xbf16>
    %concatenate3A_36 = tpu.concatenate %convert_element_type3A_30, %convert_element_type3A_32, %convert_element_type3A_35 in 0 : vector<4x384xbf16>, vector<4x384xbf16>, vector<4x384xbf16> -> vector<12x384xbf16>
    %dot_general3A = arith.constant dense<0.000000e+00> : vector<384x12xf32>
    %dot_general3A_37 = tpu.matmul %convert_element_type3A_29, %concatenate3A_36, %dot_general3A {dimension_numbers = #tpu.dot_dimension_numbers<[1], [1], [0], [0], [0, 0, 1, 0], [], []>, transpose_lhs_hint = false} : vector<384x384xbf16>, vector<12x384xbf16>, vector<384x12xf32> -> vector<384x12xf32>
    %slice3A_38 = vector.extract_strided_slice %dot_general3A_37 {offsets = [0, 0], sizes = [384, 4], strides = [1, 1]} : vector<384x12xf32> to vector<384x4xf32>
    %slice3A_39 = vector.extract_strided_slice %dot_general3A_37 {offsets = [0, 4], sizes = [384, 4], strides = [1, 1]} : vector<384x12xf32> to vector<384x4xf32>
    %add3A_40 = arith.addf %slice3A_38, %slice3A_39 : vector<384x4xf32>
    %slice3A_41 = vector.extract_strided_slice %dot_general3A_37 {offsets = [0, 8], sizes = [384, 4], strides = [1, 1]} : vector<384x12xf32> to vector<384x4xf32>
    %add3A_42 = arith.addf %add3A_40, %slice3A_41 : vector<384x4xf32>
    %slice3A_43 = vector.extract_strided_slice %add3A_42 {offsets = [0, 0], sizes = [384, 1], strides = [1, 1]} : vector<384x4xf32> to vector<384x1xf32>
    %slice3A_44 = vector.extract_strided_slice %add3A_42 {offsets = [0, 1], sizes = [384, 1], strides = [1, 1]} : vector<384x4xf32> to vector<384x1xf32>
    %slice3A_45 = vector.extract_strided_slice %add3A_42 {offsets = [0, 2], sizes = [384, 1], strides = [1, 1]} : vector<384x4xf32> to vector<384x1xf32>
    %slice3A_46 = vector.extract_strided_slice %add3A_42 {offsets = [0, 3], sizes = [384, 1], strides = [1, 1]} : vector<384x4xf32> to vector<384x1xf32>
    %sub3A_47 = arith.subf %add3A_24, %add3A : vector<1x384xf32>
    %max3A = arith.constant 0.000000e+00 : f32
    %max3A_48 = vector.broadcast %max3A : f32 to vector<1x384xf32>
    %max3A_49 = arith.maximumf %sub3A_47, %max3A_48 : vector<1x384xf32>
    %sub3A_50 = arith.subf %add3A_28, %add3A_20 : vector<1x384xf32>
    %max3A_51 = arith.constant 0.000000e+00 : f32
    %max3A_52 = vector.broadcast %max3A_51 : f32 to vector<1x384xf32>
    %max3A_53 = arith.maximumf %sub3A_50, %max3A_52 : vector<1x384xf32>
    %mul3A_54 = arith.mulf %max3A_49, %max3A_53 : vector<1x384xf32>
    %sub3A_55 = arith.subf %slice3A_45, %slice3A_43 : vector<384x1xf32>
    %max3A_56 = arith.constant 0.000000e+00 : f32
    %max3A_57 = vector.broadcast %max3A_56 : f32 to vector<384x1xf32>
    %max3A_58 = arith.maximumf %sub3A_55, %max3A_57 : vector<384x1xf32>
    %sub3A_59 = arith.subf %slice3A_46, %slice3A_44 : vector<384x1xf32>
    %max3A_60 = arith.constant 0.000000e+00 : f32
    %max3A_61 = vector.broadcast %max3A_60 : f32 to vector<384x1xf32>
    %max3A_62 = arith.maximumf %sub3A_59, %max3A_61 : vector<384x1xf32>
    %mul3A_63 = arith.mulf %max3A_58, %max3A_62 : vector<384x1xf32>
    %max3A_64 = vector.broadcast %slice3A_43 : vector<384x1xf32> to vector<384x384xf32>
    %max3A_65 = vector.broadcast %add3A : vector<1x384xf32> to vector<384x384xf32>
    %max3A_66 = arith.maximumf %max3A_64, %max3A_65 : vector<384x384xf32>
    %max3A_67 = vector.broadcast %slice3A_44 : vector<384x1xf32> to vector<384x384xf32>
    %max3A_68 = vector.broadcast %add3A_20 : vector<1x384xf32> to vector<384x384xf32>
    %max3A_69 = arith.maximumf %max3A_67, %max3A_68 : vector<384x384xf32>
    %min3A = vector.broadcast %slice3A_45 : vector<384x1xf32> to vector<384x384xf32>
    %min3A_70 = vector.broadcast %add3A_24 : vector<1x384xf32> to vector<384x384xf32>
    %min3A_71 = arith.minimumf %min3A, %min3A_70 : vector<384x384xf32>
    %min3A_72 = vector.broadcast %slice3A_46 : vector<384x1xf32> to vector<384x384xf32>
    %min3A_73 = vector.broadcast %add3A_28 : vector<1x384xf32> to vector<384x384xf32>
    %min3A_74 = arith.minimumf %min3A_72, %min3A_73 : vector<384x384xf32>
    %sub3A_75 = arith.subf %min3A_71, %max3A_66 : vector<384x384xf32>
    %max3A_76 = arith.constant 0.000000e+00 : f32
    %max3A_77 = vector.broadcast %max3A_76 : f32 to vector<384x384xf32>
    %max3A_78 = arith.maximumf %sub3A_75, %max3A_77 : vector<384x384xf32>
    %sub3A_79 = arith.subf %min3A_74, %max3A_69 : vector<384x384xf32>
    %max3A_80 = arith.constant 0.000000e+00 : f32
    %max3A_81 = vector.broadcast %max3A_80 : f32 to vector<384x384xf32>
    %max3A_82 = arith.maximumf %sub3A_79, %max3A_81 : vector<384x384xf32>
    %mul3A_83 = arith.mulf %max3A_78, %max3A_82 : vector<384x384xf32>
    %add3A_84 = vector.broadcast %mul3A_63 : vector<384x1xf32> to vector<384x384xf32>
    %add3A_85 = vector.broadcast %mul3A_54 : vector<1x384xf32> to vector<384x384xf32>
    %add3A_86 = arith.addf %add3A_84, %add3A_85 : vector<384x384xf32>
    %sub3A_87 = arith.subf %add3A_86, %mul3A_83 : vector<384x384xf32>
    %add3A_88 = arith.constant 9.99999971E-10 : f32
    %add3A_89 = vector.broadcast %add3A_88 : f32 to vector<384x384xf32>
    %add3A_90 = arith.addf %sub3A_87, %add3A_89 : vector<384x384xf32>
    %div3A = arith.divf %mul3A_83, %add3A_90 : vector<384x384xf32>
    %lt3A = arith.cmpf olt, %convert_element_type3A, %convert_element_type3A_5 : vector<384x384xf32>
    %jit3A_91 = arith.constant 0.000000e+00 : f32
    %broadcast_in_dim3A_92 = vector.broadcast %jit3A_91 : f32 to vector<384x384xf32>
    %select_n3A_93 = arith.select %lt3A, %div3A, %broadcast_in_dim3A_92 : vector<384x384xi1>, vector<384x384xf32>
    %reduce_max3A = arith.constant dense<0xFF800000> : vector<384xf32>
    %reduce_max3A_94 = vector.multi_reduction <maximumf>, %select_n3A_93, %reduce_max3A [0] : vector<384x384xf32> to vector<384xf32>
    %broadcast_in_dim3A_95 = vector.shape_cast %reduce_max3A_94 : vector<384xf32> to vector<1x384xf32>
    %le3A = arith.constant 4.500000e-01 : f32
    %le3A_96 = vector.broadcast %le3A : f32 to vector<1x384xf32>
    %le3A_97 = arith.cmpf ole, %broadcast_in_dim3A_95, %le3A_96 : vector<1x384xf32>
    %gt3A = arith.constant 0.000000e+00 : f32
    %gt3A_98 = vector.broadcast %gt3A : f32 to vector<1x384xf32>
    %gt3A_99 = arith.cmpf ogt, %broadcast_in_dim3A_8, %gt3A_98 : vector<1x384xf32>
    %and3A = arith.andi %le3A_97, %gt3A_99 : vector<1x384xi1>
    %convert_element_type3A_100 = arith.extui %and3A : vector<1x384xi1> to vector<1x384xi32>
    %convert_element_type3A_101 = arith.sitofp %convert_element_type3A_100 : vector<1x384xi32> to vector<1x384xf32>
    %slice3A_102 = vector.extract_strided_slice %get3A_3 {offsets = [0, 0], sizes = [1, 384], strides = [1, 1]} : vector<8x384xf32> to vector<1x384xf32>
    %squeeze3A_103 = vector.shape_cast %slice3A_102 : vector<1x384xf32> to vector<384xf32>
    %broadcast_in_dim3A_104 = vector.shape_cast %squeeze3A_103 : vector<384xf32> to vector<1x384xf32>
    %mul3A_105 = arith.mulf %broadcast_in_dim3A_104, %convert_element_type3A_101 : vector<1x384xf32>
    %slice3A_106 = vector.extract_strided_slice %get3A_3 {offsets = [1, 0], sizes = [1, 384], strides = [1, 1]} : vector<8x384xf32> to vector<1x384xf32>
    %squeeze3A_107 = vector.shape_cast %slice3A_106 : vector<1x384xf32> to vector<384xf32>
    %broadcast_in_dim3A_108 = vector.shape_cast %squeeze3A_107 : vector<384xf32> to vector<1x384xf32>
    %mul3A_109 = arith.mulf %broadcast_in_dim3A_108, %convert_element_type3A_101 : vector<1x384xf32>
    %slice3A_110 = vector.extract_strided_slice %get3A_3 {offsets = [2, 0], sizes = [1, 384], strides = [1, 1]} : vector<8x384xf32> to vector<1x384xf32>
    %squeeze3A_111 = vector.shape_cast %slice3A_110 : vector<1x384xf32> to vector<384xf32>
    %broadcast_in_dim3A_112 = vector.shape_cast %squeeze3A_111 : vector<384xf32> to vector<1x384xf32>
    %mul3A_113 = arith.mulf %broadcast_in_dim3A_112, %convert_element_type3A_101 : vector<1x384xf32>
    %slice3A_114 = vector.extract_strided_slice %get3A_3 {offsets = [3, 0], sizes = [1, 384], strides = [1, 1]} : vector<8x384xf32> to vector<1x384xf32>
    %squeeze3A_115 = vector.shape_cast %slice3A_114 : vector<1x384xf32> to vector<384xf32>
    %broadcast_in_dim3A_116 = vector.shape_cast %squeeze3A_115 : vector<384xf32> to vector<1x384xf32>
    %mul3A_117 = arith.mulf %broadcast_in_dim3A_116, %convert_element_type3A_101 : vector<1x384xf32>
    %slice3A_118 = vector.extract_strided_slice %get3A_3 {offsets = [4, 0], sizes = [1, 384], strides = [1, 1]} : vector<8x384xf32> to vector<1x384xf32>
    %squeeze3A_119 = vector.shape_cast %slice3A_118 : vector<1x384xf32> to vector<384xf32>
    %broadcast_in_dim3A_120 = vector.shape_cast %squeeze3A_119 : vector<384xf32> to vector<1x384xf32>
    %mul3A_121 = arith.mulf %broadcast_in_dim3A_120, %convert_element_type3A_101 : vector<1x384xf32>
    %jit3A_122 = arith.constant -1.000000e+00 : f32
    %broadcast_in_dim3A_123 = vector.broadcast %jit3A_122 : f32 to vector<1x384xf32>
    %select_n3A_124 = arith.select %and3A, %broadcast_in_dim3A_11, %broadcast_in_dim3A_123 : vector<1x384xi1>, vector<1x384xf32>
    %broadcast_in_dim3A_125 = arith.constant 0.000000e+00 : f32
    %broadcast_in_dim3A_126 = vector.broadcast %broadcast_in_dim3A_125 : f32 to vector<2x384xf32>
    %concatenate3A_127 = tpu.concatenate %mul3A_105, %mul3A_109, %mul3A_113, %mul3A_117, %mul3A_121, %select_n3A_124, %broadcast_in_dim3A_126 in 0 : vector<1x384xf32>, vector<1x384xf32>, vector<1x384xf32>, vector<1x384xf32>, vector<1x384xf32>, vector<1x384xf32>, vector<2x384xf32> -> vector<8x384xf32>
    %swap3A = arith.constant 0 : index
    %swap3A_128 = arith.constant 0 : index
    %swap3A_129 = arith.constant 0 : index
    %swap3A_130 = vector.load %arg2[%swap3A, %swap3A_128, %swap3A_129] : memref<1x8x384xf32, #tpu.memory_space<vmem>>, vector<1x8x384xf32>
    %swap3A_131 = vector.shape_cast %swap3A_130 : vector<1x8x384xf32> to vector<8x384xf32>
    %swap3A_132 = vector.shape_cast %concatenate3A_127 : vector<8x384xf32> to vector<1x8x384xf32>
    tpu.vector_store %arg2[%swap3A, %swap3A_128, %swap3A_129], %swap3A_132 {strides = array<i32>} : memref<1x8x384xf32, #tpu.memory_space<vmem>>, vector<1x8x384xf32>,
    return
  }
  func.func @transform_0(%arg0: i32) -> (i32, i32, i32) {
    %c0_i32 = arith.constant 0 : i32
    %c0_i32_0 = arith.constant 0 : i32
    %c0_i32_1 = arith.constant 0 : i32
    return %arg0, %c0_i32, %c0_i32_0 : i32, i32, i32
  }
  func.func @transform_1(%arg0: i32) -> (i32, i32, i32) {
    %c0_i32 = arith.constant 0 : i32
    %c0_i32_0 = arith.constant 0 : i32
    %c0_i32_1 = arith.constant 0 : i32
    return %arg0, %c0_i32, %c0_i32_0 : i32, i32, i32
  }
}

</mosaic_0001>

<sc_bundles>
// kernel: kernel.5.cloned.1.call-start
scs
__scs_entry_jumppad:
0x0: {  	(pc) =	sbr.rel $0x88, $3  }
0x1: {  	(tag) =	ssettag $0x0;
	lr =	simm.s32 $0x1  }
0x2: {  	[smem:$0x3F9F] =	sst lr;
	_ =	strace $0xD0000000  }
0x3: {  	_ = 	snop  }
0x4: {  	_ = 	snop  }
0x5: {  	_ = 	snop  }
0x6: {  	_ = 	snop  }
0x7: {  	_ = 	snop  }
__scs_overlays_trampoline_lowered:
0x8: {  	[smem:$0x3FAE] =	sst s0  }
0x9: {  	[smem:$0x3FAF] =	sst s1  }
0xa: {  	[smem:$0x3FB0] =	sst s2  }
0xb: {  	[smem:$0x3FB1] =	sst s3  }
0xc: {  	[smem:$0x3FB2] =	sst s4  }
0xd: {  	[smem:$0x3FB3] =	sst s5  }
0xe: {  	[smem:$0x3FB4] =	sst s6  }
0xf: {  	[smem:$0x3FB5] =	sst s7  }
0x10: {  	[smem:$0x3FB6] =	sst s8  }
0x11: {  	[smem:$0x3FB7] =	sst s9;
	s0 =	simm.s32 @!p0 $0x0  }
0x12: {  	s1 =	sld [smem:$0x3F9D];
	s0 =	simm.s32 @p0 $0x1  }
0x13: {  	[smem:$0x3FB8] =	sst s0;
	s0 =	simm.s32 @!p1 $0x0  }
0x14: {  	s2 =	sld [smem:$0x3F9C];
	s0 =	simm.s32 @p1 $0x1  }
0x15: {  	[smem:$0x3FB9] =	sst s0;
	s0 =	simm.s32 @!p2 $0x0  }
0x16: {  	s3 =	sld [smem:$0x3FDB];
	s0 =	simm.s32 @p2 $0x1  }
0x17: {  	s4 =	simm.s32 $0x1BF5;
	[smem:$0x3FBB] =	sst s0  }
0x18: {  	s0 =	sld [smem:$0x3F9E];
	_ =	swait.ge [sflag:s4], $0x0  }
0x19: {  	s7 =	sld [smem:$0x3F9F]  }
0x1a: {  	s8 =	sadd.s32 $0xFFFFE003, lr  }
0x1b: {  	s9 =	sadd.s32 $0xFFFFFEF7, lr;
	s5 =	simm.s32 $0xFFFFFFFF;
	p2 =	slt.u32 s8, $0xFFFFF086  }
0x1c: {  	p1 =	slt.u32 s9, $0xF7A;
	s5 =	simm.s32 @!p2 $0x0  }
0x1d: {  	s5 =	simm.s32 @p1 $0x1;
	p0 =	seq.s32 s7, s2  }
0x1e: {  	s7 =	smul.u32 @!p0 $0xF7A, s2;
	p2 =	seq.s32 @!p0 s5, $0x0  }
0x1f: {  	s9 =	smul.u32 $0xF7A, s1;
	s8 =	simm.s32 @!p0 $0x1BF5;
	p2 =	por !p2, p0  }
0x20: {  	[sflag:s8] =	ssyncset.s32 @!p0 $0xFFFFF086;
	s6 =	sadd.s32 @!p0 s3, s7;
	s7 =	simm.s32 @!p0 $0x108  }
0x21: {  	s3 =	sadd.s32 s3, s9;
	s6 =	sadd.s32 @!p0 $0x88, s6;
	s7 =	simm.s32 @p2 $0x1082  }
0x22: {  	[simem:s7], [sflag:s8] =	dma.local @!p0 [hbm:s6], $0xF7A  }
0x23: {  	s9 =	sor.u32 $0xD0000000, s2;
	s6 =	simm.s32 $0x108;
	_ =	swait.ge @!p0 [sflag:s8], $0x0  }
0x24: {  	s3 =	sadd.s32 $0x88, s3;
	s6 =	simm.s32 @!p1 $0x1082;
	[sflag:s4] =	ssyncset.s32 $0xFFFFF086  }
0x25: {  	[simem:s6], [sflag:s4] =	dma.local [hbm:s3], $0xF7A  }
0x26: {  	[smem:$0x3F9F] =	sst s1;
	(tag) =	ssettag s2;
	_ =	strace s9  }
0x27: {  	s1 =	sld [smem:$0x3FAF]  }
0x28: {  	s2 =	sld [smem:$0x3FB0]  }
0x29: {  	s4 =	sld [smem:$0x3FB2]  }
0x2a: {  	p0 =	seq.s32 s5, $0x0;
	s5 =	sld [smem:$0x3FB3]  }
0x2b: {  	s6 =	sld [smem:$0x3FB4]  }
0x2c: {  	s7 =	sld [smem:$0x3FB5]  }
0x2d: {  	s3 =	simm.s32 $0x108;
	s8 =	sld [smem:$0x3FB6]  }
0x2e: {  	s3 =	simm.s32 @!p0 $0x1082;
	s9 =	sld [smem:$0x3FB7]  }
0x2f: {  	lr =	sadd.s32 s0, s3;
	s0 =	sld [smem:$0x3FAE]  }
0x30: {  	s3 =	sld [smem:$0x3FB1]  }
0x31: {  	[smem:$0x3FBA] =	sst s10  }
0x32: {  	s10 =	sld [smem:$0x3FB8];
	_ =	sdelay $0x3  }
0x33: {  	p0 =	seq.s32 s10, $0x1;
	s10 =	sld [smem:$0x3FBA];
	_ =	sdelay $0x3  }
0x34: {  	[smem:$0x3FBA] =	sst s10  }
0x35: {  	s10 =	sld [smem:$0x3FB9];
	_ =	sdelay $0x3  }
0x36: {  	p1 =	seq.s32 s10, $0x1;
	s10 =	sld [smem:$0x3FBA];
	_ =	sdelay $0x3  }
0x37: {  	[smem:$0x3FBA] =	sst s10  }
0x38: {  	s10 =	sld [smem:$0x3FBB]  }
0x39: {  	_ = 	snop;
	(pc) =	sbr.ind lr, $3  }
0x3a: {  	_ = 	snop  }
0x3b: {  	_ = 	snop  }
0x3c: {  	p2 =	seq.s32 s10, $0x1;
	s10 =	sld [smem:$0x3FBA]  }
0x3d: {  	_ =	shalt  }
0x3e: {  	_ =	shalt  }
0x3f: {  	_ =	shalt  }
0x40: {  	_ =	shalt  }
0x41: {  	_ =	shalt  }
0x42: {  	_ =	shalt  }
0x43: {  	_ =	shalt  }
0x44: {  	_ =	shalt  }
0x45: {  	_ =	shalt  }
0x46: {  	_ =	shalt  }
0x47: {  	_ =	shalt  }
0x48: {  	_ =	shalt  }
0x49: {  	_ =	shalt  }
0x4a: {  	_ =	shalt  }
0x4b: {  	_ =	shalt  }
0x4c: {  	_ =	shalt  }
0x4d: {  	_ =	shalt  }
0x4e: {  	_ =	shalt  }
0x4f: {  	_ =	shalt  }
0x50: {  	_ =	shalt  }
0x51: {  	_ =	shalt  }
0x52: {  	_ =	shalt  }
0x53: {  	_ =	shalt  }
0x54: {  	_ =	shalt  }
0x55: {  	_ =	shalt  }
0x56: {  	_ =	shalt  }
0x57: {  	_ =	shalt  }
0x58: {  	_ =	shalt  }
0x59: {  	_ =	shalt  }
0x5a: {  	_ =	shalt  }
0x5b: {  	_ =	shalt  }
0x5c: {  	_ =	shalt  }
0x5d: {  	_ =	shalt  }
0x5e: {  	_ =	shalt  }
0x5f: {  	_ =	shalt  }
0x60: {  	_ =	shalt  }
0x61: {  	_ =	shalt  }
0x62: {  	_ =	shalt  }
0x63: {  	_ =	shalt  }
0x64: {  	_ =	shalt  }
0x65: {  	_ =	shalt  }
0x66: {  	_ =	shalt  }
0x67: {  	_ =	shalt  }
0x68: {  	_ =	shalt  }
0x69: {  	_ =	shalt  }
0x6a: {  	_ =	shalt  }
0x6b: {  	_ =	shalt  }
0x6c: {  	_ =	shalt  }
0x6d: {  	_ =	shalt  }
0x6e: {  	_ =	shalt  }
0x6f: {  	_ =	shalt  }
0x70: {  	_ =	shalt  }
0x71: {  	_ =	shalt  }
0x72: {  	_ =	shalt  }
0x73: {  	_ =	shalt  }
0x74: {  	_ =	shalt  }
0x75: {  	_ =	shalt  }
0x76: {  	_ =	shalt  }
0x77: {  	_ =	shalt  }
0x78: {  	_ =	shalt  }
0x79: {  	_ =	shalt  }
0x7a: {  	_ =	shalt  }
0x7b: {  	_ =	shalt  }
0x7c: {  	_ =	shalt  }
0x7d: {  	_ =	shalt  }
0x7e: {  	_ =	shalt  }
0x7f: {  	_ =	shalt  }
0x80: {  	_ =	shalt  }
0x81: {  	_ =	shalt  }
0x82: {  	_ =	shalt  }
0x83: {  	_ =	shalt  }
0x84: {  	_ =	shalt  }
0x85: {  	_ =	shalt  }
0x86: {  	_ =	shalt  }
0x87: {  	_ =	shalt  }
.Lfunc_end0:
.L_simem_size_0:
called_computation_lowered:
.L_overlay_start_0:
0x88: {  	s2 =	sld [smem:$0x3FD9]  }
0x89: {  	s3 =	sld [smem:$0x3FFE];
	_ =	sdelay $0x1  }
0x8a: {  	s1 =	srdreg.scid  }
0x8b: {  	s0 =	sand.u32 $0x1, s1  }
0x8c: {  	s16 =	sshll.u32 s0, $0xA;
	s2 =	sadd.s32 s3, s2  }
0x8d: {  	s2 =	sadd.s32 s2, s16  }
0x8e: {  	[smem:$0x3FC6] =	sst s2  }
0x8f: {  	_ = 	snop  }
0x90: {  	(tm) =	ssettm $0x1  }
0x91: {  	s17 =	sld [smem:$0x3FFB];
	_ =	sdelay $0x3  }
0x92: {  	_ =	strace s17  }
0x93: {  	s2 =	sld [smem:$0x3FFC];
	_ =	sdelay $0x3  }
0x94: {  	_ =	strace s2  }
0x95: {  	s2 =	sld [smem:$0x3FFD];
	_ =	sdelay $0x3  }
0x96: {  	_ =	strace s2  }
0x97: {  	_ =	strace $0x8FFFFFFF  }
0x98: {  	s18 =	sld [smem:$0x3FDB];
	_ =	sdelay $0x1  }
0x99: {  	s19 =	simm.s32 $_scs_section_size  }
0x9a: {  	s4 =	simm.s32 $_size__tile_overlayer_lowered;
	s5 =	simm.s32 $_tile_overlayer_lowered  }
0x9b: {  	s22 =	simm.s32 $0x1BFF;
	s21 =	sshll.u32 s5, $0x1;
	s2 =	sadd.s32 s19, s18  }
0x9c: {  	s6 =	simm.s32 $0x0;
	s20 =	sshll.u32 s4, $0x1;
	s4 =	sadd.s32 s21, s2  }
0x9d: {  	[timem:s6], [sflag:s22] =	dma.local [hbm:s4], s20  }
0x9e: {  	_ =	swait.ge [sflag:s22], s20  }
0x9f: {  	s3 =	ssub.s32 $0x0, s20;
	[sflag:s22] =	ssyncset.done $0x0  }
0xa0: {  	[sflag:s22] =	ssyncadd.s32 s3;
	_ =	sdelay $0x1  }
0xa1: {  	s23 =	simm.s32 $0x1B8B  }
0xa2: {  	_ =	swait.ge [sflag:s23], $0x1  }
0xa3: {  	[sflag:s23] =	ssyncset.done $0x0  }
0xa4: {  	s25 =	simm.s32 $0x1B8E;
	s24 =	sld [smem:$0x3FFE];
	[sflag:s23] =	ssyncadd.s32 $0xFFFFFFFF  }
0xa5: {  	s26 =	simm.s32 $execute0_lowered;
	[smem:$0x3FD2] =	sst s25  }
0xa6: {  	s4 =	sshll.u32 s26, $0x1;
	_ =	strace $0x80000046;
	[dreg:$0x1] =	wrdreg $0xFFFFFFFF  }
0xa7: {  	s28 =	simm.s32 $_size_execute0_lowered;
	s2 =	sadd.s32 s2, s4;
	[dreg:$0x0] =	wrdreg $0x0  }
0xa8: {  	s4 =	sshll.u32 s28, $0x1;
	[dreg:$0x2] =	wrdreg s2  }
0xa9: {  	[dreg:$0x3] =	wrdreg s4  }
0xaa: {  	[dreg:$0x4] =	wrdreg $0xC0  }
0xab: {  	_ =	task [dreg:s6], $0x5FFFF  }
0xac: {  	[dreg:$0x1] =	wrdreg $0xFFFFFFFF  }
0xad: {  	[dreg:$0x0] =	wrdreg $0x60  }
0xae: {  	[dreg:$0x2] =	wrdreg s24  }
0xaf: {  	[dreg:$0x3] =	wrdreg $0x9  }
0xb0: {  	_ =	task.clear_ibuf [dreg:s6], $0x4FFFF;
	_ =	strace $0x90000046  }
0xb1: {  	s29 =	simm.s32 $0x9;
	_ =	strace $0x80000048  }
0xb2: {  	_ =	swait.ge [sflag:s29], $0x1  }
0xb3: {  	[sflag:s29] =	ssyncadd.s32 $0xFFFFFFFF  }
0xb4: {  	_ =	strace $0x90000048  }
0xb5: {  	_ =	sfence  }
0xb6: {  	s30 =	sld [smem:$0x0];
	_ =	sdelay $0x2  }
0xb7: {  	s31 =	sshll.u32 s1, $0xD;
	s1 =	sshrl.u32 s1, $0x2  }
0xb8: {  	s3 =	sand.u32 $0x4000, s31;
	s1 =	sadd.s32 s1, s30  }
0xb9: {  	s0 =	sor.u32 s3, s0;
	s1 =	sshll.u32 s1, $0x11  }
0xba: {  	s0 =	sor.u32 s1, s0  }
0xbb: {  	s0 =	sadd.s32 $0x8F2B, s0  }
0xbc: {  	[sflag:s0] =	ssyncadd.remote.s32 $0x1  }
0xbd: {  	_ =	sfence.sel $0xFFFF  }
0xbe: {  	[dreg:$0x0] =	wrdreg $0xFFFFFFFF;
	(pc) =	sbr.abs _section_cstart, $3  }
0xbf: {  	[dreg:$0x1] =	wrdreg $0xFFFFFFFF  }
0xc0: {  	_ =	task.clear_ibuf [dreg:s6], $0x2FFFF;
	_ =	strace $0x9FFFFFFF  }
0xc1: {  	(tm) =	ssettm $0x7FFFFFFF  }
tec
execute0_lowered:
.L_overlay_start_1:
0x0: {  	(tag) =	ssettag $0x1  }
0x1: {  	v0 =	vimm.s32 $0xEFCDAB89;
	v1 =	vimm.s32 $0x67452301;
	v2 =	vimm.s32 $0xDCFE98BA;
	s3 =	rddreg [dreg:$0x0]  }
0x2: {  	v3 =	vimm.s32 $0x54761032;
	v4 =	vimm.s32 $0xBA98FEDC;
	v5 =	vimm.s32 $0x32107654;
	s2 =	srdreg.scid;
	s0 =	stileid.u32  }
0x3: {  	v6 =	vimm.s32 $0xFEDCBA98;
	v7 =	vimm.s32 $0x76543210;
	s22 =	simm.s32 $0x0;
	s9 =	simm.s32 $0x1;
	s10 =	simm.s32 $0x1400  }
0x4: {  	v62 =	vimm.s32 $0xECA86420;
	s11 =	simm.s32 $0x9B00;
	s12 =	simm.s32 $0x8C00;
	v0 =	vunpack.c.l.s4.s8 v0;
	v1 =	vunpack.c.l.s4.s8 v1;
	s5 =	sshrl.u32 s0, $0x2  }
0x5: {  	v2 =	vunpack.c.l.s4.s8 v2;
	v3 =	vunpack.c.l.s4.s8 v3;
	v4 =	vunpack.c.l.s4.s8 v4;
	s4 =	sand.u32 $0x1, s2;
	s21 =	sshll.u32 s0, $0x8;
	s8 =	smul.u32 $0xA000, s5  }
0x6: {  	v5 =	vunpack.c.l.s4.s8 v5;
	[smem:$0x7FF] =	sst s22;
	s6 =	sshll.u32 s4, $0x7;
	s23 =	smul.u32 $0x3C000, s5;
	v0 =	vunpack.c.0.s8.s32 v0;
	v1 =	vunpack.c.0.s8.s32 v1  }
0x7: {  	v6 =	vunpack.c.l.s4.s8 v6;
	s7 =	sand.u32 $0x300, s21;
	s5 =	smul.u32 $0x6000, s5;
	s4 =	ssub.s32 $0x2, s4;
	v2 =	vunpack.c.0.s8.s32 v2;
	v3 =	vunpack.c.0.s8.s32 v3  }
0x8: {  	_ =	strace $0x80000047;
	v4 =	vunpack.c.0.s8.s32 v4;
	v5 =	vunpack.c.0.s8.s32 v5;
	s6 =	sor.u32 s6, s7;
	s25 =	sshrl.u32 s4, $0x1;
	v0 =	vcombine.low v1, v0  }
0x9: {  	v58 =	vunpack.c.l.s4.s8 v7;
	v63 =	vunpack.c.l.s4.s8 v62;
	s8 =	sor.u32 s8, s6;
	s7 =	sor.u32 s23, s6;
	s5 =	sor.u32 s5, s6;
	v57 =	vcombine.low v3, v2  }
0xa: {  	s26 =	ssub.s32 s4, s25;
	v59 =	vcombine.low v5, v4;
	v4 =	vunpack.c.0.s8.s32 v6;
	s8 =	sshrl.u32 s8, $0x3;
	s24 =	sshrl.u32 s7, $0x3;
	v32 =	vand.u32 $0xF, v0  }
0xb: {  	v60 =	vunpack.c.0.s8.s32 v58;
	s5 =	sshrl.u32 s5, $0x3;
	s31 =	smax.u32 s26, $0x1;
	s8 =	sadd.s32 s8, s3;
	v34 =	vand.u32 $0xF, v57;
	[tilespmem:$0x1FFC0] =	vst v32  }
0xc: {  	s6 =	sadd.s32 s24, s3;
	[dreg:$0x5] =	wrdreg s31;
	v6 =	vand.u32 $0xF, v59;
	v61 =	vand.u32 $0xF, v4;
	v0 =	vunpack.c.0.s8.s32 v63;
	s28 =	sadd.s32 $0x1E600, s8;
	[tilespmem:$0x1FFD0] =	vst v34  }
0xd: {  	s5 =	sadd.s32 s5, s3;
	s29 =	sadd.s32 $0x600, s6;
	v33 =	vcombine.low v61, v60;
	[dreg:$0x2] =	wrdreg s28;
	[tilespmem:$0x1FFE0] =	vst v6  }
0xe: {  	s13 =	simm.s32 $0x0;
	s30 =	sadd.s32 $0x23600, s5;
	[dreg:$0x3] =	wrdreg s29;
	[tilespmem:$0x1FFB0] =	vst v0  }
0xf: {  	v31 =	vimm.s32 $0x0;
	v35 =	vlaneseq.u32;
	v36 =	vimm.f32 $0.0e+00;
	s2 =	simm.s32 $0x80;
	s3 =	simm.s32 $0x400;
	[dreg:$0x4] =	wrdreg s30;
	[tilespmem:$0x1FFF0] =	vst v33  }
.LBB2_1:
0x10: {  	s0 =	simm.s32 $0x0;
	s1 =	rddreg [dreg:$0x2]  }
0x11: {  	[tilespmem:s0], [sflag:$0x1] =	stream.strided.gather [hbm4b:s1+s2], $0x1400, s3, s2, $0x38;
	[tilespmem:$0x9B80] =	vst v63  }
0x12: {  	_ =	swait.ge [sflag:s9], $0x1400  }
0x13: {  	[sflag:s9] =	ssyncset.done $0x0  }
0x14: {  	s31 =	rddreg [dreg:$0x3];
	[sflag:s9] =	ssyncadd.s32 $0xFFFFEC00  }
0x15: {  	[tilespmem:s10], [sflag:$0x1] =	stream.strided.gather [hbm4b:s31+s2], $0x7800, s3, s2, $0x38;
	[tilespmem:$0x9B80] =	vst v63  }
0x16: {  	_ =	swait.ge [sflag:s9], $0x7800  }
0x17: {  	[sflag:s9] =	ssyncset.done $0x0  }
0x18: {  	s14 =	simm.s32 $0x0;
	[sflag:s9] =	ssyncadd.s32 $0xFFFF8800  }
.LBB2_2:
0x19: {  	p0 =	sne.s32 s14, $0x2FC0  }
.Ltmp0:
0x1a: {  	_ = 	snop;
	(pc) =	sbr.rel @p0 .LBB2_2-.Ltmp0, $3  }
0x1b: {  	_ =	sdelay $0x1  }
0x1c: {  	s15 =	sshra.s32 s14, $0x2;
	v9 =	vimm.f32 $0.0e+00  }
0x1d: {  	s14 =	sadd.s32 $0x40, s14;
	[tilespmem:s15+$0x8C00] =	vst v9  }
0x1e: {  	s14 =	simm.s32 $0x0;
	v0 =	vimm.f32 $1.000000000e+00  }
.LBB2_4:
0x1f: {  	s16 =	simm.s32 $0x40  }
0x20: {  	v3 =	vld [tilespmem:s16+$0xFFFFFFC0]  }
0x21: {  	v1 =	vadd.f32 v0, v9;
	v4 =	vld [tilespmem:s16+$0xFFFFFFD0]  }
0x22: {  	v7 =	vld [tilespmem:s16+$0xFFFFFFE0]  }
0x23: {  	v5 =	vld [tilespmem:s16+$0xFFFFFFF0];
	v1 =	vmul.f32 $5.000000000e-01, v1  }
0x24: {  	v2 =	vld [tilespmem:s16+$0x0]  }
0x25: {  	vm0 =	vge.f32 v3, v1;
	v3 =	vld [tilespmem:s16+$0x10]  }
0x26: {  	v8 =	vimm.s32 $0x0;
	v10 =	vsel vm0, $0x1, v31;
	vm0 =	vge.f32 v4, v1;
	v4 =	vld [tilespmem:s16+$0x20]  }
0x27: {  	s15 =	simm.s32 $0x0;
	v8 =	vadd.s32 v10, v8;
	v10 =	vsel vm0, $0x1, v31;
	vm0 =	vge.f32 v7, v1;
	v7 =	vld [tilespmem:s16+$0x30];
	s16 =	simm.s32 $0xC0  }
.LBB2_5:
0x28: {  	v11 =	vld [tilespmem:s16+$0xFFFFFFC0];
	s15 =	sadd.s32 $0x8, s15;
	v8 =	vadd.s32 v10, v8;
	v10 =	vsel vm0, $0x1, v31;
	vm0 =	vge.f32 v5, v1  }
0x29: {  	v12 =	vld [tilespmem:s16+$0xFFFFFFD0];
	p0 =	slt.u32 s15, $0x138;
	v5 =	vadd.s32 v10, v8;
	v8 =	vsel vm0, $0x1, v31;
	vm0 =	vge.f32 v2, v1  }
0x2a: {  	v13 =	vld [tilespmem:s16+$0xFFFFFFE0];
	v2 =	vadd.s32 v8, v5;
	v8 =	vsel vm0, $0x1, v31;
	vm0 =	vge.f32 v3, v1  }
.Ltmp1:
0x2b: {  	v5 =	vld [tilespmem:s16+$0xFFFFFFF0];
	v3 =	vadd.s32 v8, v2;
	v8 =	vsel vm0, $0x1, v31;
	vm0 =	vge.f32 v4, v1;
	(pc) =	sbr.rel @p0 .LBB2_5-.Ltmp1, $4  }
0x2c: {  	v2 =	vld [tilespmem:s16+$0x0];
	v4 =	vadd.s32 v8, v3;
	v8 =	vsel vm0, $0x1, v31;
	vm0 =	vge.f32 v7, v1  }
0x2d: {  	vm1 =	vge.f32 v11, v1;
	v3 =	vld [tilespmem:s16+$0x10];
	v7 =	vadd.s32 v8, v4;
	v8 =	vsel vm0, $0x1, v31  }
0x2e: {  	v10 =	vsel vm1, $0x1, v31;
	vm0 =	vge.f32 v12, v1;
	v4 =	vld [tilespmem:s16+$0x20];
	v7 =	vadd.s32 v8, v7  }
0x2f: {  	v8 =	vadd.s32 v10, v7;
	v10 =	vsel vm0, $0x1, v31;
	vm0 =	vge.f32 v13, v1;
	v7 =	vld [tilespmem:s16+$0x30];
	s16 =	sadd.s32 $0x80, s16  }
0x30: {  	v8 =	vadd.s32 v10, v8;
	v10 =	vsel vm0, $0x1, v31;
	vm10 =	vge.f32 v5, v1  }
0x31: {  	v5 =	vadd.s32 v10, v8;
	v8 =	vsel vm10, $0x1, v31;
	vm11 =	vge.f32 v2, v1  }
0x32: {  	v2 =	vadd.s32 v8, v5;
	v5 =	vsel vm11, $0x1, v31;
	vm12 =	vge.f32 v3, v1  }
0x33: {  	v2 =	vadd.s32 v5, v2;
	v3 =	vsel vm12, $0x1, v31;
	vm13 =	vge.f32 v4, v1  }
0x34: {  	v2 =	vadd.s32 v3, v2;
	v3 =	vsel vm13, $0x1, v31;
	vm14 =	vge.f32 v7, v1  }
0x35: {  	v2 =	vadd.s32 v3, v2;
	v3 =	vsel vm14, $0x1, v31  }
0x36: {  	v2 =	vadd.s32 v3, v2  }
0x37: {  	[tilespmem:$0x9B00] =	vst v2  }
0x38: {  	v3 =	vld.idx.msk [tilespmem:v32+s11+$0x0], $0xffff;
	_ =	sdelay $0x4  }
0x39: {  	v2 =	vadd.s32 v2, v3  }
0x3a: {  	[tilespmem:$0x9B00] =	vst v2  }
0x3b: {  	v3 =	vld.idx.msk [tilespmem:v34+s11+$0x0], $0xffff;
	_ =	sdelay $0x4  }
0x3c: {  	v2 =	vadd.s32 v2, v3  }
0x3d: {  	[tilespmem:$0x9B00] =	vst v2  }
0x3e: {  	v3 =	vld.idx.msk [tilespmem:v6+s11+$0x0], $0xffff;
	_ =	sdelay $0x4  }
0x3f: {  	v2 =	vadd.s32 v2, v3  }
0x40: {  	[tilespmem:$0x9B00] =	vst v2  }
0x41: {  	v3 =	vld.idx.msk [tilespmem:v33+s11+$0x0], $0xffff  }
0x42: {  	s14 =	sadd.s32 $0x1, s14  }
0x43: {  	p0 =	sne.s32 s14, $0x1B  }
.Ltmp2:
0x44: {  	_ = 	snop;
	(pc) =	sbr.rel @p0 .LBB2_4-.Ltmp2, $4  }
0x45: {  	_ = 	snop  }
0x46: {  	v2 =	vadd.s32 v2, v3  }
0x47: {  	vm15 =	vgt.s32 v2, $0x12B  }
0x48: {  	v9 =	vsel vm15, v1, v9;
	v0 =	vsel vm15, v0, v1  }
0x49: {  	s15 =	simm.s32 $0x40  }
0x4a: {  	v1 =	vld [tilespmem:s15+$0xFFFFFFC0]  }
0x4b: {  	v2 =	vld [tilespmem:s15+$0xFFFFFFD0]  }
0x4c: {  	v4 =	vld [tilespmem:s15+$0xFFFFFFE0]  }
0x4d: {  	v3 =	vld [tilespmem:s15+$0xFFFFFFF0]  }
0x4e: {  	v0 =	vld [tilespmem:s15+$0x0]  }
0x4f: {  	vm0 =	vgt.f32 v1, v9;
	v1 =	vld [tilespmem:s15+$0x10]  }
0x50: {  	v5 =	vimm.s32 $0x0;
	v7 =	vsel vm0, $0x1, v31;
	vm0 =	vgt.f32 v2, v9;
	v2 =	vld [tilespmem:s15+$0x20]  }
0x51: {  	s14 =	simm.s32 $0x0;
	v5 =	vadd.s32 v7, v5;
	v7 =	vsel vm0, $0x1, v31;
	vm0 =	vgt.f32 v4, v9;
	v4 =	vld [tilespmem:s15+$0x30];
	s15 =	simm.s32 $0xC0  }
.LBB2_8:
0x52: {  	v8 =	vld [tilespmem:s15+$0xFFFFFFC0];
	s14 =	sadd.s32 $0x8, s14;
	v5 =	vadd.s32 v7, v5;
	v7 =	vsel vm0, $0x1, v31;
	vm0 =	vgt.f32 v3, v9  }
0x53: {  	v10 =	vld [tilespmem:s15+$0xFFFFFFD0];
	p0 =	slt.u32 s14, $0x138;
	v3 =	vadd.s32 v7, v5;
	v5 =	vsel vm0, $0x1, v31;
	vm0 =	vgt.f32 v0, v9  }
0x54: {  	v11 =	vld [tilespmem:s15+$0xFFFFFFE0];
	v0 =	vadd.s32 v5, v3;
	v5 =	vsel vm0, $0x1, v31;
	vm0 =	vgt.f32 v1, v9  }
.Ltmp3:
0x55: {  	v3 =	vld [tilespmem:s15+$0xFFFFFFF0];
	v1 =	vadd.s32 v5, v0;
	v5 =	vsel vm0, $0x1, v31;
	vm0 =	vgt.f32 v2, v9;
	(pc) =	sbr.rel @p0 .LBB2_8-.Ltmp3, $4  }
0x56: {  	v0 =	vld [tilespmem:s15+$0x0];
	v2 =	vadd.s32 v5, v1;
	v5 =	vsel vm0, $0x1, v31;
	vm0 =	vgt.f32 v4, v9  }
0x57: {  	vm1 =	vgt.f32 v8, v9;
	v1 =	vld [tilespmem:s15+$0x10];
	v4 =	vadd.s32 v5, v2;
	v5 =	vsel vm0, $0x1, v31  }
0x58: {  	v7 =	vsel vm1, $0x1, v31;
	vm0 =	vgt.f32 v10, v9;
	v2 =	vld [tilespmem:s15+$0x20];
	v4 =	vadd.s32 v5, v4  }
0x59: {  	v5 =	vadd.s32 v7, v4;
	v7 =	vsel vm0, $0x1, v31;
	vm0 =	vgt.f32 v11, v9;
	v4 =	vld [tilespmem:s15+$0x30];
	s15 =	sadd.s32 $0x80, s15  }
0x5a: {  	v5 =	vadd.s32 v7, v5;
	v7 =	vsel vm0, $0x1, v31;
	vm10 =	vgt.f32 v3, v9  }
0x5b: {  	v3 =	vadd.s32 v7, v5;
	v5 =	vsel vm10, $0x1, v31;
	vm11 =	vgt.f32 v0, v9  }
0x5c: {  	v0 =	vadd.s32 v5, v3;
	v3 =	vsel vm11, $0x1, v31;
	vm12 =	vgt.f32 v1, v9  }
0x5d: {  	v0 =	vadd.s32 v3, v0;
	v1 =	vsel vm12, $0x1, v31;
	vm13 =	vgt.f32 v2, v9  }
0x5e: {  	v0 =	vadd.s32 v1, v0;
	v1 =	vsel vm13, $0x1, v31;
	vm14 =	vgt.f32 v4, v9  }
0x5f: {  	v0 =	vadd.s32 v1, v0;
	v1 =	vsel vm14, $0x1, v31  }
0x60: {  	v0 =	vadd.s32 v1, v0  }
0x61: {  	[tilespmem:$0x9B00] =	vst v0  }
0x62: {  	v1 =	vld.idx.msk [tilespmem:v32+s11+$0x0], $0xffff;
	_ =	sdelay $0x4  }
0x63: {  	v0 =	vadd.s32 v0, v1  }
0x64: {  	[tilespmem:$0x9B00] =	vst v0  }
0x65: {  	v1 =	vld.idx.msk [tilespmem:v34+s11+$0x0], $0xffff;
	_ =	sdelay $0x1  }
0x66: {  	s17 =	simm.s32 $0x50  }
0x67: {  	s15 =	simm.s32 $0x60;
	s18 =	simm.s32 $0x30;
	v7 =	vmov s17  }
0x68: {  	s19 =	simm.s32 $0x10;
	s20 =	simm.s32 $0x20;
	v8 =	vmov s18;
	v10 =	vor.u32 s17, v35;
	v11 =	vor.u32 s15, v35  }
0x69: {  	s16 =	simm.s32 $0x40;
	s31 =	simm.s32 $0x0;
	v12 =	vmov s19;
	v13 =	vmov s20;
	v0 =	vadd.s32 v0, v1  }
0x6a: {  	v14 =	vor.u32 s16, v35;
	v15 =	vmov s31;
	v16 =	vor.u32 s20, v35;
	[tilespmem:$0x9B00] =	vst v0  }
0x6b: {  	v17 =	vor.u32 s18, v35;
	v18 =	vor.u32 s31, v35;
	v19 =	vor.u32 s19, v35;
	v1 =	vld.idx.msk [tilespmem:v6+s11+$0x0], $0xffff  }
0x6c: {  	v5 =	vmov s16;
	v7 =	vshrl.u32 v7, $0xA;
	v8 =	vshrl.u32 v8, $0xA  }
0x6d: {  	v10 =	vand.u32 $0x3DF, v10;
	v11 =	vand.u32 $0x3EF, v11;
	v12 =	vshrl.u32 v12, $0xA  }
0x6e: {  	v13 =	vshrl.u32 v13, $0xA;
	v14 =	vand.u32 $0x3CF, v14;
	v15 =	vshrl.u32 v15, $0xA  }
0x6f: {  	s14 =	simm.s32 $0x70;
	v16 =	vand.u32 $0x3AF, v16;
	v17 =	vand.u32 $0x3BF, v17;
	v18 =	vand.u32 $0x38F, v18  }
0x70: {  	v19 =	vand.u32 $0x39F, v19;
	v2 =	vmov s14;
	v0 =	vadd.s32 v0, v1  }
0x71: {  	v3 =	vmov s15;
	v5 =	vshrl.u32 v5, $0xA;
	v4 =	vor.u32 s14, v35;
	s14 =	simm.s32 $0x40;
	[tilespmem:$0x9B00] =	vst v0  }
0x72: {  	v11 =	vmul.u32 $0x5, v11;
	v17 =	vmul.u32 $0x5, v17;
	v4 =	vand.u32 $0x3FF, v4;
	v20 =	vld [tilespmem:s14+$0x30]  }
0x73: {  	v14 =	vmul.u32 $0x5, v14;
	v10 =	vmul.u32 $0x5, v10;
	v4 =	vmul.u32 $0x5, v4;
	v21 =	vld [tilespmem:s14+$0x20]  }
0x74: {  	v19 =	vmul.u32 $0x5, v19;
	v16 =	vmul.u32 $0x5, v16;
	v2 =	vshrl.u32 v2, $0xA;
	v22 =	vld [tilespmem:s14+$0x10]  }
0x75: {  	v3 =	vshrl.u32 v3, $0xA;
	v5 =	vadd.s32 v5, v14;
	v2 =	vadd.s32 v2, v4;
	v23 =	vld [tilespmem:s14+$0x0]  }
0x76: {  	vm11 =	vlt.u32 v5, $0x1400;
	v4 =	vmul.u32 $0x5, v18;
	vm1 =	vlt.u32 v2, $0x1400;
	v24 =	vld [tilespmem:s14+$0xFFFFFFF0]  }
0x77: {  	v2 =	vadd.s32 v3, v11;
	v3 =	vadd.s32 v7, v10;
	v7 =	vadd.s32 v8, v17;
	v27 =	vld [tilespmem:s14+$0xFFFFFFC0]  }
0x78: {  	v8 =	vadd.s32 v13, v16;
	v10 =	vadd.s32 v12, v19;
	v4 =	vadd.s32 v15, v4;
	v26 =	vld [tilespmem:s14+$0xFFFFFFD0]  }
0x79: {  	vm9 =	vlt.u32 v2, $0x1400;
	vm12 =	vlt.u32 v3, $0x1400;
	vm13 =	vlt.u32 v7, $0x1400;
	v25 =	vld [tilespmem:s14+$0xFFFFFFE0]  }
0x7a: {  	vm14 =	vlt.u32 v8, $0x1400;
	vm10 =	vlt.u32 v4, $0x1400;
	v1 =	vimm.s32 $0x0  }
0x7b: {  	vm0 =	veq.f32 v20, v9;
	vm3 =	veq.f32 v22, v9;
	vm2 =	veq.f32 v21, v9  }
0x7c: {  	vm4 =	veq.f32 v24, v9;
	vm5 =	veq.f32 v23, v9;
	vm7 =	veq.f32 v27, v9  }
0x7d: {  	vm8 =	veq.f32 v26, v9;
	vm7 =	vmand vm10, vm7;
	vm10 =	vlt.u32 v10, $0x1400  }
0x7e: {  	vm6 =	veq.f32 v25, v9;
	v2 =	vsel vm7, $0x1, v31;
	vm15 =	vmand vm10, vm8  }
0x7f: {  	vm6 =	vmand vm14, vm6;
	v1 =	vadd.s32 v2, v1;
	v2 =	vsel vm15, $0x1, v31  }
0x80: {  	vm4 =	vmand vm13, vm4;
	v1 =	vadd.s32 v2, v1;
	v2 =	vsel vm6, $0x1, v31  }
0x81: {  	vm15 =	vmand vm11, vm5;
	v1 =	vadd.s32 v2, v1;
	v2 =	vsel vm4, $0x1, v31  }
0x82: {  	vm3 =	vmand vm12, vm3;
	v1 =	vadd.s32 v2, v1;
	v2 =	vsel vm15, $0x1, v31  }
0x83: {  	vm2 =	vmand vm9, vm2;
	v1 =	vadd.s32 v2, v1;
	v2 =	vsel vm3, $0x1, v31  }
0x84: {  	vm0 =	vmand vm1, vm0;
	v3 =	vsel vm2, $0x1, v31;
	v2 =	vadd.s32 v2, v1  }
0x85: {  	s16 =	simm.s32 $0xF0;
	s15 =	simm.s32 $0x0;
	v1 =	vld.idx.msk [tilespmem:v33+s11+$0x0], $0xffff;
	v2 =	vadd.s32 v3, v2;
	v3 =	vsel vm0, $0x1, v31  }
.LBB2_10:
0x86: {  	s17 =	sadd.s32 $0xFFFFFFF0, s16;
	v4 =	vmov s16;
	v2 =	vadd.s32 v3, v2  }
0x87: {  	s18 =	sadd.s32 $0xFFFFFFD0, s16;
	s19 =	sadd.s32 $0xFFFFFFE0, s16;
	v5 =	vor.u32 s16, v35;
	v3 =	vmov s17;
	v4 =	vshrl.u32 v4, $0xA  }
0x88: {  	s20 =	sadd.s32 $0xFFFFFFC0, s16;
	v7 =	vmov s18;
	v8 =	vmov s19;
	v5 =	vand.u32 $0x3FF, v5  }
0x89: {  	s21 =	sadd.s32 $0xFFFFFFA0, s16;
	s22 =	sadd.s32 $0xFFFFFFB0, s16;
	v10 =	vmov s20;
	v11 =	vor.u32 s19, v35;
	v12 =	vor.u32 s17, v35  }
0x8a: {  	s17 =	sadd.s32 $0xFFFFFF90, s16;
	v13 =	vmov s21;
	v14 =	vmov s22;
	v15 =	vor.u32 s18, v35  }
0x8b: {  	s14 =	sadd.s32 $0x80, s14;
	v17 =	vor.u32 s22, v35;
	v18 =	vor.u32 s20, v35;
	v16 =	vmov s17  }
0x8c: {  	v20 =	vor.u32 s21, v35;
	v19 =	vor.u32 s17, v35;
	v3 =	vshrl.u32 v3, $0xA;
	v21 =	vld [tilespmem:s14+$0x30]  }
0x8d: {  	v7 =	vshrl.u32 v7, $0xA;
	v8 =	vshrl.u32 v8, $0xA;
	v5 =	vmul.u32 $0x5, v5;
	v22 =	vld [tilespmem:s14+$0x20]  }
0x8e: {  	v10 =	vshrl.u32 v10, $0xA;
	v11 =	vand.u32 $0x3DF, v11;
	v12 =	vand.u32 $0x3EF, v12;
	v23 =	vld [tilespmem:s14+$0x10]  }
0x8f: {  	v13 =	vshrl.u32 v13, $0xA;
	v14 =	vshrl.u32 v14, $0xA;
	v15 =	vand.u32 $0x3CF, v15;
	v24 =	vld [tilespmem:s14+$0x0]  }
0x90: {  	v17 =	vand.u32 $0x3AF, v17;
	v18 =	vand.u32 $0x3BF, v18;
	v16 =	vshrl.u32 v16, $0xA;
	v25 =	vld [tilespmem:s14+$0xFFFFFFF0]  }
0x91: {  	v20 =	vand.u32 $0x39F, v20;
	v19 =	vand.u32 $0x38F, v19;
	v12 =	vmul.u32 $0x5, v12;
	v26 =	vld [tilespmem:s14+$0xFFFFFFE0]  }
0x92: {  	v18 =	vmul.u32 $0x5, v18;
	v15 =	vmul.u32 $0x5, v15;
	v11 =	vmul.u32 $0x5, v11;
	v27 =	vld [tilespmem:s14+$0xFFFFFFD0]  }
0x93: {  	v20 =	vmul.u32 $0x5, v20;
	v17 =	vmul.u32 $0x5, v17;
	v4 =	vadd.s32 v4, v5;
	v28 =	vld [tilespmem:s14+$0xFFFFFFC0]  }
0x94: {  	s15 =	sadd.s32 $0x8, s15;
	v5 =	vmul.u32 $0x5, v19;
	vm1 =	vlt.u32 v4, $0x1400;
	vm0 =	veq.f32 v21, v9  }
0x95: {  	p0 =	slt.u32 s15, $0x138;
	v3 =	vadd.s32 v3, v12;
	vm2 =	veq.f32 v22, v9;
	vm3 =	veq.f32 v23, v9  }
0x96: {  	v4 =	vadd.s32 v8, v11;
	vm4 =	veq.f32 v24, v9;
	vm5 =	veq.f32 v25, v9  }
0x97: {  	v8 =	vadd.s32 v10, v18;
	v7 =	vadd.s32 v7, v15;
	vm6 =	veq.f32 v26, v9  }
0x98: {  	v10 =	vadd.s32 v14, v17;
	vm8 =	veq.f32 v27, v9;
	vm7 =	veq.f32 v28, v9  }
0x99: {  	v11 =	vadd.s32 v13, v20;
	v5 =	vadd.s32 v16, v5;
	vm9 =	vlt.u32 v3, $0x1400  }
0x9a: {  	vm11 =	vlt.u32 v7, $0x1400;
	vm12 =	vlt.u32 v4, $0x1400;
	vm10 =	vlt.u32 v5, $0x1400  }
0x9b: {  	vm13 =	vlt.u32 v8, $0x1400;
	vm7 =	vmand vm10, vm7;
	vm10 =	vlt.u32 v11, $0x1400  }
0x9c: {  	v3 =	vsel vm7, $0x1, v31;
	vm7 =	vmand vm10, vm8;
	vm8 =	vlt.u32 v10, $0x1400  }
0x9d: {  	v2 =	vadd.s32 v3, v2;
	v3 =	vsel vm7, $0x1, v31;
	vm6 =	vmand vm8, vm6  }
0x9e: {  	vm5 =	vmand vm13, vm5;
	v2 =	vadd.s32 v3, v2;
	v3 =	vsel vm6, $0x1, v31  }
.Ltmp4:
0x9f: {  	vm4 =	vmand vm11, vm4;
	v2 =	vadd.s32 v3, v2;
	v3 =	vsel vm5, $0x1, v31;
	(pc) =	sbr.rel @p0 .LBB2_10-.Ltmp4, $4  }
0xa0: {  	vm3 =	vmand vm12, vm3;
	v2 =	vadd.s32 v3, v2;
	v3 =	vsel vm4, $0x1, v31  }
0xa1: {  	vm2 =	vmand vm9, vm2;
	v2 =	vadd.s32 v3, v2;
	v3 =	vsel vm3, $0x1, v31  }
0xa2: {  	vm0 =	vmand vm1, vm0;
	v2 =	vadd.s32 v3, v2;
	v3 =	vsel vm2, $0x1, v31  }
0xa3: {  	s16 =	sadd.s32 $0x80, s16;
	v2 =	vadd.s32 v3, v2;
	v3 =	vsel vm0, $0x1, v31  }
0xa4: {  	_ =	sdelay $0x1  }
0xa5: {  	v2 =	vadd.s32 v3, v2  }
0xa6: {  	[tilespmem:$0x9B00] =	vst v2  }
0xa7: {  	v3 =	vld.idx.msk [tilespmem:v32+s11+$0x0], $0xffff;
	_ =	sdelay $0x4  }
0xa8: {  	v2 =	vadd.s32 v2, v3  }
0xa9: {  	[tilespmem:$0x9B00] =	vst v2  }
0xaa: {  	v3 =	vld.idx.msk [tilespmem:v34+s11+$0x0], $0xffff;
	_ =	sdelay $0x4  }
0xab: {  	v2 =	vadd.s32 v2, v3  }
0xac: {  	[tilespmem:$0x9B00] =	vst v2  }
0xad: {  	v3 =	vld.idx.msk [tilespmem:v6+s11+$0x0], $0xffff;
	_ =	sdelay $0x4  }
0xae: {  	v2 =	vadd.s32 v2, v3  }
0xaf: {  	[tilespmem:$0x9B00] =	vst v2  }
0xb0: {  	v3 =	vld.idx.msk [tilespmem:v33+s11+$0x0], $0xffff;
	_ =	sdelay $0x4  }
0xb1: {  	v0 =	vadd.s32 v1, v0;
	v1 =	vadd.s32 v2, v3  }
0xb2: {  	v0 =	vsub.s32 $0x12C, v0;
	(v2sf) =	vpush v1, $0x0  }
0xb3: {  	(v2sf) =	vpush v0, $0x0;
	_ =	sdelay $0xd  }
0xb4: {  	s14 =	spop (v2sf)  }
0xb5: {  	s15 =	spop (v2sf)  }
0xb6: {  	p0 =	sle.s32 s14, s15  }
.Ltmp5:
0xb7: {  	_ = 	snop;
	(pc) =	sbr.rel @p0 .LBB2_16-.Ltmp5, $2  }
0xb8: {  	_ =	sdelay $0x2  }
0xb9: {  	v1 =	vimm.s32 $0x13FF  }
0xba: {  	s14 =	simm.s32 $0x0;
	v2 =	vimm.s32 $0xFFFFFFFF  }
.LBB2_13:
0xbb: {  	v3 =	vadd.s32 v2, v1;
	s15 =	simm.s32 $0x70  }
0xbc: {  	v4 =	vimm.s32 $0x0;
	s16 =	simm.s32 $0x60;
	s17 =	simm.s32 $0x40;
	v3 =	vshra.s32 v3, $0x1;
	v5 =	vmov s15  }
0xbd: {  	s18 =	simm.s32 $0x50;
	s19 =	simm.s32 $0x30;
	v7 =	vmov s16;
	v8 =	vor.u32 s15, v35;
	v10 =	vmov s17  }
0xbe: {  	s20 =	simm.s32 $0x10;
	s21 =	simm.s32 $0x20;
	v11 =	vmov s18;
	v12 =	vmov s19;
	v13 =	vor.u32 s18, v35  }
0xbf: {  	s31 =	simm.s32 $0x0;
	v14 =	vor.u32 s16, v35;
	v15 =	vmov s20;
	v16 =	vmov s21  }
0xc0: {  	v17 =	vor.u32 s17, v35;
	v18 =	vmov s31;
	v19 =	vor.u32 s21, v35  }
0xc1: {  	v20 =	vor.u32 s19, v35;
	v21 =	vor.u32 s31, v35;
	v22 =	vor.u32 s20, v35  }
0xc2: {  	v5 =	vshrl.u32 v5, $0xA;
	v8 =	vand.u32 $0x3FF, v8;
	v7 =	vshrl.u32 v7, $0xA  }
0xc3: {  	s15 =	simm.s32 $0x40;
	v10 =	vshrl.u32 v10, $0xA;
	v11 =	vshrl.u32 v11, $0xA;
	v12 =	vshrl.u32 v12, $0xA  }
0xc4: {  	v23 =	vld [tilespmem:s15+$0x30];
	v13 =	vand.u32 $0x3DF, v13;
	v14 =	vand.u32 $0x3EF, v14;
	v15 =	vshrl.u32 v15, $0xA  }
0xc5: {  	v24 =	vld [tilespmem:s15+$0x20];
	v16 =	vshrl.u32 v16, $0xA;
	v17 =	vand.u32 $0x3CF, v17;
	v18 =	vshrl.u32 v18, $0xA  }
0xc6: {  	v25 =	vld [tilespmem:s15+$0x10];
	v19 =	vand.u32 $0x3AF, v19;
	v20 =	vand.u32 $0x3BF, v20;
	v21 =	vand.u32 $0x38F, v21  }
0xc7: {  	v26 =	vld [tilespmem:s15+$0x0];
	v22 =	vand.u32 $0x39F, v22;
	v8 =	vmul.u32 $0x5, v8;
	v14 =	vmul.u32 $0x5, v14  }
0xc8: {  	v27 =	vld [tilespmem:s15+$0xFFFFFFF0];
	v20 =	vmul.u32 $0x5, v20;
	v17 =	vmul.u32 $0x5, v17;
	v19 =	vmul.u32 $0x5, v19  }
0xc9: {  	v28 =	vld [tilespmem:s15+$0xFFFFFFE0];
	v13 =	vmul.u32 $0x5, v13;
	v22 =	vmul.u32 $0x5, v22;
	v5 =	vadd.s32 v5, v8  }
0xca: {  	v30 =	vld [tilespmem:s15+$0xFFFFFFC0];
	v8 =	vmul.u32 $0x5, v21;
	v10 =	vadd.s32 v10, v17;
	v62 =	vadd.s32 v16, v19  }
0xcb: {  	v29 =	vld [tilespmem:s15+$0xFFFFFFD0];
	v63 =	vadd.s32 v15, v22;
	vm1 =	vle.s32 v5, v3;
	v5 =	vadd.s32 v7, v14  }
0xcc: {  	v7 =	vadd.s32 v11, v13;
	v11 =	vadd.s32 v12, v20;
	vm11 =	vle.s32 v10, v3  }
0xcd: {  	vm14 =	vle.s32 v62, v3;
	vm0 =	veq.f32 v23, v9;
	vm3 =	veq.f32 v25, v9  }
0xce: {  	vm2 =	veq.f32 v24, v9;
	vm4 =	veq.f32 v27, v9;
	vm5 =	veq.f32 v26, v9  }
0xcf: {  	vm6 =	veq.f32 v28, v9;
	vm7 =	veq.f32 v30, v9;
	v8 =	vadd.s32 v18, v8  }
0xd0: {  	vm8 =	veq.f32 v29, v9;
	vm9 =	vle.s32 v5, v3;
	vm10 =	vle.s32 v8, v3  }
0xd1: {  	vm12 =	vle.s32 v7, v3;
	vm7 =	vmand vm10, vm7;
	vm10 =	vle.s32 v63, v3  }
0xd2: {  	vm13 =	vle.s32 v11, v3;
	v5 =	vsel vm7, $0x1, v31;
	vm15 =	vmand vm10, vm8  }
0xd3: {  	vm6 =	vmand vm14, vm6;
	v4 =	vadd.s32 v5, v4;
	v5 =	vsel vm15, $0x1, v31  }
0xd4: {  	vm4 =	vmand vm13, vm4;
	v4 =	vadd.s32 v5, v4;
	v5 =	vsel vm6, $0x1, v31  }
0xd5: {  	vm15 =	vmand vm11, vm5;
	v4 =	vadd.s32 v5, v4;
	v5 =	vsel vm4, $0x1, v31  }
0xd6: {  	vm3 =	vmand vm12, vm3;
	v4 =	vadd.s32 v5, v4;
	v5 =	vsel vm15, $0x1, v31  }
0xd7: {  	vm2 =	vmand vm9, vm2;
	v4 =	vadd.s32 v5, v4;
	v5 =	vsel vm3, $0x1, v31  }
0xd8: {  	vm0 =	vmand vm1, vm0;
	v4 =	vadd.s32 v5, v4;
	v5 =	vsel vm2, $0x1, v31  }
0xd9: {  	s16 =	simm.s32 $0x0;
	s17 =	simm.s32 $0xF0;
	v4 =	vadd.s32 v5, v4;
	v5 =	vsel vm0, $0x1, v31  }
.LBB2_14:
0xda: {  	s18 =	sadd.s32 $0xFFFFFFF0, s17;
	v7 =	vmov s17;
	v4 =	vadd.s32 v5, v4  }
0xdb: {  	s19 =	sadd.s32 $0xFFFFFFD0, s17;
	s20 =	sadd.s32 $0xFFFFFFE0, s17;
	v8 =	vor.u32 s17, v35;
	v5 =	vmov s18;
	v7 =	vshrl.u32 v7, $0xA  }
0xdc: {  	s21 =	sadd.s32 $0xFFFFFFC0, s17;
	v10 =	vmov s19;
	v11 =	vmov s20;
	v8 =	vand.u32 $0x3FF, v8  }
0xdd: {  	s22 =	sadd.s32 $0xFFFFFFA0, s17;
	s23 =	sadd.s32 $0xFFFFFFB0, s17;
	v12 =	vmov s21;
	v13 =	vor.u32 s20, v35;
	v14 =	vor.u32 s18, v35  }
0xde: {  	s18 =	sadd.s32 $0xFFFFFF90, s17;
	v15 =	vmov s22;
	v16 =	vmov s23;
	v17 =	vor.u32 s19, v35  }
0xdf: {  	s15 =	sadd.s32 $0x80, s15;
	v19 =	vor.u32 s23, v35;
	v20 =	vor.u32 s21, v35;
	v18 =	vmov s18  }
0xe0: {  	v22 =	vor.u32 s22, v35;
	v21 =	vor.u32 s18, v35;
	v5 =	vshrl.u32 v5, $0xA;
	v23 =	vld [tilespmem:s15+$0x30]  }
0xe1: {  	v10 =	vshrl.u32 v10, $0xA;
	v11 =	vshrl.u32 v11, $0xA;
	v8 =	vmul.u32 $0x5, v8;
	v24 =	vld [tilespmem:s15+$0x20]  }
0xe2: {  	v12 =	vshrl.u32 v12, $0xA;
	v13 =	vand.u32 $0x3DF, v13;
	v14 =	vand.u32 $0x3EF, v14;
	v25 =	vld [tilespmem:s15+$0x10]  }
0xe3: {  	v15 =	vshrl.u32 v15, $0xA;
	v16 =	vshrl.u32 v16, $0xA;
	v17 =	vand.u32 $0x3CF, v17;
	v26 =	vld [tilespmem:s15+$0x0]  }
0xe4: {  	v19 =	vand.u32 $0x3AF, v19;
	v20 =	vand.u32 $0x3BF, v20;
	v18 =	vshrl.u32 v18, $0xA;
	v27 =	vld [tilespmem:s15+$0xFFFFFFF0]  }
0xe5: {  	v22 =	vand.u32 $0x39F, v22;
	v21 =	vand.u32 $0x38F, v21;
	v14 =	vmul.u32 $0x5, v14;
	v28 =	vld [tilespmem:s15+$0xFFFFFFE0]  }
0xe6: {  	v20 =	vmul.u32 $0x5, v20;
	v17 =	vmul.u32 $0x5, v17;
	v13 =	vmul.u32 $0x5, v13;
	v29 =	vld [tilespmem:s15+$0xFFFFFFD0]  }
0xe7: {  	v22 =	vmul.u32 $0x5, v22;
	v19 =	vmul.u32 $0x5, v19;
	v7 =	vadd.s32 v7, v8;
	v30 =	vld [tilespmem:s15+$0xFFFFFFC0]  }
0xe8: {  	s16 =	sadd.s32 $0x8, s16;
	v8 =	vmul.u32 $0x5, v21;
	vm1 =	vle.s32 v7, v3;
	vm0 =	veq.f32 v23, v9  }
0xe9: {  	p0 =	slt.u32 s16, $0x138;
	v5 =	vadd.s32 v5, v14;
	vm2 =	veq.f32 v24, v9;
	vm3 =	veq.f32 v25, v9  }
0xea: {  	v7 =	vadd.s32 v11, v13;
	vm4 =	veq.f32 v26, v9;
	vm5 =	veq.f32 v27, v9  }
0xeb: {  	v11 =	vadd.s32 v12, v20;
	v10 =	vadd.s32 v10, v17;
	vm6 =	veq.f32 v28, v9  }
0xec: {  	v12 =	vadd.s32 v16, v19;
	vm8 =	veq.f32 v29, v9;
	vm7 =	veq.f32 v30, v9  }
0xed: {  	v13 =	vadd.s32 v15, v22;
	v8 =	vadd.s32 v18, v8;
	vm9 =	vle.s32 v5, v3  }
0xee: {  	vm11 =	vle.s32 v10, v3;
	vm12 =	vle.s32 v7, v3;
	vm10 =	vle.s32 v8, v3  }
0xef: {  	vm13 =	vle.s32 v11, v3;
	vm7 =	vmand vm10, vm7;
	vm10 =	vle.s32 v13, v3  }
0xf0: {  	v5 =	vsel vm7, $0x1, v31;
	vm7 =	vmand vm10, vm8;
	vm8 =	vle.s32 v12, v3  }
0xf1: {  	v4 =	vadd.s32 v5, v4;
	v5 =	vsel vm7, $0x1, v31;
	vm6 =	vmand vm8, vm6  }
0xf2: {  	vm5 =	vmand vm13, vm5;
	v4 =	vadd.s32 v5, v4;
	v5 =	vsel vm6, $0x1, v31  }
.Ltmp6:
0xf3: {  	vm4 =	vmand vm11, vm4;
	v4 =	vadd.s32 v5, v4;
	v5 =	vsel vm5, $0x1, v31;
	(pc) =	sbr.rel @p0 .LBB2_14-.Ltmp6, $4  }
0xf4: {  	vm3 =	vmand vm12, vm3;
	v4 =	vadd.s32 v5, v4;
	v5 =	vsel vm4, $0x1, v31  }
0xf5: {  	vm2 =	vmand vm9, vm2;
	v4 =	vadd.s32 v5, v4;
	v5 =	vsel vm3, $0x1, v31  }
0xf6: {  	vm0 =	vmand vm1, vm0;
	v4 =	vadd.s32 v5, v4;
	v5 =	vsel vm2, $0x1, v31  }
0xf7: {  	s17 =	sadd.s32 $0x80, s17;
	v4 =	vadd.s32 v5, v4;
	v5 =	vsel vm0, $0x1, v31  }
0xf8: {  	_ =	sdelay $0x1  }
0xf9: {  	v4 =	vadd.s32 v5, v4  }
0xfa: {  	[tilespmem:$0x9B00] =	vst v4  }
0xfb: {  	v5 =	vld.idx.msk [tilespmem:v32+s11+$0x0], $0xffff;
	_ =	sdelay $0x4  }
0xfc: {  	v4 =	vadd.s32 v4, v5  }
0xfd: {  	[tilespmem:$0x9B00] =	vst v4  }
0xfe: {  	v5 =	vld.idx.msk [tilespmem:v34+s11+$0x0], $0xffff;
	_ =	sdelay $0x4  }
0xff: {  	v4 =	vadd.s32 v4, v5  }
0x100: {  	[tilespmem:$0x9B00] =	vst v4  }
0x101: {  	v5 =	vld.idx.msk [tilespmem:v6+s11+$0x0], $0xffff;
	_ =	sdelay $0x4  }
0x102: {  	v4 =	vadd.s32 v4, v5  }
0x103: {  	[tilespmem:$0x9B00] =	vst v4  }
0x104: {  	v5 =	vld.idx.msk [tilespmem:v33+s11+$0x0], $0xffff  }
0x105: {  	s14 =	sadd.s32 $0x1, s14  }
0x106: {  	p0 =	sne.s32 s14, $0xE  }
.Ltmp7:
0x107: {  	_ = 	snop;
	(pc) =	sbr.rel @p0 .LBB2_13-.Ltmp7, $4  }
0x108: {  	_ = 	snop  }
0x109: {  	v4 =	vadd.s32 v4, v5  }
0x10a: {  	vm0 =	vlt.s32 v4, v0  }
0x10b: {  	v2 =	vsel vm0, v3, v2;
	v1 =	vsel vm0, v1, v3  }
.LBB2_16:
0x10c: {  	[tilespmem:$0x9800] =	vst v36  }
0x10d: {  	[tilespmem:$0x9810] =	vst v36  }
0x10e: {  	[tilespmem:$0x9820] =	vst v36  }
0x10f: {  	[tilespmem:$0x9830] =	vst v36  }
0x110: {  	[tilespmem:$0x9840] =	vst v36  }
0x111: {  	[tilespmem:$0x9850] =	vst v36  }
0x112: {  	[tilespmem:$0x9860] =	vst v36  }
0x113: {  	[tilespmem:$0x9870] =	vst v36  }
0x114: {  	[tilespmem:$0x9880] =	vst v36  }
0x115: {  	[tilespmem:$0x9890] =	vst v36  }
0x116: {  	[tilespmem:$0x98A0] =	vst v36  }
0x117: {  	[tilespmem:$0x98B0] =	vst v36  }
0x118: {  	[tilespmem:$0x98C0] =	vst v36  }
0x119: {  	[tilespmem:$0x98D0] =	vst v36  }
0x11a: {  	[tilespmem:$0x98E0] =	vst v36  }
0x11b: {  	[tilespmem:$0x98F0] =	vst v36  }
0x11c: {  	[tilespmem:$0x9900] =	vst v36  }
0x11d: {  	[tilespmem:$0x9910] =	vst v36  }
0x11e: {  	[tilespmem:$0x9920] =	vst v36  }
0x11f: {  	[tilespmem:$0x9930] =	vst v36  }
0x120: {  	[tilespmem:$0x9940] =	vst v36  }
0x121: {  	[tilespmem:$0x9950] =	vst v36  }
0x122: {  	[tilespmem:$0x9960] =	vst v36  }
0x123: {  	v0 =	vimm.f32 $8.191000000e+03;
	[tilespmem:$0x9970] =	vst v36  }
0x124: {  	[tilespmem:$0x9980] =	vst v0  }
0x125: {  	[tilespmem:$0x9990] =	vst v0  }
0x126: {  	[tilespmem:$0x99A0] =	vst v0  }
0x127: {  	[tilespmem:$0x99B0] =	vst v0  }
0x128: {  	[tilespmem:$0x99C0] =	vst v0  }
0x129: {  	[tilespmem:$0x99D0] =	vst v0  }
0x12a: {  	[tilespmem:$0x99E0] =	vst v0  }
0x12b: {  	[tilespmem:$0x99F0] =	vst v0  }
0x12c: {  	[tilespmem:$0x9A00] =	vst v0  }
0x12d: {  	[tilespmem:$0x9A10] =	vst v0  }
0x12e: {  	[tilespmem:$0x9A20] =	vst v0  }
0x12f: {  	[tilespmem:$0x9A30] =	vst v0  }
0x130: {  	[tilespmem:$0x9A40] =	vst v0  }
0x131: {  	[tilespmem:$0x9A50] =	vst v0  }
0x132: {  	[tilespmem:$0x9A60] =	vst v0  }
0x133: {  	[tilespmem:$0x9A70] =	vst v0  }
0x134: {  	[tilespmem:$0x9A80] =	vst v0  }
0x135: {  	[tilespmem:$0x9A90] =	vst v0  }
0x136: {  	[tilespmem:$0x9AA0] =	vst v0  }
0x137: {  	[tilespmem:$0x9AB0] =	vst v0  }
0x138: {  	[tilespmem:$0x9AC0] =	vst v0  }
0x139: {  	[tilespmem:$0x9AD0] =	vst v0  }
0x13a: {  	[tilespmem:$0x9AE0] =	vst v0  }
0x13b: {  	s14 =	simm.s32 $0x0;
	[tilespmem:$0x9AF0] =	vst v0  }
0x13c: {  	v0 =	vor.u32 s14, v35;
	v2 =	vld [tilespmem:s14+$0x0]  }
0x13d: {  	v0 =	vand.u32 $0x3FF, v0  }
0x13e: {  	v3 =	vmov s14;
	v0 =	vmul.u32 $0x5, v0  }
0x13f: {  	v3 =	vshrl.u32 v3, $0xA  }
0x140: {  	v0 =	vadd.s32 v3, v0  }
0x141: {  	vm1 =	vle.s32 v0, v1;
	vm0 =	veq.f32 v2, v9  }
0x142: {  	vm2 =	vgt.f32 v2, v9;
	vm0 =	vmand vm1, vm0  }
0x143: {  	v0 =	vcvt.s32.f32 v0;
	vm0 =	vmor vm2, vm0  }
0x144: {  	[tilespmem:s14+$0x9800] =	vst.msk vm0, v2  }
0x145: {  	[tilespmem:s14+$0x9980] =	vst.msk vm0, v0;
	v0 =	vsel vm0, $0x1, v31  }
0x146: {  	[tilespmem:$0x9B00] =	vst v0  }
0x147: {  	v2 =	vld.idx.msk [tilespmem:v32+s11+$0x0], $0xffff;
	_ =	sdelay $0x4  }
0x148: {  	v0 =	vadd.s32 v0, v2  }
0x149: {  	[tilespmem:$0x9B00] =	vst v0  }
0x14a: {  	v2 =	vld.idx.msk [tilespmem:v34+s11+$0x0], $0xffff;
	_ =	sdelay $0x4  }
0x14b: {  	v0 =	vadd.s32 v0, v2  }
0x14c: {  	[tilespmem:$0x9B00] =	vst v0  }
0x14d: {  	v2 =	vld.idx.msk [tilespmem:v6+s11+$0x0], $0xffff;
	_ =	sdelay $0x4  }
0x14e: {  	v0 =	vadd.s32 v0, v2  }
0x14f: {  	[tilespmem:$0x9B00] =	vst v0  }
0x150: {  	v2 =	vld.idx.msk [tilespmem:v33+s11+$0x0], $0xffff;
	_ =	sdelay $0x4  }
0x151: {  	v0 =	vadd.s32 v0, v2  }
0x152: {  	(v2sf) =	vpush v0, $0x0;
	_ =	sdelay $0x7  }
0x153: {  	s15 =	simm.s32 $0x10  }
0x154: {  	v2 =	vor.u32 s15, v35;
	v0 =	vld [tilespmem:s15+$0x0]  }
0x155: {  	v2 =	vand.u32 $0x3FF, v2  }
0x156: {  	v3 =	vmov s15;
	v2 =	vmul.u32 $0x5, v2  }
0x157: {  	v3 =	vshrl.u32 v3, $0xA  }
0x158: {  	v2 =	vadd.s32 v3, v2  }
0x159: {  	vm2 =	vle.s32 v2, v1;
	vm1 =	veq.f32 v0, v9  }
0x15a: {  	s16 =	simm.s32 $0x20;
	s17 =	simm.s32 $0x0;
	v2 =	vcvt.s32.f32 v2;
	vm0 =	vgt.f32 v0, v9;
	vm1 =	vmand vm2, vm1;
	s18 =	spop (v2sf)  }
.LBB2_17:
0x15b: {  	p0 =	sne.s32 s16, $0x13F0  }
0x15c: {  	vm0 =	vmor vm0, vm1;
	s17 =	sadd.s32 s17, s18;
	s18 =	smov.u32 s16;
	s16 =	sadd.s32 $0x10, s16  }
0x15d: {  	[tilespmem:s17+$0x9800] =	vst.msk vm0, v0  }
0x15e: {  	v0 =	vsel vm0, $0x1, v31;
	[tilespmem:s17+$0x9980] =	vst.msk vm0, v2  }
0x15f: {  	[tilespmem:$0x9B00] =	vst v0  }
0x160: {  	v2 =	vld.idx.msk [tilespmem:v32+s11+$0x0], $0xffff;
	_ =	sdelay $0x5  }
0x161: {  	v0 =	vadd.s32 v0, v2  }
0x162: {  	[tilespmem:$0x9B00] =	vst v0  }
0x163: {  	v2 =	vld.idx.msk [tilespmem:v34+s11+$0x0], $0xffff;
	_ =	sdelay $0x5  }
0x164: {  	v0 =	vadd.s32 v0, v2  }
0x165: {  	[tilespmem:$0x9B00] =	vst v0  }
0x166: {  	v2 =	vld.idx.msk [tilespmem:v6+s11+$0x0], $0xffff;
	_ =	sdelay $0x5  }
0x167: {  	v0 =	vadd.s32 v0, v2  }
0x168: {  	[tilespmem:$0x9B00] =	vst v0  }
0x169: {  	v2 =	vld.idx.msk [tilespmem:v33+s11+$0x0], $0xffff;
	_ =	sdelay $0x5  }
0x16a: {  	v0 =	vadd.s32 v0, v2  }
0x16b: {  	(v2sf) =	vpush v0, $0x0;
	_ =	sdelay $0x7  }
0x16c: {  	s15 =	sadd.s32 $0x10, s15  }
0x16d: {  	v2 =	vor.u32 s18, v35;
	v0 =	vld [tilespmem:s15+$0x0]  }
0x16e: {  	v2 =	vand.u32 $0x3FF, v2  }
.Ltmp8:
0x16f: {  	v3 =	vmov s18;
	v2 =	vmul.u32 $0x5, v2;
	(pc) =	sbr.rel @p0 .LBB2_17-.Ltmp8, $4  }
0x170: {  	v3 =	vshrl.u32 v3, $0xA  }
0x171: {  	v2 =	vadd.s32 v3, v2  }
0x172: {  	vm2 =	vle.s32 v2, v1;
	v2 =	vcvt.s32.f32 v2;
	vm1 =	veq.f32 v0, v9  }
0x173: {  	vm0 =	vgt.f32 v0, v9;
	vm1 =	vmand vm2, vm1;
	s18 =	spop (v2sf)  }
0x174: {  	vm0 =	vmor vm0, vm1;
	s15 =	sadd.s32 s17, s18  }
0x175: {  	[tilespmem:s15+$0x9800] =	vst.msk vm0, v0  }
0x176: {  	v60 =	vsel vm0, $0x1, v31;
	[tilespmem:s15+$0x9980] =	vst.msk vm0, v2  }
0x177: {  	[tilespmem:$0x9B00] =	vst v60  }
0x178: {  	v1 =	vld.idx.msk [tilespmem:v32+s11+$0x0], $0xffff;
	_ =	sdelay $0x4  }
0x179: {  	v0 =	vadd.s32 v60, v1  }
0x17a: {  	[tilespmem:$0x9B00] =	vst v0  }
0x17b: {  	v61 =	vld.idx.msk [tilespmem:v34+s11+$0x0], $0xffff;
	_ =	sdelay $0x4  }
0x17c: {  	v0 =	vadd.s32 v0, v61  }
0x17d: {  	[tilespmem:$0x9B00] =	vst v0  }
0x17e: {  	v62 =	vld.idx.msk [tilespmem:v6+s11+$0x0], $0xffff;
	_ =	sdelay $0x4  }
0x17f: {  	v0 =	vadd.s32 v0, v62  }
0x180: {  	[tilespmem:$0x9B00] =	vst v0  }
0x181: {  	v63 =	vld.idx.msk [tilespmem:v33+s11+$0x0], $0xffff;
	_ =	sdelay $0x4  }
0x182: {  	v0 =	vadd.s32 v0, v63  }
0x183: {  	(v2sf) =	vpush v0, $0x0;
	_ =	sdelay $0xe  }
0x184: {  	s31 =	spop (v2sf)  }
.LBB2_19:
0x185: {  	s16 =	simm.s32 $0x9820  }
0x186: {  	s15 =	simm.s32 $0x99A0;
	v2 =	vld [tilespmem:s16+$0xFFFFFFE0]  }
0x187: {  	s17 =	sshll.u32 s14, $0x4;
	v0 =	vld [tilespmem:s15+$0xFFFFFFE0]  }
0x188: {  	v9 =	vld [tilespmem:s17+$0x9800]  }
0x189: {  	v31 =	vld [tilespmem:s17+$0x9980];
	_ =	sdelay $0x2  }
0x18a: {  	v1 =	vbroadcast v2, $0x0;
	v3 =	vbroadcast v0, $0x0  }
0x18b: {  	v4 =	vimm.f32 $0.0e+00  }
0x18c: {  	v5 =	vbroadcast v2, $0x1;
	vm0 =	veq.f32 v1, v9;
	vm1 =	vlt.f32 v3, v31  }
0x18d: {  	v3 =	vbroadcast v0, $0x1;
	vm2 =	vgt.f32 v1, v9;
	vm0 =	vmand vm0, vm1  }
0x18e: {  	v7 =	vbroadcast v0, $0xE;
	v1 =	vbroadcast v2, $0x2;
	vm0 =	vmor vm2, vm0  }
0x18f: {  	vm1 =	veq.f32 v5, v9;
	vm2 =	vlt.f32 v3, v31;
	v3 =	vsel vm0, $0x3F800000, v36  }
0x190: {  	vm0 =	vgt.f32 v5, v9;
	v5 =	vbroadcast v0, $0x2;
	vm1 =	vmand vm1, vm2  }
0x191: {  	vm2 =	veq.f32 v1, v9;
	v3 =	vadd.f32 v3, v4;
	vm0 =	vmor vm0, vm1  }
0x192: {  	v4 =	vbroadcast v2, $0x3;
	vm1 =	vlt.f32 v5, v31;
	v5 =	vsel vm0, $0x3F800000, v36  }
0x193: {  	vm0 =	vgt.f32 v1, v9;
	v1 =	vbroadcast v0, $0x3;
	vm1 =	vmand vm2, vm1  }
0x194: {  	v3 =	vadd.f32 v3, v5;
	v5 =	vbroadcast v2, $0x4;
	vm0 =	vmor vm0, vm1  }
0x195: {  	vm2 =	veq.f32 v4, v9;
	vm1 =	vlt.f32 v1, v31;
	v1 =	vsel vm0, $0x3F800000, v36  }
0x196: {  	vm0 =	vgt.f32 v4, v9;
	v4 =	vbroadcast v0, $0x4;
	vm1 =	vmand vm2, vm1  }
0x197: {  	vm2 =	veq.f32 v5, v9;
	v1 =	vadd.f32 v3, v1;
	vm0 =	vmor vm0, vm1  }
0x198: {  	v3 =	vbroadcast v2, $0x5;
	vm1 =	vlt.f32 v4, v31;
	v4 =	vsel vm0, $0x3F800000, v36  }
0x199: {  	vm0 =	vgt.f32 v5, v9;
	v5 =	vbroadcast v0, $0x5;
	vm1 =	vmand vm2, vm1  }
0x19a: {  	v1 =	vadd.f32 v1, v4;
	v4 =	vbroadcast v2, $0x6;
	vm0 =	vmor vm0, vm1  }
0x19b: {  	vm2 =	veq.f32 v3, v9;
	vm1 =	vlt.f32 v5, v31;
	v5 =	vsel vm0, $0x3F800000, v36  }
0x19c: {  	vm0 =	vgt.f32 v3, v9;
	v3 =	vbroadcast v0, $0x6;
	vm1 =	vmand vm2, vm1  }
0x19d: {  	vm2 =	veq.f32 v4, v9;
	v1 =	vadd.f32 v1, v5;
	vm0 =	vmor vm0, vm1  }
0x19e: {  	v5 =	vbroadcast v2, $0x7;
	vm1 =	vlt.f32 v3, v31;
	v3 =	vsel vm0, $0x3F800000, v36  }
0x19f: {  	vm0 =	vgt.f32 v4, v9;
	v4 =	vbroadcast v0, $0x7;
	vm1 =	vmand vm2, vm1  }
0x1a0: {  	v1 =	vadd.f32 v1, v3;
	v3 =	vbroadcast v2, $0x8;
	vm0 =	vmor vm0, vm1  }
0x1a1: {  	vm2 =	veq.f32 v5, v9;
	vm1 =	vlt.f32 v4, v31;
	v4 =	vsel vm0, $0x3F800000, v36  }
0x1a2: {  	vm0 =	vgt.f32 v5, v9;
	v5 =	vbroadcast v0, $0x8;
	vm1 =	vmand vm2, vm1  }
0x1a3: {  	vm2 =	veq.f32 v3, v9;
	v1 =	vadd.f32 v1, v4;
	vm0 =	vmor vm0, vm1  }
0x1a4: {  	v4 =	vbroadcast v2, $0x9;
	vm1 =	vlt.f32 v5, v31;
	v5 =	vsel vm0, $0x3F800000, v36  }
0x1a5: {  	vm0 =	vgt.f32 v3, v9;
	v3 =	vbroadcast v0, $0x9;
	vm1 =	vmand vm2, vm1  }
0x1a6: {  	v1 =	vadd.f32 v1, v5;
	v5 =	vbroadcast v2, $0xA;
	vm0 =	vmor vm0, vm1  }
0x1a7: {  	vm2 =	veq.f32 v4, v9;
	vm1 =	vlt.f32 v3, v31;
	v3 =	vsel vm0, $0x3F800000, v36  }
0x1a8: {  	vm0 =	vgt.f32 v4, v9;
	v4 =	vbroadcast v0, $0xA;
	vm1 =	vmand vm2, vm1  }
0x1a9: {  	vm2 =	veq.f32 v5, v9;
	v1 =	vadd.f32 v1, v3;
	vm0 =	vmor vm0, vm1  }
0x1aa: {  	v3 =	vbroadcast v2, $0xB;
	vm1 =	vlt.f32 v4, v31;
	v4 =	vsel vm0, $0x3F800000, v36  }
0x1ab: {  	vm0 =	vgt.f32 v5, v9;
	v5 =	vbroadcast v0, $0xB;
	vm1 =	vmand vm2, vm1  }
0x1ac: {  	v1 =	vadd.f32 v1, v4;
	v4 =	vbroadcast v2, $0xC;
	vm0 =	vmor vm0, vm1  }
0x1ad: {  	vm2 =	veq.f32 v3, v9;
	vm1 =	vlt.f32 v5, v31;
	v5 =	vsel vm0, $0x3F800000, v36  }
0x1ae: {  	vm0 =	vgt.f32 v3, v9;
	v3 =	vbroadcast v0, $0xC;
	vm1 =	vmand vm2, vm1  }
0x1af: {  	vm2 =	veq.f32 v4, v9;
	v1 =	vadd.f32 v1, v5;
	vm0 =	vmor vm0, vm1  }
0x1b0: {  	v5 =	vbroadcast v0, $0xD;
	vm1 =	vlt.f32 v3, v31;
	v3 =	vsel vm0, $0x3F800000, v36  }
0x1b1: {  	vm0 =	vgt.f32 v4, v9;
	v4 =	vbroadcast v2, $0xD;
	vm1 =	vmand vm2, vm1  }
0x1b2: {  	v0 =	vbroadcast v0, $0xF;
	v3 =	vadd.f32 v1, v3;
	vm0 =	vmor vm0, vm1  }
0x1b3: {  	vm1 =	vlt.f32 v5, v31;
	vm2 =	veq.f32 v4, v9;
	vm3 =	vgt.f32 v4, v9  }
0x1b4: {  	v1 =	vld [tilespmem:s16+$0xFFFFFFF0];
	v5 =	vbroadcast v2, $0xE;
	v2 =	vbroadcast v2, $0xF;
	v4 =	vsel vm0, $0x3F800000, v36  }
0x1b5: {  	vm0 =	vmand vm2, vm1;
	vm1 =	vlt.f32 v7, v31;
	v4 =	vadd.f32 v3, v4;
	v3 =	vld [tilespmem:s15+$0xFFFFFFF0]  }
0x1b6: {  	vm0 =	vmor vm3, vm0;
	vm2 =	veq.f32 v5, v9;
	vm3 =	vgt.f32 v5, v9  }
0x1b7: {  	v5 =	vsel vm0, $0x3F800000, v36;
	vm0 =	vmand vm2, vm1;
	vm1 =	veq.f32 v2, v9  }
0x1b8: {  	vm2 =	vlt.f32 v0, v31;
	v4 =	vadd.f32 v4, v5;
	vm0 =	vmor vm3, vm0  }
0x1b9: {  	v5 =	vbroadcast v1, $0x0;
	vm1 =	vmand vm1, vm2;
	v0 =	vsel vm0, $0x3F800000, v36  }
0x1ba: {  	vm0 =	vgt.f32 v2, v9;
	v0 =	vadd.f32 v4, v0;
	v2 =	vbroadcast v3, $0x0  }
0x1bb: {  	v4 =	vbroadcast v1, $0x1;
	vm2 =	veq.f32 v5, v9;
	vm0 =	vmor vm0, vm1  }
0x1bc: {  	v7 =	vbroadcast v3, $0xE;
	vm1 =	vlt.f32 v2, v31;
	v2 =	vsel vm0, $0x3F800000, v36  }
0x1bd: {  	vm0 =	vgt.f32 v5, v9;
	v5 =	vbroadcast v3, $0x1;
	vm1 =	vmand vm2, vm1  }
0x1be: {  	v0 =	vadd.f32 v0, v2;
	v2 =	vbroadcast v1, $0x2;
	vm0 =	vmor vm0, vm1  }
0x1bf: {  	vm2 =	veq.f32 v4, v9;
	vm1 =	vlt.f32 v5, v31;
	v5 =	vsel vm0, $0x3F800000, v36  }
0x1c0: {  	vm0 =	vgt.f32 v4, v9;
	v4 =	vbroadcast v3, $0x2;
	vm1 =	vmand vm2, vm1  }
0x1c1: {  	vm2 =	veq.f32 v2, v9;
	v0 =	vadd.f32 v0, v5;
	vm0 =	vmor vm0, vm1  }
0x1c2: {  	v5 =	vbroadcast v1, $0x3;
	vm1 =	vlt.f32 v4, v31;
	v4 =	vsel vm0, $0x3F800000, v36  }
0x1c3: {  	vm0 =	vgt.f32 v2, v9;
	v2 =	vbroadcast v3, $0x3;
	vm1 =	vmand vm2, vm1  }
0x1c4: {  	v0 =	vadd.f32 v0, v4;
	v4 =	vbroadcast v1, $0x4;
	vm0 =	vmor vm0, vm1  }
0x1c5: {  	vm2 =	veq.f32 v5, v9;
	vm1 =	vlt.f32 v2, v31;
	v2 =	vsel vm0, $0x3F800000, v36  }
0x1c6: {  	vm0 =	vgt.f32 v5, v9;
	v5 =	vbroadcast v3, $0x4;
	vm1 =	vmand vm2, vm1  }
0x1c7: {  	vm2 =	veq.f32 v4, v9;
	v0 =	vadd.f32 v0, v2;
	vm0 =	vmor vm0, vm1  }
0x1c8: {  	v2 =	vbroadcast v1, $0x5;
	vm1 =	vlt.f32 v5, v31;
	v5 =	vsel vm0, $0x3F800000, v36  }
0x1c9: {  	vm0 =	vgt.f32 v4, v9;
	v4 =	vbroadcast v3, $0x5;
	vm1 =	vmand vm2, vm1  }
0x1ca: {  	v0 =	vadd.f32 v0, v5;
	v5 =	vbroadcast v1, $0x6;
	vm0 =	vmor vm0, vm1  }
0x1cb: {  	vm2 =	veq.f32 v2, v9;
	vm1 =	vlt.f32 v4, v31;
	v4 =	vsel vm0, $0x3F800000, v36  }
0x1cc: {  	vm0 =	vgt.f32 v2, v9;
	v2 =	vbroadcast v3, $0x6;
	vm1 =	vmand vm2, vm1  }
0x1cd: {  	vm2 =	veq.f32 v5, v9;
	v0 =	vadd.f32 v0, v4;
	vm0 =	vmor vm0, vm1  }
0x1ce: {  	v4 =	vbroadcast v1, $0x7;
	vm1 =	vlt.f32 v2, v31;
	v2 =	vsel vm0, $0x3F800000, v36  }
0x1cf: {  	vm0 =	vgt.f32 v5, v9;
	v5 =	vbroadcast v3, $0x7;
	vm1 =	vmand vm2, vm1  }
0x1d0: {  	v0 =	vadd.f32 v0, v2;
	v2 =	vbroadcast v1, $0x8;
	vm0 =	vmor vm0, vm1  }
0x1d1: {  	vm2 =	veq.f32 v4, v9;
	vm1 =	vlt.f32 v5, v31;
	v5 =	vsel vm0, $0x3F800000, v36  }
0x1d2: {  	vm0 =	vgt.f32 v4, v9;
	v4 =	vbroadcast v3, $0x8;
	vm1 =	vmand vm2, vm1  }
0x1d3: {  	vm2 =	veq.f32 v2, v9;
	v0 =	vadd.f32 v0, v5;
	vm0 =	vmor vm0, vm1  }
0x1d4: {  	v5 =	vbroadcast v1, $0x9;
	vm1 =	vlt.f32 v4, v31;
	v4 =	vsel vm0, $0x3F800000, v36  }
0x1d5: {  	vm0 =	vgt.f32 v2, v9;
	v2 =	vbroadcast v3, $0x9;
	vm1 =	vmand vm2, vm1  }
0x1d6: {  	v0 =	vadd.f32 v0, v4;
	v4 =	vbroadcast v1, $0xA;
	vm0 =	vmor vm0, vm1  }
0x1d7: {  	vm2 =	veq.f32 v5, v9;
	vm1 =	vlt.f32 v2, v31;
	v2 =	vsel vm0, $0x3F800000, v36  }
0x1d8: {  	vm0 =	vgt.f32 v5, v9;
	v5 =	vbroadcast v3, $0xA;
	vm1 =	vmand vm2, vm1  }
0x1d9: {  	vm2 =	veq.f32 v4, v9;
	v0 =	vadd.f32 v0, v2;
	vm0 =	vmor vm0, vm1  }
0x1da: {  	v2 =	vbroadcast v1, $0xB;
	vm1 =	vlt.f32 v5, v31;
	v5 =	vsel vm0, $0x3F800000, v36  }
0x1db: {  	vm0 =	vgt.f32 v4, v9;
	v4 =	vbroadcast v3, $0xB;
	vm1 =	vmand vm2, vm1  }
0x1dc: {  	v0 =	vadd.f32 v0, v5;
	v5 =	vbroadcast v1, $0xC;
	vm0 =	vmor vm0, vm1  }
0x1dd: {  	vm2 =	veq.f32 v2, v9;
	vm1 =	vlt.f32 v4, v31;
	v4 =	vsel vm0, $0x3F800000, v36  }
0x1de: {  	vm0 =	vgt.f32 v2, v9;
	v2 =	vbroadcast v3, $0xC;
	vm1 =	vmand vm2, vm1  }
0x1df: {  	vm2 =	veq.f32 v5, v9;
	v0 =	vadd.f32 v0, v4;
	vm0 =	vmor vm0, vm1  }
0x1e0: {  	v4 =	vbroadcast v3, $0xD;
	vm1 =	vlt.f32 v2, v31;
	v2 =	vsel vm0, $0x3F800000, v36  }
0x1e1: {  	vm0 =	vgt.f32 v5, v9;
	v5 =	vbroadcast v1, $0xD;
	vm1 =	vmand vm2, vm1  }
0x1e2: {  	v3 =	vbroadcast v3, $0xF;
	v2 =	vadd.f32 v0, v2;
	vm0 =	vmor vm0, vm1  }
0x1e3: {  	vm1 =	vlt.f32 v4, v31;
	vm2 =	veq.f32 v5, v9;
	vm3 =	vgt.f32 v5, v9  }
0x1e4: {  	v0 =	vld [tilespmem:s16+$0x0];
	v5 =	vbroadcast v1, $0xE;
	v1 =	vbroadcast v1, $0xF;
	v4 =	vsel vm0, $0x3F800000, v36  }
0x1e5: {  	vm0 =	vmand vm2, vm1;
	vm1 =	vlt.f32 v7, v31;
	v4 =	vadd.f32 v2, v4;
	v2 =	vld [tilespmem:s15+$0x0]  }
0x1e6: {  	vm0 =	vmor vm3, vm0;
	vm2 =	veq.f32 v5, v9;
	vm3 =	vgt.f32 v5, v9  }
0x1e7: {  	v5 =	vsel vm0, $0x3F800000, v36;
	vm0 =	vmand vm2, vm1;
	vm1 =	veq.f32 v1, v9  }
0x1e8: {  	vm2 =	vlt.f32 v3, v31;
	v4 =	vadd.f32 v4, v5;
	vm0 =	vmor vm3, vm0  }
0x1e9: {  	v5 =	vbroadcast v0, $0x0;
	vm1 =	vmand vm1, vm2;
	v3 =	vsel vm0, $0x3F800000, v36  }
0x1ea: {  	vm0 =	vgt.f32 v1, v9;
	v3 =	vadd.f32 v4, v3;
	v1 =	vbroadcast v2, $0x0  }
0x1eb: {  	v4 =	vbroadcast v0, $0x1;
	vm2 =	veq.f32 v5, v9;
	vm0 =	vmor vm0, vm1  }
0x1ec: {  	v7 =	vbroadcast v2, $0xE;
	vm1 =	vlt.f32 v1, v31;
	v1 =	vsel vm0, $0x3F800000, v36  }
0x1ed: {  	vm0 =	vgt.f32 v5, v9;
	v5 =	vbroadcast v2, $0x1;
	vm1 =	vmand vm2, vm1  }
0x1ee: {  	v1 =	vadd.f32 v3, v1;
	v3 =	vbroadcast v0, $0x2;
	vm0 =	vmor vm0, vm1  }
0x1ef: {  	vm2 =	veq.f32 v4, v9;
	vm1 =	vlt.f32 v5, v31;
	v5 =	vsel vm0, $0x3F800000, v36  }
0x1f0: {  	vm0 =	vgt.f32 v4, v9;
	v4 =	vbroadcast v2, $0x2;
	vm1 =	vmand vm2, vm1  }
0x1f1: {  	vm2 =	veq.f32 v3, v9;
	v1 =	vadd.f32 v1, v5;
	vm0 =	vmor vm0, vm1  }
0x1f2: {  	v5 =	vbroadcast v0, $0x3;
	vm1 =	vlt.f32 v4, v31;
	v4 =	vsel vm0, $0x3F800000, v36  }
0x1f3: {  	vm0 =	vgt.f32 v3, v9;
	v3 =	vbroadcast v2, $0x3;
	vm1 =	vmand vm2, vm1  }
0x1f4: {  	v1 =	vadd.f32 v1, v4;
	v4 =	vbroadcast v0, $0x4;
	vm0 =	vmor vm0, vm1  }
0x1f5: {  	vm2 =	veq.f32 v5, v9;
	vm1 =	vlt.f32 v3, v31;
	v3 =	vsel vm0, $0x3F800000, v36  }
0x1f6: {  	vm0 =	vgt.f32 v5, v9;
	v5 =	vbroadcast v2, $0x4;
	vm1 =	vmand vm2, vm1  }
0x1f7: {  	vm2 =	veq.f32 v4, v9;
	v1 =	vadd.f32 v1, v3;
	vm0 =	vmor vm0, vm1  }
0x1f8: {  	v3 =	vbroadcast v0, $0x5;
	vm1 =	vlt.f32 v5, v31;
	v5 =	vsel vm0, $0x3F800000, v36  }
0x1f9: {  	vm0 =	vgt.f32 v4, v9;
	v4 =	vbroadcast v2, $0x5;
	vm1 =	vmand vm2, vm1  }
0x1fa: {  	v1 =	vadd.f32 v1, v5;
	v5 =	vbroadcast v0, $0x6;
	vm0 =	vmor vm0, vm1  }
0x1fb: {  	vm2 =	veq.f32 v3, v9;
	vm1 =	vlt.f32 v4, v31;
	v4 =	vsel vm0, $0x3F800000, v36  }
0x1fc: {  	vm0 =	vgt.f32 v3, v9;
	v3 =	vbroadcast v2, $0x6;
	vm1 =	vmand vm2, vm1  }
0x1fd: {  	vm2 =	veq.f32 v5, v9;
	v1 =	vadd.f32 v1, v4;
	vm0 =	vmor vm0, vm1  }
0x1fe: {  	v4 =	vbroadcast v0, $0x7;
	vm1 =	vlt.f32 v3, v31;
	v3 =	vsel vm0, $0x3F800000, v36  }
0x1ff: {  	vm0 =	vgt.f32 v5, v9;
	v5 =	vbroadcast v2, $0x7;
	vm1 =	vmand vm2, vm1  }
0x200: {  	v1 =	vadd.f32 v1, v3;
	v3 =	vbroadcast v0, $0x8;
	vm0 =	vmor vm0, vm1  }
0x201: {  	vm2 =	veq.f32 v4, v9;
	vm1 =	vlt.f32 v5, v31;
	v5 =	vsel vm0, $0x3F800000, v36  }
0x202: {  	vm0 =	vgt.f32 v4, v9;
	v4 =	vbroadcast v2, $0x8;
	vm1 =	vmand vm2, vm1  }
0x203: {  	vm2 =	veq.f32 v3, v9;
	v1 =	vadd.f32 v1, v5;
	vm0 =	vmor vm0, vm1  }
0x204: {  	v5 =	vbroadcast v0, $0x9;
	vm1 =	vlt.f32 v4, v31;
	v4 =	vsel vm0, $0x3F800000, v36  }
0x205: {  	vm0 =	vgt.f32 v3, v9;
	v3 =	vbroadcast v2, $0x9;
	vm1 =	vmand vm2, vm1  }
0x206: {  	v1 =	vadd.f32 v1, v4;
	v4 =	vbroadcast v0, $0xA;
	vm0 =	vmor vm0, vm1  }
0x207: {  	vm2 =	veq.f32 v5, v9;
	vm1 =	vlt.f32 v3, v31;
	v3 =	vsel vm0, $0x3F800000, v36  }
0x208: {  	vm0 =	vgt.f32 v5, v9;
	v5 =	vbroadcast v2, $0xA;
	vm1 =	vmand vm2, vm1  }
0x209: {  	vm2 =	veq.f32 v4, v9;
	v1 =	vadd.f32 v1, v3;
	vm0 =	vmor vm0, vm1  }
0x20a: {  	v3 =	vbroadcast v0, $0xB;
	vm1 =	vlt.f32 v5, v31;
	v5 =	vsel vm0, $0x3F800000, v36  }
0x20b: {  	vm0 =	vgt.f32 v4, v9;
	v4 =	vbroadcast v2, $0xB;
	vm1 =	vmand vm2, vm1  }
0x20c: {  	v1 =	vadd.f32 v1, v5;
	v5 =	vbroadcast v0, $0xC;
	vm0 =	vmor vm0, vm1  }
0x20d: {  	vm2 =	veq.f32 v3, v9;
	vm1 =	vlt.f32 v4, v31;
	v4 =	vsel vm0, $0x3F800000, v36  }
0x20e: {  	vm0 =	vgt.f32 v3, v9;
	v3 =	vbroadcast v2, $0xC;
	vm1 =	vmand vm2, vm1  }
0x20f: {  	vm2 =	veq.f32 v5, v9;
	v1 =	vadd.f32 v1, v4;
	vm0 =	vmor vm0, vm1  }
0x210: {  	v4 =	vbroadcast v2, $0xD;
	vm1 =	vlt.f32 v3, v31;
	v3 =	vsel vm0, $0x3F800000, v36  }
0x211: {  	vm0 =	vgt.f32 v5, v9;
	v5 =	vbroadcast v0, $0xD;
	vm1 =	vmand vm2, vm1  }
0x212: {  	v2 =	vbroadcast v2, $0xF;
	v3 =	vadd.f32 v1, v3;
	vm0 =	vmor vm0, vm1  }
0x213: {  	v1 =	vld [tilespmem:s16+$0x10];
	vm1 =	vlt.f32 v4, v31;
	vm2 =	veq.f32 v5, v9;
	vm3 =	vgt.f32 v5, v9  }
0x214: {  	v5 =	vbroadcast v0, $0xE;
	v0 =	vbroadcast v0, $0xF;
	v4 =	vsel vm0, $0x3F800000, v36  }
0x215: {  	vm0 =	vmand vm2, vm1;
	vm1 =	vlt.f32 v7, v31;
	v4 =	vadd.f32 v3, v4  }
0x216: {  	v3 =	vld [tilespmem:s15+$0x10];
	vm0 =	vmor vm3, vm0;
	vm2 =	veq.f32 v5, v9;
	vm3 =	vgt.f32 v5, v9  }
0x217: {  	v5 =	vsel vm0, $0x3F800000, v36;
	vm0 =	vmand vm2, vm1;
	vm1 =	veq.f32 v0, v9  }
0x218: {  	vm2 =	vlt.f32 v2, v31;
	v4 =	vadd.f32 v4, v5;
	v5 =	vbroadcast v1, $0x0  }
0x219: {  	vm0 =	vmor vm3, vm0;
	vm1 =	vmand vm1, vm2;
	v7 =	vbroadcast v1, $0xF  }
0x21a: {  	v11 =	vbroadcast v1, $0xD;
	v2 =	vsel vm0, $0x3F800000, v36;
	vm0 =	vgt.f32 v0, v9  }
0x21b: {  	v2 =	vadd.f32 v4, v2;
	v4 =	vbroadcast v1, $0x1;
	v0 =	vbroadcast v3, $0x0  }
0x21c: {  	vm2 =	veq.f32 v5, v9;
	vm0 =	vmor vm0, vm1;
	vm15 =	veq.f32 v11, v9  }
0x21d: {  	vm13 =	veq.f32 v7, v9;
	vm1 =	vlt.f32 v0, v31;
	v0 =	vsel vm0, $0x3F800000, v36  }
0x21e: {  	vm0 =	vgt.f32 v5, v9;
	v5 =	vbroadcast v3, $0x1;
	vm1 =	vmand vm2, vm1  }
0x21f: {  	v0 =	vadd.f32 v2, v0;
	v2 =	vbroadcast v1, $0x2;
	vm0 =	vmor vm0, vm1  }
0x220: {  	vm2 =	veq.f32 v4, v9;
	vm1 =	vlt.f32 v5, v31;
	v5 =	vsel vm0, $0x3F800000, v36  }
0x221: {  	vm0 =	vgt.f32 v4, v9;
	v4 =	vbroadcast v3, $0x2;
	vm1 =	vmand vm2, vm1  }
0x222: {  	vm2 =	veq.f32 v2, v9;
	v0 =	vadd.f32 v0, v5;
	vm0 =	vmor vm0, vm1  }
0x223: {  	v5 =	vbroadcast v1, $0x3;
	vm1 =	vlt.f32 v4, v31;
	v4 =	vsel vm0, $0x3F800000, v36  }
0x224: {  	vm0 =	vgt.f32 v2, v9;
	v2 =	vbroadcast v3, $0x3;
	vm1 =	vmand vm2, vm1  }
0x225: {  	v0 =	vadd.f32 v0, v4;
	v4 =	vbroadcast v1, $0x4;
	vm0 =	vmor vm0, vm1  }
0x226: {  	vm2 =	veq.f32 v5, v9;
	vm1 =	vlt.f32 v2, v31;
	v2 =	vsel vm0, $0x3F800000, v36  }
0x227: {  	vm0 =	vgt.f32 v5, v9;
	v5 =	vbroadcast v3, $0x4;
	vm1 =	vmand vm2, vm1  }
0x228: {  	vm2 =	veq.f32 v4, v9;
	v0 =	vadd.f32 v0, v2;
	vm0 =	vmor vm0, vm1  }
0x229: {  	v2 =	vbroadcast v1, $0x5;
	vm1 =	vlt.f32 v5, v31;
	v5 =	vsel vm0, $0x3F800000, v36  }
0x22a: {  	vm0 =	vgt.f32 v4, v9;
	v4 =	vbroadcast v3, $0x5;
	vm1 =	vmand vm2, vm1  }
0x22b: {  	v0 =	vadd.f32 v0, v5;
	v5 =	vbroadcast v1, $0x6;
	vm0 =	vmor vm0, vm1  }
0x22c: {  	vm2 =	veq.f32 v2, v9;
	vm1 =	vlt.f32 v4, v31;
	v4 =	vsel vm0, $0x3F800000, v36  }
0x22d: {  	vm0 =	vgt.f32 v2, v9;
	v2 =	vbroadcast v3, $0x6;
	vm1 =	vmand vm2, vm1  }
0x22e: {  	vm2 =	veq.f32 v5, v9;
	v0 =	vadd.f32 v0, v4;
	vm0 =	vmor vm0, vm1  }
0x22f: {  	v4 =	vbroadcast v1, $0x7;
	vm1 =	vlt.f32 v2, v31;
	v2 =	vsel vm0, $0x3F800000, v36  }
0x230: {  	vm0 =	vgt.f32 v5, v9;
	v5 =	vbroadcast v3, $0x7;
	vm1 =	vmand vm2, vm1  }
0x231: {  	v0 =	vadd.f32 v0, v2;
	v2 =	vbroadcast v1, $0x8;
	vm0 =	vmor vm0, vm1  }
0x232: {  	vm2 =	veq.f32 v4, v9;
	vm1 =	vlt.f32 v5, v31;
	v5 =	vsel vm0, $0x3F800000, v36  }
0x233: {  	vm0 =	vgt.f32 v4, v9;
	v4 =	vbroadcast v3, $0x8;
	vm1 =	vmand vm2, vm1  }
0x234: {  	vm2 =	veq.f32 v2, v9;
	v0 =	vadd.f32 v0, v5;
	vm0 =	vmor vm0, vm1  }
0x235: {  	v5 =	vbroadcast v1, $0x9;
	vm1 =	vlt.f32 v4, v31;
	v4 =	vsel vm0, $0x3F800000, v36  }
0x236: {  	vm0 =	vgt.f32 v2, v9;
	v2 =	vbroadcast v3, $0x9;
	vm1 =	vmand vm2, vm1  }
0x237: {  	v0 =	vadd.f32 v0, v4;
	v4 =	vbroadcast v1, $0xA;
	vm0 =	vmor vm0, vm1  }
0x238: {  	vm2 =	veq.f32 v5, v9;
	vm1 =	vlt.f32 v2, v31;
	v2 =	vsel vm0, $0x3F800000, v36  }
0x239: {  	vm0 =	vgt.f32 v5, v9;
	v5 =	vbroadcast v3, $0xA;
	vm1 =	vmand vm2, vm1  }
0x23a: {  	vm2 =	veq.f32 v4, v9;
	v0 =	vadd.f32 v0, v2;
	vm0 =	vmor vm0, vm1  }
0x23b: {  	v2 =	vbroadcast v1, $0xB;
	vm1 =	vlt.f32 v5, v31;
	v5 =	vsel vm0, $0x3F800000, v36  }
0x23c: {  	vm0 =	vgt.f32 v4, v9;
	v4 =	vbroadcast v3, $0xB;
	vm1 =	vmand vm2, vm1  }
0x23d: {  	v21 =	vbroadcast v3, $0xE;
	v0 =	vadd.f32 v0, v5;
	vm0 =	vmor vm0, vm1  }
0x23e: {  	vm2 =	veq.f32 v2, v9;
	vm1 =	vlt.f32 v4, v31;
	v4 =	vsel vm0, $0x3F800000, v36  }
0x23f: {  	vm0 =	vgt.f32 v2, v9;
	v2 =	vbroadcast v3, $0xC;
	vm1 =	vmand vm2, vm1  }
0x240: {  	v5 =	vbroadcast v1, $0xC;
	v0 =	vadd.f32 v0, v4;
	vm0 =	vmor vm0, vm1  }
0x241: {  	v4 =	vbroadcast v3, $0xD;
	vm1 =	vlt.f32 v2, v31;
	v2 =	vsel vm0, $0x3F800000, v36  }
0x242: {  	vm2 =	veq.f32 v5, v9;
	v2 =	vadd.f32 v0, v2;
	v0 =	vbroadcast v1, $0xE  }
0x243: {  	vm3 =	vgt.f32 v5, v9;
	vm0 =	vlt.f32 v4, v31;
	vm1 =	vmand vm2, vm1  }
0x244: {  	s17 =	simm.s32 $0x9860;
	s16 =	simm.s32 $0x0;
	v4 =	vbroadcast v3, $0xF;
	vm1 =	vmor vm3, vm1;
	[tilespmem:$0x1FFA0] =	vst v0;
	vm11 =	veq.f32 v0, v9  }
.LBB2_20:
0x245: {  	v5 =	vld [tilespmem:$0x1FFA0];
	_ =	sdelay $0x2  }
0x246: {  	v0 =	vld [tilespmem:s17+$0x10];
	v1 =	vsel vm1, $0x3F800000, v36;
	vm1 =	vgt.f32 v11, v9;
	vm0 =	vmand vm15, vm0  }
0x247: {  	s15 =	sadd.s32 $0x40, s15;
	v1 =	vadd.f32 v2, v1;
	vm0 =	vmor vm1, vm0;
	vm1 =	vlt.f32 v21, v31  }
0x248: {  	v3 =	vld [tilespmem:s15+$0x10];
	v2 =	vsel vm0, $0x3F800000, v36;
	vm0 =	vgt.f32 v5, v9;
	vm1 =	vmand vm11, vm1  }
0x249: {  	v1 =	vadd.f32 v1, v2;
	vm0 =	vmor vm0, vm1  }
0x24a: {  	v2 =	vsel vm0, $0x3F800000, v36  }
0x24b: {  	v1 =	vadd.f32 v1, v2;
	v2 =	vbroadcast v0, $0xF  }
0x24c: {  	vm1 =	vlt.f32 v4, v31  }
0x24d: {  	vm0 =	vgt.f32 v7, v9;
	vm1 =	vmand vm13, vm1;
	[tilespmem:$0x1F8E0] =	vst v2;
	v2 =	vbroadcast v3, $0xF  }
0x24e: {  	vm0 =	vmor vm0, vm1  }
0x24f: {  	[tilespmem:$0x1FB90] =	vst v2;
	v2 =	vsel vm0, $0x3F800000, v36  }
0x250: {  	v1 =	vadd.f32 v1, v2;
	_ =	sdelay $0x1  }
0x251: {  	[tilespmem:$0x1F800] =	vst v1;
	v1 =	vbroadcast v0, $0xD;
	_ =	sdelay $0x1  }
0x252: {  	[tilespmem:$0x1F7D0] =	vst v1;
	v1 =	vbroadcast v3, $0xD;
	_ =	sdelay $0x1  }
0x253: {  	[tilespmem:$0x1FF90] =	vst v1;
	v1 =	vbroadcast v0, $0xC;
	_ =	sdelay $0x1  }
0x254: {  	v42 =	vbroadcast v0, $0xA;
	[tilespmem:$0x1FF70] =	vst v1;
	v1 =	vbroadcast v3, $0xC  }
0x255: {  	v21 =	vbroadcast v0, $0x8;
	v11 =	vbroadcast v0, $0x7  }
0x256: {  	v32 =	vbroadcast v0, $0x6;
	[tilespmem:$0x1FF60] =	vst v1;
	v1 =	vbroadcast v0, $0xB  }
0x257: {  	v34 =	vbroadcast v0, $0x5;
	v5 =	vbroadcast v3, $0x5  }
0x258: {  	v33 =	vbroadcast v0, $0x4;
	[tilespmem:$0x1FF40] =	vst v1;
	v1 =	vbroadcast v3, $0xB  }
0x259: {  	v40 =	vbroadcast v0, $0x3;
	v35 =	vbroadcast v0, $0x2;
	[tilespmem:$0x1FE10] =	vst v5;
	v5 =	vld [tilespmem:s15+$0x0]  }
0x25a: {  	v44 =	vbroadcast v0, $0x1;
	[tilespmem:$0x1FF30] =	vst v1;
	v1 =	vbroadcast v3, $0xA  }
0x25b: {  	v48 =	vbroadcast v0, $0x0;
	v4 =	vbroadcast v0, $0xE  }
0x25c: {  	[tilespmem:$0x1FF00] =	vst v1;
	v1 =	vbroadcast v0, $0x9;
	v0 =	vbroadcast v3, $0x0;
	_ =	sdelay $0x1  }
0x25d: {  	[tilespmem:$0x1FD50] =	vst v0;
	v0 =	vbroadcast v5, $0xF;
	_ =	sdelay $0x1  }
0x25e: {  	[tilespmem:$0x1FD30] =	vst v0;
	v0 =	vbroadcast v5, $0xE;
	_ =	sdelay $0x1  }
0x25f: {  	[tilespmem:$0x1FD10] =	vst v0;
	v0 =	vbroadcast v5, $0xD;
	_ =	sdelay $0x1  }
0x260: {  	[tilespmem:$0x1FCF0] =	vst v0;
	v0 =	vbroadcast v5, $0xC;
	_ =	sdelay $0x1  }
0x261: {  	[tilespmem:$0x1FCD0] =	vst v0;
	v0 =	vbroadcast v5, $0xB;
	_ =	sdelay $0x1  }
0x262: {  	[tilespmem:$0x1FCB0] =	vst v0;
	v0 =	vbroadcast v5, $0xA;
	_ =	sdelay $0x1  }
0x263: {  	[tilespmem:$0x1FC90] =	vst v0;
	v0 =	vbroadcast v5, $0x9;
	_ =	sdelay $0x1  }
0x264: {  	[tilespmem:$0x1FC70] =	vst v0;
	v0 =	vbroadcast v5, $0x8;
	_ =	sdelay $0x1  }
0x265: {  	[tilespmem:$0x1FC50] =	vst v0;
	v0 =	vbroadcast v5, $0x7;
	_ =	sdelay $0x1  }
0x266: {  	[tilespmem:$0x1FC30] =	vst v0;
	v0 =	vbroadcast v5, $0x6;
	_ =	sdelay $0x1  }
0x267: {  	[tilespmem:$0x1FC10] =	vst v0;
	v0 =	vbroadcast v5, $0x5;
	_ =	sdelay $0x1  }
0x268: {  	[tilespmem:$0x1FBF0] =	vst v0;
	v0 =	vbroadcast v5, $0x4;
	_ =	sdelay $0x1  }
0x269: {  	[tilespmem:$0x1FBD0] =	vst v0;
	v0 =	vbroadcast v5, $0x3;
	_ =	sdelay $0x1  }
0x26a: {  	[tilespmem:$0x1FBB0] =	vst v0;
	v0 =	vbroadcast v5, $0x2;
	_ =	sdelay $0x1  }
0x26b: {  	[tilespmem:$0x1FB80] =	vst v0;
	v0 =	vbroadcast v5, $0x1  }
0x26c: {  	[tilespmem:$0x1FFA0] =	vst v4  }
0x26d: {  	[tilespmem:$0x1FB60] =	vst v0;
	v0 =	vbroadcast v5, $0x0;
	v5 =	vld [tilespmem:$0x1FFA0];
	_ =	sdelay $0x4  }
0x26e: {  	vm11 =	veq.f32 v5, v9;
	v5 =	vld [tilespmem:$0x1F8E0];
	_ =	sdelay $0x4  }
0x26f: {  	vm0 =	veq.f32 v42, v9;
	vm13 =	veq.f32 v5, v9;
	v5 =	vimm.s32 $0x0  }
0x270: {  	v5 =	vsel vm0, $0xFFFFFFFF, v5  }
0x271: {  	[tilespmem:$0x1FF20] =	vst v5;
	v5 =	vld [tilespmem:$0x1FF40];
	_ =	sdelay $0x1  }
0x272: {  	[tilespmem:$0x1FF10] =	vst v42;
	v42 =	vld [tilespmem:$0x1FF70];
	_ =	sdelay $0x2  }
0x273: {  	vm0 =	veq.f32 v5, v9;
	v5 =	vimm.s32 $0x0  }
0x274: {  	v5 =	vsel vm0, $0xFFFFFFFF, v5  }
0x275: {  	vm0 =	veq.f32 v42, v9;
	[tilespmem:$0x1FF50] =	vst v5;
	v5 =	vimm.s32 $0x0  }
0x276: {  	v5 =	vsel vm0, $0xFFFFFFFF, v5  }
0x277: {  	vm0 =	veq.f32 v11, v9;
	[tilespmem:$0x1FF80] =	vst v5;
	v5 =	vimm.s32 $0x0  }
0x278: {  	[tilespmem:$0x1FEE0] =	vst v1;
	v1 =	vbroadcast v3, $0x9;
	v5 =	vsel vm0, $0xFFFFFFFF, v5  }
0x279: {  	vm0 =	veq.f32 v21, v9;
	[tilespmem:$0x1FE90] =	vst v5;
	v5 =	vimm.s32 $0x0  }
0x27a: {  	[tilespmem:$0x1FED0] =	vst v1;
	v5 =	vsel vm0, $0xFFFFFFFF, v5  }
0x27b: {  	v1 =	vbroadcast v3, $0x8;
	[tilespmem:$0x1FEC0] =	vst v5;
	v5 =	vld [tilespmem:$0x1FEE0];
	_ =	sdelay $0x1  }
0x27c: {  	[tilespmem:$0x1FEA0] =	vst v1;
	v1 =	vbroadcast v3, $0x7  }
0x27d: {  	v7 =	vbroadcast v3, $0x4  }
0x27e: {  	[tilespmem:$0x1FE70] =	vst v1;
	v1 =	vbroadcast v3, $0x6  }
0x27f: {  	[tilespmem:$0x1FDE0] =	vst v7;
	vm0 =	veq.f32 v5, v9;
	v5 =	vimm.s32 $0x0  }
0x280: {  	v7 =	vbroadcast v3, $0x3;
	[tilespmem:$0x1FE40] =	vst v1;
	v5 =	vsel vm0, $0xFFFFFFFF, v5  }
0x281: {  	v1 =	vld [tilespmem:s17+$0x0];
	vm0 =	veq.f32 v33, v9;
	[tilespmem:$0x1FEF0] =	vst v5;
	v5 =	vimm.s32 $0x0  }
0x282: {  	[tilespmem:$0x1FDC0] =	vst v7;
	v7 =	vbroadcast v3, $0x2;
	v5 =	vsel vm0, $0xFFFFFFFF, v5  }
0x283: {  	vm0 =	veq.f32 v34, v9;
	[tilespmem:$0x1FE00] =	vst v5;
	v5 =	vimm.s32 $0x0  }
0x284: {  	v4 =	vbroadcast v3, $0xE;
	[tilespmem:$0x1FD90] =	vst v7;
	v5 =	vsel vm0, $0xFFFFFFFF, v5  }
0x285: {  	v7 =	vbroadcast v3, $0x1;
	vm0 =	veq.f32 v32, v9;
	[tilespmem:$0x1FE30] =	vst v5;
	v5 =	vimm.s32 $0x0  }
0x286: {  	v52 =	vbroadcast v1, $0xF;
	v56 =	vbroadcast v1, $0xE;
	v5 =	vsel vm0, $0xFFFFFFFF, v5  }
0x287: {  	v36 =	vbroadcast v1, $0xD;
	vm0 =	veq.f32 v44, v9;
	[tilespmem:$0x1FE60] =	vst v5;
	v5 =	vimm.s32 $0x0  }
0x288: {  	[tilespmem:$0x1FEB0] =	vst v21;
	v43 =	vbroadcast v1, $0xC;
	v60 =	vbroadcast v1, $0xB;
	v5 =	vsel vm0, $0xFFFFFFFF, v5  }
0x289: {  	v15 =	vbroadcast v1, $0xA;
	vm0 =	veq.f32 v35, v9;
	[tilespmem:$0x1FD80] =	vst v5;
	v5 =	vimm.s32 $0x0  }
0x28a: {  	[tilespmem:$0x1FD70] =	vst v7;
	v29 =	vbroadcast v1, $0x9;
	v16 =	vbroadcast v1, $0x8;
	v5 =	vsel vm0, $0xFFFFFFFF, v5  }
0x28b: {  	v7 =	vld [tilespmem:s15+$0xFFFFFFF0];
	v17 =	vbroadcast v1, $0x7;
	vm0 =	veq.f32 v40, v9;
	[tilespmem:$0x1FDB0] =	vst v5;
	v5 =	vimm.s32 $0x0  }
0x28c: {  	[tilespmem:$0x1FE50] =	vst v32;
	v18 =	vbroadcast v1, $0x6;
	v19 =	vbroadcast v1, $0x5;
	v5 =	vsel vm0, $0xFFFFFFFF, v5  }
0x28d: {  	v20 =	vbroadcast v1, $0x4;
	vm0 =	veq.f32 v56, v9;
	[tilespmem:$0x1FDD0] =	vst v5;
	v5 =	vimm.s32 $0x0  }
0x28e: {  	[tilespmem:$0x1FDA0] =	vst v35;
	v12 =	vbroadcast v1, $0x3;
	v13 =	vbroadcast v1, $0x2;
	v5 =	vsel vm0, $0xFFFFFFFF, v5  }
0x28f: {  	v22 =	vbroadcast v1, $0x1;
	vm0 =	veq.f32 v52, v9;
	[tilespmem:$0x1FD20] =	vst v5;
	v5 =	vimm.s32 $0x0  }
0x290: {  	[tilespmem:$0x1F8B0] =	vst v4;
	v23 =	vbroadcast v1, $0x0;
	v1 =	vbroadcast v7, $0x0;
	v5 =	vsel vm0, $0xFFFFFFFF, v5  }
0x291: {  	vm0 =	veq.f32 v48, v9;
	[tilespmem:$0x1FD40] =	vst v5;
	v5 =	vimm.s32 $0x0  }
0x292: {  	[tilespmem:$0x1F940] =	vst v1;
	v5 =	vsel vm0, $0xFFFFFFFF, v5  }
0x293: {  	vm0 =	veq.f32 v60, v9;
	[tilespmem:$0x1FD60] =	vst v5;
	v5 =	vimm.s32 $0x0  }
0x294: {  	[tilespmem:$0x1FB40] =	vst v0;
	v0 =	vbroadcast v7, $0xF;
	v5 =	vsel vm0, $0xFFFFFFFF, v5  }
0x295: {  	vm0 =	veq.f32 v43, v9;
	[tilespmem:$0x1FCC0] =	vst v5;
	v5 =	vimm.s32 $0x0  }
0x296: {  	[tilespmem:$0x1FB20] =	vst v0;
	v0 =	vbroadcast v7, $0xE;
	v5 =	vsel vm0, $0xFFFFFFFF, v5  }
0x297: {  	vm0 =	veq.f32 v36, v9;
	[tilespmem:$0x1FCE0] =	vst v5;
	v5 =	vimm.s32 $0x0  }
0x298: {  	[tilespmem:$0x1FB00] =	vst v0;
	v0 =	vbroadcast v7, $0xD;
	v5 =	vsel vm0, $0xFFFFFFFF, v5  }
0x299: {  	vm0 =	veq.f32 v16, v9;
	[tilespmem:$0x1FD00] =	vst v5;
	v5 =	vimm.s32 $0x0  }
0x29a: {  	[tilespmem:$0x1FAE0] =	vst v0;
	v0 =	vbroadcast v7, $0xC;
	v5 =	vsel vm0, $0xFFFFFFFF, v5  }
0x29b: {  	vm0 =	veq.f32 v29, v9;
	[tilespmem:$0x1FC60] =	vst v5;
	v5 =	vimm.s32 $0x0  }
0x29c: {  	[tilespmem:$0x1FAC0] =	vst v0;
	v0 =	vbroadcast v7, $0xB;
	v5 =	vsel vm0, $0xFFFFFFFF, v5  }
0x29d: {  	vm0 =	veq.f32 v15, v9;
	[tilespmem:$0x1FC80] =	vst v5;
	v5 =	vimm.s32 $0x0  }
0x29e: {  	[tilespmem:$0x1FAA0] =	vst v0;
	v0 =	vbroadcast v7, $0xA;
	v5 =	vsel vm0, $0xFFFFFFFF, v5  }
0x29f: {  	vm0 =	veq.f32 v19, v9;
	[tilespmem:$0x1FCA0] =	vst v5;
	v5 =	vimm.s32 $0x0  }
0x2a0: {  	[tilespmem:$0x1FA80] =	vst v0;
	v0 =	vbroadcast v7, $0x9;
	v5 =	vsel vm0, $0xFFFFFFFF, v5  }
0x2a1: {  	v3 =	vld [tilespmem:s17+$0xFFFFFFF0];
	vm0 =	veq.f32 v18, v9;
	[tilespmem:$0x1FC00] =	vst v5;
	v5 =	vimm.s32 $0x0  }
0x2a2: {  	[tilespmem:$0x1FA60] =	vst v0;
	v0 =	vbroadcast v7, $0x8;
	v5 =	vsel vm0, $0xFFFFFFFF, v5  }
0x2a3: {  	vm0 =	veq.f32 v17, v9;
	[tilespmem:$0x1FC20] =	vst v5;
	v5 =	vimm.s32 $0x0  }
0x2a4: {  	[tilespmem:$0x1FA40] =	vst v0;
	v0 =	vbroadcast v7, $0x7;
	v5 =	vsel vm0, $0xFFFFFFFF, v5  }
0x2a5: {  	vm0 =	veq.f32 v13, v9;
	[tilespmem:$0x1FC40] =	vst v5;
	v5 =	vimm.s32 $0x0  }
0x2a6: {  	v24 =	vbroadcast v3, $0xF;
	[tilespmem:$0x1FA20] =	vst v0;
	v0 =	vbroadcast v7, $0x6;
	v5 =	vsel vm0, $0xFFFFFFFF, v5  }
0x2a7: {  	v25 =	vbroadcast v3, $0xE;
	vm0 =	veq.f32 v12, v9;
	[tilespmem:$0x1FBA0] =	vst v5;
	v5 =	vimm.s32 $0x0  }
0x2a8: {  	v26 =	vbroadcast v3, $0xD;
	[tilespmem:$0x1FA00] =	vst v0;
	v0 =	vbroadcast v7, $0x5;
	v5 =	vsel vm0, $0xFFFFFFFF, v5  }
0x2a9: {  	v27 =	vbroadcast v3, $0xC;
	vm0 =	veq.f32 v20, v9;
	[tilespmem:$0x1FBC0] =	vst v5;
	v5 =	vimm.s32 $0x0  }
0x2aa: {  	v28 =	vbroadcast v3, $0xB;
	[tilespmem:$0x1F9E0] =	vst v0;
	v0 =	vbroadcast v7, $0x4;
	v5 =	vsel vm0, $0xFFFFFFFF, v5  }
0x2ab: {  	v30 =	vbroadcast v3, $0xA;
	vm0 =	veq.f32 v24, v9;
	[tilespmem:$0x1FBE0] =	vst v5;
	v5 =	vimm.s32 $0x0  }
0x2ac: {  	v37 =	vbroadcast v3, $0x9;
	[tilespmem:$0x1F9C0] =	vst v0;
	v0 =	vbroadcast v7, $0x3;
	v5 =	vsel vm0, $0xFFFFFFFF, v5  }
0x2ad: {  	v39 =	vbroadcast v3, $0x8;
	vm0 =	veq.f32 v23, v9;
	[tilespmem:$0x1FB30] =	vst v5;
	v5 =	vimm.s32 $0x0  }
0x2ae: {  	v41 =	vbroadcast v3, $0x7;
	[tilespmem:$0x1F9A0] =	vst v0;
	v0 =	vbroadcast v7, $0x2;
	v5 =	vsel vm0, $0xFFFFFFFF, v5  }
0x2af: {  	v57 =	vld [tilespmem:s15+$0xFFFFFFE0];
	v8 =	vbroadcast v3, $0x6;
	vm0 =	veq.f32 v22, v9;
	[tilespmem:$0x1FB50] =	vst v5;
	v5 =	vimm.s32 $0x0  }
0x2b0: {  	v14 =	vbroadcast v3, $0x5;
	[tilespmem:$0x1F980] =	vst v0;
	v0 =	vbroadcast v7, $0x1;
	v5 =	vsel vm0, $0xFFFFFFFF, v5  }
0x2b1: {  	v50 =	vld [tilespmem:s17+$0xFFFFFFE0];
	v6 =	vbroadcast v3, $0x4;
	vm0 =	veq.f32 v27, v9;
	[tilespmem:$0x1FB70] =	vst v5;
	v5 =	vimm.s32 $0x0  }
0x2b2: {  	v4 =	vbroadcast v3, $0x3;
	[tilespmem:$0x1F960] =	vst v0;
	v0 =	vbroadcast v3, $0x0;
	v5 =	vsel vm0, $0xFFFFFFFF, v5  }
0x2b3: {  	v55 =	vbroadcast v3, $0x2;
	vm0 =	veq.f32 v26, v9;
	[tilespmem:$0x1FAD0] =	vst v5;
	v5 =	vimm.s32 $0x0  }
0x2b4: {  	v2 =	vbroadcast v3, $0x1;
	v3 =	vbroadcast v57, $0xF;
	[tilespmem:$0x1F7E0] =	vst v0;
	v5 =	vsel vm0, $0xFFFFFFFF, v5  }
0x2b5: {  	vm0 =	veq.f32 v25, v9;
	[tilespmem:$0x1FAF0] =	vst v5;
	v5 =	vimm.s32 $0x0  }
0x2b6: {  	v0 =	vbroadcast v50, $0xF;
	[tilespmem:$0x1F920] =	vst v3;
	v5 =	vsel vm0, $0xFFFFFFFF, v5  }
0x2b7: {  	vm0 =	veq.f32 v37, v9;
	[tilespmem:$0x1FB10] =	vst v5;
	v5 =	vimm.s32 $0x0  }
0x2b8: {  	v3 =	vbroadcast v57, $0xE;
	[tilespmem:$0x1F7F0] =	vst v0;
	v5 =	vsel vm0, $0xFFFFFFFF, v5  }
0x2b9: {  	vm0 =	veq.f32 v30, v9;
	[tilespmem:$0x1FA70] =	vst v5;
	v5 =	vimm.s32 $0x0  }
0x2ba: {  	[tilespmem:$0x1F900] =	vst v3;
	v3 =	vbroadcast v57, $0xD;
	v5 =	vsel vm0, $0xFFFFFFFF, v5  }
0x2bb: {  	vm0 =	veq.f32 v28, v9;
	[tilespmem:$0x1FA90] =	vst v5;
	v5 =	vimm.s32 $0x0  }
0x2bc: {  	[tilespmem:$0x1F8D0] =	vst v3;
	v3 =	vbroadcast v57, $0xC;
	v5 =	vsel vm0, $0xFFFFFFFF, v5  }
0x2bd: {  	vm0 =	veq.f32 v8, v9;
	[tilespmem:$0x1FAB0] =	vst v5;
	v5 =	vimm.s32 $0x0  }
0x2be: {  	[tilespmem:$0x1F8A0] =	vst v3;
	v3 =	vbroadcast v57, $0xB;
	v5 =	vsel vm0, $0xFFFFFFFF, v5  }
0x2bf: {  	vm0 =	veq.f32 v41, v9;
	[tilespmem:$0x1FA10] =	vst v5;
	v5 =	vimm.s32 $0x0  }
0x2c0: {  	v47 =	vbroadcast v50, $0xE;
	[tilespmem:$0x1F890] =	vst v3;
	v3 =	vbroadcast v57, $0xA;
	v5 =	vsel vm0, $0xFFFFFFFF, v5  }
0x2c1: {  	v46 =	vbroadcast v50, $0xC;
	vm0 =	veq.f32 v39, v9;
	[tilespmem:$0x1FA30] =	vst v5;
	v5 =	vimm.s32 $0x0  }
0x2c2: {  	v59 =	vbroadcast v50, $0xA;
	[tilespmem:$0x1F880] =	vst v3;
	v3 =	vbroadcast v57, $0x9;
	v5 =	vsel vm0, $0xFFFFFFFF, v5  }
0x2c3: {  	v45 =	vbroadcast v50, $0x8;
	vm0 =	veq.f32 v4, v9;
	[tilespmem:$0x1FA50] =	vst v5;
	v5 =	vimm.s32 $0x0  }
0x2c4: {  	v35 =	vmovc v15;
	[tilespmem:$0x1F870] =	vst v3;
	v3 =	vbroadcast v57, $0x8;
	v15 =	vmovc v6;
	v5 =	vsel vm0, $0xFFFFFFFF, v5;
	vm0 =	veq.f32 v6, v9;
	v6 =	vld [tilespmem:$0x1F7E0]  }
0x2c5: {  	v38 =	vbroadcast v50, $0x7;
	v49 =	vbroadcast v50, $0x6;
	[tilespmem:$0x1F9B0] =	vst v5;
	v5 =	vimm.s32 $0x0  }
0x2c6: {  	v51 =	vbroadcast v50, $0x5;
	[tilespmem:$0x1F860] =	vst v3;
	v3 =	vbroadcast v57, $0x7;
	v5 =	vsel vm0, $0xFFFFFFFF, v5  }
0x2c7: {  	v53 =	vbroadcast v50, $0x4;
	vm0 =	veq.f32 v14, v9;
	[tilespmem:$0x1F9D0] =	vst v5;
	v5 =	vimm.s32 $0x0  }
0x2c8: {  	v54 =	vbroadcast v50, $0x3;
	[tilespmem:$0x1F850] =	vst v3;
	v3 =	vbroadcast v57, $0x6;
	v5 =	vsel vm0, $0xFFFFFFFF, v5  }
0x2c9: {  	v61 =	vbroadcast v50, $0x2;
	[tilespmem:$0x1F9F0] =	vst v5;
	vm0 =	veq.f32 v6, v9;
	v5 =	vimm.s32 $0x0  }
0x2ca: {  	v63 =	vbroadcast v50, $0x1;
	[tilespmem:$0x1F840] =	vst v3;
	v3 =	vbroadcast v57, $0x5;
	v5 =	vsel vm0, $0xFFFFFFFF, v5  }
0x2cb: {  	v58 =	vbroadcast v57, $0x2;
	vm0 =	veq.f32 v2, v9;
	[tilespmem:$0x1F950] =	vst v5;
	v5 =	vimm.s32 $0x0  }
0x2cc: {  	v62 =	vbroadcast v57, $0x1;
	v1 =	vbroadcast v50, $0x9;
	[tilespmem:$0x1F830] =	vst v3;
	v5 =	vsel vm0, $0xFFFFFFFF, v5  }
0x2cd: {  	v10 =	vimm.f32 $0.0e+00;
	v7 =	vbroadcast v50, $0xB;
	v3 =	vbroadcast v57, $0x4;
	[tilespmem:$0x1F970] =	vst v5;
	v5 =	vld [tilespmem:$0x1F7F0]  }
0x2ce: {  	[tilespmem:$0x1FE20] =	vst v34;
	v42 =	vimm.s32 $0x0;
	v0 =	vbroadcast v50, $0xD;
	v50 =	vbroadcast v50, $0x0  }
0x2cf: {  	v32 =	vmovc v17;
	[tilespmem:$0x1F820] =	vst v3;
	v3 =	vbroadcast v57, $0x3;
	v17 =	vimm.s32 $0x0;
	vm0 =	veq.f32 v55, v9  }
0x2d0: {  	[tilespmem:$0x1FDF0] =	vst v33;
	v33 =	vmovc v16;
	v34 =	vmovc v29;
	v57 =	vbroadcast v57, $0x0;
	v21 =	vsel vm0, $0xFFFFFFFF, v17;
	vm0 =	veq.f32 v0, v9  }
0x2d1: {  	[tilespmem:$0x1FE80] =	vst v11;
	v16 =	vmovc v8;
	v8 =	vmovc v0;
	v0 =	vimm.s32 $0x0;
	v11 =	vsel vm0, $0xFFFFFFFF, v42;
	vm0 =	veq.f32 v47, v9  }
0x2d2: {  	v29 =	vmovc v18;
	[tilespmem:$0x1F810] =	vst v3;
	v18 =	vmovc v12;
	v17 =	vimm.s32 $0x0;
	v0 =	vsel vm0, $0xFFFFFFFF, v0;
	vm0 =	veq.f32 v5, v9  }
0x2d3: {  	v12 =	vmovc v2;
	v2 =	vmovc v46;
	[tilespmem:$0x1F990] =	vst v21;
	v21 =	vsel vm0, $0xFFFFFFFF, v17;
	vm0 =	veq.f32 v46, v9;
	v46 =	vimm.s32 $0x0  }
0x2d4: {  	vm2 =	veq.f32 v50, v9;
	[tilespmem:$0x1F8F0] =	vst v11;
	v11 =	vsel vm0, $0xFFFFFFFF, v46;
	vm0 =	vlt.f32 v57, v31  }
0x2d5: {  	vm10 =	veq.f32 v1, v9;
	vm1 =	vgt.f32 v50, v9;
	[tilespmem:$0x1F910] =	vst v0;
	v0 =	vmovc v1;
	v1 =	vld [tilespmem:$0x1F810];
	vm0 =	vmand vm2, vm0  }
0x2d6: {  	vm2 =	veq.f32 v63, v9;
	vm0 =	vmor vm1, vm0;
	vm1 =	vlt.f32 v62, v31  }
0x2d7: {  	v42 =	vsel vm0, $0x3F800000, v10;
	vm0 =	vgt.f32 v63, v9;
	vm1 =	vmand vm2, vm1  }
0x2d8: {  	vm3 =	veq.f32 v61, v9;
	vm0 =	vmor vm0, vm1;
	vm1 =	vlt.f32 v58, v31  }
0x2d9: {  	v46 =	vsel vm0, $0x3F800000, v10;
	vm0 =	vgt.f32 v61, v9;
	vm1 =	vmand vm3, vm1  }
0x2da: {  	vm0 =	vmor vm0, vm1;
	vm1 =	vlt.f32 v1, v31;
	v1 =	vld [tilespmem:$0x1F820];
	_ =	sdelay $0x2  }
0x2db: {  	vm4 =	veq.f32 v54, v9  }
0x2dc: {  	v57 =	vsel vm0, $0x3F800000, v10;
	vm0 =	vgt.f32 v54, v9;
	vm1 =	vmand vm4, vm1  }
0x2dd: {  	vm0 =	vmor vm0, vm1;
	vm1 =	vlt.f32 v1, v31;
	v1 =	vld [tilespmem:$0x1F830];
	_ =	sdelay $0x2  }
0x2de: {  	vm5 =	veq.f32 v53, v9;
	[tilespmem:$0x1F8C0] =	vst v11;
	v11 =	vld [tilespmem:$0x1F800]  }
0x2df: {  	v58 =	vsel vm0, $0x3F800000, v10;
	vm0 =	vgt.f32 v53, v9;
	vm1 =	vmand vm5, vm1  }
0x2e0: {  	vm0 =	vmor vm0, vm1;
	vm1 =	vlt.f32 v1, v31;
	v1 =	vld [tilespmem:$0x1F840];
	_ =	sdelay $0x2  }
0x2e1: {  	vm6 =	veq.f32 v51, v9;
	[tilespmem:$0x1F930] =	vst v21;
	v21 =	vadd.f32 v42, v11  }
0x2e2: {  	v61 =	vsel vm0, $0x3F800000, v10;
	vm0 =	vgt.f32 v51, v9;
	vm1 =	vmand vm6, vm1  }
0x2e3: {  	vm0 =	vmor vm0, vm1;
	vm1 =	vlt.f32 v1, v31;
	v1 =	vld [tilespmem:$0x1F850]  }
0x2e4: {  	v21 =	vadd.f32 v21, v46;
	_ =	sdelay $0x1  }
0x2e5: {  	vm7 =	veq.f32 v49, v9;
	v21 =	vadd.f32 v21, v57  }
0x2e6: {  	v62 =	vsel vm0, $0x3F800000, v10;
	vm0 =	vgt.f32 v49, v9;
	vm1 =	vmand vm7, vm1  }
0x2e7: {  	vm0 =	vmor vm0, vm1;
	vm1 =	vlt.f32 v1, v31;
	v1 =	vld [tilespmem:$0x1F860]  }
0x2e8: {  	v21 =	vadd.f32 v21, v58;
	_ =	sdelay $0x1  }
0x2e9: {  	vm8 =	veq.f32 v38, v9;
	v21 =	vadd.f32 v21, v61  }
0x2ea: {  	v63 =	vsel vm0, $0x3F800000, v10;
	vm0 =	vgt.f32 v38, v9;
	vm1 =	vmand vm8, vm1  }
0x2eb: {  	v21 =	vadd.f32 v21, v62;
	vm0 =	vmor vm0, vm1;
	vm1 =	vlt.f32 v1, v31;
	v1 =	vld [tilespmem:$0x1F870];
	_ =	sdelay $0x1  }
0x2ec: {  	vm9 =	veq.f32 v45, v9;
	v21 =	vadd.f32 v21, v63  }
0x2ed: {  	v11 =	vsel vm0, $0x3F800000, v10;
	vm0 =	vgt.f32 v45, v9;
	vm1 =	vmand vm9, vm1  }
0x2ee: {  	v11 =	vadd.f32 v21, v11;
	vm0 =	vmor vm0, vm1  }
0x2ef: {  	v3 =	vld [tilespmem:$0x1F7D0];
	vm1 =	vlt.f32 v1, v31;
	v1 =	vsel vm0, $0x3F800000, v10  }
0x2f0: {  	v1 =	vadd.f32 v11, v1;
	v11 =	vld [tilespmem:$0x1F880];
	_ =	sdelay $0x3  }
0x2f1: {  	vm0 =	vgt.f32 v0, v9;
	vm1 =	vmand vm10, vm1  }
0x2f2: {  	vm15 =	veq.f32 v3, v9;
	vm0 =	vmor vm0, vm1;
	vm1 =	vlt.f32 v11, v31;
	v11 =	vmovc v3;
	v3 =	vld [tilespmem:$0x1F890];
	_ =	sdelay $0x1  }
0x2f3: {  	vm12 =	veq.f32 v59, v9  }
0x2f4: {  	v0 =	vsel vm0, $0x3F800000, v10;
	vm0 =	vgt.f32 v59, v9;
	vm1 =	vmand vm12, vm1  }
0x2f5: {  	v1 =	vadd.f32 v1, v0;
	vm0 =	vmor vm0, vm1  }
0x2f6: {  	v0 =	vld [tilespmem:$0x1F8C0];
	vm1 =	vlt.f32 v3, v31;
	v3 =	vsel vm0, $0x3F800000, v10  }
0x2f7: {  	v1 =	vadd.f32 v1, v3;
	v3 =	vld [tilespmem:$0x1F8A0];
	_ =	sdelay $0x1  }
0x2f8: {  	vm14 =	veq.f32 v7, v9  }
0x2f9: {  	vm0 =	vgt.f32 v7, v9;
	vm1 =	vmand vm14, vm1  }
0x2fa: {  	vm0 =	vmor vm0, vm1  }
0x2fb: {  	vm5 =	vnez.u8 v0;
	v0 =	vld [tilespmem:$0x1F8F0];
	vm1 =	vlt.f32 v3, v31;
	v3 =	vsel vm0, $0x3F800000, v10  }
0x2fc: {  	v1 =	vadd.f32 v1, v3;
	v3 =	vld [tilespmem:$0x1F8D0];
	_ =	sdelay $0x2  }
0x2fd: {  	vm0 =	vgt.f32 v2, v9;
	vm1 =	vmand vm5, vm1  }
0x2fe: {  	vm0 =	vmor vm0, vm1  }
0x2ff: {  	vm5 =	vnez.u8 v0;
	v0 =	vld [tilespmem:$0x1F910];
	vm1 =	vlt.f32 v3, v31;
	v3 =	vsel vm0, $0x3F800000, v10  }
0x300: {  	v1 =	vadd.f32 v1, v3;
	v3 =	vld [tilespmem:$0x1F900];
	_ =	sdelay $0x2  }
0x301: {  	vm0 =	vgt.f32 v8, v9;
	vm1 =	vmand vm5, vm1  }
0x302: {  	vm5 =	vnez.u8 v0;
	v0 =	vld [tilespmem:$0x1F930];
	vm0 =	vmor vm0, vm1  }
0x303: {  	vm1 =	vlt.f32 v3, v31;
	v3 =	vsel vm0, $0x3F800000, v10  }
0x304: {  	v1 =	vadd.f32 v1, v3;
	v3 =	vld [tilespmem:$0x1F920];
	_ =	sdelay $0x2  }
0x305: {  	vm0 =	vgt.f32 v47, v9;
	vm1 =	vmand vm5, vm1;
	vm5 =	vnez.u8 v0;
	v0 =	vld [tilespmem:$0x1F950]  }
0x306: {  	vm0 =	vmor vm0, vm1  }
0x307: {  	vm1 =	vlt.f32 v3, v31;
	v3 =	vsel vm0, $0x3F800000, v10  }
0x308: {  	v1 =	vadd.f32 v1, v3;
	v3 =	vld [tilespmem:$0x1F940];
	_ =	sdelay $0x1  }
0x309: {  	vm1 =	vmand vm5, vm1;
	vm5 =	vnez.u8 v0;
	v0 =	vld [tilespmem:$0x1F960];
	_ =	sdelay $0x1  }
0x30a: {  	vm0 =	vgt.f32 v5, v9  }
0x30b: {  	vm0 =	vmor vm0, vm1;
	vm1 =	vlt.f32 v3, v31  }
0x30c: {  	v3 =	vsel vm0, $0x3F800000, v10;
	vm0 =	vgt.f32 v6, v9;
	vm1 =	vmand vm5, vm1  }
0x30d: {  	vm0 =	vmor vm0, vm1;
	vm1 =	vlt.f32 v0, v31;
	v0 =	vld [tilespmem:$0x1F970];
	_ =	sdelay $0x4  }
0x30e: {  	vm5 =	vnez.u8 v0;
	v0 =	vld [tilespmem:$0x1F980];
	_ =	sdelay $0x2  }
0x30f: {  	v1 =	vadd.f32 v1, v3  }
0x310: {  	v3 =	vsel vm0, $0x3F800000, v10;
	vm0 =	vgt.f32 v12, v9;
	vm1 =	vmand vm5, vm1  }
0x311: {  	vm0 =	vmor vm0, vm1;
	vm1 =	vlt.f32 v0, v31;
	v0 =	vld [tilespmem:$0x1F990];
	_ =	sdelay $0x4  }
0x312: {  	vm5 =	vnez.u8 v0;
	v0 =	vld [tilespmem:$0x1F9A0];
	_ =	sdelay $0x2  }
0x313: {  	v1 =	vadd.f32 v1, v3  }
0x314: {  	v3 =	vsel vm0, $0x3F800000, v10;
	vm0 =	vgt.f32 v55, v9;
	vm1 =	vmand vm5, vm1  }
0x315: {  	vm0 =	vmor vm0, vm1;
	vm1 =	vlt.f32 v0, v31;
	v0 =	vld [tilespmem:$0x1F9B0];
	_ =	sdelay $0x4  }
0x316: {  	vm5 =	vnez.u8 v0;
	v0 =	vld [tilespmem:$0x1F9C0];
	_ =	sdelay $0x2  }
0x317: {  	v1 =	vadd.f32 v1, v3  }
0x318: {  	v3 =	vsel vm0, $0x3F800000, v10;
	vm0 =	vgt.f32 v4, v9;
	vm1 =	vmand vm5, vm1  }
0x319: {  	vm0 =	vmor vm0, vm1;
	vm1 =	vlt.f32 v0, v31;
	v0 =	vld [tilespmem:$0x1F9D0];
	_ =	sdelay $0x4  }
0x31a: {  	vm5 =	vnez.u8 v0;
	v0 =	vld [tilespmem:$0x1F9E0];
	_ =	sdelay $0x2  }
0x31b: {  	v1 =	vadd.f32 v1, v3  }
0x31c: {  	v3 =	vsel vm0, $0x3F800000, v10;
	vm0 =	vgt.f32 v15, v9;
	vm1 =	vmand vm5, vm1  }
0x31d: {  	vm0 =	vmor vm0, vm1;
	vm1 =	vlt.f32 v0, v31;
	v0 =	vld [tilespmem:$0x1F9F0];
	_ =	sdelay $0x4  }
0x31e: {  	vm5 =	vnez.u8 v0;
	v0 =	vld [tilespmem:$0x1FA00];
	_ =	sdelay $0x2  }
0x31f: {  	v1 =	vadd.f32 v1, v3  }
0x320: {  	v3 =	vsel vm0, $0x3F800000, v10;
	vm0 =	vgt.f32 v14, v9;
	vm1 =	vmand vm5, vm1  }
0x321: {  	vm0 =	vmor vm0, vm1;
	vm1 =	vlt.f32 v0, v31;
	v0 =	vld [tilespmem:$0x1FA10];
	_ =	sdelay $0x4  }
0x322: {  	vm5 =	vnez.u8 v0;
	v0 =	vld [tilespmem:$0x1FA20];
	_ =	sdelay $0x2  }
0x323: {  	v1 =	vadd.f32 v1, v3  }
0x324: {  	v3 =	vsel vm0, $0x3F800000, v10;
	vm0 =	vgt.f32 v16, v9;
	vm1 =	vmand vm5, vm1  }
0x325: {  	vm0 =	vmor vm0, vm1;
	vm1 =	vlt.f32 v0, v31;
	v0 =	vld [tilespmem:$0x1FA30];
	_ =	sdelay $0x4  }
0x326: {  	vm5 =	vnez.u8 v0;
	v0 =	vld [tilespmem:$0x1FA40];
	_ =	sdelay $0x2  }
0x327: {  	v1 =	vadd.f32 v1, v3  }
0x328: {  	v3 =	vsel vm0, $0x3F800000, v10;
	vm0 =	vgt.f32 v41, v9;
	vm1 =	vmand vm5, vm1  }
0x329: {  	vm0 =	vmor vm0, vm1;
	vm1 =	vlt.f32 v0, v31;
	v0 =	vld [tilespmem:$0x1FA50];
	_ =	sdelay $0x4  }
0x32a: {  	vm5 =	vnez.u8 v0;
	v0 =	vld [tilespmem:$0x1FA60];
	_ =	sdelay $0x2  }
0x32b: {  	v1 =	vadd.f32 v1, v3  }
0x32c: {  	v3 =	vsel vm0, $0x3F800000, v10;
	vm0 =	vgt.f32 v39, v9;
	vm1 =	vmand vm5, vm1  }
0x32d: {  	vm0 =	vmor vm0, vm1;
	vm1 =	vlt.f32 v0, v31;
	v0 =	vld [tilespmem:$0x1FA70];
	_ =	sdelay $0x4  }
0x32e: {  	vm5 =	vnez.u8 v0;
	v0 =	vld [tilespmem:$0x1FA80];
	_ =	sdelay $0x2  }
0x32f: {  	v1 =	vadd.f32 v1, v3  }
0x330: {  	v3 =	vsel vm0, $0x3F800000, v10;
	vm0 =	vgt.f32 v37, v9;
	vm1 =	vmand vm5, vm1  }
0x331: {  	vm0 =	vmor vm0, vm1;
	vm1 =	vlt.f32 v0, v31;
	v0 =	vld [tilespmem:$0x1FA90];
	_ =	sdelay $0x4  }
0x332: {  	vm5 =	vnez.u8 v0;
	v0 =	vld [tilespmem:$0x1FAA0];
	_ =	sdelay $0x2  }
0x333: {  	v1 =	vadd.f32 v1, v3  }
0x334: {  	v3 =	vsel vm0, $0x3F800000, v10;
	vm0 =	vgt.f32 v30, v9;
	vm1 =	vmand vm5, vm1  }
0x335: {  	vm0 =	vmor vm0, vm1;
	vm1 =	vlt.f32 v0, v31;
	v0 =	vld [tilespmem:$0x1FAB0];
	_ =	sdelay $0x4  }
0x336: {  	vm5 =	vnez.u8 v0;
	v0 =	vld [tilespmem:$0x1FAC0];
	_ =	sdelay $0x2  }
0x337: {  	v1 =	vadd.f32 v1, v3  }
0x338: {  	v3 =	vsel vm0, $0x3F800000, v10;
	vm0 =	vgt.f32 v28, v9;
	vm1 =	vmand vm5, vm1  }
0x339: {  	vm0 =	vmor vm0, vm1;
	vm1 =	vlt.f32 v0, v31;
	v0 =	vld [tilespmem:$0x1FAD0];
	_ =	sdelay $0x4  }
0x33a: {  	vm5 =	vnez.u8 v0;
	v0 =	vld [tilespmem:$0x1FAE0];
	_ =	sdelay $0x2  }
0x33b: {  	v1 =	vadd.f32 v1, v3  }
0x33c: {  	v3 =	vsel vm0, $0x3F800000, v10;
	vm0 =	vgt.f32 v27, v9;
	vm1 =	vmand vm5, vm1  }
0x33d: {  	vm0 =	vmor vm0, vm1;
	vm1 =	vlt.f32 v0, v31;
	v0 =	vld [tilespmem:$0x1FAF0];
	_ =	sdelay $0x4  }
0x33e: {  	vm5 =	vnez.u8 v0;
	v0 =	vld [tilespmem:$0x1FB00];
	_ =	sdelay $0x2  }
0x33f: {  	v1 =	vadd.f32 v1, v3  }
0x340: {  	v3 =	vsel vm0, $0x3F800000, v10;
	vm0 =	vgt.f32 v26, v9;
	vm1 =	vmand vm5, vm1  }
0x341: {  	vm0 =	vmor vm0, vm1;
	vm1 =	vlt.f32 v0, v31;
	v0 =	vld [tilespmem:$0x1FB10];
	_ =	sdelay $0x4  }
0x342: {  	vm5 =	vnez.u8 v0;
	v0 =	vld [tilespmem:$0x1FB20];
	_ =	sdelay $0x2  }
0x343: {  	v1 =	vadd.f32 v1, v3  }
0x344: {  	v3 =	vsel vm0, $0x3F800000, v10;
	vm0 =	vgt.f32 v25, v9;
	vm1 =	vmand vm5, vm1  }
0x345: {  	vm0 =	vmor vm0, vm1;
	vm1 =	vlt.f32 v0, v31;
	v0 =	vld [tilespmem:$0x1FB30];
	_ =	sdelay $0x4  }
0x346: {  	vm5 =	vnez.u8 v0;
	v0 =	vld [tilespmem:$0x1FB40];
	_ =	sdelay $0x2  }
0x347: {  	v1 =	vadd.f32 v1, v3  }
0x348: {  	v3 =	vsel vm0, $0x3F800000, v10;
	vm0 =	vgt.f32 v24, v9;
	vm1 =	vmand vm5, vm1  }
0x349: {  	vm0 =	vmor vm0, vm1;
	vm1 =	vlt.f32 v0, v31;
	v0 =	vld [tilespmem:$0x1FB50];
	_ =	sdelay $0x4  }
0x34a: {  	vm5 =	vnez.u8 v0;
	v0 =	vld [tilespmem:$0x1FB60];
	_ =	sdelay $0x2  }
0x34b: {  	v1 =	vadd.f32 v1, v3  }
0x34c: {  	v3 =	vsel vm0, $0x3F800000, v10;
	vm0 =	vgt.f32 v23, v9;
	vm1 =	vmand vm5, vm1  }
0x34d: {  	vm0 =	vmor vm0, vm1;
	vm1 =	vlt.f32 v0, v31;
	v0 =	vld [tilespmem:$0x1FB70];
	_ =	sdelay $0x2  }
0x34e: {  	v1 =	vadd.f32 v1, v3  }
0x34f: {  	v2 =	vld [tilespmem:$0x1FBA0];
	v3 =	vsel vm0, $0x3F800000, v10  }
0x350: {  	vm5 =	vnez.u8 v0;
	v0 =	vadd.f32 v1, v3;
	v1 =	vld [tilespmem:$0x1FB80];
	_ =	sdelay $0x2  }
0x351: {  	vm0 =	vgt.f32 v22, v9;
	vm1 =	vmand vm5, vm1  }
0x352: {  	vm0 =	vmor vm0, vm1  }
0x353: {  	vm5 =	vnez.u8 v2;
	v2 =	vld [tilespmem:$0x1FBC0];
	vm1 =	vlt.f32 v1, v31;
	v1 =	vsel vm0, $0x3F800000, v10  }
0x354: {  	v0 =	vadd.f32 v0, v1;
	v1 =	vld [tilespmem:$0x1FBB0];
	_ =	sdelay $0x2  }
0x355: {  	vm0 =	vgt.f32 v13, v9;
	vm1 =	vmand vm5, vm1  }
0x356: {  	vm0 =	vmor vm0, vm1  }
0x357: {  	vm5 =	vnez.u8 v2;
	v2 =	vld [tilespmem:$0x1FBE0];
	vm1 =	vlt.f32 v1, v31;
	v1 =	vsel vm0, $0x3F800000, v10  }
0x358: {  	v0 =	vadd.f32 v0, v1;
	v1 =	vld [tilespmem:$0x1FBD0];
	_ =	sdelay $0x2  }
0x359: {  	vm0 =	vgt.f32 v18, v9;
	vm1 =	vmand vm5, vm1  }
0x35a: {  	vm0 =	vmor vm0, vm1  }
0x35b: {  	vm5 =	vnez.u8 v2;
	v2 =	vld [tilespmem:$0x1FC00];
	vm1 =	vlt.f32 v1, v31;
	v1 =	vsel vm0, $0x3F800000, v10  }
0x35c: {  	v0 =	vadd.f32 v0, v1;
	v1 =	vld [tilespmem:$0x1FBF0];
	_ =	sdelay $0x2  }
0x35d: {  	vm0 =	vgt.f32 v20, v9;
	vm1 =	vmand vm5, vm1  }
0x35e: {  	vm0 =	vmor vm0, vm1  }
0x35f: {  	vm5 =	vnez.u8 v2;
	v2 =	vld [tilespmem:$0x1FC20];
	vm1 =	vlt.f32 v1, v31;
	v1 =	vsel vm0, $0x3F800000, v10  }
0x360: {  	v0 =	vadd.f32 v0, v1;
	v1 =	vld [tilespmem:$0x1FC10];
	_ =	sdelay $0x2  }
0x361: {  	vm0 =	vgt.f32 v19, v9;
	vm1 =	vmand vm5, vm1  }
0x362: {  	vm0 =	vmor vm0, vm1  }
0x363: {  	vm5 =	vnez.u8 v2;
	v2 =	vld [tilespmem:$0x1FC40];
	vm1 =	vlt.f32 v1, v31;
	v1 =	vsel vm0, $0x3F800000, v10  }
0x364: {  	v0 =	vadd.f32 v0, v1;
	v1 =	vld [tilespmem:$0x1FC30];
	_ =	sdelay $0x2  }
0x365: {  	vm0 =	vgt.f32 v29, v9;
	vm1 =	vmand vm5, vm1  }
0x366: {  	vm0 =	vmor vm0, vm1  }
0x367: {  	vm5 =	vnez.u8 v2;
	v2 =	vld [tilespmem:$0x1FC60];
	vm1 =	vlt.f32 v1, v31;
	v1 =	vsel vm0, $0x3F800000, v10  }
0x368: {  	v0 =	vadd.f32 v0, v1;
	v1 =	vld [tilespmem:$0x1FC50];
	_ =	sdelay $0x2  }
0x369: {  	vm0 =	vgt.f32 v32, v9;
	vm1 =	vmand vm5, vm1  }
0x36a: {  	vm0 =	vmor vm0, vm1  }
0x36b: {  	vm5 =	vnez.u8 v2;
	v2 =	vld [tilespmem:$0x1FC80];
	vm1 =	vlt.f32 v1, v31;
	v1 =	vsel vm0, $0x3F800000, v10  }
0x36c: {  	v0 =	vadd.f32 v0, v1;
	v1 =	vld [tilespmem:$0x1FC70];
	_ =	sdelay $0x2  }
0x36d: {  	vm0 =	vgt.f32 v33, v9;
	vm1 =	vmand vm5, vm1  }
0x36e: {  	vm0 =	vmor vm0, vm1  }
0x36f: {  	vm5 =	vnez.u8 v2;
	v2 =	vld [tilespmem:$0x1FCA0];
	vm1 =	vlt.f32 v1, v31;
	v1 =	vsel vm0, $0x3F800000, v10  }
0x370: {  	v0 =	vadd.f32 v0, v1;
	v1 =	vld [tilespmem:$0x1FC90];
	_ =	sdelay $0x2  }
0x371: {  	vm0 =	vgt.f32 v34, v9;
	vm1 =	vmand vm5, vm1  }
0x372: {  	vm0 =	vmor vm0, vm1  }
0x373: {  	vm5 =	vnez.u8 v2;
	v2 =	vld [tilespmem:$0x1FCC0];
	vm1 =	vlt.f32 v1, v31;
	v1 =	vsel vm0, $0x3F800000, v10  }
0x374: {  	v0 =	vadd.f32 v0, v1;
	v1 =	vld [tilespmem:$0x1FCB0];
	_ =	sdelay $0x2  }
0x375: {  	vm0 =	vgt.f32 v35, v9;
	vm1 =	vmand vm5, vm1  }
0x376: {  	vm0 =	vmor vm0, vm1  }
0x377: {  	vm5 =	vnez.u8 v2;
	v2 =	vld [tilespmem:$0x1FCE0];
	vm1 =	vlt.f32 v1, v31;
	v1 =	vsel vm0, $0x3F800000, v10  }
0x378: {  	v0 =	vadd.f32 v0, v1;
	v1 =	vld [tilespmem:$0x1FCD0];
	_ =	sdelay $0x2  }
0x379: {  	vm0 =	vgt.f32 v60, v9;
	vm1 =	vmand vm5, vm1  }
0x37a: {  	vm0 =	vmor vm0, vm1  }
0x37b: {  	vm5 =	vnez.u8 v2;
	v2 =	vld [tilespmem:$0x1FD00];
	vm1 =	vlt.f32 v1, v31;
	v1 =	vsel vm0, $0x3F800000, v10  }
0x37c: {  	v0 =	vadd.f32 v0, v1;
	v1 =	vld [tilespmem:$0x1FCF0];
	_ =	sdelay $0x2  }
0x37d: {  	vm0 =	vgt.f32 v43, v9;
	vm1 =	vmand vm5, vm1  }
0x37e: {  	vm0 =	vmor vm0, vm1  }
0x37f: {  	vm5 =	vnez.u8 v2;
	v2 =	vld [tilespmem:$0x1FD20];
	vm1 =	vlt.f32 v1, v31;
	v1 =	vsel vm0, $0x3F800000, v10  }
0x380: {  	v0 =	vadd.f32 v0, v1;
	v1 =	vld [tilespmem:$0x1FD10];
	_ =	sdelay $0x2  }
0x381: {  	vm0 =	vgt.f32 v36, v9;
	vm1 =	vmand vm5, vm1  }
0x382: {  	v36 =	vimm.f32 $0.0e+00;
	vm0 =	vmor vm0, vm1  }
0x383: {  	vm5 =	vnez.u8 v2;
	v2 =	vld [tilespmem:$0x1FD40];
	vm1 =	vlt.f32 v1, v31;
	v1 =	vsel vm0, $0x3F800000, v36  }
0x384: {  	v0 =	vadd.f32 v0, v1;
	v1 =	vld [tilespmem:$0x1FD30];
	_ =	sdelay $0x2  }
0x385: {  	vm0 =	vgt.f32 v56, v9;
	vm1 =	vmand vm5, vm1  }
0x386: {  	vm0 =	vmor vm0, vm1  }
0x387: {  	vm5 =	vnez.u8 v2;
	v2 =	vld [tilespmem:$0x1FD60];
	vm1 =	vlt.f32 v1, v31;
	v1 =	vsel vm0, $0x3F800000, v36  }
0x388: {  	v0 =	vadd.f32 v0, v1;
	v1 =	vld [tilespmem:$0x1FD50];
	_ =	sdelay $0x2  }
0x389: {  	vm0 =	vgt.f32 v52, v9;
	vm1 =	vmand vm5, vm1  }
0x38a: {  	vm0 =	vmor vm0, vm1  }
0x38b: {  	vm5 =	vnez.u8 v2;
	v2 =	vld [tilespmem:$0x1FD80];
	vm1 =	vlt.f32 v1, v31;
	v1 =	vsel vm0, $0x3F800000, v36  }
0x38c: {  	v0 =	vadd.f32 v0, v1;
	v1 =	vld [tilespmem:$0x1FD70];
	_ =	sdelay $0x2  }
0x38d: {  	vm0 =	vgt.f32 v48, v9;
	vm1 =	vmand vm5, vm1  }
0x38e: {  	vm0 =	vmor vm0, vm1  }
0x38f: {  	vm5 =	vnez.u8 v2;
	v2 =	vld [tilespmem:$0x1FDA0];
	vm1 =	vlt.f32 v1, v31;
	v1 =	vsel vm0, $0x3F800000, v36  }
0x390: {  	v0 =	vadd.f32 v0, v1;
	v1 =	vld [tilespmem:$0x1FD90];
	_ =	sdelay $0x2  }
0x391: {  	vm0 =	vgt.f32 v44, v9;
	vm1 =	vmand vm5, vm1  }
0x392: {  	vm0 =	vmor vm0, vm1  }
0x393: {  	vm1 =	vlt.f32 v1, v31;
	v1 =	vsel vm0, $0x3F800000, v36;
	vm0 =	vgt.f32 v2, v9;
	v2 =	vld [tilespmem:$0x1FDB0];
	_ =	sdelay $0x2  }
0x394: {  	v0 =	vadd.f32 v0, v1;
	v1 =	vld [tilespmem:$0x1FDC0];
	_ =	sdelay $0x1  }
0x395: {  	vm5 =	vnez.u8 v2;
	v2 =	vld [tilespmem:$0x1FDD0]  }
0x396: {  	vm1 =	vmand vm5, vm1  }
0x397: {  	vm0 =	vmor vm0, vm1  }
0x398: {  	vm1 =	vlt.f32 v1, v31;
	v1 =	vsel vm0, $0x3F800000, v36  }
0x399: {  	v0 =	vadd.f32 v0, v1;
	v1 =	vld [tilespmem:$0x1FDE0]  }
0x39a: {  	vm5 =	vnez.u8 v2;
	v2 =	vld [tilespmem:$0x1FDF0];
	_ =	sdelay $0x2  }
0x39b: {  	vm0 =	vgt.f32 v40, v9;
	vm1 =	vmand vm5, vm1  }
0x39c: {  	vm0 =	vmor vm0, vm1  }
0x39d: {  	vm1 =	vlt.f32 v1, v31;
	v1 =	vsel vm0, $0x3F800000, v36;
	vm0 =	vgt.f32 v2, v9;
	v2 =	vld [tilespmem:$0x1FE00];
	_ =	sdelay $0x3  }
0x39e: {  	v0 =	vadd.f32 v0, v1;
	v1 =	vld [tilespmem:$0x1FE10]  }
0x39f: {  	vm5 =	vnez.u8 v2;
	v2 =	vld [tilespmem:$0x1FE20];
	_ =	sdelay $0x2  }
0x3a0: {  	vm1 =	vmand vm5, vm1  }
0x3a1: {  	vm0 =	vmor vm0, vm1  }
0x3a2: {  	vm1 =	vlt.f32 v1, v31;
	v1 =	vsel vm0, $0x3F800000, v36;
	vm0 =	vgt.f32 v2, v9;
	v2 =	vld [tilespmem:$0x1FE30];
	_ =	sdelay $0x3  }
0x3a3: {  	v0 =	vadd.f32 v0, v1;
	v1 =	vld [tilespmem:$0x1FE40]  }
0x3a4: {  	vm5 =	vnez.u8 v2;
	v2 =	vld [tilespmem:$0x1FE50];
	_ =	sdelay $0x2  }
0x3a5: {  	vm1 =	vmand vm5, vm1  }
0x3a6: {  	vm0 =	vmor vm0, vm1  }
0x3a7: {  	vm1 =	vlt.f32 v1, v31;
	v1 =	vsel vm0, $0x3F800000, v36;
	vm0 =	vgt.f32 v2, v9;
	v2 =	vld [tilespmem:$0x1FE60];
	_ =	sdelay $0x3  }
0x3a8: {  	v0 =	vadd.f32 v0, v1;
	v1 =	vld [tilespmem:$0x1FE70]  }
0x3a9: {  	vm5 =	vnez.u8 v2;
	v2 =	vld [tilespmem:$0x1FE80];
	_ =	sdelay $0x2  }
0x3aa: {  	vm1 =	vmand vm5, vm1  }
0x3ab: {  	vm0 =	vmor vm0, vm1  }
0x3ac: {  	vm1 =	vlt.f32 v1, v31;
	v1 =	vsel vm0, $0x3F800000, v36;
	vm0 =	vgt.f32 v2, v9;
	v2 =	vld [tilespmem:$0x1FE90];
	_ =	sdelay $0x3  }
0x3ad: {  	v0 =	vadd.f32 v0, v1;
	v1 =	vld [tilespmem:$0x1FEA0]  }
0x3ae: {  	vm5 =	vnez.u8 v2;
	v2 =	vld [tilespmem:$0x1FEB0];
	_ =	sdelay $0x2  }
0x3af: {  	vm1 =	vmand vm5, vm1  }
0x3b0: {  	vm0 =	vmor vm0, vm1  }
0x3b1: {  	vm1 =	vlt.f32 v1, v31;
	v1 =	vsel vm0, $0x3F800000, v36;
	vm0 =	vgt.f32 v2, v9;
	v2 =	vld [tilespmem:$0x1FEC0];
	_ =	sdelay $0x3  }
0x3b2: {  	v0 =	vadd.f32 v0, v1;
	v1 =	vld [tilespmem:$0x1FED0]  }
0x3b3: {  	vm5 =	vnez.u8 v2;
	v2 =	vld [tilespmem:$0x1FEE0];
	_ =	sdelay $0x2  }
0x3b4: {  	vm1 =	vmand vm5, vm1  }
0x3b5: {  	vm0 =	vmor vm0, vm1  }
0x3b6: {  	vm1 =	vlt.f32 v1, v31;
	v1 =	vsel vm0, $0x3F800000, v36;
	vm0 =	vgt.f32 v2, v9;
	v2 =	vld [tilespmem:$0x1FEF0];
	_ =	sdelay $0x3  }
0x3b7: {  	v0 =	vadd.f32 v0, v1;
	v1 =	vld [tilespmem:$0x1FF00]  }
0x3b8: {  	vm5 =	vnez.u8 v2;
	v2 =	vld [tilespmem:$0x1FF10];
	_ =	sdelay $0x2  }
0x3b9: {  	vm1 =	vmand vm5, vm1  }
0x3ba: {  	vm0 =	vmor vm0, vm1  }
0x3bb: {  	vm1 =	vlt.f32 v1, v31;
	v1 =	vsel vm0, $0x3F800000, v36;
	vm0 =	vgt.f32 v2, v9;
	v2 =	vld [tilespmem:$0x1FF20];
	_ =	sdelay $0x3  }
0x3bc: {  	v0 =	vadd.f32 v0, v1;
	v1 =	vld [tilespmem:$0x1FF30]  }
0x3bd: {  	vm5 =	vnez.u8 v2;
	v2 =	vld [tilespmem:$0x1FF40];
	_ =	sdelay $0x2  }
0x3be: {  	vm1 =	vmand vm5, vm1  }
0x3bf: {  	vm0 =	vmor vm0, vm1  }
0x3c0: {  	vm1 =	vlt.f32 v1, v31;
	v1 =	vsel vm0, $0x3F800000, v36;
	vm0 =	vgt.f32 v2, v9;
	v2 =	vld [tilespmem:$0x1FF50];
	_ =	sdelay $0x3  }
0x3c1: {  	v0 =	vadd.f32 v0, v1;
	v1 =	vld [tilespmem:$0x1FF60]  }
0x3c2: {  	vm5 =	vnez.u8 v2;
	v2 =	vld [tilespmem:$0x1FF70];
	_ =	sdelay $0x2  }
0x3c3: {  	vm1 =	vmand vm5, vm1  }
0x3c4: {  	vm0 =	vmor vm0, vm1  }
0x3c5: {  	vm1 =	vlt.f32 v1, v31;
	v1 =	vsel vm0, $0x3F800000, v36;
	vm0 =	vgt.f32 v2, v9;
	v2 =	vld [tilespmem:$0x1FF80];
	_ =	sdelay $0x3  }
0x3c6: {  	s16 =	sadd.s32 $0x4, s16  }
0x3c7: {  	p0 =	slt.u32 s16, $0xC;
	vm5 =	vnez.u8 v2;
	v2 =	vadd.f32 v0, v1;
	v0 =	vld [tilespmem:$0x1FF90]  }
.Ltmp9:
0x3c8: {  	_ = 	snop;
	(pc) =	sbr.rel @p0 .LBB2_20-.Ltmp9, $4  }
0x3c9: {  	_ = 	snop  }
0x3ca: {  	v21 =	vld [tilespmem:$0x1F8B0]  }
0x3cb: {  	v7 =	vld [tilespmem:$0x1F8E0];
	vm1 =	vmand vm5, vm1  }
0x3cc: {  	s17 =	sadd.s32 $0x40, s17;
	v4 =	vld [tilespmem:$0x1FB90];
	vm1 =	vmor vm0, vm1;
	vm0 =	vlt.f32 v0, v31  }
0x3cd: {  	v0 =	vld [tilespmem:$0x9900]  }
0x3ce: {  	v1 =	vld [tilespmem:$0x9A80];
	_ =	sdelay $0x4  }
0x3cf: {  	v44 =	vbroadcast v0, $0x0;
	v46 =	vbroadcast v1, $0x0  }
0x3d0: {  	v48 =	vbroadcast v0, $0x1;
	v49 =	vbroadcast v1, $0x1  }
0x3d1: {  	v50 =	vbroadcast v0, $0x2;
	v52 =	vbroadcast v1, $0x2  }
0x3d2: {  	v54 =	vbroadcast v0, $0x3;
	v55 =	vbroadcast v1, $0x3  }
0x3d3: {  	v3 =	vsel vm1, $0x3F800000, v36;
	v56 =	vbroadcast v0, $0x4;
	v58 =	vbroadcast v1, $0x4  }
0x3d4: {  	vm0 =	vmand vm15, vm0;
	v60 =	vbroadcast v0, $0x5;
	v61 =	vbroadcast v1, $0x5  }
0x3d5: {  	vm8 =	vgt.f32 v11, v9;
	v62 =	vbroadcast v0, $0x6;
	v8 =	vbroadcast v1, $0x6  }
0x3d6: {  	v2 =	vadd.f32 v2, v3;
	v11 =	vbroadcast v0, $0x7;
	v12 =	vbroadcast v1, $0x7  }
0x3d7: {  	vm0 =	vmor vm8, vm0;
	v13 =	vbroadcast v0, $0x8;
	v15 =	vbroadcast v1, $0x8  }
0x3d8: {  	vm9 =	vlt.f32 v21, v31;
	v17 =	vbroadcast v0, $0x9;
	v18 =	vbroadcast v1, $0x9  }
0x3d9: {  	v5 =	vld [tilespmem:$0x1FFA0];
	v43 =	vsel vm0, $0x3F800000, v36;
	v19 =	vbroadcast v0, $0xA;
	v21 =	vbroadcast v1, $0xA  }
0x3da: {  	v39 =	vld [tilespmem:$0x9910];
	vm1 =	vmand vm11, vm9;
	v23 =	vbroadcast v0, $0xB;
	v24 =	vbroadcast v1, $0xB  }
0x3db: {  	v40 =	vld [tilespmem:$0x9A90];
	v2 =	vadd.f32 v2, v43;
	v25 =	vbroadcast v0, $0xC;
	v27 =	vbroadcast v1, $0xC  }
0x3dc: {  	vm2 =	vgt.f32 v7, v9;
	v33 =	vbroadcast v0, $0xD;
	v34 =	vbroadcast v1, $0xD  }
0x3dd: {  	vm12 =	vlt.f32 v4, v31;
	v35 =	vbroadcast v0, $0xE;
	v38 =	vbroadcast v1, $0xE  }
0x3de: {  	vm10 =	vgt.f32 v5, v9;
	v0 =	vbroadcast v0, $0xF;
	v1 =	vbroadcast v1, $0xF  }
0x3df: {  	v41 =	vbroadcast v39, $0x0;
	vm0 =	vmor vm10, vm1;
	vm1 =	vmand vm13, vm12  }
0x3e0: {  	v43 =	vbroadcast v40, $0x0;
	v45 =	vsel vm0, $0x3F800000, v36;
	vm14 =	vmor vm2, vm1  }
0x3e1: {  	vm15 =	veq.f32 v44, v9;
	vm4 =	vlt.f32 v46, v31;
	vm5 =	vgt.f32 v44, v9  }
0x3e2: {  	vm6 =	veq.f32 v48, v9;
	vm7 =	vlt.f32 v49, v31;
	vm3 =	vgt.f32 v48, v9  }
0x3e3: {  	vm9 =	veq.f32 v50, v9;
	vm10 =	vlt.f32 v52, v31;
	vm11 =	vgt.f32 v50, v9  }
0x3e4: {  	vm12 =	veq.f32 v54, v9;
	v46 =	vbroadcast v40, $0x1;
	v49 =	vbroadcast v40, $0x2  }
0x3e5: {  	vm13 =	vlt.f32 v55, v31;
	v52 =	vbroadcast v40, $0x3;
	v55 =	vbroadcast v40, $0x4  }
0x3e6: {  	v2 =	vadd.f32 v2, v45;
	v47 =	vsel vm14, $0x3F800000, v36;
	vm0 =	vmand vm15, vm4  }
0x3e7: {  	vm1 =	vmand vm6, vm7;
	vm14 =	vgt.f32 v54, v9;
	vm4 =	veq.f32 v56, v9  }
0x3e8: {  	vm6 =	vgt.f32 v56, v9;
	vm7 =	veq.f32 v60, v9;
	v45 =	vbroadcast v39, $0x1  }
0x3e9: {  	vm0 =	vmor vm5, vm0;
	vm8 =	vmor vm3, vm1;
	vm1 =	vmand vm12, vm13  }
0x3ea: {  	vm5 =	vlt.f32 v58, v31;
	vm12 =	vlt.f32 v8, v31;
	vm13 =	vgt.f32 v62, v9  }
0x3eb: {  	v58 =	vbroadcast v40, $0x5;
	v2 =	vadd.f32 v2, v47;
	v51 =	vsel vm0, $0x3F800000, v36  }
0x3ec: {  	v53 =	vsel vm8, $0x3F800000, v36;
	vm0 =	vmand vm9, vm10;
	vm15 =	vmor vm14, vm1  }
0x3ed: {  	vm8 =	vlt.f32 v61, v31;
	vm9 =	vgt.f32 v60, v9;
	vm14 =	veq.f32 v11, v9  }
0x3ee: {  	v47 =	vbroadcast v39, $0x2;
	v61 =	vbroadcast v40, $0x6;
	vm0 =	vmor vm11, vm0  }
0x3ef: {  	v59 =	vsel vm15, $0x3F800000, v36;
	vm1 =	vmand vm7, vm8;
	vm11 =	veq.f32 v62, v9  }
0x3f0: {  	vm15 =	vlt.f32 v12, v31;
	vm8 =	veq.f32 v13, v9;
	v2 =	vadd.f32 v51, v2  }
0x3f1: {  	v57 =	vsel vm0, $0x3F800000, v36;
	vm0 =	vmand vm4, vm5;
	vm10 =	vmor vm9, vm1  }
0x3f2: {  	vm1 =	vmand vm14, vm15;
	vm9 =	vlt.f32 v15, v31;
	vm15 =	veq.f32 v19, v9  }
0x3f3: {  	vm4 =	vlt.f32 v21, v31;
	v51 =	vbroadcast v39, $0x3;
	v15 =	vbroadcast v39, $0x9  }
0x3f4: {  	vm5 =	vgt.f32 v19, v9;
	v19 =	vbroadcast v40, $0xA;
	v21 =	vbroadcast v39, $0xB  }
0x3f5: {  	vm0 =	vmor vm6, vm0;
	v10 =	vsel vm10, $0x3F800000, v36;
	vm6 =	vgt.f32 v11, v9  }
0x3f6: {  	vm10 =	vgt.f32 v13, v9;
	v11 =	vbroadcast v39, $0x8;
	v13 =	vbroadcast v40, $0x8  }
0x3f7: {  	v2 =	vadd.f32 v2, v53;
	v63 =	vsel vm0, $0x3F800000, v36;
	vm0 =	vmand vm11, vm12  }
0x3f8: {  	vm7 =	vmor vm6, vm1;
	vm11 =	veq.f32 v17, v9;
	vm12 =	vlt.f32 v18, v31  }
0x3f9: {  	vm6 =	veq.f32 v23, v9;
	v53 =	vbroadcast v39, $0x4;
	vm0 =	vmor vm13, vm0  }
0x3fa: {  	v16 =	vsel vm7, $0x3F800000, v36;
	vm13 =	vgt.f32 v17, v9;
	vm1 =	vmand vm11, vm12  }
0x3fb: {  	vm7 =	vlt.f32 v24, v31;
	vm11 =	vlt.f32 v27, v31;
	vm12 =	vgt.f32 v25, v9  }
0x3fc: {  	v17 =	vbroadcast v39, $0xA;
	v2 =	vadd.f32 v2, v57;
	v14 =	vsel vm0, $0x3F800000, v36  }
0x3fd: {  	vm0 =	vmand vm8, vm9;
	vm14 =	vmor vm13, vm1;
	vm8 =	vgt.f32 v23, v9  }
0x3fe: {  	vm1 =	vmand vm6, vm7;
	vm13 =	veq.f32 v33, v9;
	vm6 =	vlt.f32 v38, v31  }
0x3ff: {  	vm7 =	vgt.f32 v35, v9;
	v57 =	vbroadcast v39, $0x5;
	v23 =	vbroadcast v39, $0xC  }
0x400: {  	vm0 =	vmor vm10, vm0;
	v22 =	vsel vm14, $0x3F800000, v36;
	vm9 =	vmor vm8, vm1  }
0x401: {  	vm10 =	veq.f32 v25, v9;
	vm14 =	vlt.f32 v34, v31;
	vm8 =	veq.f32 v0, v9  }
0x402: {  	v25 =	vbroadcast v40, $0xC;
	v2 =	vadd.f32 v2, v59;
	v20 =	vsel vm0, $0x3F800000, v36  }
0x403: {  	vm0 =	vmand vm15, vm4;
	v32 =	vsel vm9, $0x3F800000, v36;
	vm15 =	vgt.f32 v33, v9  }
0x404: {  	vm1 =	vmand vm13, vm14;
	vm9 =	vlt.f32 v1, v31;
	vm13 =	vlt.f32 v43, v31  }
0x405: {  	vm14 =	vgt.f32 v41, v9;
	v59 =	vbroadcast v39, $0x6;
	v43 =	vtrunc.f32 v31  }
0x406: {  	vm0 =	vmor vm5, vm0;
	vm4 =	vmor vm15, vm1;
	vm5 =	veq.f32 v35, v9  }
0x407: {  	vm1 =	vmand vm8, vm9;
	vm15 =	veq.f32 v45, v9;
	vm9 =	veq.f32 v47, v9  }
0x408: {  	v2 =	vadd.f32 v2, v63;
	v26 =	vsel vm0, $0x3F800000, v36;
	vm0 =	vmand vm10, vm11  }
0x409: {  	v8 =	vsel vm4, $0x3F800000, v36;
	vm10 =	vgt.f32 v0, v9;
	vm4 =	veq.f32 v53, v9  }
0x40a: {  	v63 =	vbroadcast v39, $0x7;
	vm0 =	vmor vm12, vm0;
	vm11 =	vmor vm10, vm1  }
0x40b: {  	vm12 =	veq.f32 v41, v9;
	vm10 =	vlt.f32 v49, v31;
	v2 =	vadd.f32 v2, v10  }
0x40c: {  	v37 =	vsel vm0, $0x3F800000, v36;
	vm0 =	vmand vm5, vm6;
	v44 =	vsel vm11, $0x3F800000, v36  }
0x40d: {  	vm6 =	vlt.f32 v46, v31;
	vm11 =	vgt.f32 v47, v9;
	vm5 =	vlt.f32 v55, v31  }
0x40e: {  	v10 =	vbroadcast v40, $0x7;
	vm0 =	vmor vm7, vm0;
	vm7 =	vgt.f32 v45, v9  }
0x40f: {  	vm1 =	vmand vm15, vm6;
	vm6 =	vgt.f32 v53, v9;
	v2 =	vadd.f32 v2, v14  }
0x410: {  	v42 =	vsel vm0, $0x3F800000, v36;
	vm0 =	vmand vm12, vm13;
	vm8 =	vmor vm7, vm1  }
0x411: {  	vm12 =	veq.f32 v51, v9;
	vm13 =	vlt.f32 v52, v31;
	vm7 =	veq.f32 v57, v9  }
0x412: {  	vm0 =	vmor vm14, vm0;
	v50 =	vsel vm8, $0x3F800000, v36;
	vm14 =	vgt.f32 v51, v9  }
0x413: {  	vm1 =	vmand vm12, vm13;
	vm8 =	vlt.f32 v58, v31;
	vm12 =	vlt.f32 v61, v31  }
0x414: {  	vm13 =	vgt.f32 v59, v9;
	v2 =	vadd.f32 v2, v16;
	v48 =	vsel vm0, $0x3F800000, v36  }
0x415: {  	vm0 =	vmand vm9, vm10;
	vm15 =	vmor vm14, vm1;
	vm9 =	vgt.f32 v57, v9  }
0x416: {  	vm1 =	vmand vm7, vm8;
	vm14 =	veq.f32 v63, v9;
	vm8 =	veq.f32 v11, v9  }
0x417: {  	v16 =	vbroadcast v40, $0x9;
	vm0 =	vmor vm11, vm0;
	v2 =	vadd.f32 v2, v20  }
0x418: {  	v56 =	vsel vm15, $0x3F800000, v36;
	vm10 =	vmor vm9, vm1;
	vm11 =	veq.f32 v59, v9  }
0x419: {  	vm15 =	vlt.f32 v10, v31;
	vm9 =	vlt.f32 v13, v31;
	v2 =	vadd.f32 v2, v22  }
0x41a: {  	v54 =	vsel vm0, $0x3F800000, v36;
	vm0 =	vmand vm4, vm5;
	v62 =	vsel vm10, $0x3F800000, v36  }
0x41b: {  	vm1 =	vmand vm14, vm15;
	vm10 =	vgt.f32 v11, v9;
	v2 =	vadd.f32 v2, v26  }
0x41c: {  	vm15 =	veq.f32 v17, v9;
	vm4 =	vlt.f32 v19, v31;
	vm5 =	vgt.f32 v17, v9  }
0x41d: {  	vm0 =	vmor vm6, vm0;
	vm6 =	vgt.f32 v63, v9;
	v4 =	vadd.f32 v2, v32  }
0x41e: {  	v60 =	vsel vm0, $0x3F800000, v36;
	vm0 =	vmand vm11, vm12;
	vm7 =	vmor vm6, vm1  }
0x41f: {  	vm11 =	veq.f32 v15, v9;
	vm12 =	vlt.f32 v16, v31;
	v4 =	vadd.f32 v4, v37  }
0x420: {  	v22 =	vbroadcast v40, $0xB;
	vm6 =	veq.f32 v21, v9;
	vm0 =	vmor vm13, vm0  }
0x421: {  	v14 =	vsel vm7, $0x3F800000, v36;
	vm13 =	vgt.f32 v15, v9;
	v4 =	vadd.f32 v4, v8  }
0x422: {  	vm1 =	vmand vm11, vm12;
	vm11 =	vlt.f32 v25, v31;
	v12 =	vsel vm0, $0x3F800000, v36  }
0x423: {  	vm0 =	vmand vm8, vm9;
	vm14 =	vmor vm13, vm1;
	v1 =	vadd.f32 v4, v42  }
0x424: {  	vm7 =	vlt.f32 v22, v31;
	vm8 =	vgt.f32 v21, v9;
	vm0 =	vmor vm10, vm0  }
0x425: {  	vm1 =	vmand vm6, vm7;
	vm10 =	veq.f32 v23, v9;
	v1 =	vadd.f32 v1, v44  }
0x426: {  	v18 =	vsel vm0, $0x3F800000, v36;
	vm0 =	vmand vm15, vm4;
	v2 =	vbroadcast v39, $0xF  }
0x427: {  	v0 =	vld [tilespmem:$0x9920];
	vm9 =	vmor vm8, vm1;
	vm0 =	vmor vm5, vm0;
	v1 =	vadd.f32 v1, v48  }
0x428: {  	v24 =	vsel vm0, $0x3F800000, v36;
	vm0 =	vmand vm10, vm11;
	vm8 =	veq.f32 v2, v9  }
0x429: {  	vm10 =	vgt.f32 v2, v9;
	v2 =	vcvt.f32.s32 v43;
	v1 =	vadd.f32 v1, v50  }
0x42a: {  	v3 =	vbroadcast v40, $0xF;
	v27 =	vbroadcast v39, $0xD  }
0x42b: {  	v33 =	vbroadcast v39, $0xE;
	(v2sf) =	vpush v2, $0xD;
	v1 =	vadd.f32 v1, v54  }
0x42c: {  	v35 =	vbroadcast v40, $0xE;
	v46 =	vbroadcast v0, $0x2  }
0x42d: {  	v49 =	vbroadcast v0, $0x3;
	(v2sf) =	vpush v2, $0xC;
	v1 =	vadd.f32 v1, v56  }
0x42e: {  	v52 =	vbroadcast v0, $0x4;
	v55 =	vbroadcast v0, $0x5  }
0x42f: {  	v58 =	vbroadcast v0, $0x6;
	(v2sf) =	vpush v2, $0xE;
	v1 =	vadd.f32 v1, v60  }
0x430: {  	v61 =	vbroadcast v0, $0x7;
	v13 =	vbroadcast v0, $0x9  }
0x431: {  	v19 =	vbroadcast v0, $0xB;
	(v2sf) =	vpush v2, $0xF;
	v1 =	vadd.f32 v1, v62  }
0x432: {  	vm3 =	vcmask $0xB08;
	v63 =	vbroadcast v0, $0x8;
	v16 =	vbroadcast v0, $0xA  }
0x433: {  	vm12 =	vgt.f32 v23, v9;
	(v2sf) =	vpush v2, $0x9;
	v1 =	vadd.f32 v1, v12  }
0x434: {  	vm13 =	veq.f32 v27, v9;
	v20 =	vsel vm14, $0x3F800000, v36;
	vm6 =	vlt.f32 v35, v31  }
0x435: {  	vm7 =	vgt.f32 v33, v9;
	(v2sf) =	vpush v2, $0x8;
	v1 =	vadd.f32 v1, v14  }
0x436: {  	v32 =	vbroadcast v40, $0xD;
	vm15 =	vgt.f32 v27, v9;
	v39 =	vbroadcast v0, $0x0  }
0x437: {  	v26 =	vsel vm9, $0x3F800000, v36;
	vm5 =	veq.f32 v33, v9;
	v1 =	vadd.f32 v1, v18  }
0x438: {  	vm9 =	vlt.f32 v3, v31;
	vm14 =	vlt.f32 v32, v31;
	vm11 =	vgt.f32 v39, v9  }
0x439: {  	v32 =	vbroadcast v0, $0xD;
	vm0 =	vmor vm12, vm0;
	v1 =	vadd.f32 v1, v20  }
0x43a: {  	vm1 =	vmand vm13, vm14;
	vm12 =	veq.f32 v39, v9;
	v34 =	vsel vm0, $0x3F800000, v36;
	s16 =	spop (v2sf)  }
0x43b: {  	vm4 =	vmor vm15, vm1;
	vm0 =	vmand vm5, vm6;
	s15 =	smulhi.u32 $0x66666667, s16;
	s16 =	sshra.s32 s16, $0x1F;
	v1 =	vadd.f32 v1, v24  }
0x43c: {  	vm1 =	vmand vm8, vm9;
	vm5 =	veq.f32 v46, v9;
	(v2sf) =	vpush v2, $0xA;
	s17 =	spop (v2sf);
	s16 =	smul.u32 $0x66666667, s16  }
0x43d: {  	vm8 =	veq.f32 v49, v9;
	(v2sf) =	vpush v2, $0xB;
	s18 =	smulhi.u32 $0x66666667, s17;
	s17 =	sshra.s32 s17, $0x1F;
	v1 =	vadd.f32 v1, v26  }
0x43e: {  	v37 =	vsel vm4, $0x3F800000, v36;
	vm0 =	vmor vm7, vm0;
	(v2sf) =	vpush v2, $0x0;
	s19 =	spop (v2sf);
	s22 =	smul.u32 $0x66666667, s17  }
0x43f: {  	vm7 =	vgt.f32 v46, v9;
	(v2sf) =	vpush v2, $0x1;
	s17 =	smulhi.u32 $0x66666667, s19;
	s19 =	sshra.s32 s19, $0x1F;
	v5 =	vadd.f32 v1, v34;
	v1 =	vld [tilespmem:$0x9AA0]  }
0x440: {  	v38 =	vsel vm0, $0x3F800000, v36;
	v42 =	vbroadcast v0, $0x1;
	(v2sf) =	vpush v2, $0x2;
	s20 =	spop (v2sf);
	s21 =	smul.u32 $0x66666667, s19  }
0x441: {  	vm0 =	vmor vm10, vm1;
	vm10 =	vgt.f32 v49, v9;
	(v2sf) =	vpush v2, $0x3;
	s19 =	smulhi.u32 $0x66666667, s20;
	s20 =	sshra.s32 s20, $0x1F  }
0x442: {  	v41 =	vsel vm0, $0x3F800000, v36;
	vm14 =	vgt.f32 v42, v9;
	(v2sf) =	vpush v2, $0x4;
	s24 =	spop (v2sf);
	s26 =	smul.u32 $0x66666667, s20  }
0x443: {  	vm15 =	veq.f32 v42, v9;
	(v2sf) =	vpush v2, $0x5;
	s15 =	sadd.s32 s16, s15;
	s23 =	smulhi.u32 $0x66666667, s24;
	s7 =	sshra.s32 s24, $0x1F;
	v24 =	vbroadcast v0, $0xC  }
0x444: {  	(v2sf) =	vpush v2, $0x6;
	s25 =	spop (v2sf);
	s16 =	sadd.s32 s22, s18;
	s2 =	smul.u32 $0x66666667, s7;
	v40 =	vbroadcast v1, $0x0;
	v44 =	vbroadcast v1, $0x1  }
0x445: {  	(v2sf) =	vpush v2, $0x7;
	s28 =	smulhi.u32 $0x66666667, s25;
	s8 =	sshra.s32 s25, $0x1F;
	s18 =	sshrl.u32 s16, $0x1F;
	v47 =	vbroadcast v1, $0x2;
	v50 =	vbroadcast v1, $0x3  }
0x446: {  	s5 =	smul.u32 $0x66666667, s8;
	v21 =	vmov s18;
	v53 =	vbroadcast v1, $0x4;
	v56 =	vbroadcast v1, $0x5  }
0x447: {  	s22 =	sshrl.u32 s15, $0x1F;
	v5 =	vadd.f32 v5, v37;
	v59 =	vbroadcast v1, $0x6;
	v62 =	vbroadcast v1, $0x7  }
0x448: {  	s18 =	sadd.s32 s26, s19;
	s19 =	sadd.s32 s2, s23;
	v23 =	vsel vm3, s22, v21;
	s23 =	sadd.s32 s5, s28;
	v11 =	vbroadcast v1, $0x8;
	v14 =	vbroadcast v1, $0x9  }
0x449: {  	s5 =	sshrl.u32 s23, $0x1F;
	v3 =	vadd.f32 v5, v38;
	v17 =	vbroadcast v1, $0xA;
	v20 =	vbroadcast v1, $0xB  }
0x44a: {  	v26 =	vmov s5;
	v25 =	vbroadcast v1, $0xC;
	v33 =	vbroadcast v1, $0xD  }
0x44b: {  	v42 =	vbroadcast v1, $0xE;
	v1 =	vbroadcast v1, $0xF;
	v3 =	vadd.f32 v3, v41  }
0x44c: {  	vm13 =	vlt.f32 v40, v31;
	vm4 =	vlt.f32 v44, v31;
	vm6 =	vlt.f32 v47, v31  }
0x44d: {  	vm9 =	vlt.f32 v50, v31;
	v40 =	vbroadcast v0, $0xE;
	v0 =	vbroadcast v0, $0xF  }
0x44e: {  	vm1 =	vmand vm12, vm13;
	vm12 =	veq.f32 v52, v9;
	vm13 =	vlt.f32 v53, v31  }
0x44f: {  	vm0 =	vmor vm11, vm1;
	vm1 =	vmand vm15, vm4;
	vm15 =	veq.f32 v55, v9  }
0x450: {  	vm4 =	vlt.f32 v56, v31;
	v45 =	vsel vm0, $0x3F800000, v36;
	vm0 =	vmor vm14, vm1  }
0x451: {  	vm1 =	vmand vm8, vm9;
	vm14 =	vgt.f32 v52, v9;
	vm8 =	vlt.f32 v59, v31  }
0x452: {  	vm9 =	vgt.f32 v61, v9;
	v3 =	vadd.f32 v3, v45;
	v48 =	vsel vm0, $0x3F800000, v36  }
0x453: {  	vm0 =	vmand vm5, vm6;
	vm11 =	vmor vm10, vm1;
	vm5 =	vgt.f32 v55, v9  }
0x454: {  	vm1 =	vmand vm15, vm4;
	vm6 =	vgt.f32 v58, v9;
	vm10 =	veq.f32 v61, v9  }
0x455: {  	vm15 =	vgt.f32 v63, v9;
	vm4 =	veq.f32 v13, v9;
	vm0 =	vmor vm7, vm0  }
0x456: {  	v54 =	vsel vm11, $0x3F800000, v36;
	vm7 =	veq.f32 v58, v9;
	vm11 =	vlt.f32 v62, v31  }
0x457: {  	v3 =	vadd.f32 v3, v48;
	v51 =	vsel vm0, $0x3F800000, v36;
	vm0 =	vmand vm12, vm13  }
0x458: {  	vm2 =	vmand vm10, vm11;
	vm13 =	veq.f32 v63, v9;
	vm10 =	veq.f32 v19, v9  }
0x459: {  	s31 =	spop (v2sf);
	vm11 =	vlt.f32 v20, v31;
	v48 =	vand.u32 $0x7FFF, v2;
	vm0 =	vmor vm14, vm0  }
0x45a: {  	s29 =	smulhi.u32 $0x66666667, s31;
	s24 =	sshra.s32 s31, $0x1F;
	vm12 =	vmor vm9, vm2;
	vm14 =	vlt.f32 v11, v31;
	vm9 =	vlt.f32 v17, v31  }
0x45b: {  	s0 =	spop (v2sf);
	s31 =	smul.u32 $0x66666667, s24;
	v49 =	vmulhi.u32 $0x33333334, v48;
	v3 =	vadd.f32 v3, v51;
	v57 =	vsel vm0, $0x3F800000, v36  }
0x45c: {  	s1 =	spop (v2sf);
	s6 =	smulhi.u32 $0x66666667, s0;
	s0 =	sshra.s32 s0, $0x1F;
	vm0 =	vmor vm5, vm1;
	vm1 =	vmand vm7, vm8;
	v12 =	vsel vm12, $0x3F800000, v36  }
0x45d: {  	s17 =	sadd.s32 s21, s17;
	s3 =	spop (v2sf);
	s0 =	smul.u32 $0x66666667, s0;
	vm5 =	vlt.f32 v14, v31;
	vm7 =	vgt.f32 v16, v9;
	vm8 =	veq.f32 v16, v9  }
0x45e: {  	s7 =	smulhi.u32 $0x66666667, s1;
	s1 =	sshra.s32 s1, $0x1F;
	s4 =	spop (v2sf);
	vm12 =	vgt.f32 v19, v9;
	v51 =	vsub.s32 $0x0, v2;
	v60 =	vsel vm0, $0x3F800000, v36  }
0x45f: {  	s21 =	sshrl.u32 s17, $0x1F;
	s1 =	smul.u32 $0x66666667, s1;
	s30 =	spop (v2sf);
	vm0 =	vmor vm6, vm1;
	vm6 =	vgt.f32 v13, v9;
	vm1 =	vmand vm4, vm5  }
0x460: {  	s26 =	sshrl.u32 s18, $0x1F;
	s8 =	smulhi.u32 $0x66666667, s3;
	s25 =	spop (v2sf);
	vm4 =	vcmask $0x1310;
	vm5 =	vcmask $0x1B18;
	v3 =	vadd.f32 v3, v54  }
0x461: {  	s3 =	sshra.s32 s3, $0x1F;
	s22 =	sadd.s32 s0, s6;
	s24 =	spop (v2sf);
	v10 =	vsel vm0, $0x3F800000, v36;
	vm0 =	vmand vm13, vm14;
	v5 =	vsel vm4, s21, v23  }
0x462: {  	s28 =	smulhi.u32 $0x66666667, s30;
	s30 =	sshra.s32 s30, $0x1F;
	s20 =	spop (v2sf);
	vm13 =	veq.f32 v24, v9;
	vm14 =	vlt.f32 v25, v31;
	vm0 =	vmor vm15, vm0  }
0x463: {  	s5 =	smul.u32 $0x66666667, s30;
	s21 =	sadd.s32 s31, s29;
	s31 =	spop (v2sf);
	vm15 =	vgt.f32 v24, v9;
	v5 =	vsel vm5, s26, v5;
	v3 =	vadd.f32 v3, v57  }
0x464: {  	s0 =	smulhi.u32 $0x66666667, s31;
	s30 =	sshra.s32 s31, $0x1F;
	s31 =	sshrl.u32 s19, $0x1F;
	v15 =	vsel vm0, $0x3F800000, v36;
	vm0 =	vmor vm6, vm1;
	vm1 =	vmand vm8, vm9  }
0x465: {  	s3 =	smul.u32 $0x66666667, s3;
	v11 =	vsel vm3, s31, v26;
	vm6 =	veq.f32 v32, v9;
	vm8 =	vgt.f32 v32, v9  }
0x466: {  	s6 =	smul.u32 $0x66666667, s30;
	vm9 =	vcmask $0x300;
	v18 =	vsel vm0, $0x3F800000, v36;
	vm0 =	vmor vm7, vm1  }
0x467: {  	s30 =	smulhi.u32 $0x66666667, s25;
	s31 =	sshra.s32 s25, $0x1F;
	vm7 =	vlt.f32 v33, v31;
	vm1 =	veq.f32 v40, v9;
	v3 =	vadd.f32 v3, v60  }
0x468: {  	s3 =	sadd.s32 s3, s8;
	s8 =	smul.u32 $0x66666667, s31;
	v22 =	vsel vm0, $0x3F800000, v36;
	vm0 =	vmand vm10, vm11;
	vm10 =	vcmask $0x704  }
0x469: {  	s1 =	sadd.s32 s1, s7;
	s25 =	sadd.s32 s6, s0;
	vm11 =	vcmask $0xF0C;
	vm0 =	vmor vm12, vm0;
	vm12 =	vcmask $0x1714  }
0x46a: {  	s29 =	sshra.s32 s25, $0x1F;
	s0 =	sadd.s32 s8, s30;
	s30 =	sshrl.u32 s21, $0x1F;
	v3 =	vadd.f32 v3, v10;
	v27 =	vsel vm0, $0x3F800000, v36;
	vm0 =	vmand vm13, vm14  }
0x46b: {  	s31 =	sshra.s32 s1, $0x1;
	v35 =	vmov s29;
	v37 =	vsel vm4, s30, v11;
	vm13 =	vcmask $0x2320  }
0x46c: {  	s2 =	smulhi.u32 $0x66666667, s4;
	s4 =	sshra.s32 s4, $0x1F;
	vm14 =	vcmask $0x3330;
	vm0 =	vmor vm15, vm0;
	v7 =	vsel vm9, s31, v35  }
0x46d: {  	s4 =	smul.u32 $0x66666667, s4;
	s26 =	sshrl.u32 s1, $0x1F;
	vm15 =	vcmask $0x3B38;
	v35 =	vlaneseq.u32;
	v3 =	vadd.f32 v3, v12  }
0x46e: {  	s1 =	sshra.s32 s1, $0x1F;
	s31 =	sshrl.u32 s22, $0x1F;
	v12 =	vmov s26;
	v34 =	vsel vm0, $0x3F800000, v36;
	vm0 =	vmand vm6, vm7  }
0x46f: {  	s2 =	sadd.s32 s4, s2;
	v7 =	vsel vm10, s1, v7;
	v8 =	vsel vm5, s31, v37;
	vm6 =	vcmask $0x2B28  }
0x470: {  	v46 =	vld [tilespmem:$0x1FFB0];
	s4 =	sadd.s32 s5, s28;
	s5 =	smulhi.u32 $0x66666667, s20;
	s26 =	sshra.s32 s3, $0x1;
	vm7 =	vcmask $0x1F1C;
	v44 =	vmul.u32 $0x2, v35;
	vm10 =	veq.f32 v0, v9  }
0x471: {  	s7 =	sshrl.u32 s3, $0x1F;
	s6 =	smulhi.u32 $0x66666667, s24;
	s29 =	sshra.s32 s20, $0x1F;
	v38 =	vnsel vm9, $0x0, v12;
	vm0 =	vmor vm8, vm0;
	v7 =	vsel vm3, s26, v7  }
0x472: {  	s28 =	sshrl.u32 s4, $0x1F;
	s20 =	smul.u32 $0x66666667, s29;
	s3 =	sshra.s32 s3, $0x1F;
	v5 =	vcombine.low v8, v5;
	vm8 =	vcmask $0x2724;
	vm9 =	vmmov $0xff  }
0x473: {  	s24 =	sshra.s32 s24, $0x1F;
	s8 =	sshrl.u32 s2, $0x1F;
	s30 =	sshra.s32 s2, $0x1;
	v3 =	vadd.f32 v3, v15;
	v11 =	vsel vm3, s7, v38;
	v7 =	vsel vm11, s3, v7  }
0x474: {  	s2 =	sshra.s32 s2, $0x1F;
	v39 =	vsel vm0, $0x3F800000, v36;
	s3 =	sadd.s32 s20, s5;
	s5 =	sshra.s32 s16, $0x1;
	v11 =	vsel vm4, s8, v11;
	v41 =	vsel vm4, s30, v7  }
0x475: {  	s29 =	sshra.s32 s4, $0x1F;
	s26 =	sshra.s32 s4, $0x1;
	s7 =	smul.u32 $0x66666667, s24;
	v45 =	vmov s5;
	v5 =	vperm.xlane v5, v46;
	v4 =	vsel vm12, s2, v41  }
0x476: {  	s31 =	sshra.s32 s0, $0x1;
	s24 =	sshrl.u32 s0, $0x1F;
	s16 =	sshra.s32 s15, $0x1;
	v3 =	vadd.f32 v3, v18;
	v11 =	vsel vm5, s28, v11;
	v4 =	vsel vm5, s26, v4  }
0x477: {  	s6 =	sadd.s32 s7, s6;
	s7 =	sshra.s32 s23, $0x1;
	v12 =	vsel vm3, s16, v45;
	s23 =	sshra.s32 s17, $0x1;
	v11 =	vsel vm13, s24, v11;
	v4 =	vsel vm7, s29, v4  }
0x478: {  	s19 =	sshra.s32 s19, $0x1;
	s0 =	sshra.s32 s0, $0x1F;
	s28 =	sshrl.u32 s6, $0x1F;
	v13 =	vmov s7;
	v12 =	vsel vm4, s23, v12;
	v4 =	vsel vm13, s31, v4  }
0x479: {  	s8 =	sshra.s32 s6, $0x1;
	v11 =	vsel vm6, s28, v11;
	v13 =	vsel vm3, s19, v13;
	v4 =	vsel vm8, s0, v4  }
0x47a: {  	s30 =	sshrl.u32 s3, $0x1F;
	s20 =	sshra.s32 s6, $0x1F;
	s24 =	sshra.s32 s21, $0x1;
	vm7 =	vcmask $0x3734;
	v4 =	vsel vm6, s8, v4;
	vm6 =	vcmask $0x2F2C  }
0x47b: {  	s26 =	sshra.s32 s3, $0x1;
	s28 =	sshra.s32 s18, $0x1;
	s29 =	sshra.s32 s22, $0x1;
	v43 =	vsel vm14, s30, v11;
	v13 =	vsel vm4, s24, v13;
	v4 =	vsel vm6, s20, v4  }
0x47c: {  	s4 =	sshrl.u32 s25, $0x1F;
	s30 =	sshra.s32 s3, $0x1F;
	v12 =	vsel vm5, s28, v12;
	v13 =	vsel vm5, s29, v13;
	v4 =	vsel vm14, s26, v4  }
0x47d: {  	s31 =	sshra.s32 s25, $0x1;
	v8 =	vsel vm15, s4, v43;
	v12 =	vcombine.low v13, v12;
	v4 =	vsel vm7, s30, v4  }
0x47e: {  	v3 =	vadd.f32 v3, v22;
	v8 =	vperm.xlane v8, v44;
	v4 =	vsel vm15, s31, v4  }
0x47f: {  	vm0 =	vgt.f32 v40, v9;
	v7 =	vperm.xlane v12, v46;
	v4 =	vperm.xlane v4, v44  }
0x480: {  	vm11 =	vlt.f32 v1, v31;
	v1 =	vmul.u32 $0x5, v49;
	v3 =	vadd.f32 v3, v27  }
0x481: {  	vm12 =	vgt.f32 v0, v9;
	v5 =	vsel vm9, v8, v5;
	v4 =	vsel vm9, v4, v7  }
0x482: {  	vm8 =	vlt.f32 v42, v31;
	v3 =	vadd.f32 v3, v34;
	v4 =	vadd.s32 v5, v4  }
0x483: {  	vm13 =	vlt.s32 v2, $0x1;
	vm1 =	vmand vm1, vm8;
	v50 =	vmul.u32 $0xFFFFFFFB, v4  }
0x484: {  	v31 =	vimm.s32 $0x0;
	vm0 =	vmor vm0, vm1;
	v3 =	vadd.f32 v3, v39  }
0x485: {  	v47 =	vsel vm0, $0x3F800000, v36;
	vm0 =	vmand vm10, vm11;
	vm14 =	vne.s32 v50, v51  }
0x486: {  	vm0 =	vmor vm12, vm0;
	v52 =	vadd.f32 v3, v47;
	vm1 =	vmand vm13, vm14  }
0x487: {  	v1 =	vsub.s32 v48, v1;
	v53 =	vsel vm0, $0x3F800000, v36;
	v54 =	vsel vm1, $0xFFFFFFFF, v31  }
0x488: {  	v1 =	vshll.u32 v1, $0xA;
	v0 =	vadd.f32 v52, v53;
	v55 =	vadd.s32 v54, v4  }
0x489: {  	v1 =	vadd.s32 v1, v55  }
0x48a: {  	v0 =	vtrunc.f32 v0  }
0x48b: {  	v0 =	vcvt.f32.s32 v0;
	_ =	sdelay $0x1  }
0x48c: {  	vm15 =	vlt.s32 v0, $0x180;
	v2 =	vand.u32 $0x7F, v55;
	v56 =	vand.u32 $0xFFFFFF80, v1  }
0x48d: {  	v0 =	vnsel vm15, $0x17F, v0;
	v2 =	vor.u32 v2, v56;
	v1 =	vld.idx.msk [tilespmem:v1+s10+$0x0], $0xffff  }
0x48e: {  	v3 =	vadd.s32 $0x1400, v2;
	_ =	sdelay $0x3  }
0x48f: {  	[tilespmem:v0+s12+$0x0] =	vst.idx.msk vm15, v1  }
0x490: {  	v57 =	vadd.s32 $0x180, v0;
	v1 =	vld.idx.msk [tilespmem:v3+s10+$0x0], $0xffff  }
0x491: {  	v58 =	vadd.s32 $0x2800, v2;
	_ =	sdelay $0x3  }
0x492: {  	[tilespmem:v57+s12+$0x0] =	vst.idx.msk vm15, v1  }
0x493: {  	v59 =	vadd.s32 $0x300, v0;
	v1 =	vld.idx.msk [tilespmem:v58+s10+$0x0], $0xffff  }
0x494: {  	v60 =	vadd.s32 $0x3C00, v2;
	_ =	sdelay $0x3  }
0x495: {  	[tilespmem:v59+s12+$0x0] =	vst.idx.msk vm15, v1  }
0x496: {  	v61 =	vadd.s32 $0x480, v0;
	v1 =	vld.idx.msk [tilespmem:v60+s10+$0x0], $0xffff  }
0x497: {  	v62 =	vadd.s32 $0x5000, v2;
	_ =	sdelay $0x3  }
0x498: {  	[tilespmem:v61+s12+$0x0] =	vst.idx.msk vm15, v1  }
0x499: {  	v63 =	vadd.s32 $0x600, v0;
	v1 =	vld.idx.msk [tilespmem:v62+s10+$0x0], $0xffff  }
0x49a: {  	v2 =	vadd.s32 $0x6400, v2;
	_ =	sdelay $0x3  }
0x49b: {  	s14 =	sadd.s32 $0x1, s14;
	[tilespmem:v63+s12+$0x0] =	vst.idx.msk vm15, v1  }
0x49c: {  	p0 =	sne.s32 s14, $0x13;
	v0 =	vadd.s32 $0x780, v0;
	v1 =	vld.idx.msk [tilespmem:v2+s10+$0x0], $0xffff  }
.Ltmp10:
0x49d: {  	_ = 	snop;
	(pc) =	sbr.rel @p0 .LBB2_19-.Ltmp10, $2  }
0x49e: {  	_ =	sdelay $0x2  }
0x49f: {  	[tilespmem:v0+s12+$0x0] =	vst.idx.msk vm15, v1  }
0x4a0: {  	s0 =	rddreg [dreg:$0x4];
	s2 =	simm.s32 $0x80;
	s3 =	simm.s32 $0x400  }
0x4a1: {  	[hbm4b:s0+s2] =	stream.strided.scatter [tilespmem:s12], [sflag:$0x1], $0xC00, s3, s2, $0x38;
	[tilespmem:$0x9B80] =	vst v63  }
0x4a2: {  	_ =	swait.ge [sflag:s9], $0xC00  }
0x4a3: {  	s13 =	sadd.s32 $0x1, s13;
	s31 =	rddreg [dreg:$0x5]  }
0x4a4: {  	p0 =	sne.s32 s13, s31  }
.Ltmp11:
0x4a5: {  	_ = 	snop;
	(pc) =	sbr.rel @p0 .LBB2_1-.Ltmp11, $4  }
0x4a6: {  	v32 =	vld [tilespmem:$0x1FFC0]  }
0x4a7: {  	v34 =	vld [tilespmem:$0x1FFD0]  }
0x4a8: {  	[sflag:s9] =	ssyncset.done $0x0;
	v6 =	vld [tilespmem:$0x1FFE0]  }
0x4a9: {  	v33 =	vld [tilespmem:$0x1FFF0];
	[sflag:s9] =	ssyncadd.s32 $0xFFFFF400  }
0x4aa: {  	_ =	sfence.sel $0x180000  }
0x4ab: {  	[bflag:$0x0] =	sbarrier.arrive $0xFFFF  }
0x4ac: {  	_ =	strace $0x90000047  }
0x4ad: {  	s0 =	stileid.u32;
	[bflag:$0x2] =	sbarrier.arrive $0xFFFF  }
0x4ae: {  	p0 =	sne.s32 s0, $0x0;
	s0 =	rddreg [dreg:$0x1]  }
0x4af: {  	s0 =	sadd.s32 @!p0 $0x100000, s0  }
0x4b0: {  	[sflag:s0] =	ssyncadd.tile.s32 @!p0 $0x1;
	_ =	shalt  }
.Lfunc_end2:
_tile_overlayer_lowered:
.L_overlay_start_2:
0x4b1: {  	(tag) =	ssettag $0x2  }
0x4b2: {  	s0 =	rddreg [dreg:$0x0];
	s2 =	stileid.u32  }
0x4b3: {  	s1 =	rddreg [dreg:$0x1];
	p0 =	sne.s32 s2, $0x0  }
0x4b4: {  	s3 =	rddreg [dreg:$0x2];
	[bflag:$0x3] =	sbarrier.arrive $0xFFFF;
	s2 =	simm.s32 @!p0 $0x1C01  }
0x4b5: {  	[timem:s3], [sflag:s2] =	dma.local @!p0 [hbm:s0], s1  }
0x4b6: {  	s0 =	simm.s32 @!p0 $0x1  }
0x4b7: {  	_ =	swait.ge @!p0 [sflag:s0], s1  }
0x4b8: {  	s1 =	ssub.s32 @!p0 $0x0, s1;
	[sflag:s0] =	ssyncset.done @!p0 $0x0  }
0x4b9: {  	[sflag:s0] =	ssyncadd.s32 @!p0 s1  }
0x4ba: {  	[bflag:$0x3] =	sbarrier.arrive $0xFFFF  }
0x4bb: {  	_ =	shalt  }

</sc_bundles>
